<compile_context>
chip_gen: v7x
topology: tpu7x:2x2x1
jax: 0.10.2.dev20260603
libtpu: 0.0.44.dev20260713+nightly
codegen_flags: <defaults>
</compile_context>

<pallas_src>
import functools

import jax
import jax.numpy as jnp
from jax import lax
from jax.experimental import pallas as pl
from jax.experimental.pallas import tpu as pltpu
from jax.experimental.pallas import tpu_sc as plsc

N = 10000
E = 320000
NBT = 4
F = 128
CW = 64
NSUB = 16
EPT = 20480
EPAD = NSUB * EPT
ROWS_B = EPT // 128
HP = 10240
PR = 10400
ACC_R = NBT * PR
DUMMY = N
EB = 2000
RB = 400
IGRP = 8
NGRP = ROWS_B // IGRP
BS = 128
_HSTRIPE = HP // NSUB


def _edge_body(bond_ref, beg_ref, dst_ref):
    blk = bond_ref[...]
    beg_ref[0, 0, :] = blk[:, 0]
    dst_ref[0, 0, :] = (blk[:, 2] & (NBT - 1)) * PR + blk[:, 1]


def _edge_indices(bond_info):
    begf, dstf = pl.pallas_call(
        _edge_body,
        grid=(E // EB,),
        in_specs=[pl.BlockSpec((EB, 3), lambda i: (i, 0))],
        out_specs=[
            pl.BlockSpec((1, 1, EB), lambda i: (i, 0, 0)),
            pl.BlockSpec((1, 1, EB), lambda i: (i, 0, 0)),
        ],
        out_shape=[
            jax.ShapeDtypeStruct((E // EB, 1, EB), jnp.int32),
            jax.ShapeDtypeStruct((E // EB, 1, EB), jnp.int32),
        ],
    )(bond_info)
    pad = EPAD - E
    beg = jnp.concatenate([begf.reshape(E), jnp.zeros((pad,), jnp.int32)])
    dst = jnp.concatenate([dstf.reshape(E), jnp.full((pad,), DUMMY, jnp.int32)])
    gl = IGRP * 128
    return (beg.reshape(NSUB, NGRP, gl), dst.reshape(NSUB, NGRP, gl))


def _stats1_body(af_ref, o_ref):
    x = jnp.concatenate([af_ref[0], af_ref[1]], axis=-1)
    upd = jnp.concatenate(
        [jnp.sum(x, axis=0, keepdims=True),
         jnp.sum(x * x, axis=0, keepdims=True),
         jnp.zeros((6, F), jnp.float32)], axis=0)

    @pl.when(pl.program_id(0) == 0)
    def _():
        o_ref[...] = jnp.zeros_like(o_ref)

    o_ref[...] += upd


def _stats1(af):
    return pl.pallas_call(
        _stats1_body,
        grid=(N // RB,),
        in_specs=[pl.BlockSpec((2, RB, 64), lambda i: (0, i, 0))],
        out_specs=pl.BlockSpec((8, F), lambda i: (0, 0)),
        out_shape=jax.ShapeDtypeStruct((8, F), jnp.float32),
    )(af)


def _bn_elu(x, s1, s2, g, b):
    m = s1 / N
    v = s2 / N - m * m
    xn = (x - m) * lax.rsqrt(v + 1e-5) * g + b
    return jnp.where(xn > 0, xn, jnp.exp(xn) - 1.0)


def _h_body(af_ref, st_ref, g_ref, b_ref, w_ref,
            h_ref, c0_ref, c1_ref, hs_ref):
    x = jnp.concatenate([af_ref[0], af_ref[1]], axis=-1)
    a = _bn_elu(x, st_ref[0:1, :], st_ref[1:2, :], g_ref[...], b_ref[...])
    h = jnp.dot(a, w_ref[...], preferred_element_type=jnp.float32)
    h_ref[...] = h
    c0_ref[...] = h[:, 0 * CW:1 * CW].astype(jnp.bfloat16)
    c1_ref[...] = h[:, 1 * CW:2 * CW].astype(jnp.bfloat16)
    upd = jnp.concatenate(
        [jnp.sum(h, axis=0, keepdims=True),
         jnp.sum(h * h, axis=0, keepdims=True),
         jnp.zeros((6, F), jnp.float32)], axis=0)

    @pl.when(pl.program_id(0) == 0)
    def _():
        hs_ref[...] = jnp.zeros_like(hs_ref)

    hs_ref[...] += upd


def _bottleneck(af, stats1, g1, b1, W1):
    chunk_spec = pl.BlockSpec((RB, CW), lambda i: (i, 0))
    return pl.pallas_call(
        _h_body,
        grid=(N // RB,),
        in_specs=[
            pl.BlockSpec((2, RB, 64), lambda i: (0, i, 0)),
            pl.BlockSpec((8, F), lambda i: (0, 0)),
            pl.BlockSpec((1, F), lambda i: (0, 0)),
            pl.BlockSpec((1, F), lambda i: (0, 0)),
            pl.BlockSpec((F, F), lambda i: (0, 0)),
        ],
        out_specs=[
            pl.BlockSpec((RB, F), lambda i: (i, 0)),
            chunk_spec, chunk_spec,
            pl.BlockSpec((8, F), lambda i: (0, 0)),
        ],
        out_shape=[
            jax.ShapeDtypeStruct((HP, F), jnp.float32),
            jax.ShapeDtypeStruct((HP, CW), jnp.bfloat16),
            jax.ShapeDtypeStruct((HP, CW), jnp.bfloat16),
            jax.ShapeDtypeStruct((8, F), jnp.float32),
        ],
    )(af, stats1, g1.reshape(1, F), b1.reshape(1, F), W1)


_SC_MESH = plsc.VectorSubcoreMesh(core_axis_name="c", subcore_axis_name="s")

_ZSTRIPE = ACC_R // NSUB
_HSTRIPE = HP // NSUB


@functools.partial(
    pl.kernel,
    mesh=_SC_MESH,
    compiler_params=pltpu.CompilerParams(use_tc_tiling_on_sc=False),
    out_type=[jax.ShapeDtypeStruct((ACC_R, CW), jnp.bfloat16)] * 2,
    scratch_types=[
        pltpu.VMEM((IGRP * 128,), jnp.int32),
        pltpu.VMEM((IGRP * 128,), jnp.int32),
        pltpu.VMEM((BS, CW), jnp.bfloat16),
        pltpu.VMEM((BS, CW), jnp.bfloat16),
        pltpu.VMEM((BS, CW), jnp.bfloat16),
        pltpu.VMEM((BS, CW), jnp.bfloat16),
        pltpu.VMEM((32, CW), jnp.bfloat16),
        pltpu.VMEM_SHARED((HP, CW), jnp.bfloat16),
        pltpu.VMEM_SHARED((ACC_R, CW), jnp.bfloat16),
        pltpu.SemaphoreType.DMA,
        pltpu.SemaphoreType.DMA,
        pltpu.SemaphoreType.DMA,
        pltpu.SemaphoreType.DMA,
        pltpu.SemaphoreType.DMA,
        pltpu.SemaphoreType.DMA,
        pltpu.SemaphoreType.DMA,
        pltpu.SemaphoreType.DMA,
    ],
)
def _molconv_sc(h0, h1, beg_hbm, dst_hbm, o0, o1,
                beg_v, dst_v, rows_a, rows_b, rows_c, rows_d,
                zero_v, h_sh, acc_sh,
                gsem_a, gsem_b, gsem_c, gsem_d,
                ssem_a, ssem_b, ssem_c, ssem_d):
    c = lax.axis_index("c")
    s = lax.axis_index("s")

    @pl.loop(0, 32)
    def _(i):
        @pl.loop(0, CW, step=32)
        def _(k):
            zero_v[i, pl.ds(k, 32)] = jnp.zeros((32,), jnp.bfloat16)

    def chunk_pass(h_chunk_hbm, out_hbm):
        zbase = s * _ZSTRIPE
        for q in range(_ZSTRIPE // 32):
            pltpu.sync_copy(zero_v, acc_sh.at[pl.ds(zbase + q * 32, 32)])
        rem = _ZSTRIPE % 32
        if rem:
            pltpu.sync_copy(zero_v.at[pl.ds(0, rem)],
                            acc_sh.at[pl.ds(zbase + _ZSTRIPE - rem, rem)])
        pltpu.sync_copy(h_chunk_hbm.at[pl.ds(s * _HSTRIPE, _HSTRIPE)],
                        h_sh.at[pl.ds(s * _HSTRIPE, _HSTRIPE)])
        plsc.subcore_barrier()

        def gat(i, buf, sem):
            return pltpu.async_copy(
                h_sh.at[beg_v.at[pl.ds(i * BS, BS)]], buf, sem)

        def sca(i, buf, sem):
            return pltpu.async_copy(
                buf, acc_sh.at[dst_v.at[pl.ds(i * BS, BS)]], sem, add=True)

        @pl.loop(0, NGRP)
        def _(g):
            pltpu.sync_copy(beg_hbm.at[s, g], beg_v)
            pltpu.sync_copy(dst_hbm.at[s, g], dst_v)

            bufs = (rows_a, rows_b, rows_c, rows_d)
            gsems = (gsem_a, gsem_b, gsem_c, gsem_d)
            ssems = (ssem_a, ssem_b, ssem_c, ssem_d)
            nops = IGRP * 128 // BS
            gh = [gat(i, bufs[i], gsems[i]) for i in range(4)]
            sh = [None] * 4
            for base in range(0, nops, 4):
                for i in range(4):
                    gh[i].wait()
                    sh[i] = sca(base + i, bufs[i], ssems[i])
                if base + 4 < nops:
                    for i in range(4):
                        sh[i].wait()
                        gh[i] = gat(base + 4 + i, bufs[i], gsems[i])
            for i in range(4):
                sh[i].wait()

        plsc.subcore_barrier()
        pltpu.sync_copy(acc_sh.at[pl.ds(s * _ZSTRIPE, _ZSTRIPE)],
                        out_hbm.at[pl.ds(s * _ZSTRIPE, _ZSTRIPE)])
        plsc.subcore_barrier()

    @pl.when(c == 0)
    def _():
        chunk_pass(h0, o0)

    @pl.when(c == 1)
    def _():
        chunk_pass(h1, o1)


def _panel_specs():
    return [pl.BlockSpec((RB, CW), (lambda i, t=t: (t * (PR // RB) + i, 0)))
            for t in range(NBT) for _ in range(2)]


def _stats2_body(*refs):
    panel_refs, o_ref = refs[:-1], refs[-1]
    s1, s2 = [], []
    for t in range(NBT):
        x = jnp.concatenate([panel_refs[2 * t + cc][...] for cc in range(2)],
                            axis=-1).astype(jnp.float32)
        s1.append(jnp.sum(x, axis=0, keepdims=True))
        s2.append(jnp.sum(x * x, axis=0, keepdims=True))
    upd = jnp.concatenate(
        [jnp.concatenate(s1, axis=-1),
         jnp.concatenate(s2, axis=-1),
         jnp.zeros((6, NBT * F), jnp.float32)], axis=0)

    @pl.when(pl.program_id(0) == 0)
    def _():
        o_ref[...] = jnp.zeros_like(o_ref)

    o_ref[...] += upd


def _stats2(bufs):
    return pl.pallas_call(
        _stats2_body,
        grid=(N // RB,),
        in_specs=_panel_specs(),
        out_specs=pl.BlockSpec((8, NBT * F), lambda i: (0, 0)),
        out_shape=jax.ShapeDtypeStruct((8, NBT * F), jnp.float32),
    )(*(bufs * NBT))


def _out_body(*refs):
    h_ref = refs[0]
    panel_refs = refs[1:9]
    hs_ref, bs_ref, g_ref, b_ref, w_ref, o_ref = refs[9:]
    a = _bn_elu(h_ref[...], hs_ref[0:1, :], hs_ref[1:2, :],
                g_ref[0:1, 0:F], b_ref[0:1, 0:F])
    acc = jnp.dot(a, w_ref[0:F, :], preferred_element_type=jnp.float32)
    for t in range(NBT):
        x = jnp.concatenate([panel_refs[2 * t + cc][...] for cc in range(2)],
                            axis=-1).astype(jnp.float32)
        c0 = (t + 1) * F
        at = _bn_elu(x, bs_ref[0:1, t * F:(t + 1) * F],
                     bs_ref[1:2, t * F:(t + 1) * F],
                     g_ref[0:1, c0:c0 + F], b_ref[0:1, c0:c0 + F])
        acc += jnp.dot(at, w_ref[c0:c0 + F, :],
                       preferred_element_type=jnp.float32)
    o_ref[...] = acc


def _head(h, bufs, hstats, bstats, g2, b2, W2):
    cd = (NBT + 1) * F
    return pl.pallas_call(
        _out_body,
        grid=(N // RB,),
        in_specs=[pl.BlockSpec((RB, F), lambda i: (i, 0))] + _panel_specs() + [
            pl.BlockSpec((8, F), lambda i: (0, 0)),
            pl.BlockSpec((8, NBT * F), lambda i: (0, 0)),
            pl.BlockSpec((1, cd), lambda i: (0, 0)),
            pl.BlockSpec((1, cd), lambda i: (0, 0)),
            pl.BlockSpec((cd, F), lambda i: (0, 0)),
        ],
        out_specs=pl.BlockSpec((RB, F), lambda i: (i, 0)),
        out_shape=jax.ShapeDtypeStruct((N, F), jnp.float32),
    )(h, *(bufs * NBT), hstats, bstats,
      g2.reshape(1, cd), b2.reshape(1, cd), W2)


def kernel(atom_features_list, bond_info, bn_gamma1, bn_beta1, W1,
           bn_gamma2, bn_beta2, W2):
    af = atom_features_list
    beg, dst = _edge_indices(bond_info)
    stats1 = _stats1(af)
    h, h0, h1, hstats = _bottleneck(af, stats1, bn_gamma1, bn_beta1, W1)
    bufs = list(_molconv_sc(h0, h1, beg, dst))
    bstats = _stats2(bufs)
    return _head(h, bufs, hstats, bstats, bn_gamma2, bn_beta2, W2)

# --- scband reference (transcript-rebuilt; emitter-appended) ---
"""Pipeline reference for scband-dense-layer-16793322127439 (READ-ONLY COPY).

The authoritative reference and input builder live on the scoring server;
editing this copy changes nothing except your own understanding.
"""

import jax, jax.numpy as jnp
import numpy as np

N = 10000
E = 320000
NBT = 4
F_IN = 128
F_BN = 128
F_OUT = 128


def _bn(x, gamma, beta):
    # training-mode BatchNorm1d over the node/batch axis
    m = jnp.mean(x, axis=0)
    v = jnp.var(x, axis=0)
    return (x - m) / jnp.sqrt(v + 1e-5) * gamma + beta


def setup_inputs(seed: int = 0) -> dict:
    key = jax.random.key(seed)
    ks = jax.random.split(key, 6)
    # atom_features_list: DenseNet-style list of previous layer outputs, packed
    # as a stacked tensor [2, N, 64]; forward unpacks and concatenates -> [N, 128]
    atom_features_list = jax.random.normal(ks[0], (2, N, 64), dtype=jnp.float32)
    # bond_info: [E, 3] = (begin_id, end_id, bond_type); bond_type taken mod NBT in reference
    bond_info = jax.random.randint(ks[1], (E, 3), 0, N, dtype=jnp.int32)
    # BNReLULinear #1 (bottleneck): BN(128) -> ELU -> Linear(128 -> 128, no bias)
    bn_gamma1 = jnp.ones((F_IN,), dtype=jnp.float32)
    bn_beta1 = jnp.zeros((F_IN,), dtype=jnp.float32)
    W1 = jax.random.normal(ks[2], (F_IN, F_BN), dtype=jnp.float32) * (1.0 / np.sqrt(F_IN))
    # MolConv output head: BN((NBT+1)*128) -> ELU -> Linear(-> 128, no bias)
    concat_dim = (NBT + 1) * F_BN
    bn_gamma2 = jnp.ones((concat_dim,), dtype=jnp.float32)
    bn_beta2 = jnp.zeros((concat_dim,), dtype=jnp.float32)
    W2 = jax.random.normal(ks[3], (concat_dim, F_OUT), dtype=jnp.float32) * (1.0 / np.sqrt(concat_dim))
    return {
        "atom_features_list": atom_features_list,
        "bond_info": bond_info,
        "bn_gamma1": bn_gamma1,
        "bn_beta1": bn_beta1,
        "W1": W1,
        "bn_gamma2": bn_gamma2,
        "bn_beta2": bn_beta2,
        "W2": W2,
    }


def reference(atom_features_list, bond_info, bn_gamma1, bn_beta1, W1, bn_gamma2, bn_beta2, W2):
    # bn_function: concatenate dense inputs then bottleneck (BNReLULinear)
    x = jnp.concatenate([atom_features_list[0], atom_features_list[1]], axis=-1)  # [N, 128]
    h = jnp.dot(jax.nn.elu(_bn(x, bn_gamma1, bn_beta1)), W1)  # [N, F_BN]
    # MolConv: per-bond-type message passing via gather + scatter-add
    begin = bond_info[:, 0]
    end = bond_info[:, 1]
    btype = bond_info[:, 2] % NBT
    msg = jnp.take(h, begin, axis=0)  # [E, F_BN] gather
    buf = jnp.zeros((N, NBT, F_BN), dtype=h.dtype).at[end, btype].add(msg)  # scatter-add
    feat = jnp.concatenate([h, buf.reshape(N, NBT * F_BN)], axis=-1)  # [N, (NBT+1)*F_BN]
    out = jnp.dot(jax.nn.elu(_bn(feat, bn_gamma2, bn_beta2)), W2)  # [N, F_OUT]
    return out

if __name__ == "__main__":
    import jax
    _d = setup_inputs()
    print(jax.jit(kernel)(*tuple(_d.values())))

</pallas_src>

<mosaic_0001>
#map = affine_map<(d0, d1) -> (0, 0)>
#map1 = affine_map<(d0, d1) -> (0, 0, 0)>
module attributes {stable_mosaic.version = 14 : i64} {
  func.func @_molconv_sc(%arg0: i32, %arg1: i32, %arg2: memref<10240x64xbf16, #tpu.memory_space<hbm>>, %arg3: memref<10240x64xbf16, #tpu.memory_space<hbm>>, %arg4: memref<16x20x1024xi32, #tpu.memory_space<hbm>>, %arg5: memref<16x20x1024xi32, #tpu.memory_space<hbm>>, %arg6: memref<41600x64xbf16, #tpu.memory_space<hbm>>, %arg7: memref<41600x64xbf16, #tpu.memory_space<hbm>>, %arg8: memref<1024xi32, #tpu.memory_space<vmem>>, %arg9: memref<1024xi32, #tpu.memory_space<vmem>>, %arg10: memref<128x64xbf16, #tpu.memory_space<vmem>>, %arg11: memref<128x64xbf16, #tpu.memory_space<vmem>>, %arg12: memref<128x64xbf16, #tpu.memory_space<vmem>>, %arg13: memref<128x64xbf16, #tpu.memory_space<vmem>>, %arg14: memref<32x64xbf16, #tpu.memory_space<vmem>>, %arg15: memref<10240x64xbf16, #tpu.memory_space<vmem_shared>>, %arg16: memref<41600x64xbf16, #tpu.memory_space<vmem_shared>>, %arg17: memref<!tpu.dma_semaphore, #tpu.memory_space<semaphore_mem>>, %arg18: memref<!tpu.dma_semaphore, #tpu.memory_space<semaphore_mem>>, %arg19: memref<!tpu.dma_semaphore, #tpu.memory_space<semaphore_mem>>, %arg20: memref<!tpu.dma_semaphore, #tpu.memory_space<semaphore_mem>>, %arg21: memref<!tpu.dma_semaphore, #tpu.memory_space<semaphore_mem>>, %arg22: memref<!tpu.dma_semaphore, #tpu.memory_space<semaphore_mem>>, %arg23: memref<!tpu.dma_semaphore, #tpu.memory_space<semaphore_mem>>, %arg24: memref<!tpu.dma_semaphore, #tpu.memory_space<semaphore_mem>>) attributes {dimension_semantics = [#tpu.dimension_semantics<core_parallel>, #tpu.dimension_semantics<subcore_parallel>], iteration_bounds = array<i64: 2, 16>, scalar_prefetch = 0 : i64, scratch_operands = 17 : i64, tpu.core_type = #tpu.core_type<sc_vector_subcore>, window_params = [{transform_indices = #map}, {transform_indices = #map}, {transform_indices = #map1}, {transform_indices = #map1}, {transform_indices = #map}, {transform_indices = #map}]} {
    %scan3A = arith.constant 0 : i32
    %scan3A_0 = arith.constant 32 : i32
    %scan3A_1 = arith.addi %scan3A, %scan3A_0 : i32
    %scan3A_2 = arith.constant 1 : i32
    scf.for %scan3A_11 = %scan3A to %scan3A_1 step %scan3A_2  : i32 {
      %mul3A = arith.constant 1 : i32
      %mul3A_12 = arith.muli %scan3A_11, %mul3A : i32
      %add3A = arith.constant 0 : i32
      %add3A_13 = arith.addi %add3A, %mul3A_12 : i32
      %scan3A_14 = arith.constant 0 : i32
      %scan3A_15 = arith.constant 2 : i32
      %scan3A_16 = arith.addi %scan3A_14, %scan3A_15 : i32
      %scan3A_17 = arith.constant 1 : i32
      scf.for %scan3A_19 = %scan3A_14 to %scan3A_16 step %scan3A_17  : i32 {
        %mul3A_20 = arith.constant 32 : i32
        %mul3A_21 = arith.muli %scan3A_19, %mul3A_20 : i32
        %add3A_22 = arith.constant 0 : i32
        %add3A_23 = arith.addi %add3A_22, %mul3A_21 : i32
        %broadcast_in_dim3A = arith.constant 0.000000e+00 : bf16
        %broadcast_in_dim3A_24 = vector.broadcast %broadcast_in_dim3A : bf16 to vector<32xbf16>
        %swap3A = arith.index_cast %add3A_13 : i32 to index
        %swap3A_25 = arith.index_cast %add3A_23 : i32 to index
        %swap3A_26 = tpu.vector_load %arg14[%swap3A, %swap3A_25] {strides = array<i32>} : memref<32x64xbf16, #tpu.memory_space<vmem>>, vector<1x32xbf16>,
        %swap3A_27 = vector.shape_cast %swap3A_26 : vector<1x32xbf16> to vector<32xbf16>
        %swap3A_28 = vector.shape_cast %broadcast_in_dim3A_24 : vector<32xbf16> to vector<1x32xbf16>
        tpu.vector_store %arg14[%swap3A, %swap3A_25], %swap3A_28 {strides = array<i32>} : memref<32x64xbf16, #tpu.memory_space<vmem>>, vector<1x32xbf16>,
      }
      %scan3A_18 = arith.constant 2 : i32
    }
    %scan3A_3 = arith.constant 32 : i32
    %eq3A = arith.constant 0 : i32
    %eq3A_4 = arith.cmpi eq, %arg0, %eq3A : i32
    %convert_element_type3A = arith.extui %eq3A_4 : i1 to i32
    %cond3A = arith.constant 0 : i32
    %cond3A_5 = arith.cmpi ne, %convert_element_type3A, %cond3A : i32
    scf.if %cond3A_5 {
      %mul3A = arith.constant 2600 : i32
      %mul3A_11 = arith.muli %arg1, %mul3A : i32
      %add3A = arith.constant 0 : i32
      %add3A_12 = arith.addi %mul3A_11, %add3A : i32
      "tpu.region"() ({
        %run_scoped3A = tpu.sem_alloc : memref<!tpu.dma_semaphore, #tpu.memory_space<semaphore_mem>>
        %dma_start3A = arith.constant 0 : i32
        %dma_start3A_191 = tpu.memref_slice %arg16[%add3A_12, %dma_start3A] : memref<41600x64xbf16, #tpu.memory_space<vmem_shared>> -> memref<32x64xbf16, #tpu.memory_space<vmem_shared>>
        %dma_start3A_192 = arith.constant 0 : i32
        %dma_start3A_193 = tpu.memref_slice %arg16[%add3A_12, %dma_start3A_192] : memref<41600x64xbf16, #tpu.memory_space<vmem_shared>> -> memref<32x64xbf16, #tpu.memory_space<vmem_shared>>
        tpu.enqueue_dma source(%arg14 : memref<32x64xbf16, #tpu.memory_space<vmem>>) target(%dma_start3A_193 : memref<32x64xbf16, #tpu.memory_space<vmem_shared>>) target_semaphore(%run_scoped3A : memref<!tpu.dma_semaphore, #tpu.memory_space<semaphore_mem>>)
        %dma_wait3A = arith.constant 0 : i32
        %dma_wait3A_194 = tpu.memref_slice %arg16[%add3A_12, %dma_wait3A] : memref<41600x64xbf16, #tpu.memory_space<vmem_shared>> -> memref<32x64xbf16, #tpu.memory_space<vmem_shared>>
        %dma_wait3A_195 = arith.constant 0 : i32
        %dma_wait3A_196 = tpu.memref_slice %arg16[%add3A_12, %dma_wait3A_195] : memref<41600x64xbf16, #tpu.memory_space<vmem_shared>> -> memref<32x64xbf16, #tpu.memory_space<vmem_shared>>
        tpu.wait_dma2 semaphore(%run_scoped3A : memref<!tpu.dma_semaphore, #tpu.memory_space<semaphore_mem>>) src(%arg14 : memref<32x64xbf16, #tpu.memory_space<vmem>>) dst(%dma_wait3A_196 : memref<32x64xbf16, #tpu.memory_space<vmem_shared>>)
        tpu.yield
      }) : () -> ()
      %add3A_13 = arith.constant 32 : i32
      %add3A_14 = arith.addi %mul3A_11, %add3A_13 : i32
      "tpu.region"() ({
        %run_scoped3A = tpu.sem_alloc : memref<!tpu.dma_semaphore, #tpu.memory_space<semaphore_mem>>
        %dma_start3A = arith.constant 0 : i32
        %dma_start3A_191 = tpu.memref_slice %arg16[%add3A_14, %dma_start3A] : memref<41600x64xbf16, #tpu.memory_space<vmem_shared>> -> memref<32x64xbf16, #tpu.memory_space<vmem_shared>>
        %dma_start3A_192 = arith.constant 0 : i32
        %dma_start3A_193 = tpu.memref_slice %arg16[%add3A_14, %dma_start3A_192] : memref<41600x64xbf16, #tpu.memory_space<vmem_shared>> -> memref<32x64xbf16, #tpu.memory_space<vmem_shared>>
        tpu.enqueue_dma source(%arg14 : memref<32x64xbf16, #tpu.memory_space<vmem>>) target(%dma_start3A_193 : memref<32x64xbf16, #tpu.memory_space<vmem_shared>>) target_semaphore(%run_scoped3A : memref<!tpu.dma_semaphore, #tpu.memory_space<semaphore_mem>>)
        %dma_wait3A = arith.constant 0 : i32
        %dma_wait3A_194 = tpu.memref_slice %arg16[%add3A_14, %dma_wait3A] : memref<41600x64xbf16, #tpu.memory_space<vmem_shared>> -> memref<32x64xbf16, #tpu.memory_space<vmem_shared>>
        %dma_wait3A_195 = arith.constant 0 : i32
        %dma_wait3A_196 = tpu.memref_slice %arg16[%add3A_14, %dma_wait3A_195] : memref<41600x64xbf16, #tpu.memory_space<vmem_shared>> -> memref<32x64xbf16, #tpu.memory_space<vmem_shared>>
        tpu.wait_dma2 semaphore(%run_scoped3A : memref<!tpu.dma_semaphore, #tpu.memory_space<semaphore_mem>>) src(%arg14 : memref<32x64xbf16, #tpu.memory_space<vmem>>) dst(%dma_wait3A_196 : memref<32x64xbf16, #tpu.memory_space<vmem_shared>>)
        tpu.yield
      }) : () -> ()
      %add3A_15 = arith.constant 64 : i32
      %add3A_16 = arith.addi %mul3A_11, %add3A_15 : i32
      "tpu.region"() ({
        %run_scoped3A = tpu.sem_alloc : memref<!tpu.dma_semaphore, #tpu.memory_space<semaphore_mem>>
        %dma_start3A = arith.constant 0 : i32
        %dma_start3A_191 = tpu.memref_slice %arg16[%add3A_16, %dma_start3A] : memref<41600x64xbf16, #tpu.memory_space<vmem_shared>> -> memref<32x64xbf16, #tpu.memory_space<vmem_shared>>
        %dma_start3A_192 = arith.constant 0 : i32
        %dma_start3A_193 = tpu.memref_slice %arg16[%add3A_16, %dma_start3A_192] : memref<41600x64xbf16, #tpu.memory_space<vmem_shared>> -> memref<32x64xbf16, #tpu.memory_space<vmem_shared>>
        tpu.enqueue_dma source(%arg14 : memref<32x64xbf16, #tpu.memory_space<vmem>>) target(%dma_start3A_193 : memref<32x64xbf16, #tpu.memory_space<vmem_shared>>) target_semaphore(%run_scoped3A : memref<!tpu.dma_semaphore, #tpu.memory_space<semaphore_mem>>)
        %dma_wait3A = arith.constant 0 : i32
        %dma_wait3A_194 = tpu.memref_slice %arg16[%add3A_16, %dma_wait3A] : memref<41600x64xbf16, #tpu.memory_space<vmem_shared>> -> memref<32x64xbf16, #tpu.memory_space<vmem_shared>>
        %dma_wait3A_195 = arith.constant 0 : i32
        %dma_wait3A_196 = tpu.memref_slice %arg16[%add3A_16, %dma_wait3A_195] : memref<41600x64xbf16, #tpu.memory_space<vmem_shared>> -> memref<32x64xbf16, #tpu.memory_space<vmem_shared>>
        tpu.wait_dma2 semaphore(%run_scoped3A : memref<!tpu.dma_semaphore, #tpu.memory_space<semaphore_mem>>) src(%arg14 : memref<32x64xbf16, #tpu.memory_space<vmem>>) dst(%dma_wait3A_196 : memref<32x64xbf16, #tpu.memory_space<vmem_shared>>)
        tpu.yield
      }) : () -> ()
      %add3A_17 = arith.constant 96 : i32
      %add3A_18 = arith.addi %mul3A_11, %add3A_17 : i32
      "tpu.region"() ({
        %run_scoped3A = tpu.sem_alloc : memref<!tpu.dma_semaphore, #tpu.memory_space<semaphore_mem>>
        %dma_start3A = arith.constant 0 : i32
        %dma_start3A_191 = tpu.memref_slice %arg16[%add3A_18, %dma_start3A] : memref<41600x64xbf16, #tpu.memory_space<vmem_shared>> -> memref<32x64xbf16, #tpu.memory_space<vmem_shared>>
        %dma_start3A_192 = arith.constant 0 : i32
        %dma_start3A_193 = tpu.memref_slice %arg16[%add3A_18, %dma_start3A_192] : memref<41600x64xbf16, #tpu.memory_space<vmem_shared>> -> memref<32x64xbf16, #tpu.memory_space<vmem_shared>>
        tpu.enqueue_dma source(%arg14 : memref<32x64xbf16, #tpu.memory_space<vmem>>) target(%dma_start3A_193 : memref<32x64xbf16, #tpu.memory_space<vmem_shared>>) target_semaphore(%run_scoped3A : memref<!tpu.dma_semaphore, #tpu.memory_space<semaphore_mem>>)
        %dma_wait3A = arith.constant 0 : i32
        %dma_wait3A_194 = tpu.memref_slice %arg16[%add3A_18, %dma_wait3A] : memref<41600x64xbf16, #tpu.memory_space<vmem_shared>> -> memref<32x64xbf16, #tpu.memory_space<vmem_shared>>
        %dma_wait3A_195 = arith.constant 0 : i32
        %dma_wait3A_196 = tpu.memref_slice %arg16[%add3A_18, %dma_wait3A_195] : memref<41600x64xbf16, #tpu.memory_space<vmem_shared>> -> memref<32x64xbf16, #tpu.memory_space<vmem_shared>>
        tpu.wait_dma2 semaphore(%run_scoped3A : memref<!tpu.dma_semaphore, #tpu.memory_space<semaphore_mem>>) src(%arg14 : memref<32x64xbf16, #tpu.memory_space<vmem>>) dst(%dma_wait3A_196 : memref<32x64xbf16, #tpu.memory_space<vmem_shared>>)
        tpu.yield
      }) : () -> ()
      %add3A_19 = arith.constant 128 : i32
      %add3A_20 = arith.addi %mul3A_11, %add3A_19 : i32
      "tpu.region"() ({
        %run_scoped3A = tpu.sem_alloc : memref<!tpu.dma_semaphore, #tpu.memory_space<semaphore_mem>>
        %dma_start3A = arith.constant 0 : i32
        %dma_start3A_191 = tpu.memref_slice %arg16[%add3A_20, %dma_start3A] : memref<41600x64xbf16, #tpu.memory_space<vmem_shared>> -> memref<32x64xbf16, #tpu.memory_space<vmem_shared>>
        %dma_start3A_192 = arith.constant 0 : i32
        %dma_start3A_193 = tpu.memref_slice %arg16[%add3A_20, %dma_start3A_192] : memref<41600x64xbf16, #tpu.memory_space<vmem_shared>> -> memref<32x64xbf16, #tpu.memory_space<vmem_shared>>
        tpu.enqueue_dma source(%arg14 : memref<32x64xbf16, #tpu.memory_space<vmem>>) target(%dma_start3A_193 : memref<32x64xbf16, #tpu.memory_space<vmem_shared>>) target_semaphore(%run_scoped3A : memref<!tpu.dma_semaphore, #tpu.memory_space<semaphore_mem>>)
        %dma_wait3A = arith.constant 0 : i32
        %dma_wait3A_194 = tpu.memref_slice %arg16[%add3A_20, %dma_wait3A] : memref<41600x64xbf16, #tpu.memory_space<vmem_shared>> -> memref<32x64xbf16, #tpu.memory_space<vmem_shared>>
        %dma_wait3A_195 = arith.constant 0 : i32
        %dma_wait3A_196 = tpu.memref_slice %arg16[%add3A_20, %dma_wait3A_195] : memref<41600x64xbf16, #tpu.memory_space<vmem_shared>> -> memref<32x64xbf16, #tpu.memory_space<vmem_shared>>
        tpu.wait_dma2 semaphore(%run_scoped3A : memref<!tpu.dma_semaphore, #tpu.memory_space<semaphore_mem>>) src(%arg14 : memref<32x64xbf16, #tpu.memory_space<vmem>>) dst(%dma_wait3A_196 : memref<32x64xbf16, #tpu.memory_space<vmem_shared>>)
        tpu.yield
      }) : () -> ()
      %add3A_21 = arith.constant 160 : i32
      %add3A_22 = arith.addi %mul3A_11, %add3A_21 : i32
      "tpu.region"() ({
        %run_scoped3A = tpu.sem_alloc : memref<!tpu.dma_semaphore, #tpu.memory_space<semaphore_mem>>
        %dma_start3A = arith.constant 0 : i32
        %dma_start3A_191 = tpu.memref_slice %arg16[%add3A_22, %dma_start3A] : memref<41600x64xbf16, #tpu.memory_space<vmem_shared>> -> memref<32x64xbf16, #tpu.memory_space<vmem_shared>>
        %dma_start3A_192 = arith.constant 0 : i32
        %dma_start3A_193 = tpu.memref_slice %arg16[%add3A_22, %dma_start3A_192] : memref<41600x64xbf16, #tpu.memory_space<vmem_shared>> -> memref<32x64xbf16, #tpu.memory_space<vmem_shared>>
        tpu.enqueue_dma source(%arg14 : memref<32x64xbf16, #tpu.memory_space<vmem>>) target(%dma_start3A_193 : memref<32x64xbf16, #tpu.memory_space<vmem_shared>>) target_semaphore(%run_scoped3A : memref<!tpu.dma_semaphore, #tpu.memory_space<semaphore_mem>>)
        %dma_wait3A = arith.constant 0 : i32
        %dma_wait3A_194 = tpu.memref_slice %arg16[%add3A_22, %dma_wait3A] : memref<41600x64xbf16, #tpu.memory_space<vmem_shared>> -> memref<32x64xbf16, #tpu.memory_space<vmem_shared>>
        %dma_wait3A_195 = arith.constant 0 : i32
        %dma_wait3A_196 = tpu.memref_slice %arg16[%add3A_22, %dma_wait3A_195] : memref<41600x64xbf16, #tpu.memory_space<vmem_shared>> -> memref<32x64xbf16, #tpu.memory_space<vmem_shared>>
        tpu.wait_dma2 semaphore(%run_scoped3A : memref<!tpu.dma_semaphore, #tpu.memory_space<semaphore_mem>>) src(%arg14 : memref<32x64xbf16, #tpu.memory_space<vmem>>) dst(%dma_wait3A_196 : memref<32x64xbf16, #tpu.memory_space<vmem_shared>>)
        tpu.yield
      }) : () -> ()
      %add3A_23 = arith.constant 192 : i32
      %add3A_24 = arith.addi %mul3A_11, %add3A_23 : i32
      "tpu.region"() ({
        %run_scoped3A = tpu.sem_alloc : memref<!tpu.dma_semaphore, #tpu.memory_space<semaphore_mem>>
        %dma_start3A = arith.constant 0 : i32
        %dma_start3A_191 = tpu.memref_slice %arg16[%add3A_24, %dma_start3A] : memref<41600x64xbf16, #tpu.memory_space<vmem_shared>> -> memref<32x64xbf16, #tpu.memory_space<vmem_shared>>
        %dma_start3A_192 = arith.constant 0 : i32
        %dma_start3A_193 = tpu.memref_slice %arg16[%add3A_24, %dma_start3A_192] : memref<41600x64xbf16, #tpu.memory_space<vmem_shared>> -> memref<32x64xbf16, #tpu.memory_space<vmem_shared>>
        tpu.enqueue_dma source(%arg14 : memref<32x64xbf16, #tpu.memory_space<vmem>>) target(%dma_start3A_193 : memref<32x64xbf16, #tpu.memory_space<vmem_shared>>) target_semaphore(%run_scoped3A : memref<!tpu.dma_semaphore, #tpu.memory_space<semaphore_mem>>)
        %dma_wait3A = arith.constant 0 : i32
        %dma_wait3A_194 = tpu.memref_slice %arg16[%add3A_24, %dma_wait3A] : memref<41600x64xbf16, #tpu.memory_space<vmem_shared>> -> memref<32x64xbf16, #tpu.memory_space<vmem_shared>>
        %dma_wait3A_195 = arith.constant 0 : i32
        %dma_wait3A_196 = tpu.memref_slice %arg16[%add3A_24, %dma_wait3A_195] : memref<41600x64xbf16, #tpu.memory_space<vmem_shared>> -> memref<32x64xbf16, #tpu.memory_space<vmem_shared>>
        tpu.wait_dma2 semaphore(%run_scoped3A : memref<!tpu.dma_semaphore, #tpu.memory_space<semaphore_mem>>) src(%arg14 : memref<32x64xbf16, #tpu.memory_space<vmem>>) dst(%dma_wait3A_196 : memref<32x64xbf16, #tpu.memory_space<vmem_shared>>)
        tpu.yield
      }) : () -> ()
      %add3A_25 = arith.constant 224 : i32
      %add3A_26 = arith.addi %mul3A_11, %add3A_25 : i32
      "tpu.region"() ({
        %run_scoped3A = tpu.sem_alloc : memref<!tpu.dma_semaphore, #tpu.memory_space<semaphore_mem>>
        %dma_start3A = arith.constant 0 : i32
        %dma_start3A_191 = tpu.memref_slice %arg16[%add3A_26, %dma_start3A] : memref<41600x64xbf16, #tpu.memory_space<vmem_shared>> -> memref<32x64xbf16, #tpu.memory_space<vmem_shared>>
        %dma_start3A_192 = arith.constant 0 : i32
        %dma_start3A_193 = tpu.memref_slice %arg16[%add3A_26, %dma_start3A_192] : memref<41600x64xbf16, #tpu.memory_space<vmem_shared>> -> memref<32x64xbf16, #tpu.memory_space<vmem_shared>>
        tpu.enqueue_dma source(%arg14 : memref<32x64xbf16, #tpu.memory_space<vmem>>) target(%dma_start3A_193 : memref<32x64xbf16, #tpu.memory_space<vmem_shared>>) target_semaphore(%run_scoped3A : memref<!tpu.dma_semaphore, #tpu.memory_space<semaphore_mem>>)
        %dma_wait3A = arith.constant 0 : i32
        %dma_wait3A_194 = tpu.memref_slice %arg16[%add3A_26, %dma_wait3A] : memref<41600x64xbf16, #tpu.memory_space<vmem_shared>> -> memref<32x64xbf16, #tpu.memory_space<vmem_shared>>
        %dma_wait3A_195 = arith.constant 0 : i32
        %dma_wait3A_196 = tpu.memref_slice %arg16[%add3A_26, %dma_wait3A_195] : memref<41600x64xbf16, #tpu.memory_space<vmem_shared>> -> memref<32x64xbf16, #tpu.memory_space<vmem_shared>>
        tpu.wait_dma2 semaphore(%run_scoped3A : memref<!tpu.dma_semaphore, #tpu.memory_space<semaphore_mem>>) src(%arg14 : memref<32x64xbf16, #tpu.memory_space<vmem>>) dst(%dma_wait3A_196 : memref<32x64xbf16, #tpu.memory_space<vmem_shared>>)
        tpu.yield
      }) : () -> ()
      %add3A_27 = arith.constant 256 : i32
      %add3A_28 = arith.addi %mul3A_11, %add3A_27 : i32
      "tpu.region"() ({
        %run_scoped3A = tpu.sem_alloc : memref<!tpu.dma_semaphore, #tpu.memory_space<semaphore_mem>>
        %dma_start3A = arith.constant 0 : i32
        %dma_start3A_191 = tpu.memref_slice %arg16[%add3A_28, %dma_start3A] : memref<41600x64xbf16, #tpu.memory_space<vmem_shared>> -> memref<32x64xbf16, #tpu.memory_space<vmem_shared>>
        %dma_start3A_192 = arith.constant 0 : i32
        %dma_start3A_193 = tpu.memref_slice %arg16[%add3A_28, %dma_start3A_192] : memref<41600x64xbf16, #tpu.memory_space<vmem_shared>> -> memref<32x64xbf16, #tpu.memory_space<vmem_shared>>
        tpu.enqueue_dma source(%arg14 : memref<32x64xbf16, #tpu.memory_space<vmem>>) target(%dma_start3A_193 : memref<32x64xbf16, #tpu.memory_space<vmem_shared>>) target_semaphore(%run_scoped3A : memref<!tpu.dma_semaphore, #tpu.memory_space<semaphore_mem>>)
        %dma_wait3A = arith.constant 0 : i32
        %dma_wait3A_194 = tpu.memref_slice %arg16[%add3A_28, %dma_wait3A] : memref<41600x64xbf16, #tpu.memory_space<vmem_shared>> -> memref<32x64xbf16, #tpu.memory_space<vmem_shared>>
        %dma_wait3A_195 = arith.constant 0 : i32
        %dma_wait3A_196 = tpu.memref_slice %arg16[%add3A_28, %dma_wait3A_195] : memref<41600x64xbf16, #tpu.memory_space<vmem_shared>> -> memref<32x64xbf16, #tpu.memory_space<vmem_shared>>
        tpu.wait_dma2 semaphore(%run_scoped3A : memref<!tpu.dma_semaphore, #tpu.memory_space<semaphore_mem>>) src(%arg14 : memref<32x64xbf16, #tpu.memory_space<vmem>>) dst(%dma_wait3A_196 : memref<32x64xbf16, #tpu.memory_space<vmem_shared>>)
        tpu.yield
      }) : () -> ()
      %add3A_29 = arith.constant 288 : i32
      %add3A_30 = arith.addi %mul3A_11, %add3A_29 : i32
      "tpu.region"() ({
        %run_scoped3A = tpu.sem_alloc : memref<!tpu.dma_semaphore, #tpu.memory_space<semaphore_mem>>
        %dma_start3A = arith.constant 0 : i32
        %dma_start3A_191 = tpu.memref_slice %arg16[%add3A_30, %dma_start3A] : memref<41600x64xbf16, #tpu.memory_space<vmem_shared>> -> memref<32x64xbf16, #tpu.memory_space<vmem_shared>>
        %dma_start3A_192 = arith.constant 0 : i32
        %dma_start3A_193 = tpu.memref_slice %arg16[%add3A_30, %dma_start3A_192] : memref<41600x64xbf16, #tpu.memory_space<vmem_shared>> -> memref<32x64xbf16, #tpu.memory_space<vmem_shared>>
        tpu.enqueue_dma source(%arg14 : memref<32x64xbf16, #tpu.memory_space<vmem>>) target(%dma_start3A_193 : memref<32x64xbf16, #tpu.memory_space<vmem_shared>>) target_semaphore(%run_scoped3A : memref<!tpu.dma_semaphore, #tpu.memory_space<semaphore_mem>>)
        %dma_wait3A = arith.constant 0 : i32
        %dma_wait3A_194 = tpu.memref_slice %arg16[%add3A_30, %dma_wait3A] : memref<41600x64xbf16, #tpu.memory_space<vmem_shared>> -> memref<32x64xbf16, #tpu.memory_space<vmem_shared>>
        %dma_wait3A_195 = arith.constant 0 : i32
        %dma_wait3A_196 = tpu.memref_slice %arg16[%add3A_30, %dma_wait3A_195] : memref<41600x64xbf16, #tpu.memory_space<vmem_shared>> -> memref<32x64xbf16, #tpu.memory_space<vmem_shared>>
        tpu.wait_dma2 semaphore(%run_scoped3A : memref<!tpu.dma_semaphore, #tpu.memory_space<semaphore_mem>>) src(%arg14 : memref<32x64xbf16, #tpu.memory_space<vmem>>) dst(%dma_wait3A_196 : memref<32x64xbf16, #tpu.memory_space<vmem_shared>>)
        tpu.yield
      }) : () -> ()
      %add3A_31 = arith.constant 320 : i32
      %add3A_32 = arith.addi %mul3A_11, %add3A_31 : i32
      "tpu.region"() ({
        %run_scoped3A = tpu.sem_alloc : memref<!tpu.dma_semaphore, #tpu.memory_space<semaphore_mem>>
        %dma_start3A = arith.constant 0 : i32
        %dma_start3A_191 = tpu.memref_slice %arg16[%add3A_32, %dma_start3A] : memref<41600x64xbf16, #tpu.memory_space<vmem_shared>> -> memref<32x64xbf16, #tpu.memory_space<vmem_shared>>
        %dma_start3A_192 = arith.constant 0 : i32
        %dma_start3A_193 = tpu.memref_slice %arg16[%add3A_32, %dma_start3A_192] : memref<41600x64xbf16, #tpu.memory_space<vmem_shared>> -> memref<32x64xbf16, #tpu.memory_space<vmem_shared>>
        tpu.enqueue_dma source(%arg14 : memref<32x64xbf16, #tpu.memory_space<vmem>>) target(%dma_start3A_193 : memref<32x64xbf16, #tpu.memory_space<vmem_shared>>) target_semaphore(%run_scoped3A : memref<!tpu.dma_semaphore, #tpu.memory_space<semaphore_mem>>)
        %dma_wait3A = arith.constant 0 : i32
        %dma_wait3A_194 = tpu.memref_slice %arg16[%add3A_32, %dma_wait3A] : memref<41600x64xbf16, #tpu.memory_space<vmem_shared>> -> memref<32x64xbf16, #tpu.memory_space<vmem_shared>>
        %dma_wait3A_195 = arith.constant 0 : i32
        %dma_wait3A_196 = tpu.memref_slice %arg16[%add3A_32, %dma_wait3A_195] : memref<41600x64xbf16, #tpu.memory_space<vmem_shared>> -> memref<32x64xbf16, #tpu.memory_space<vmem_shared>>
        tpu.wait_dma2 semaphore(%run_scoped3A : memref<!tpu.dma_semaphore, #tpu.memory_space<semaphore_mem>>) src(%arg14 : memref<32x64xbf16, #tpu.memory_space<vmem>>) dst(%dma_wait3A_196 : memref<32x64xbf16, #tpu.memory_space<vmem_shared>>)
        tpu.yield
      }) : () -> ()
      %add3A_33 = arith.constant 352 : i32
      %add3A_34 = arith.addi %mul3A_11, %add3A_33 : i32
      "tpu.region"() ({
        %run_scoped3A = tpu.sem_alloc : memref<!tpu.dma_semaphore, #tpu.memory_space<semaphore_mem>>
        %dma_start3A = arith.constant 0 : i32
        %dma_start3A_191 = tpu.memref_slice %arg16[%add3A_34, %dma_start3A] : memref<41600x64xbf16, #tpu.memory_space<vmem_shared>> -> memref<32x64xbf16, #tpu.memory_space<vmem_shared>>
        %dma_start3A_192 = arith.constant 0 : i32
        %dma_start3A_193 = tpu.memref_slice %arg16[%add3A_34, %dma_start3A_192] : memref<41600x64xbf16, #tpu.memory_space<vmem_shared>> -> memref<32x64xbf16, #tpu.memory_space<vmem_shared>>
        tpu.enqueue_dma source(%arg14 : memref<32x64xbf16, #tpu.memory_space<vmem>>) target(%dma_start3A_193 : memref<32x64xbf16, #tpu.memory_space<vmem_shared>>) target_semaphore(%run_scoped3A : memref<!tpu.dma_semaphore, #tpu.memory_space<semaphore_mem>>)
        %dma_wait3A = arith.constant 0 : i32
        %dma_wait3A_194 = tpu.memref_slice %arg16[%add3A_34, %dma_wait3A] : memref<41600x64xbf16, #tpu.memory_space<vmem_shared>> -> memref<32x64xbf16, #tpu.memory_space<vmem_shared>>
        %dma_wait3A_195 = arith.constant 0 : i32
        %dma_wait3A_196 = tpu.memref_slice %arg16[%add3A_34, %dma_wait3A_195] : memref<41600x64xbf16, #tpu.memory_space<vmem_shared>> -> memref<32x64xbf16, #tpu.memory_space<vmem_shared>>
        tpu.wait_dma2 semaphore(%run_scoped3A : memref<!tpu.dma_semaphore, #tpu.memory_space<semaphore_mem>>) src(%arg14 : memref<32x64xbf16, #tpu.memory_space<vmem>>) dst(%dma_wait3A_196 : memref<32x64xbf16, #tpu.memory_space<vmem_shared>>)
        tpu.yield
      }) : () -> ()
      %add3A_35 = arith.constant 384 : i32
      %add3A_36 = arith.addi %mul3A_11, %add3A_35 : i32
      "tpu.region"() ({
        %run_scoped3A = tpu.sem_alloc : memref<!tpu.dma_semaphore, #tpu.memory_space<semaphore_mem>>
        %dma_start3A = arith.constant 0 : i32
        %dma_start3A_191 = tpu.memref_slice %arg16[%add3A_36, %dma_start3A] : memref<41600x64xbf16, #tpu.memory_space<vmem_shared>> -> memref<32x64xbf16, #tpu.memory_space<vmem_shared>>
        %dma_start3A_192 = arith.constant 0 : i32
        %dma_start3A_193 = tpu.memref_slice %arg16[%add3A_36, %dma_start3A_192] : memref<41600x64xbf16, #tpu.memory_space<vmem_shared>> -> memref<32x64xbf16, #tpu.memory_space<vmem_shared>>
        tpu.enqueue_dma source(%arg14 : memref<32x64xbf16, #tpu.memory_space<vmem>>) target(%dma_start3A_193 : memref<32x64xbf16, #tpu.memory_space<vmem_shared>>) target_semaphore(%run_scoped3A : memref<!tpu.dma_semaphore, #tpu.memory_space<semaphore_mem>>)
        %dma_wait3A = arith.constant 0 : i32
        %dma_wait3A_194 = tpu.memref_slice %arg16[%add3A_36, %dma_wait3A] : memref<41600x64xbf16, #tpu.memory_space<vmem_shared>> -> memref<32x64xbf16, #tpu.memory_space<vmem_shared>>
        %dma_wait3A_195 = arith.constant 0 : i32
        %dma_wait3A_196 = tpu.memref_slice %arg16[%add3A_36, %dma_wait3A_195] : memref<41600x64xbf16, #tpu.memory_space<vmem_shared>> -> memref<32x64xbf16, #tpu.memory_space<vmem_shared>>
        tpu.wait_dma2 semaphore(%run_scoped3A : memref<!tpu.dma_semaphore, #tpu.memory_space<semaphore_mem>>) src(%arg14 : memref<32x64xbf16, #tpu.memory_space<vmem>>) dst(%dma_wait3A_196 : memref<32x64xbf16, #tpu.memory_space<vmem_shared>>)
        tpu.yield
      }) : () -> ()
      %add3A_37 = arith.constant 416 : i32
      %add3A_38 = arith.addi %mul3A_11, %add3A_37 : i32
      "tpu.region"() ({
        %run_scoped3A = tpu.sem_alloc : memref<!tpu.dma_semaphore, #tpu.memory_space<semaphore_mem>>
        %dma_start3A = arith.constant 0 : i32
        %dma_start3A_191 = tpu.memref_slice %arg16[%add3A_38, %dma_start3A] : memref<41600x64xbf16, #tpu.memory_space<vmem_shared>> -> memref<32x64xbf16, #tpu.memory_space<vmem_shared>>
        %dma_start3A_192 = arith.constant 0 : i32
        %dma_start3A_193 = tpu.memref_slice %arg16[%add3A_38, %dma_start3A_192] : memref<41600x64xbf16, #tpu.memory_space<vmem_shared>> -> memref<32x64xbf16, #tpu.memory_space<vmem_shared>>
        tpu.enqueue_dma source(%arg14 : memref<32x64xbf16, #tpu.memory_space<vmem>>) target(%dma_start3A_193 : memref<32x64xbf16, #tpu.memory_space<vmem_shared>>) target_semaphore(%run_scoped3A : memref<!tpu.dma_semaphore, #tpu.memory_space<semaphore_mem>>)
        %dma_wait3A = arith.constant 0 : i32
        %dma_wait3A_194 = tpu.memref_slice %arg16[%add3A_38, %dma_wait3A] : memref<41600x64xbf16, #tpu.memory_space<vmem_shared>> -> memref<32x64xbf16, #tpu.memory_space<vmem_shared>>
        %dma_wait3A_195 = arith.constant 0 : i32
        %dma_wait3A_196 = tpu.memref_slice %arg16[%add3A_38, %dma_wait3A_195] : memref<41600x64xbf16, #tpu.memory_space<vmem_shared>> -> memref<32x64xbf16, #tpu.memory_space<vmem_shared>>
        tpu.wait_dma2 semaphore(%run_scoped3A : memref<!tpu.dma_semaphore, #tpu.memory_space<semaphore_mem>>) src(%arg14 : memref<32x64xbf16, #tpu.memory_space<vmem>>) dst(%dma_wait3A_196 : memref<32x64xbf16, #tpu.memory_space<vmem_shared>>)
        tpu.yield
      }) : () -> ()
      %add3A_39 = arith.constant 448 : i32
      %add3A_40 = arith.addi %mul3A_11, %add3A_39 : i32
      "tpu.region"() ({
        %run_scoped3A = tpu.sem_alloc : memref<!tpu.dma_semaphore, #tpu.memory_space<semaphore_mem>>
        %dma_start3A = arith.constant 0 : i32
        %dma_start3A_191 = tpu.memref_slice %arg16[%add3A_40, %dma_start3A] : memref<41600x64xbf16, #tpu.memory_space<vmem_shared>> -> memref<32x64xbf16, #tpu.memory_space<vmem_shared>>
        %dma_start3A_192 = arith.constant 0 : i32
        %dma_start3A_193 = tpu.memref_slice %arg16[%add3A_40, %dma_start3A_192] : memref<41600x64xbf16, #tpu.memory_space<vmem_shared>> -> memref<32x64xbf16, #tpu.memory_space<vmem_shared>>
        tpu.enqueue_dma source(%arg14 : memref<32x64xbf16, #tpu.memory_space<vmem>>) target(%dma_start3A_193 : memref<32x64xbf16, #tpu.memory_space<vmem_shared>>) target_semaphore(%run_scoped3A : memref<!tpu.dma_semaphore, #tpu.memory_space<semaphore_mem>>)
        %dma_wait3A = arith.constant 0 : i32
        %dma_wait3A_194 = tpu.memref_slice %arg16[%add3A_40, %dma_wait3A] : memref<41600x64xbf16, #tpu.memory_space<vmem_shared>> -> memref<32x64xbf16, #tpu.memory_space<vmem_shared>>
        %dma_wait3A_195 = arith.constant 0 : i32
        %dma_wait3A_196 = tpu.memref_slice %arg16[%add3A_40, %dma_wait3A_195] : memref<41600x64xbf16, #tpu.memory_space<vmem_shared>> -> memref<32x64xbf16, #tpu.memory_space<vmem_shared>>
        tpu.wait_dma2 semaphore(%run_scoped3A : memref<!tpu.dma_semaphore, #tpu.memory_space<semaphore_mem>>) src(%arg14 : memref<32x64xbf16, #tpu.memory_space<vmem>>) dst(%dma_wait3A_196 : memref<32x64xbf16, #tpu.memory_space<vmem_shared>>)
        tpu.yield
      }) : () -> ()
      %add3A_41 = arith.constant 480 : i32
      %add3A_42 = arith.addi %mul3A_11, %add3A_41 : i32
      "tpu.region"() ({
        %run_scoped3A = tpu.sem_alloc : memref<!tpu.dma_semaphore, #tpu.memory_space<semaphore_mem>>
        %dma_start3A = arith.constant 0 : i32
        %dma_start3A_191 = tpu.memref_slice %arg16[%add3A_42, %dma_start3A] : memref<41600x64xbf16, #tpu.memory_space<vmem_shared>> -> memref<32x64xbf16, #tpu.memory_space<vmem_shared>>
        %dma_start3A_192 = arith.constant 0 : i32
        %dma_start3A_193 = tpu.memref_slice %arg16[%add3A_42, %dma_start3A_192] : memref<41600x64xbf16, #tpu.memory_space<vmem_shared>> -> memref<32x64xbf16, #tpu.memory_space<vmem_shared>>
        tpu.enqueue_dma source(%arg14 : memref<32x64xbf16, #tpu.memory_space<vmem>>) target(%dma_start3A_193 : memref<32x64xbf16, #tpu.memory_space<vmem_shared>>) target_semaphore(%run_scoped3A : memref<!tpu.dma_semaphore, #tpu.memory_space<semaphore_mem>>)
        %dma_wait3A = arith.constant 0 : i32
        %dma_wait3A_194 = tpu.memref_slice %arg16[%add3A_42, %dma_wait3A] : memref<41600x64xbf16, #tpu.memory_space<vmem_shared>> -> memref<32x64xbf16, #tpu.memory_space<vmem_shared>>
        %dma_wait3A_195 = arith.constant 0 : i32
        %dma_wait3A_196 = tpu.memref_slice %arg16[%add3A_42, %dma_wait3A_195] : memref<41600x64xbf16, #tpu.memory_space<vmem_shared>> -> memref<32x64xbf16, #tpu.memory_space<vmem_shared>>
        tpu.wait_dma2 semaphore(%run_scoped3A : memref<!tpu.dma_semaphore, #tpu.memory_space<semaphore_mem>>) src(%arg14 : memref<32x64xbf16, #tpu.memory_space<vmem>>) dst(%dma_wait3A_196 : memref<32x64xbf16, #tpu.memory_space<vmem_shared>>)
        tpu.yield
      }) : () -> ()
      %add3A_43 = arith.constant 512 : i32
      %add3A_44 = arith.addi %mul3A_11, %add3A_43 : i32
      "tpu.region"() ({
        %run_scoped3A = tpu.sem_alloc : memref<!tpu.dma_semaphore, #tpu.memory_space<semaphore_mem>>
        %dma_start3A = arith.constant 0 : i32
        %dma_start3A_191 = tpu.memref_slice %arg16[%add3A_44, %dma_start3A] : memref<41600x64xbf16, #tpu.memory_space<vmem_shared>> -> memref<32x64xbf16, #tpu.memory_space<vmem_shared>>
        %dma_start3A_192 = arith.constant 0 : i32
        %dma_start3A_193 = tpu.memref_slice %arg16[%add3A_44, %dma_start3A_192] : memref<41600x64xbf16, #tpu.memory_space<vmem_shared>> -> memref<32x64xbf16, #tpu.memory_space<vmem_shared>>
        tpu.enqueue_dma source(%arg14 : memref<32x64xbf16, #tpu.memory_space<vmem>>) target(%dma_start3A_193 : memref<32x64xbf16, #tpu.memory_space<vmem_shared>>) target_semaphore(%run_scoped3A : memref<!tpu.dma_semaphore, #tpu.memory_space<semaphore_mem>>)
        %dma_wait3A = arith.constant 0 : i32
        %dma_wait3A_194 = tpu.memref_slice %arg16[%add3A_44, %dma_wait3A] : memref<41600x64xbf16, #tpu.memory_space<vmem_shared>> -> memref<32x64xbf16, #tpu.memory_space<vmem_shared>>
        %dma_wait3A_195 = arith.constant 0 : i32
        %dma_wait3A_196 = tpu.memref_slice %arg16[%add3A_44, %dma_wait3A_195] : memref<41600x64xbf16, #tpu.memory_space<vmem_shared>> -> memref<32x64xbf16, #tpu.memory_space<vmem_shared>>
        tpu.wait_dma2 semaphore(%run_scoped3A : memref<!tpu.dma_semaphore, #tpu.memory_space<semaphore_mem>>) src(%arg14 : memref<32x64xbf16, #tpu.memory_space<vmem>>) dst(%dma_wait3A_196 : memref<32x64xbf16, #tpu.memory_space<vmem_shared>>)
        tpu.yield
      }) : () -> ()
      %add3A_45 = arith.constant 544 : i32
      %add3A_46 = arith.addi %mul3A_11, %add3A_45 : i32
      "tpu.region"() ({
        %run_scoped3A = tpu.sem_alloc : memref<!tpu.dma_semaphore, #tpu.memory_space<semaphore_mem>>
        %dma_start3A = arith.constant 0 : i32
        %dma_start3A_191 = tpu.memref_slice %arg16[%add3A_46, %dma_start3A] : memref<41600x64xbf16, #tpu.memory_space<vmem_shared>> -> memref<32x64xbf16, #tpu.memory_space<vmem_shared>>
        %dma_start3A_192 = arith.constant 0 : i32
        %dma_start3A_193 = tpu.memref_slice %arg16[%add3A_46, %dma_start3A_192] : memref<41600x64xbf16, #tpu.memory_space<vmem_shared>> -> memref<32x64xbf16, #tpu.memory_space<vmem_shared>>
        tpu.enqueue_dma source(%arg14 : memref<32x64xbf16, #tpu.memory_space<vmem>>) target(%dma_start3A_193 : memref<32x64xbf16, #tpu.memory_space<vmem_shared>>) target_semaphore(%run_scoped3A : memref<!tpu.dma_semaphore, #tpu.memory_space<semaphore_mem>>)
        %dma_wait3A = arith.constant 0 : i32
        %dma_wait3A_194 = tpu.memref_slice %arg16[%add3A_46, %dma_wait3A] : memref<41600x64xbf16, #tpu.memory_space<vmem_shared>> -> memref<32x64xbf16, #tpu.memory_space<vmem_shared>>
        %dma_wait3A_195 = arith.constant 0 : i32
        %dma_wait3A_196 = tpu.memref_slice %arg16[%add3A_46, %dma_wait3A_195] : memref<41600x64xbf16, #tpu.memory_space<vmem_shared>> -> memref<32x64xbf16, #tpu.memory_space<vmem_shared>>
        tpu.wait_dma2 semaphore(%run_scoped3A : memref<!tpu.dma_semaphore, #tpu.memory_space<semaphore_mem>>) src(%arg14 : memref<32x64xbf16, #tpu.memory_space<vmem>>) dst(%dma_wait3A_196 : memref<32x64xbf16, #tpu.memory_space<vmem_shared>>)
        tpu.yield
      }) : () -> ()
      %add3A_47 = arith.constant 576 : i32
      %add3A_48 = arith.addi %mul3A_11, %add3A_47 : i32
      "tpu.region"() ({
        %run_scoped3A = tpu.sem_alloc : memref<!tpu.dma_semaphore, #tpu.memory_space<semaphore_mem>>
        %dma_start3A = arith.constant 0 : i32
        %dma_start3A_191 = tpu.memref_slice %arg16[%add3A_48, %dma_start3A] : memref<41600x64xbf16, #tpu.memory_space<vmem_shared>> -> memref<32x64xbf16, #tpu.memory_space<vmem_shared>>
        %dma_start3A_192 = arith.constant 0 : i32
        %dma_start3A_193 = tpu.memref_slice %arg16[%add3A_48, %dma_start3A_192] : memref<41600x64xbf16, #tpu.memory_space<vmem_shared>> -> memref<32x64xbf16, #tpu.memory_space<vmem_shared>>
        tpu.enqueue_dma source(%arg14 : memref<32x64xbf16, #tpu.memory_space<vmem>>) target(%dma_start3A_193 : memref<32x64xbf16, #tpu.memory_space<vmem_shared>>) target_semaphore(%run_scoped3A : memref<!tpu.dma_semaphore, #tpu.memory_space<semaphore_mem>>)
        %dma_wait3A = arith.constant 0 : i32
        %dma_wait3A_194 = tpu.memref_slice %arg16[%add3A_48, %dma_wait3A] : memref<41600x64xbf16, #tpu.memory_space<vmem_shared>> -> memref<32x64xbf16, #tpu.memory_space<vmem_shared>>
        %dma_wait3A_195 = arith.constant 0 : i32
        %dma_wait3A_196 = tpu.memref_slice %arg16[%add3A_48, %dma_wait3A_195] : memref<41600x64xbf16, #tpu.memory_space<vmem_shared>> -> memref<32x64xbf16, #tpu.memory_space<vmem_shared>>
        tpu.wait_dma2 semaphore(%run_scoped3A : memref<!tpu.dma_semaphore, #tpu.memory_space<semaphore_mem>>) src(%arg14 : memref<32x64xbf16, #tpu.memory_space<vmem>>) dst(%dma_wait3A_196 : memref<32x64xbf16, #tpu.memory_space<vmem_shared>>)
        tpu.yield
      }) : () -> ()
      %add3A_49 = arith.constant 608 : i32
      %add3A_50 = arith.addi %mul3A_11, %add3A_49 : i32
      "tpu.region"() ({
        %run_scoped3A = tpu.sem_alloc : memref<!tpu.dma_semaphore, #tpu.memory_space<semaphore_mem>>
        %dma_start3A = arith.constant 0 : i32
        %dma_start3A_191 = tpu.memref_slice %arg16[%add3A_50, %dma_start3A] : memref<41600x64xbf16, #tpu.memory_space<vmem_shared>> -> memref<32x64xbf16, #tpu.memory_space<vmem_shared>>
        %dma_start3A_192 = arith.constant 0 : i32
        %dma_start3A_193 = tpu.memref_slice %arg16[%add3A_50, %dma_start3A_192] : memref<41600x64xbf16, #tpu.memory_space<vmem_shared>> -> memref<32x64xbf16, #tpu.memory_space<vmem_shared>>
        tpu.enqueue_dma source(%arg14 : memref<32x64xbf16, #tpu.memory_space<vmem>>) target(%dma_start3A_193 : memref<32x64xbf16, #tpu.memory_space<vmem_shared>>) target_semaphore(%run_scoped3A : memref<!tpu.dma_semaphore, #tpu.memory_space<semaphore_mem>>)
        %dma_wait3A = arith.constant 0 : i32
        %dma_wait3A_194 = tpu.memref_slice %arg16[%add3A_50, %dma_wait3A] : memref<41600x64xbf16, #tpu.memory_space<vmem_shared>> -> memref<32x64xbf16, #tpu.memory_space<vmem_shared>>
        %dma_wait3A_195 = arith.constant 0 : i32
        %dma_wait3A_196 = tpu.memref_slice %arg16[%add3A_50, %dma_wait3A_195] : memref<41600x64xbf16, #tpu.memory_space<vmem_shared>> -> memref<32x64xbf16, #tpu.memory_space<vmem_shared>>
        tpu.wait_dma2 semaphore(%run_scoped3A : memref<!tpu.dma_semaphore, #tpu.memory_space<semaphore_mem>>) src(%arg14 : memref<32x64xbf16, #tpu.memory_space<vmem>>) dst(%dma_wait3A_196 : memref<32x64xbf16, #tpu.memory_space<vmem_shared>>)
        tpu.yield
      }) : () -> ()
      %add3A_51 = arith.constant 640 : i32
      %add3A_52 = arith.addi %mul3A_11, %add3A_51 : i32
      "tpu.region"() ({
        %run_scoped3A = tpu.sem_alloc : memref<!tpu.dma_semaphore, #tpu.memory_space<semaphore_mem>>
        %dma_start3A = arith.constant 0 : i32
        %dma_start3A_191 = tpu.memref_slice %arg16[%add3A_52, %dma_start3A] : memref<41600x64xbf16, #tpu.memory_space<vmem_shared>> -> memref<32x64xbf16, #tpu.memory_space<vmem_shared>>
        %dma_start3A_192 = arith.constant 0 : i32
        %dma_start3A_193 = tpu.memref_slice %arg16[%add3A_52, %dma_start3A_192] : memref<41600x64xbf16, #tpu.memory_space<vmem_shared>> -> memref<32x64xbf16, #tpu.memory_space<vmem_shared>>
        tpu.enqueue_dma source(%arg14 : memref<32x64xbf16, #tpu.memory_space<vmem>>) target(%dma_start3A_193 : memref<32x64xbf16, #tpu.memory_space<vmem_shared>>) target_semaphore(%run_scoped3A : memref<!tpu.dma_semaphore, #tpu.memory_space<semaphore_mem>>)
        %dma_wait3A = arith.constant 0 : i32
        %dma_wait3A_194 = tpu.memref_slice %arg16[%add3A_52, %dma_wait3A] : memref<41600x64xbf16, #tpu.memory_space<vmem_shared>> -> memref<32x64xbf16, #tpu.memory_space<vmem_shared>>
        %dma_wait3A_195 = arith.constant 0 : i32
        %dma_wait3A_196 = tpu.memref_slice %arg16[%add3A_52, %dma_wait3A_195] : memref<41600x64xbf16, #tpu.memory_space<vmem_shared>> -> memref<32x64xbf16, #tpu.memory_space<vmem_shared>>
        tpu.wait_dma2 semaphore(%run_scoped3A : memref<!tpu.dma_semaphore, #tpu.memory_space<semaphore_mem>>) src(%arg14 : memref<32x64xbf16, #tpu.memory_space<vmem>>) dst(%dma_wait3A_196 : memref<32x64xbf16, #tpu.memory_space<vmem_shared>>)
        tpu.yield
      }) : () -> ()
      %add3A_53 = arith.constant 672 : i32
      %add3A_54 = arith.addi %mul3A_11, %add3A_53 : i32
      "tpu.region"() ({
        %run_scoped3A = tpu.sem_alloc : memref<!tpu.dma_semaphore, #tpu.memory_space<semaphore_mem>>
        %dma_start3A = arith.constant 0 : i32
        %dma_start3A_191 = tpu.memref_slice %arg16[%add3A_54, %dma_start3A] : memref<41600x64xbf16, #tpu.memory_space<vmem_shared>> -> memref<32x64xbf16, #tpu.memory_space<vmem_shared>>
        %dma_start3A_192 = arith.constant 0 : i32
        %dma_start3A_193 = tpu.memref_slice %arg16[%add3A_54, %dma_start3A_192] : memref<41600x64xbf16, #tpu.memory_space<vmem_shared>> -> memref<32x64xbf16, #tpu.memory_space<vmem_shared>>
        tpu.enqueue_dma source(%arg14 : memref<32x64xbf16, #tpu.memory_space<vmem>>) target(%dma_start3A_193 : memref<32x64xbf16, #tpu.memory_space<vmem_shared>>) target_semaphore(%run_scoped3A : memref<!tpu.dma_semaphore, #tpu.memory_space<semaphore_mem>>)
        %dma_wait3A = arith.constant 0 : i32
        %dma_wait3A_194 = tpu.memref_slice %arg16[%add3A_54, %dma_wait3A] : memref<41600x64xbf16, #tpu.memory_space<vmem_shared>> -> memref<32x64xbf16, #tpu.memory_space<vmem_shared>>
        %dma_wait3A_195 = arith.constant 0 : i32
        %dma_wait3A_196 = tpu.memref_slice %arg16[%add3A_54, %dma_wait3A_195] : memref<41600x64xbf16, #tpu.memory_space<vmem_shared>> -> memref<32x64xbf16, #tpu.memory_space<vmem_shared>>
        tpu.wait_dma2 semaphore(%run_scoped3A : memref<!tpu.dma_semaphore, #tpu.memory_space<semaphore_mem>>) src(%arg14 : memref<32x64xbf16, #tpu.memory_space<vmem>>) dst(%dma_wait3A_196 : memref<32x64xbf16, #tpu.memory_space<vmem_shared>>)
        tpu.yield
      }) : () -> ()
      %add3A_55 = arith.constant 704 : i32
      %add3A_56 = arith.addi %mul3A_11, %add3A_55 : i32
      "tpu.region"() ({
        %run_scoped3A = tpu.sem_alloc : memref<!tpu.dma_semaphore, #tpu.memory_space<semaphore_mem>>
        %dma_start3A = arith.constant 0 : i32
        %dma_start3A_191 = tpu.memref_slice %arg16[%add3A_56, %dma_start3A] : memref<41600x64xbf16, #tpu.memory_space<vmem_shared>> -> memref<32x64xbf16, #tpu.memory_space<vmem_shared>>
        %dma_start3A_192 = arith.constant 0 : i32
        %dma_start3A_193 = tpu.memref_slice %arg16[%add3A_56, %dma_start3A_192] : memref<41600x64xbf16, #tpu.memory_space<vmem_shared>> -> memref<32x64xbf16, #tpu.memory_space<vmem_shared>>
        tpu.enqueue_dma source(%arg14 : memref<32x64xbf16, #tpu.memory_space<vmem>>) target(%dma_start3A_193 : memref<32x64xbf16, #tpu.memory_space<vmem_shared>>) target_semaphore(%run_scoped3A : memref<!tpu.dma_semaphore, #tpu.memory_space<semaphore_mem>>)
        %dma_wait3A = arith.constant 0 : i32
        %dma_wait3A_194 = tpu.memref_slice %arg16[%add3A_56, %dma_wait3A] : memref<41600x64xbf16, #tpu.memory_space<vmem_shared>> -> memref<32x64xbf16, #tpu.memory_space<vmem_shared>>
        %dma_wait3A_195 = arith.constant 0 : i32
        %dma_wait3A_196 = tpu.memref_slice %arg16[%add3A_56, %dma_wait3A_195] : memref<41600x64xbf16, #tpu.memory_space<vmem_shared>> -> memref<32x64xbf16, #tpu.memory_space<vmem_shared>>
        tpu.wait_dma2 semaphore(%run_scoped3A : memref<!tpu.dma_semaphore, #tpu.memory_space<semaphore_mem>>) src(%arg14 : memref<32x64xbf16, #tpu.memory_space<vmem>>) dst(%dma_wait3A_196 : memref<32x64xbf16, #tpu.memory_space<vmem_shared>>)
        tpu.yield
      }) : () -> ()
      %add3A_57 = arith.constant 736 : i32
      %add3A_58 = arith.addi %mul3A_11, %add3A_57 : i32
      "tpu.region"() ({
        %run_scoped3A = tpu.sem_alloc : memref<!tpu.dma_semaphore, #tpu.memory_space<semaphore_mem>>
        %dma_start3A = arith.constant 0 : i32
        %dma_start3A_191 = tpu.memref_slice %arg16[%add3A_58, %dma_start3A] : memref<41600x64xbf16, #tpu.memory_space<vmem_shared>> -> memref<32x64xbf16, #tpu.memory_space<vmem_shared>>
        %dma_start3A_192 = arith.constant 0 : i32
        %dma_start3A_193 = tpu.memref_slice %arg16[%add3A_58, %dma_start3A_192] : memref<41600x64xbf16, #tpu.memory_space<vmem_shared>> -> memref<32x64xbf16, #tpu.memory_space<vmem_shared>>
        tpu.enqueue_dma source(%arg14 : memref<32x64xbf16, #tpu.memory_space<vmem>>) target(%dma_start3A_193 : memref<32x64xbf16, #tpu.memory_space<vmem_shared>>) target_semaphore(%run_scoped3A : memref<!tpu.dma_semaphore, #tpu.memory_space<semaphore_mem>>)
        %dma_wait3A = arith.constant 0 : i32
        %dma_wait3A_194 = tpu.memref_slice %arg16[%add3A_58, %dma_wait3A] : memref<41600x64xbf16, #tpu.memory_space<vmem_shared>> -> memref<32x64xbf16, #tpu.memory_space<vmem_shared>>
        %dma_wait3A_195 = arith.constant 0 : i32
        %dma_wait3A_196 = tpu.memref_slice %arg16[%add3A_58, %dma_wait3A_195] : memref<41600x64xbf16, #tpu.memory_space<vmem_shared>> -> memref<32x64xbf16, #tpu.memory_space<vmem_shared>>
        tpu.wait_dma2 semaphore(%run_scoped3A : memref<!tpu.dma_semaphore, #tpu.memory_space<semaphore_mem>>) src(%arg14 : memref<32x64xbf16, #tpu.memory_space<vmem>>) dst(%dma_wait3A_196 : memref<32x64xbf16, #tpu.memory_space<vmem_shared>>)
        tpu.yield
      }) : () -> ()
      %add3A_59 = arith.constant 768 : i32
      %add3A_60 = arith.addi %mul3A_11, %add3A_59 : i32
      "tpu.region"() ({
        %run_scoped3A = tpu.sem_alloc : memref<!tpu.dma_semaphore, #tpu.memory_space<semaphore_mem>>
        %dma_start3A = arith.constant 0 : i32
        %dma_start3A_191 = tpu.memref_slice %arg16[%add3A_60, %dma_start3A] : memref<41600x64xbf16, #tpu.memory_space<vmem_shared>> -> memref<32x64xbf16, #tpu.memory_space<vmem_shared>>
        %dma_start3A_192 = arith.constant 0 : i32
        %dma_start3A_193 = tpu.memref_slice %arg16[%add3A_60, %dma_start3A_192] : memref<41600x64xbf16, #tpu.memory_space<vmem_shared>> -> memref<32x64xbf16, #tpu.memory_space<vmem_shared>>
        tpu.enqueue_dma source(%arg14 : memref<32x64xbf16, #tpu.memory_space<vmem>>) target(%dma_start3A_193 : memref<32x64xbf16, #tpu.memory_space<vmem_shared>>) target_semaphore(%run_scoped3A : memref<!tpu.dma_semaphore, #tpu.memory_space<semaphore_mem>>)
        %dma_wait3A = arith.constant 0 : i32
        %dma_wait3A_194 = tpu.memref_slice %arg16[%add3A_60, %dma_wait3A] : memref<41600x64xbf16, #tpu.memory_space<vmem_shared>> -> memref<32x64xbf16, #tpu.memory_space<vmem_shared>>
        %dma_wait3A_195 = arith.constant 0 : i32
        %dma_wait3A_196 = tpu.memref_slice %arg16[%add3A_60, %dma_wait3A_195] : memref<41600x64xbf16, #tpu.memory_space<vmem_shared>> -> memref<32x64xbf16, #tpu.memory_space<vmem_shared>>
        tpu.wait_dma2 semaphore(%run_scoped3A : memref<!tpu.dma_semaphore, #tpu.memory_space<semaphore_mem>>) src(%arg14 : memref<32x64xbf16, #tpu.memory_space<vmem>>) dst(%dma_wait3A_196 : memref<32x64xbf16, #tpu.memory_space<vmem_shared>>)
        tpu.yield
      }) : () -> ()
      %add3A_61 = arith.constant 800 : i32
      %add3A_62 = arith.addi %mul3A_11, %add3A_61 : i32
      "tpu.region"() ({
        %run_scoped3A = tpu.sem_alloc : memref<!tpu.dma_semaphore, #tpu.memory_space<semaphore_mem>>
        %dma_start3A = arith.constant 0 : i32
        %dma_start3A_191 = tpu.memref_slice %arg16[%add3A_62, %dma_start3A] : memref<41600x64xbf16, #tpu.memory_space<vmem_shared>> -> memref<32x64xbf16, #tpu.memory_space<vmem_shared>>
        %dma_start3A_192 = arith.constant 0 : i32
        %dma_start3A_193 = tpu.memref_slice %arg16[%add3A_62, %dma_start3A_192] : memref<41600x64xbf16, #tpu.memory_space<vmem_shared>> -> memref<32x64xbf16, #tpu.memory_space<vmem_shared>>
        tpu.enqueue_dma source(%arg14 : memref<32x64xbf16, #tpu.memory_space<vmem>>) target(%dma_start3A_193 : memref<32x64xbf16, #tpu.memory_space<vmem_shared>>) target_semaphore(%run_scoped3A : memref<!tpu.dma_semaphore, #tpu.memory_space<semaphore_mem>>)
        %dma_wait3A = arith.constant 0 : i32
        %dma_wait3A_194 = tpu.memref_slice %arg16[%add3A_62, %dma_wait3A] : memref<41600x64xbf16, #tpu.memory_space<vmem_shared>> -> memref<32x64xbf16, #tpu.memory_space<vmem_shared>>
        %dma_wait3A_195 = arith.constant 0 : i32
        %dma_wait3A_196 = tpu.memref_slice %arg16[%add3A_62, %dma_wait3A_195] : memref<41600x64xbf16, #tpu.memory_space<vmem_shared>> -> memref<32x64xbf16, #tpu.memory_space<vmem_shared>>
        tpu.wait_dma2 semaphore(%run_scoped3A : memref<!tpu.dma_semaphore, #tpu.memory_space<semaphore_mem>>) src(%arg14 : memref<32x64xbf16, #tpu.memory_space<vmem>>) dst(%dma_wait3A_196 : memref<32x64xbf16, #tpu.memory_space<vmem_shared>>)
        tpu.yield
      }) : () -> ()
      %add3A_63 = arith.constant 832 : i32
      %add3A_64 = arith.addi %mul3A_11, %add3A_63 : i32
      "tpu.region"() ({
        %run_scoped3A = tpu.sem_alloc : memref<!tpu.dma_semaphore, #tpu.memory_space<semaphore_mem>>
        %dma_start3A = arith.constant 0 : i32
        %dma_start3A_191 = tpu.memref_slice %arg16[%add3A_64, %dma_start3A] : memref<41600x64xbf16, #tpu.memory_space<vmem_shared>> -> memref<32x64xbf16, #tpu.memory_space<vmem_shared>>
        %dma_start3A_192 = arith.constant 0 : i32
        %dma_start3A_193 = tpu.memref_slice %arg16[%add3A_64, %dma_start3A_192] : memref<41600x64xbf16, #tpu.memory_space<vmem_shared>> -> memref<32x64xbf16, #tpu.memory_space<vmem_shared>>
        tpu.enqueue_dma source(%arg14 : memref<32x64xbf16, #tpu.memory_space<vmem>>) target(%dma_start3A_193 : memref<32x64xbf16, #tpu.memory_space<vmem_shared>>) target_semaphore(%run_scoped3A : memref<!tpu.dma_semaphore, #tpu.memory_space<semaphore_mem>>)
        %dma_wait3A = arith.constant 0 : i32
        %dma_wait3A_194 = tpu.memref_slice %arg16[%add3A_64, %dma_wait3A] : memref<41600x64xbf16, #tpu.memory_space<vmem_shared>> -> memref<32x64xbf16, #tpu.memory_space<vmem_shared>>
        %dma_wait3A_195 = arith.constant 0 : i32
        %dma_wait3A_196 = tpu.memref_slice %arg16[%add3A_64, %dma_wait3A_195] : memref<41600x64xbf16, #tpu.memory_space<vmem_shared>> -> memref<32x64xbf16, #tpu.memory_space<vmem_shared>>
        tpu.wait_dma2 semaphore(%run_scoped3A : memref<!tpu.dma_semaphore, #tpu.memory_space<semaphore_mem>>) src(%arg14 : memref<32x64xbf16, #tpu.memory_space<vmem>>) dst(%dma_wait3A_196 : memref<32x64xbf16, #tpu.memory_space<vmem_shared>>)
        tpu.yield
      }) : () -> ()
      %add3A_65 = arith.constant 864 : i32
      %add3A_66 = arith.addi %mul3A_11, %add3A_65 : i32
      "tpu.region"() ({
        %run_scoped3A = tpu.sem_alloc : memref<!tpu.dma_semaphore, #tpu.memory_space<semaphore_mem>>
        %dma_start3A = arith.constant 0 : i32
        %dma_start3A_191 = tpu.memref_slice %arg16[%add3A_66, %dma_start3A] : memref<41600x64xbf16, #tpu.memory_space<vmem_shared>> -> memref<32x64xbf16, #tpu.memory_space<vmem_shared>>
        %dma_start3A_192 = arith.constant 0 : i32
        %dma_start3A_193 = tpu.memref_slice %arg16[%add3A_66, %dma_start3A_192] : memref<41600x64xbf16, #tpu.memory_space<vmem_shared>> -> memref<32x64xbf16, #tpu.memory_space<vmem_shared>>
        tpu.enqueue_dma source(%arg14 : memref<32x64xbf16, #tpu.memory_space<vmem>>) target(%dma_start3A_193 : memref<32x64xbf16, #tpu.memory_space<vmem_shared>>) target_semaphore(%run_scoped3A : memref<!tpu.dma_semaphore, #tpu.memory_space<semaphore_mem>>)
        %dma_wait3A = arith.constant 0 : i32
        %dma_wait3A_194 = tpu.memref_slice %arg16[%add3A_66, %dma_wait3A] : memref<41600x64xbf16, #tpu.memory_space<vmem_shared>> -> memref<32x64xbf16, #tpu.memory_space<vmem_shared>>
        %dma_wait3A_195 = arith.constant 0 : i32
        %dma_wait3A_196 = tpu.memref_slice %arg16[%add3A_66, %dma_wait3A_195] : memref<41600x64xbf16, #tpu.memory_space<vmem_shared>> -> memref<32x64xbf16, #tpu.memory_space<vmem_shared>>
        tpu.wait_dma2 semaphore(%run_scoped3A : memref<!tpu.dma_semaphore, #tpu.memory_space<semaphore_mem>>) src(%arg14 : memref<32x64xbf16, #tpu.memory_space<vmem>>) dst(%dma_wait3A_196 : memref<32x64xbf16, #tpu.memory_space<vmem_shared>>)
        tpu.yield
      }) : () -> ()
      %add3A_67 = arith.constant 896 : i32
      %add3A_68 = arith.addi %mul3A_11, %add3A_67 : i32
      "tpu.region"() ({
        %run_scoped3A = tpu.sem_alloc : memref<!tpu.dma_semaphore, #tpu.memory_space<semaphore_mem>>
        %dma_start3A = arith.constant 0 : i32
        %dma_start3A_191 = tpu.memref_slice %arg16[%add3A_68, %dma_start3A] : memref<41600x64xbf16, #tpu.memory_space<vmem_shared>> -> memref<32x64xbf16, #tpu.memory_space<vmem_shared>>
        %dma_start3A_192 = arith.constant 0 : i32
        %dma_start3A_193 = tpu.memref_slice %arg16[%add3A_68, %dma_start3A_192] : memref<41600x64xbf16, #tpu.memory_space<vmem_shared>> -> memref<32x64xbf16, #tpu.memory_space<vmem_shared>>
        tpu.enqueue_dma source(%arg14 : memref<32x64xbf16, #tpu.memory_space<vmem>>) target(%dma_start3A_193 : memref<32x64xbf16, #tpu.memory_space<vmem_shared>>) target_semaphore(%run_scoped3A : memref<!tpu.dma_semaphore, #tpu.memory_space<semaphore_mem>>)
        %dma_wait3A = arith.constant 0 : i32
        %dma_wait3A_194 = tpu.memref_slice %arg16[%add3A_68, %dma_wait3A] : memref<41600x64xbf16, #tpu.memory_space<vmem_shared>> -> memref<32x64xbf16, #tpu.memory_space<vmem_shared>>
        %dma_wait3A_195 = arith.constant 0 : i32
        %dma_wait3A_196 = tpu.memref_slice %arg16[%add3A_68, %dma_wait3A_195] : memref<41600x64xbf16, #tpu.memory_space<vmem_shared>> -> memref<32x64xbf16, #tpu.memory_space<vmem_shared>>
        tpu.wait_dma2 semaphore(%run_scoped3A : memref<!tpu.dma_semaphore, #tpu.memory_space<semaphore_mem>>) src(%arg14 : memref<32x64xbf16, #tpu.memory_space<vmem>>) dst(%dma_wait3A_196 : memref<32x64xbf16, #tpu.memory_space<vmem_shared>>)
        tpu.yield
      }) : () -> ()
      %add3A_69 = arith.constant 928 : i32
      %add3A_70 = arith.addi %mul3A_11, %add3A_69 : i32
      "tpu.region"() ({
        %run_scoped3A = tpu.sem_alloc : memref<!tpu.dma_semaphore, #tpu.memory_space<semaphore_mem>>
        %dma_start3A = arith.constant 0 : i32
        %dma_start3A_191 = tpu.memref_slice %arg16[%add3A_70, %dma_start3A] : memref<41600x64xbf16, #tpu.memory_space<vmem_shared>> -> memref<32x64xbf16, #tpu.memory_space<vmem_shared>>
        %dma_start3A_192 = arith.constant 0 : i32
        %dma_start3A_193 = tpu.memref_slice %arg16[%add3A_70, %dma_start3A_192] : memref<41600x64xbf16, #tpu.memory_space<vmem_shared>> -> memref<32x64xbf16, #tpu.memory_space<vmem_shared>>
        tpu.enqueue_dma source(%arg14 : memref<32x64xbf16, #tpu.memory_space<vmem>>) target(%dma_start3A_193 : memref<32x64xbf16, #tpu.memory_space<vmem_shared>>) target_semaphore(%run_scoped3A : memref<!tpu.dma_semaphore, #tpu.memory_space<semaphore_mem>>)
        %dma_wait3A = arith.constant 0 : i32
        %dma_wait3A_194 = tpu.memref_slice %arg16[%add3A_70, %dma_wait3A] : memref<41600x64xbf16, #tpu.memory_space<vmem_shared>> -> memref<32x64xbf16, #tpu.memory_space<vmem_shared>>
        %dma_wait3A_195 = arith.constant 0 : i32
        %dma_wait3A_196 = tpu.memref_slice %arg16[%add3A_70, %dma_wait3A_195] : memref<41600x64xbf16, #tpu.memory_space<vmem_shared>> -> memref<32x64xbf16, #tpu.memory_space<vmem_shared>>
        tpu.wait_dma2 semaphore(%run_scoped3A : memref<!tpu.dma_semaphore, #tpu.memory_space<semaphore_mem>>) src(%arg14 : memref<32x64xbf16, #tpu.memory_space<vmem>>) dst(%dma_wait3A_196 : memref<32x64xbf16, #tpu.memory_space<vmem_shared>>)
        tpu.yield
      }) : () -> ()
      %add3A_71 = arith.constant 960 : i32
      %add3A_72 = arith.addi %mul3A_11, %add3A_71 : i32
      "tpu.region"() ({
        %run_scoped3A = tpu.sem_alloc : memref<!tpu.dma_semaphore, #tpu.memory_space<semaphore_mem>>
        %dma_start3A = arith.constant 0 : i32
        %dma_start3A_191 = tpu.memref_slice %arg16[%add3A_72, %dma_start3A] : memref<41600x64xbf16, #tpu.memory_space<vmem_shared>> -> memref<32x64xbf16, #tpu.memory_space<vmem_shared>>
        %dma_start3A_192 = arith.constant 0 : i32
        %dma_start3A_193 = tpu.memref_slice %arg16[%add3A_72, %dma_start3A_192] : memref<41600x64xbf16, #tpu.memory_space<vmem_shared>> -> memref<32x64xbf16, #tpu.memory_space<vmem_shared>>
        tpu.enqueue_dma source(%arg14 : memref<32x64xbf16, #tpu.memory_space<vmem>>) target(%dma_start3A_193 : memref<32x64xbf16, #tpu.memory_space<vmem_shared>>) target_semaphore(%run_scoped3A : memref<!tpu.dma_semaphore, #tpu.memory_space<semaphore_mem>>)
        %dma_wait3A = arith.constant 0 : i32
        %dma_wait3A_194 = tpu.memref_slice %arg16[%add3A_72, %dma_wait3A] : memref<41600x64xbf16, #tpu.memory_space<vmem_shared>> -> memref<32x64xbf16, #tpu.memory_space<vmem_shared>>
        %dma_wait3A_195 = arith.constant 0 : i32
        %dma_wait3A_196 = tpu.memref_slice %arg16[%add3A_72, %dma_wait3A_195] : memref<41600x64xbf16, #tpu.memory_space<vmem_shared>> -> memref<32x64xbf16, #tpu.memory_space<vmem_shared>>
        tpu.wait_dma2 semaphore(%run_scoped3A : memref<!tpu.dma_semaphore, #tpu.memory_space<semaphore_mem>>) src(%arg14 : memref<32x64xbf16, #tpu.memory_space<vmem>>) dst(%dma_wait3A_196 : memref<32x64xbf16, #tpu.memory_space<vmem_shared>>)
        tpu.yield
      }) : () -> ()
      %add3A_73 = arith.constant 992 : i32
      %add3A_74 = arith.addi %mul3A_11, %add3A_73 : i32
      "tpu.region"() ({
        %run_scoped3A = tpu.sem_alloc : memref<!tpu.dma_semaphore, #tpu.memory_space<semaphore_mem>>
        %dma_start3A = arith.constant 0 : i32
        %dma_start3A_191 = tpu.memref_slice %arg16[%add3A_74, %dma_start3A] : memref<41600x64xbf16, #tpu.memory_space<vmem_shared>> -> memref<32x64xbf16, #tpu.memory_space<vmem_shared>>
        %dma_start3A_192 = arith.constant 0 : i32
        %dma_start3A_193 = tpu.memref_slice %arg16[%add3A_74, %dma_start3A_192] : memref<41600x64xbf16, #tpu.memory_space<vmem_shared>> -> memref<32x64xbf16, #tpu.memory_space<vmem_shared>>
        tpu.enqueue_dma source(%arg14 : memref<32x64xbf16, #tpu.memory_space<vmem>>) target(%dma_start3A_193 : memref<32x64xbf16, #tpu.memory_space<vmem_shared>>) target_semaphore(%run_scoped3A : memref<!tpu.dma_semaphore, #tpu.memory_space<semaphore_mem>>)
        %dma_wait3A = arith.constant 0 : i32
        %dma_wait3A_194 = tpu.memref_slice %arg16[%add3A_74, %dma_wait3A] : memref<41600x64xbf16, #tpu.memory_space<vmem_shared>> -> memref<32x64xbf16, #tpu.memory_space<vmem_shared>>
        %dma_wait3A_195 = arith.constant 0 : i32
        %dma_wait3A_196 = tpu.memref_slice %arg16[%add3A_74, %dma_wait3A_195] : memref<41600x64xbf16, #tpu.memory_space<vmem_shared>> -> memref<32x64xbf16, #tpu.memory_space<vmem_shared>>
        tpu.wait_dma2 semaphore(%run_scoped3A : memref<!tpu.dma_semaphore, #tpu.memory_space<semaphore_mem>>) src(%arg14 : memref<32x64xbf16, #tpu.memory_space<vmem>>) dst(%dma_wait3A_196 : memref<32x64xbf16, #tpu.memory_space<vmem_shared>>)
        tpu.yield
      }) : () -> ()
      %add3A_75 = arith.constant 1024 : i32
      %add3A_76 = arith.addi %mul3A_11, %add3A_75 : i32
      "tpu.region"() ({
        %run_scoped3A = tpu.sem_alloc : memref<!tpu.dma_semaphore, #tpu.memory_space<semaphore_mem>>
        %dma_start3A = arith.constant 0 : i32
        %dma_start3A_191 = tpu.memref_slice %arg16[%add3A_76, %dma_start3A] : memref<41600x64xbf16, #tpu.memory_space<vmem_shared>> -> memref<32x64xbf16, #tpu.memory_space<vmem_shared>>
        %dma_start3A_192 = arith.constant 0 : i32
        %dma_start3A_193 = tpu.memref_slice %arg16[%add3A_76, %dma_start3A_192] : memref<41600x64xbf16, #tpu.memory_space<vmem_shared>> -> memref<32x64xbf16, #tpu.memory_space<vmem_shared>>
        tpu.enqueue_dma source(%arg14 : memref<32x64xbf16, #tpu.memory_space<vmem>>) target(%dma_start3A_193 : memref<32x64xbf16, #tpu.memory_space<vmem_shared>>) target_semaphore(%run_scoped3A : memref<!tpu.dma_semaphore, #tpu.memory_space<semaphore_mem>>)
        %dma_wait3A = arith.constant 0 : i32
        %dma_wait3A_194 = tpu.memref_slice %arg16[%add3A_76, %dma_wait3A] : memref<41600x64xbf16, #tpu.memory_space<vmem_shared>> -> memref<32x64xbf16, #tpu.memory_space<vmem_shared>>
        %dma_wait3A_195 = arith.constant 0 : i32
        %dma_wait3A_196 = tpu.memref_slice %arg16[%add3A_76, %dma_wait3A_195] : memref<41600x64xbf16, #tpu.memory_space<vmem_shared>> -> memref<32x64xbf16, #tpu.memory_space<vmem_shared>>
        tpu.wait_dma2 semaphore(%run_scoped3A : memref<!tpu.dma_semaphore, #tpu.memory_space<semaphore_mem>>) src(%arg14 : memref<32x64xbf16, #tpu.memory_space<vmem>>) dst(%dma_wait3A_196 : memref<32x64xbf16, #tpu.memory_space<vmem_shared>>)
        tpu.yield
      }) : () -> ()
      %add3A_77 = arith.constant 1056 : i32
      %add3A_78 = arith.addi %mul3A_11, %add3A_77 : i32
      "tpu.region"() ({
        %run_scoped3A = tpu.sem_alloc : memref<!tpu.dma_semaphore, #tpu.memory_space<semaphore_mem>>
        %dma_start3A = arith.constant 0 : i32
        %dma_start3A_191 = tpu.memref_slice %arg16[%add3A_78, %dma_start3A] : memref<41600x64xbf16, #tpu.memory_space<vmem_shared>> -> memref<32x64xbf16, #tpu.memory_space<vmem_shared>>
        %dma_start3A_192 = arith.constant 0 : i32
        %dma_start3A_193 = tpu.memref_slice %arg16[%add3A_78, %dma_start3A_192] : memref<41600x64xbf16, #tpu.memory_space<vmem_shared>> -> memref<32x64xbf16, #tpu.memory_space<vmem_shared>>
        tpu.enqueue_dma source(%arg14 : memref<32x64xbf16, #tpu.memory_space<vmem>>) target(%dma_start3A_193 : memref<32x64xbf16, #tpu.memory_space<vmem_shared>>) target_semaphore(%run_scoped3A : memref<!tpu.dma_semaphore, #tpu.memory_space<semaphore_mem>>)
        %dma_wait3A = arith.constant 0 : i32
        %dma_wait3A_194 = tpu.memref_slice %arg16[%add3A_78, %dma_wait3A] : memref<41600x64xbf16, #tpu.memory_space<vmem_shared>> -> memref<32x64xbf16, #tpu.memory_space<vmem_shared>>
        %dma_wait3A_195 = arith.constant 0 : i32
        %dma_wait3A_196 = tpu.memref_slice %arg16[%add3A_78, %dma_wait3A_195] : memref<41600x64xbf16, #tpu.memory_space<vmem_shared>> -> memref<32x64xbf16, #tpu.memory_space<vmem_shared>>
        tpu.wait_dma2 semaphore(%run_scoped3A : memref<!tpu.dma_semaphore, #tpu.memory_space<semaphore_mem>>) src(%arg14 : memref<32x64xbf16, #tpu.memory_space<vmem>>) dst(%dma_wait3A_196 : memref<32x64xbf16, #tpu.memory_space<vmem_shared>>)
        tpu.yield
      }) : () -> ()
      %add3A_79 = arith.constant 1088 : i32
      %add3A_80 = arith.addi %mul3A_11, %add3A_79 : i32
      "tpu.region"() ({
        %run_scoped3A = tpu.sem_alloc : memref<!tpu.dma_semaphore, #tpu.memory_space<semaphore_mem>>
        %dma_start3A = arith.constant 0 : i32
        %dma_start3A_191 = tpu.memref_slice %arg16[%add3A_80, %dma_start3A] : memref<41600x64xbf16, #tpu.memory_space<vmem_shared>> -> memref<32x64xbf16, #tpu.memory_space<vmem_shared>>
        %dma_start3A_192 = arith.constant 0 : i32
        %dma_start3A_193 = tpu.memref_slice %arg16[%add3A_80, %dma_start3A_192] : memref<41600x64xbf16, #tpu.memory_space<vmem_shared>> -> memref<32x64xbf16, #tpu.memory_space<vmem_shared>>
        tpu.enqueue_dma source(%arg14 : memref<32x64xbf16, #tpu.memory_space<vmem>>) target(%dma_start3A_193 : memref<32x64xbf16, #tpu.memory_space<vmem_shared>>) target_semaphore(%run_scoped3A : memref<!tpu.dma_semaphore, #tpu.memory_space<semaphore_mem>>)
        %dma_wait3A = arith.constant 0 : i32
        %dma_wait3A_194 = tpu.memref_slice %arg16[%add3A_80, %dma_wait3A] : memref<41600x64xbf16, #tpu.memory_space<vmem_shared>> -> memref<32x64xbf16, #tpu.memory_space<vmem_shared>>
        %dma_wait3A_195 = arith.constant 0 : i32
        %dma_wait3A_196 = tpu.memref_slice %arg16[%add3A_80, %dma_wait3A_195] : memref<41600x64xbf16, #tpu.memory_space<vmem_shared>> -> memref<32x64xbf16, #tpu.memory_space<vmem_shared>>
        tpu.wait_dma2 semaphore(%run_scoped3A : memref<!tpu.dma_semaphore, #tpu.memory_space<semaphore_mem>>) src(%arg14 : memref<32x64xbf16, #tpu.memory_space<vmem>>) dst(%dma_wait3A_196 : memref<32x64xbf16, #tpu.memory_space<vmem_shared>>)
        tpu.yield
      }) : () -> ()
      %add3A_81 = arith.constant 1120 : i32
      %add3A_82 = arith.addi %mul3A_11, %add3A_81 : i32
      "tpu.region"() ({
        %run_scoped3A = tpu.sem_alloc : memref<!tpu.dma_semaphore, #tpu.memory_space<semaphore_mem>>
        %dma_start3A = arith.constant 0 : i32
        %dma_start3A_191 = tpu.memref_slice %arg16[%add3A_82, %dma_start3A] : memref<41600x64xbf16, #tpu.memory_space<vmem_shared>> -> memref<32x64xbf16, #tpu.memory_space<vmem_shared>>
        %dma_start3A_192 = arith.constant 0 : i32
        %dma_start3A_193 = tpu.memref_slice %arg16[%add3A_82, %dma_start3A_192] : memref<41600x64xbf16, #tpu.memory_space<vmem_shared>> -> memref<32x64xbf16, #tpu.memory_space<vmem_shared>>
        tpu.enqueue_dma source(%arg14 : memref<32x64xbf16, #tpu.memory_space<vmem>>) target(%dma_start3A_193 : memref<32x64xbf16, #tpu.memory_space<vmem_shared>>) target_semaphore(%run_scoped3A : memref<!tpu.dma_semaphore, #tpu.memory_space<semaphore_mem>>)
        %dma_wait3A = arith.constant 0 : i32
        %dma_wait3A_194 = tpu.memref_slice %arg16[%add3A_82, %dma_wait3A] : memref<41600x64xbf16, #tpu.memory_space<vmem_shared>> -> memref<32x64xbf16, #tpu.memory_space<vmem_shared>>
        %dma_wait3A_195 = arith.constant 0 : i32
        %dma_wait3A_196 = tpu.memref_slice %arg16[%add3A_82, %dma_wait3A_195] : memref<41600x64xbf16, #tpu.memory_space<vmem_shared>> -> memref<32x64xbf16, #tpu.memory_space<vmem_shared>>
        tpu.wait_dma2 semaphore(%run_scoped3A : memref<!tpu.dma_semaphore, #tpu.memory_space<semaphore_mem>>) src(%arg14 : memref<32x64xbf16, #tpu.memory_space<vmem>>) dst(%dma_wait3A_196 : memref<32x64xbf16, #tpu.memory_space<vmem_shared>>)
        tpu.yield
      }) : () -> ()
      %add3A_83 = arith.constant 1152 : i32
      %add3A_84 = arith.addi %mul3A_11, %add3A_83 : i32
      "tpu.region"() ({
        %run_scoped3A = tpu.sem_alloc : memref<!tpu.dma_semaphore, #tpu.memory_space<semaphore_mem>>
        %dma_start3A = arith.constant 0 : i32
        %dma_start3A_191 = tpu.memref_slice %arg16[%add3A_84, %dma_start3A] : memref<41600x64xbf16, #tpu.memory_space<vmem_shared>> -> memref<32x64xbf16, #tpu.memory_space<vmem_shared>>
        %dma_start3A_192 = arith.constant 0 : i32
        %dma_start3A_193 = tpu.memref_slice %arg16[%add3A_84, %dma_start3A_192] : memref<41600x64xbf16, #tpu.memory_space<vmem_shared>> -> memref<32x64xbf16, #tpu.memory_space<vmem_shared>>
        tpu.enqueue_dma source(%arg14 : memref<32x64xbf16, #tpu.memory_space<vmem>>) target(%dma_start3A_193 : memref<32x64xbf16, #tpu.memory_space<vmem_shared>>) target_semaphore(%run_scoped3A : memref<!tpu.dma_semaphore, #tpu.memory_space<semaphore_mem>>)
        %dma_wait3A = arith.constant 0 : i32
        %dma_wait3A_194 = tpu.memref_slice %arg16[%add3A_84, %dma_wait3A] : memref<41600x64xbf16, #tpu.memory_space<vmem_shared>> -> memref<32x64xbf16, #tpu.memory_space<vmem_shared>>
        %dma_wait3A_195 = arith.constant 0 : i32
        %dma_wait3A_196 = tpu.memref_slice %arg16[%add3A_84, %dma_wait3A_195] : memref<41600x64xbf16, #tpu.memory_space<vmem_shared>> -> memref<32x64xbf16, #tpu.memory_space<vmem_shared>>
        tpu.wait_dma2 semaphore(%run_scoped3A : memref<!tpu.dma_semaphore, #tpu.memory_space<semaphore_mem>>) src(%arg14 : memref<32x64xbf16, #tpu.memory_space<vmem>>) dst(%dma_wait3A_196 : memref<32x64xbf16, #tpu.memory_space<vmem_shared>>)
        tpu.yield
      }) : () -> ()
      %add3A_85 = arith.constant 1184 : i32
      %add3A_86 = arith.addi %mul3A_11, %add3A_85 : i32
      "tpu.region"() ({
        %run_scoped3A = tpu.sem_alloc : memref<!tpu.dma_semaphore, #tpu.memory_space<semaphore_mem>>
        %dma_start3A = arith.constant 0 : i32
        %dma_start3A_191 = tpu.memref_slice %arg16[%add3A_86, %dma_start3A] : memref<41600x64xbf16, #tpu.memory_space<vmem_shared>> -> memref<32x64xbf16, #tpu.memory_space<vmem_shared>>
        %dma_start3A_192 = arith.constant 0 : i32
        %dma_start3A_193 = tpu.memref_slice %arg16[%add3A_86, %dma_start3A_192] : memref<41600x64xbf16, #tpu.memory_space<vmem_shared>> -> memref<32x64xbf16, #tpu.memory_space<vmem_shared>>
        tpu.enqueue_dma source(%arg14 : memref<32x64xbf16, #tpu.memory_space<vmem>>) target(%dma_start3A_193 : memref<32x64xbf16, #tpu.memory_space<vmem_shared>>) target_semaphore(%run_scoped3A : memref<!tpu.dma_semaphore, #tpu.memory_space<semaphore_mem>>)
        %dma_wait3A = arith.constant 0 : i32
        %dma_wait3A_194 = tpu.memref_slice %arg16[%add3A_86, %dma_wait3A] : memref<41600x64xbf16, #tpu.memory_space<vmem_shared>> -> memref<32x64xbf16, #tpu.memory_space<vmem_shared>>
        %dma_wait3A_195 = arith.constant 0 : i32
        %dma_wait3A_196 = tpu.memref_slice %arg16[%add3A_86, %dma_wait3A_195] : memref<41600x64xbf16, #tpu.memory_space<vmem_shared>> -> memref<32x64xbf16, #tpu.memory_space<vmem_shared>>
        tpu.wait_dma2 semaphore(%run_scoped3A : memref<!tpu.dma_semaphore, #tpu.memory_space<semaphore_mem>>) src(%arg14 : memref<32x64xbf16, #tpu.memory_space<vmem>>) dst(%dma_wait3A_196 : memref<32x64xbf16, #tpu.memory_space<vmem_shared>>)
        tpu.yield
      }) : () -> ()
      %add3A_87 = arith.constant 1216 : i32
      %add3A_88 = arith.addi %mul3A_11, %add3A_87 : i32
      "tpu.region"() ({
        %run_scoped3A = tpu.sem_alloc : memref<!tpu.dma_semaphore, #tpu.memory_space<semaphore_mem>>
        %dma_start3A = arith.constant 0 : i32
        %dma_start3A_191 = tpu.memref_slice %arg16[%add3A_88, %dma_start3A] : memref<41600x64xbf16, #tpu.memory_space<vmem_shared>> -> memref<32x64xbf16, #tpu.memory_space<vmem_shared>>
        %dma_start3A_192 = arith.constant 0 : i32
        %dma_start3A_193 = tpu.memref_slice %arg16[%add3A_88, %dma_start3A_192] : memref<41600x64xbf16, #tpu.memory_space<vmem_shared>> -> memref<32x64xbf16, #tpu.memory_space<vmem_shared>>
        tpu.enqueue_dma source(%arg14 : memref<32x64xbf16, #tpu.memory_space<vmem>>) target(%dma_start3A_193 : memref<32x64xbf16, #tpu.memory_space<vmem_shared>>) target_semaphore(%run_scoped3A : memref<!tpu.dma_semaphore, #tpu.memory_space<semaphore_mem>>)
        %dma_wait3A = arith.constant 0 : i32
        %dma_wait3A_194 = tpu.memref_slice %arg16[%add3A_88, %dma_wait3A] : memref<41600x64xbf16, #tpu.memory_space<vmem_shared>> -> memref<32x64xbf16, #tpu.memory_space<vmem_shared>>
        %dma_wait3A_195 = arith.constant 0 : i32
        %dma_wait3A_196 = tpu.memref_slice %arg16[%add3A_88, %dma_wait3A_195] : memref<41600x64xbf16, #tpu.memory_space<vmem_shared>> -> memref<32x64xbf16, #tpu.memory_space<vmem_shared>>
        tpu.wait_dma2 semaphore(%run_scoped3A : memref<!tpu.dma_semaphore, #tpu.memory_space<semaphore_mem>>) src(%arg14 : memref<32x64xbf16, #tpu.memory_space<vmem>>) dst(%dma_wait3A_196 : memref<32x64xbf16, #tpu.memory_space<vmem_shared>>)
        tpu.yield
      }) : () -> ()
      %add3A_89 = arith.constant 1248 : i32
      %add3A_90 = arith.addi %mul3A_11, %add3A_89 : i32
      "tpu.region"() ({
        %run_scoped3A = tpu.sem_alloc : memref<!tpu.dma_semaphore, #tpu.memory_space<semaphore_mem>>
        %dma_start3A = arith.constant 0 : i32
        %dma_start3A_191 = tpu.memref_slice %arg16[%add3A_90, %dma_start3A] : memref<41600x64xbf16, #tpu.memory_space<vmem_shared>> -> memref<32x64xbf16, #tpu.memory_space<vmem_shared>>
        %dma_start3A_192 = arith.constant 0 : i32
        %dma_start3A_193 = tpu.memref_slice %arg16[%add3A_90, %dma_start3A_192] : memref<41600x64xbf16, #tpu.memory_space<vmem_shared>> -> memref<32x64xbf16, #tpu.memory_space<vmem_shared>>
        tpu.enqueue_dma source(%arg14 : memref<32x64xbf16, #tpu.memory_space<vmem>>) target(%dma_start3A_193 : memref<32x64xbf16, #tpu.memory_space<vmem_shared>>) target_semaphore(%run_scoped3A : memref<!tpu.dma_semaphore, #tpu.memory_space<semaphore_mem>>)
        %dma_wait3A = arith.constant 0 : i32
        %dma_wait3A_194 = tpu.memref_slice %arg16[%add3A_90, %dma_wait3A] : memref<41600x64xbf16, #tpu.memory_space<vmem_shared>> -> memref<32x64xbf16, #tpu.memory_space<vmem_shared>>
        %dma_wait3A_195 = arith.constant 0 : i32
        %dma_wait3A_196 = tpu.memref_slice %arg16[%add3A_90, %dma_wait3A_195] : memref<41600x64xbf16, #tpu.memory_space<vmem_shared>> -> memref<32x64xbf16, #tpu.memory_space<vmem_shared>>
        tpu.wait_dma2 semaphore(%run_scoped3A : memref<!tpu.dma_semaphore, #tpu.memory_space<semaphore_mem>>) src(%arg14 : memref<32x64xbf16, #tpu.memory_space<vmem>>) dst(%dma_wait3A_196 : memref<32x64xbf16, #tpu.memory_space<vmem_shared>>)
        tpu.yield
      }) : () -> ()
      %add3A_91 = arith.constant 1280 : i32
      %add3A_92 = arith.addi %mul3A_11, %add3A_91 : i32
      "tpu.region"() ({
        %run_scoped3A = tpu.sem_alloc : memref<!tpu.dma_semaphore, #tpu.memory_space<semaphore_mem>>
        %dma_start3A = arith.constant 0 : i32
        %dma_start3A_191 = tpu.memref_slice %arg16[%add3A_92, %dma_start3A] : memref<41600x64xbf16, #tpu.memory_space<vmem_shared>> -> memref<32x64xbf16, #tpu.memory_space<vmem_shared>>
        %dma_start3A_192 = arith.constant 0 : i32
        %dma_start3A_193 = tpu.memref_slice %arg16[%add3A_92, %dma_start3A_192] : memref<41600x64xbf16, #tpu.memory_space<vmem_shared>> -> memref<32x64xbf16, #tpu.memory_space<vmem_shared>>
        tpu.enqueue_dma source(%arg14 : memref<32x64xbf16, #tpu.memory_space<vmem>>) target(%dma_start3A_193 : memref<32x64xbf16, #tpu.memory_space<vmem_shared>>) target_semaphore(%run_scoped3A : memref<!tpu.dma_semaphore, #tpu.memory_space<semaphore_mem>>)
        %dma_wait3A = arith.constant 0 : i32
        %dma_wait3A_194 = tpu.memref_slice %arg16[%add3A_92, %dma_wait3A] : memref<41600x64xbf16, #tpu.memory_space<vmem_shared>> -> memref<32x64xbf16, #tpu.memory_space<vmem_shared>>
        %dma_wait3A_195 = arith.constant 0 : i32
        %dma_wait3A_196 = tpu.memref_slice %arg16[%add3A_92, %dma_wait3A_195] : memref<41600x64xbf16, #tpu.memory_space<vmem_shared>> -> memref<32x64xbf16, #tpu.memory_space<vmem_shared>>
        tpu.wait_dma2 semaphore(%run_scoped3A : memref<!tpu.dma_semaphore, #tpu.memory_space<semaphore_mem>>) src(%arg14 : memref<32x64xbf16, #tpu.memory_space<vmem>>) dst(%dma_wait3A_196 : memref<32x64xbf16, #tpu.memory_space<vmem_shared>>)
        tpu.yield
      }) : () -> ()
      %add3A_93 = arith.constant 1312 : i32
      %add3A_94 = arith.addi %mul3A_11, %add3A_93 : i32
      "tpu.region"() ({
        %run_scoped3A = tpu.sem_alloc : memref<!tpu.dma_semaphore, #tpu.memory_space<semaphore_mem>>
        %dma_start3A = arith.constant 0 : i32
        %dma_start3A_191 = tpu.memref_slice %arg16[%add3A_94, %dma_start3A] : memref<41600x64xbf16, #tpu.memory_space<vmem_shared>> -> memref<32x64xbf16, #tpu.memory_space<vmem_shared>>
        %dma_start3A_192 = arith.constant 0 : i32
        %dma_start3A_193 = tpu.memref_slice %arg16[%add3A_94, %dma_start3A_192] : memref<41600x64xbf16, #tpu.memory_space<vmem_shared>> -> memref<32x64xbf16, #tpu.memory_space<vmem_shared>>
        tpu.enqueue_dma source(%arg14 : memref<32x64xbf16, #tpu.memory_space<vmem>>) target(%dma_start3A_193 : memref<32x64xbf16, #tpu.memory_space<vmem_shared>>) target_semaphore(%run_scoped3A : memref<!tpu.dma_semaphore, #tpu.memory_space<semaphore_mem>>)
        %dma_wait3A = arith.constant 0 : i32
        %dma_wait3A_194 = tpu.memref_slice %arg16[%add3A_94, %dma_wait3A] : memref<41600x64xbf16, #tpu.memory_space<vmem_shared>> -> memref<32x64xbf16, #tpu.memory_space<vmem_shared>>
        %dma_wait3A_195 = arith.constant 0 : i32
        %dma_wait3A_196 = tpu.memref_slice %arg16[%add3A_94, %dma_wait3A_195] : memref<41600x64xbf16, #tpu.memory_space<vmem_shared>> -> memref<32x64xbf16, #tpu.memory_space<vmem_shared>>
        tpu.wait_dma2 semaphore(%run_scoped3A : memref<!tpu.dma_semaphore, #tpu.memory_space<semaphore_mem>>) src(%arg14 : memref<32x64xbf16, #tpu.memory_space<vmem>>) dst(%dma_wait3A_196 : memref<32x64xbf16, #tpu.memory_space<vmem_shared>>)
        tpu.yield
      }) : () -> ()
      %add3A_95 = arith.constant 1344 : i32
      %add3A_96 = arith.addi %mul3A_11, %add3A_95 : i32
      "tpu.region"() ({
        %run_scoped3A = tpu.sem_alloc : memref<!tpu.dma_semaphore, #tpu.memory_space<semaphore_mem>>
        %dma_start3A = arith.constant 0 : i32
        %dma_start3A_191 = tpu.memref_slice %arg16[%add3A_96, %dma_start3A] : memref<41600x64xbf16, #tpu.memory_space<vmem_shared>> -> memref<32x64xbf16, #tpu.memory_space<vmem_shared>>
        %dma_start3A_192 = arith.constant 0 : i32
        %dma_start3A_193 = tpu.memref_slice %arg16[%add3A_96, %dma_start3A_192] : memref<41600x64xbf16, #tpu.memory_space<vmem_shared>> -> memref<32x64xbf16, #tpu.memory_space<vmem_shared>>
        tpu.enqueue_dma source(%arg14 : memref<32x64xbf16, #tpu.memory_space<vmem>>) target(%dma_start3A_193 : memref<32x64xbf16, #tpu.memory_space<vmem_shared>>) target_semaphore(%run_scoped3A : memref<!tpu.dma_semaphore, #tpu.memory_space<semaphore_mem>>)
        %dma_wait3A = arith.constant 0 : i32
        %dma_wait3A_194 = tpu.memref_slice %arg16[%add3A_96, %dma_wait3A] : memref<41600x64xbf16, #tpu.memory_space<vmem_shared>> -> memref<32x64xbf16, #tpu.memory_space<vmem_shared>>
        %dma_wait3A_195 = arith.constant 0 : i32
        %dma_wait3A_196 = tpu.memref_slice %arg16[%add3A_96, %dma_wait3A_195] : memref<41600x64xbf16, #tpu.memory_space<vmem_shared>> -> memref<32x64xbf16, #tpu.memory_space<vmem_shared>>
        tpu.wait_dma2 semaphore(%run_scoped3A : memref<!tpu.dma_semaphore, #tpu.memory_space<semaphore_mem>>) src(%arg14 : memref<32x64xbf16, #tpu.memory_space<vmem>>) dst(%dma_wait3A_196 : memref<32x64xbf16, #tpu.memory_space<vmem_shared>>)
        tpu.yield
      }) : () -> ()
      %add3A_97 = arith.constant 1376 : i32
      %add3A_98 = arith.addi %mul3A_11, %add3A_97 : i32
      "tpu.region"() ({
        %run_scoped3A = tpu.sem_alloc : memref<!tpu.dma_semaphore, #tpu.memory_space<semaphore_mem>>
        %dma_start3A = arith.constant 0 : i32
        %dma_start3A_191 = tpu.memref_slice %arg16[%add3A_98, %dma_start3A] : memref<41600x64xbf16, #tpu.memory_space<vmem_shared>> -> memref<32x64xbf16, #tpu.memory_space<vmem_shared>>
        %dma_start3A_192 = arith.constant 0 : i32
        %dma_start3A_193 = tpu.memref_slice %arg16[%add3A_98, %dma_start3A_192] : memref<41600x64xbf16, #tpu.memory_space<vmem_shared>> -> memref<32x64xbf16, #tpu.memory_space<vmem_shared>>
        tpu.enqueue_dma source(%arg14 : memref<32x64xbf16, #tpu.memory_space<vmem>>) target(%dma_start3A_193 : memref<32x64xbf16, #tpu.memory_space<vmem_shared>>) target_semaphore(%run_scoped3A : memref<!tpu.dma_semaphore, #tpu.memory_space<semaphore_mem>>)
        %dma_wait3A = arith.constant 0 : i32
        %dma_wait3A_194 = tpu.memref_slice %arg16[%add3A_98, %dma_wait3A] : memref<41600x64xbf16, #tpu.memory_space<vmem_shared>> -> memref<32x64xbf16, #tpu.memory_space<vmem_shared>>
        %dma_wait3A_195 = arith.constant 0 : i32
        %dma_wait3A_196 = tpu.memref_slice %arg16[%add3A_98, %dma_wait3A_195] : memref<41600x64xbf16, #tpu.memory_space<vmem_shared>> -> memref<32x64xbf16, #tpu.memory_space<vmem_shared>>
        tpu.wait_dma2 semaphore(%run_scoped3A : memref<!tpu.dma_semaphore, #tpu.memory_space<semaphore_mem>>) src(%arg14 : memref<32x64xbf16, #tpu.memory_space<vmem>>) dst(%dma_wait3A_196 : memref<32x64xbf16, #tpu.memory_space<vmem_shared>>)
        tpu.yield
      }) : () -> ()
      %add3A_99 = arith.constant 1408 : i32
      %add3A_100 = arith.addi %mul3A_11, %add3A_99 : i32
      "tpu.region"() ({
        %run_scoped3A = tpu.sem_alloc : memref<!tpu.dma_semaphore, #tpu.memory_space<semaphore_mem>>
        %dma_start3A = arith.constant 0 : i32
        %dma_start3A_191 = tpu.memref_slice %arg16[%add3A_100, %dma_start3A] : memref<41600x64xbf16, #tpu.memory_space<vmem_shared>> -> memref<32x64xbf16, #tpu.memory_space<vmem_shared>>
        %dma_start3A_192 = arith.constant 0 : i32
        %dma_start3A_193 = tpu.memref_slice %arg16[%add3A_100, %dma_start3A_192] : memref<41600x64xbf16, #tpu.memory_space<vmem_shared>> -> memref<32x64xbf16, #tpu.memory_space<vmem_shared>>
        tpu.enqueue_dma source(%arg14 : memref<32x64xbf16, #tpu.memory_space<vmem>>) target(%dma_start3A_193 : memref<32x64xbf16, #tpu.memory_space<vmem_shared>>) target_semaphore(%run_scoped3A : memref<!tpu.dma_semaphore, #tpu.memory_space<semaphore_mem>>)
        %dma_wait3A = arith.constant 0 : i32
        %dma_wait3A_194 = tpu.memref_slice %arg16[%add3A_100, %dma_wait3A] : memref<41600x64xbf16, #tpu.memory_space<vmem_shared>> -> memref<32x64xbf16, #tpu.memory_space<vmem_shared>>
        %dma_wait3A_195 = arith.constant 0 : i32
        %dma_wait3A_196 = tpu.memref_slice %arg16[%add3A_100, %dma_wait3A_195] : memref<41600x64xbf16, #tpu.memory_space<vmem_shared>> -> memref<32x64xbf16, #tpu.memory_space<vmem_shared>>
        tpu.wait_dma2 semaphore(%run_scoped3A : memref<!tpu.dma_semaphore, #tpu.memory_space<semaphore_mem>>) src(%arg14 : memref<32x64xbf16, #tpu.memory_space<vmem>>) dst(%dma_wait3A_196 : memref<32x64xbf16, #tpu.memory_space<vmem_shared>>)
        tpu.yield
      }) : () -> ()
      %add3A_101 = arith.constant 1440 : i32
      %add3A_102 = arith.addi %mul3A_11, %add3A_101 : i32
      "tpu.region"() ({
        %run_scoped3A = tpu.sem_alloc : memref<!tpu.dma_semaphore, #tpu.memory_space<semaphore_mem>>
        %dma_start3A = arith.constant 0 : i32
        %dma_start3A_191 = tpu.memref_slice %arg16[%add3A_102, %dma_start3A] : memref<41600x64xbf16, #tpu.memory_space<vmem_shared>> -> memref<32x64xbf16, #tpu.memory_space<vmem_shared>>
        %dma_start3A_192 = arith.constant 0 : i32
        %dma_start3A_193 = tpu.memref_slice %arg16[%add3A_102, %dma_start3A_192] : memref<41600x64xbf16, #tpu.memory_space<vmem_shared>> -> memref<32x64xbf16, #tpu.memory_space<vmem_shared>>
        tpu.enqueue_dma source(%arg14 : memref<32x64xbf16, #tpu.memory_space<vmem>>) target(%dma_start3A_193 : memref<32x64xbf16, #tpu.memory_space<vmem_shared>>) target_semaphore(%run_scoped3A : memref<!tpu.dma_semaphore, #tpu.memory_space<semaphore_mem>>)
        %dma_wait3A = arith.constant 0 : i32
        %dma_wait3A_194 = tpu.memref_slice %arg16[%add3A_102, %dma_wait3A] : memref<41600x64xbf16, #tpu.memory_space<vmem_shared>> -> memref<32x64xbf16, #tpu.memory_space<vmem_shared>>
        %dma_wait3A_195 = arith.constant 0 : i32
        %dma_wait3A_196 = tpu.memref_slice %arg16[%add3A_102, %dma_wait3A_195] : memref<41600x64xbf16, #tpu.memory_space<vmem_shared>> -> memref<32x64xbf16, #tpu.memory_space<vmem_shared>>
        tpu.wait_dma2 semaphore(%run_scoped3A : memref<!tpu.dma_semaphore, #tpu.memory_space<semaphore_mem>>) src(%arg14 : memref<32x64xbf16, #tpu.memory_space<vmem>>) dst(%dma_wait3A_196 : memref<32x64xbf16, #tpu.memory_space<vmem_shared>>)
        tpu.yield
      }) : () -> ()
      %add3A_103 = arith.constant 1472 : i32
      %add3A_104 = arith.addi %mul3A_11, %add3A_103 : i32
      "tpu.region"() ({
        %run_scoped3A = tpu.sem_alloc : memref<!tpu.dma_semaphore, #tpu.memory_space<semaphore_mem>>
        %dma_start3A = arith.constant 0 : i32
        %dma_start3A_191 = tpu.memref_slice %arg16[%add3A_104, %dma_start3A] : memref<41600x64xbf16, #tpu.memory_space<vmem_shared>> -> memref<32x64xbf16, #tpu.memory_space<vmem_shared>>
        %dma_start3A_192 = arith.constant 0 : i32
        %dma_start3A_193 = tpu.memref_slice %arg16[%add3A_104, %dma_start3A_192] : memref<41600x64xbf16, #tpu.memory_space<vmem_shared>> -> memref<32x64xbf16, #tpu.memory_space<vmem_shared>>
        tpu.enqueue_dma source(%arg14 : memref<32x64xbf16, #tpu.memory_space<vmem>>) target(%dma_start3A_193 : memref<32x64xbf16, #tpu.memory_space<vmem_shared>>) target_semaphore(%run_scoped3A : memref<!tpu.dma_semaphore, #tpu.memory_space<semaphore_mem>>)
        %dma_wait3A = arith.constant 0 : i32
        %dma_wait3A_194 = tpu.memref_slice %arg16[%add3A_104, %dma_wait3A] : memref<41600x64xbf16, #tpu.memory_space<vmem_shared>> -> memref<32x64xbf16, #tpu.memory_space<vmem_shared>>
        %dma_wait3A_195 = arith.constant 0 : i32
        %dma_wait3A_196 = tpu.memref_slice %arg16[%add3A_104, %dma_wait3A_195] : memref<41600x64xbf16, #tpu.memory_space<vmem_shared>> -> memref<32x64xbf16, #tpu.memory_space<vmem_shared>>
        tpu.wait_dma2 semaphore(%run_scoped3A : memref<!tpu.dma_semaphore, #tpu.memory_space<semaphore_mem>>) src(%arg14 : memref<32x64xbf16, #tpu.memory_space<vmem>>) dst(%dma_wait3A_196 : memref<32x64xbf16, #tpu.memory_space<vmem_shared>>)
        tpu.yield
      }) : () -> ()
      %add3A_105 = arith.constant 1504 : i32
      %add3A_106 = arith.addi %mul3A_11, %add3A_105 : i32
      "tpu.region"() ({
        %run_scoped3A = tpu.sem_alloc : memref<!tpu.dma_semaphore, #tpu.memory_space<semaphore_mem>>
        %dma_start3A = arith.constant 0 : i32
        %dma_start3A_191 = tpu.memref_slice %arg16[%add3A_106, %dma_start3A] : memref<41600x64xbf16, #tpu.memory_space<vmem_shared>> -> memref<32x64xbf16, #tpu.memory_space<vmem_shared>>
        %dma_start3A_192 = arith.constant 0 : i32
        %dma_start3A_193 = tpu.memref_slice %arg16[%add3A_106, %dma_start3A_192] : memref<41600x64xbf16, #tpu.memory_space<vmem_shared>> -> memref<32x64xbf16, #tpu.memory_space<vmem_shared>>
        tpu.enqueue_dma source(%arg14 : memref<32x64xbf16, #tpu.memory_space<vmem>>) target(%dma_start3A_193 : memref<32x64xbf16, #tpu.memory_space<vmem_shared>>) target_semaphore(%run_scoped3A : memref<!tpu.dma_semaphore, #tpu.memory_space<semaphore_mem>>)
        %dma_wait3A = arith.constant 0 : i32
        %dma_wait3A_194 = tpu.memref_slice %arg16[%add3A_106, %dma_wait3A] : memref<41600x64xbf16, #tpu.memory_space<vmem_shared>> -> memref<32x64xbf16, #tpu.memory_space<vmem_shared>>
        %dma_wait3A_195 = arith.constant 0 : i32
        %dma_wait3A_196 = tpu.memref_slice %arg16[%add3A_106, %dma_wait3A_195] : memref<41600x64xbf16, #tpu.memory_space<vmem_shared>> -> memref<32x64xbf16, #tpu.memory_space<vmem_shared>>
        tpu.wait_dma2 semaphore(%run_scoped3A : memref<!tpu.dma_semaphore, #tpu.memory_space<semaphore_mem>>) src(%arg14 : memref<32x64xbf16, #tpu.memory_space<vmem>>) dst(%dma_wait3A_196 : memref<32x64xbf16, #tpu.memory_space<vmem_shared>>)
        tpu.yield
      }) : () -> ()
      %add3A_107 = arith.constant 1536 : i32
      %add3A_108 = arith.addi %mul3A_11, %add3A_107 : i32
      "tpu.region"() ({
        %run_scoped3A = tpu.sem_alloc : memref<!tpu.dma_semaphore, #tpu.memory_space<semaphore_mem>>
        %dma_start3A = arith.constant 0 : i32
        %dma_start3A_191 = tpu.memref_slice %arg16[%add3A_108, %dma_start3A] : memref<41600x64xbf16, #tpu.memory_space<vmem_shared>> -> memref<32x64xbf16, #tpu.memory_space<vmem_shared>>
        %dma_start3A_192 = arith.constant 0 : i32
        %dma_start3A_193 = tpu.memref_slice %arg16[%add3A_108, %dma_start3A_192] : memref<41600x64xbf16, #tpu.memory_space<vmem_shared>> -> memref<32x64xbf16, #tpu.memory_space<vmem_shared>>
        tpu.enqueue_dma source(%arg14 : memref<32x64xbf16, #tpu.memory_space<vmem>>) target(%dma_start3A_193 : memref<32x64xbf16, #tpu.memory_space<vmem_shared>>) target_semaphore(%run_scoped3A : memref<!tpu.dma_semaphore, #tpu.memory_space<semaphore_mem>>)
        %dma_wait3A = arith.constant 0 : i32
        %dma_wait3A_194 = tpu.memref_slice %arg16[%add3A_108, %dma_wait3A] : memref<41600x64xbf16, #tpu.memory_space<vmem_shared>> -> memref<32x64xbf16, #tpu.memory_space<vmem_shared>>
        %dma_wait3A_195 = arith.constant 0 : i32
        %dma_wait3A_196 = tpu.memref_slice %arg16[%add3A_108, %dma_wait3A_195] : memref<41600x64xbf16, #tpu.memory_space<vmem_shared>> -> memref<32x64xbf16, #tpu.memory_space<vmem_shared>>
        tpu.wait_dma2 semaphore(%run_scoped3A : memref<!tpu.dma_semaphore, #tpu.memory_space<semaphore_mem>>) src(%arg14 : memref<32x64xbf16, #tpu.memory_space<vmem>>) dst(%dma_wait3A_196 : memref<32x64xbf16, #tpu.memory_space<vmem_shared>>)
        tpu.yield
      }) : () -> ()
      %add3A_109 = arith.constant 1568 : i32
      %add3A_110 = arith.addi %mul3A_11, %add3A_109 : i32
      "tpu.region"() ({
        %run_scoped3A = tpu.sem_alloc : memref<!tpu.dma_semaphore, #tpu.memory_space<semaphore_mem>>
        %dma_start3A = arith.constant 0 : i32
        %dma_start3A_191 = tpu.memref_slice %arg16[%add3A_110, %dma_start3A] : memref<41600x64xbf16, #tpu.memory_space<vmem_shared>> -> memref<32x64xbf16, #tpu.memory_space<vmem_shared>>
        %dma_start3A_192 = arith.constant 0 : i32
        %dma_start3A_193 = tpu.memref_slice %arg16[%add3A_110, %dma_start3A_192] : memref<41600x64xbf16, #tpu.memory_space<vmem_shared>> -> memref<32x64xbf16, #tpu.memory_space<vmem_shared>>
        tpu.enqueue_dma source(%arg14 : memref<32x64xbf16, #tpu.memory_space<vmem>>) target(%dma_start3A_193 : memref<32x64xbf16, #tpu.memory_space<vmem_shared>>) target_semaphore(%run_scoped3A : memref<!tpu.dma_semaphore, #tpu.memory_space<semaphore_mem>>)
        %dma_wait3A = arith.constant 0 : i32
        %dma_wait3A_194 = tpu.memref_slice %arg16[%add3A_110, %dma_wait3A] : memref<41600x64xbf16, #tpu.memory_space<vmem_shared>> -> memref<32x64xbf16, #tpu.memory_space<vmem_shared>>
        %dma_wait3A_195 = arith.constant 0 : i32
        %dma_wait3A_196 = tpu.memref_slice %arg16[%add3A_110, %dma_wait3A_195] : memref<41600x64xbf16, #tpu.memory_space<vmem_shared>> -> memref<32x64xbf16, #tpu.memory_space<vmem_shared>>
        tpu.wait_dma2 semaphore(%run_scoped3A : memref<!tpu.dma_semaphore, #tpu.memory_space<semaphore_mem>>) src(%arg14 : memref<32x64xbf16, #tpu.memory_space<vmem>>) dst(%dma_wait3A_196 : memref<32x64xbf16, #tpu.memory_space<vmem_shared>>)
        tpu.yield
      }) : () -> ()
      %add3A_111 = arith.constant 1600 : i32
      %add3A_112 = arith.addi %mul3A_11, %add3A_111 : i32
      "tpu.region"() ({
        %run_scoped3A = tpu.sem_alloc : memref<!tpu.dma_semaphore, #tpu.memory_space<semaphore_mem>>
        %dma_start3A = arith.constant 0 : i32
        %dma_start3A_191 = tpu.memref_slice %arg16[%add3A_112, %dma_start3A] : memref<41600x64xbf16, #tpu.memory_space<vmem_shared>> -> memref<32x64xbf16, #tpu.memory_space<vmem_shared>>
        %dma_start3A_192 = arith.constant 0 : i32
        %dma_start3A_193 = tpu.memref_slice %arg16[%add3A_112, %dma_start3A_192] : memref<41600x64xbf16, #tpu.memory_space<vmem_shared>> -> memref<32x64xbf16, #tpu.memory_space<vmem_shared>>
        tpu.enqueue_dma source(%arg14 : memref<32x64xbf16, #tpu.memory_space<vmem>>) target(%dma_start3A_193 : memref<32x64xbf16, #tpu.memory_space<vmem_shared>>) target_semaphore(%run_scoped3A : memref<!tpu.dma_semaphore, #tpu.memory_space<semaphore_mem>>)
        %dma_wait3A = arith.constant 0 : i32
        %dma_wait3A_194 = tpu.memref_slice %arg16[%add3A_112, %dma_wait3A] : memref<41600x64xbf16, #tpu.memory_space<vmem_shared>> -> memref<32x64xbf16, #tpu.memory_space<vmem_shared>>
        %dma_wait3A_195 = arith.constant 0 : i32
        %dma_wait3A_196 = tpu.memref_slice %arg16[%add3A_112, %dma_wait3A_195] : memref<41600x64xbf16, #tpu.memory_space<vmem_shared>> -> memref<32x64xbf16, #tpu.memory_space<vmem_shared>>
        tpu.wait_dma2 semaphore(%run_scoped3A : memref<!tpu.dma_semaphore, #tpu.memory_space<semaphore_mem>>) src(%arg14 : memref<32x64xbf16, #tpu.memory_space<vmem>>) dst(%dma_wait3A_196 : memref<32x64xbf16, #tpu.memory_space<vmem_shared>>)
        tpu.yield
      }) : () -> ()
      %add3A_113 = arith.constant 1632 : i32
      %add3A_114 = arith.addi %mul3A_11, %add3A_113 : i32
      "tpu.region"() ({
        %run_scoped3A = tpu.sem_alloc : memref<!tpu.dma_semaphore, #tpu.memory_space<semaphore_mem>>
        %dma_start3A = arith.constant 0 : i32
        %dma_start3A_191 = tpu.memref_slice %arg16[%add3A_114, %dma_start3A] : memref<41600x64xbf16, #tpu.memory_space<vmem_shared>> -> memref<32x64xbf16, #tpu.memory_space<vmem_shared>>
        %dma_start3A_192 = arith.constant 0 : i32
        %dma_start3A_193 = tpu.memref_slice %arg16[%add3A_114, %dma_start3A_192] : memref<41600x64xbf16, #tpu.memory_space<vmem_shared>> -> memref<32x64xbf16, #tpu.memory_space<vmem_shared>>
        tpu.enqueue_dma source(%arg14 : memref<32x64xbf16, #tpu.memory_space<vmem>>) target(%dma_start3A_193 : memref<32x64xbf16, #tpu.memory_space<vmem_shared>>) target_semaphore(%run_scoped3A : memref<!tpu.dma_semaphore, #tpu.memory_space<semaphore_mem>>)
        %dma_wait3A = arith.constant 0 : i32
        %dma_wait3A_194 = tpu.memref_slice %arg16[%add3A_114, %dma_wait3A] : memref<41600x64xbf16, #tpu.memory_space<vmem_shared>> -> memref<32x64xbf16, #tpu.memory_space<vmem_shared>>
        %dma_wait3A_195 = arith.constant 0 : i32
        %dma_wait3A_196 = tpu.memref_slice %arg16[%add3A_114, %dma_wait3A_195] : memref<41600x64xbf16, #tpu.memory_space<vmem_shared>> -> memref<32x64xbf16, #tpu.memory_space<vmem_shared>>
        tpu.wait_dma2 semaphore(%run_scoped3A : memref<!tpu.dma_semaphore, #tpu.memory_space<semaphore_mem>>) src(%arg14 : memref<32x64xbf16, #tpu.memory_space<vmem>>) dst(%dma_wait3A_196 : memref<32x64xbf16, #tpu.memory_space<vmem_shared>>)
        tpu.yield
      }) : () -> ()
      %add3A_115 = arith.constant 1664 : i32
      %add3A_116 = arith.addi %mul3A_11, %add3A_115 : i32
      "tpu.region"() ({
        %run_scoped3A = tpu.sem_alloc : memref<!tpu.dma_semaphore, #tpu.memory_space<semaphore_mem>>
        %dma_start3A = arith.constant 0 : i32
        %dma_start3A_191 = tpu.memref_slice %arg16[%add3A_116, %dma_start3A] : memref<41600x64xbf16, #tpu.memory_space<vmem_shared>> -> memref<32x64xbf16, #tpu.memory_space<vmem_shared>>
        %dma_start3A_192 = arith.constant 0 : i32
        %dma_start3A_193 = tpu.memref_slice %arg16[%add3A_116, %dma_start3A_192] : memref<41600x64xbf16, #tpu.memory_space<vmem_shared>> -> memref<32x64xbf16, #tpu.memory_space<vmem_shared>>
        tpu.enqueue_dma source(%arg14 : memref<32x64xbf16, #tpu.memory_space<vmem>>) target(%dma_start3A_193 : memref<32x64xbf16, #tpu.memory_space<vmem_shared>>) target_semaphore(%run_scoped3A : memref<!tpu.dma_semaphore, #tpu.memory_space<semaphore_mem>>)
        %dma_wait3A = arith.constant 0 : i32
        %dma_wait3A_194 = tpu.memref_slice %arg16[%add3A_116, %dma_wait3A] : memref<41600x64xbf16, #tpu.memory_space<vmem_shared>> -> memref<32x64xbf16, #tpu.memory_space<vmem_shared>>
        %dma_wait3A_195 = arith.constant 0 : i32
        %dma_wait3A_196 = tpu.memref_slice %arg16[%add3A_116, %dma_wait3A_195] : memref<41600x64xbf16, #tpu.memory_space<vmem_shared>> -> memref<32x64xbf16, #tpu.memory_space<vmem_shared>>
        tpu.wait_dma2 semaphore(%run_scoped3A : memref<!tpu.dma_semaphore, #tpu.memory_space<semaphore_mem>>) src(%arg14 : memref<32x64xbf16, #tpu.memory_space<vmem>>) dst(%dma_wait3A_196 : memref<32x64xbf16, #tpu.memory_space<vmem_shared>>)
        tpu.yield
      }) : () -> ()
      %add3A_117 = arith.constant 1696 : i32
      %add3A_118 = arith.addi %mul3A_11, %add3A_117 : i32
      "tpu.region"() ({
        %run_scoped3A = tpu.sem_alloc : memref<!tpu.dma_semaphore, #tpu.memory_space<semaphore_mem>>
        %dma_start3A = arith.constant 0 : i32
        %dma_start3A_191 = tpu.memref_slice %arg16[%add3A_118, %dma_start3A] : memref<41600x64xbf16, #tpu.memory_space<vmem_shared>> -> memref<32x64xbf16, #tpu.memory_space<vmem_shared>>
        %dma_start3A_192 = arith.constant 0 : i32
        %dma_start3A_193 = tpu.memref_slice %arg16[%add3A_118, %dma_start3A_192] : memref<41600x64xbf16, #tpu.memory_space<vmem_shared>> -> memref<32x64xbf16, #tpu.memory_space<vmem_shared>>
        tpu.enqueue_dma source(%arg14 : memref<32x64xbf16, #tpu.memory_space<vmem>>) target(%dma_start3A_193 : memref<32x64xbf16, #tpu.memory_space<vmem_shared>>) target_semaphore(%run_scoped3A : memref<!tpu.dma_semaphore, #tpu.memory_space<semaphore_mem>>)
        %dma_wait3A = arith.constant 0 : i32
        %dma_wait3A_194 = tpu.memref_slice %arg16[%add3A_118, %dma_wait3A] : memref<41600x64xbf16, #tpu.memory_space<vmem_shared>> -> memref<32x64xbf16, #tpu.memory_space<vmem_shared>>
        %dma_wait3A_195 = arith.constant 0 : i32
        %dma_wait3A_196 = tpu.memref_slice %arg16[%add3A_118, %dma_wait3A_195] : memref<41600x64xbf16, #tpu.memory_space<vmem_shared>> -> memref<32x64xbf16, #tpu.memory_space<vmem_shared>>
        tpu.wait_dma2 semaphore(%run_scoped3A : memref<!tpu.dma_semaphore, #tpu.memory_space<semaphore_mem>>) src(%arg14 : memref<32x64xbf16, #tpu.memory_space<vmem>>) dst(%dma_wait3A_196 : memref<32x64xbf16, #tpu.memory_space<vmem_shared>>)
        tpu.yield
      }) : () -> ()
      %add3A_119 = arith.constant 1728 : i32
      %add3A_120 = arith.addi %mul3A_11, %add3A_119 : i32
      "tpu.region"() ({
        %run_scoped3A = tpu.sem_alloc : memref<!tpu.dma_semaphore, #tpu.memory_space<semaphore_mem>>
        %dma_start3A = arith.constant 0 : i32
        %dma_start3A_191 = tpu.memref_slice %arg16[%add3A_120, %dma_start3A] : memref<41600x64xbf16, #tpu.memory_space<vmem_shared>> -> memref<32x64xbf16, #tpu.memory_space<vmem_shared>>
        %dma_start3A_192 = arith.constant 0 : i32
        %dma_start3A_193 = tpu.memref_slice %arg16[%add3A_120, %dma_start3A_192] : memref<41600x64xbf16, #tpu.memory_space<vmem_shared>> -> memref<32x64xbf16, #tpu.memory_space<vmem_shared>>
        tpu.enqueue_dma source(%arg14 : memref<32x64xbf16, #tpu.memory_space<vmem>>) target(%dma_start3A_193 : memref<32x64xbf16, #tpu.memory_space<vmem_shared>>) target_semaphore(%run_scoped3A : memref<!tpu.dma_semaphore, #tpu.memory_space<semaphore_mem>>)
        %dma_wait3A = arith.constant 0 : i32
        %dma_wait3A_194 = tpu.memref_slice %arg16[%add3A_120, %dma_wait3A] : memref<41600x64xbf16, #tpu.memory_space<vmem_shared>> -> memref<32x64xbf16, #tpu.memory_space<vmem_shared>>
        %dma_wait3A_195 = arith.constant 0 : i32
        %dma_wait3A_196 = tpu.memref_slice %arg16[%add3A_120, %dma_wait3A_195] : memref<41600x64xbf16, #tpu.memory_space<vmem_shared>> -> memref<32x64xbf16, #tpu.memory_space<vmem_shared>>
        tpu.wait_dma2 semaphore(%run_scoped3A : memref<!tpu.dma_semaphore, #tpu.memory_space<semaphore_mem>>) src(%arg14 : memref<32x64xbf16, #tpu.memory_space<vmem>>) dst(%dma_wait3A_196 : memref<32x64xbf16, #tpu.memory_space<vmem_shared>>)
        tpu.yield
      }) : () -> ()
      %add3A_121 = arith.constant 1760 : i32
      %add3A_122 = arith.addi %mul3A_11, %add3A_121 : i32
      "tpu.region"() ({
        %run_scoped3A = tpu.sem_alloc : memref<!tpu.dma_semaphore, #tpu.memory_space<semaphore_mem>>
        %dma_start3A = arith.constant 0 : i32
        %dma_start3A_191 = tpu.memref_slice %arg16[%add3A_122, %dma_start3A] : memref<41600x64xbf16, #tpu.memory_space<vmem_shared>> -> memref<32x64xbf16, #tpu.memory_space<vmem_shared>>
        %dma_start3A_192 = arith.constant 0 : i32
        %dma_start3A_193 = tpu.memref_slice %arg16[%add3A_122, %dma_start3A_192] : memref<41600x64xbf16, #tpu.memory_space<vmem_shared>> -> memref<32x64xbf16, #tpu.memory_space<vmem_shared>>
        tpu.enqueue_dma source(%arg14 : memref<32x64xbf16, #tpu.memory_space<vmem>>) target(%dma_start3A_193 : memref<32x64xbf16, #tpu.memory_space<vmem_shared>>) target_semaphore(%run_scoped3A : memref<!tpu.dma_semaphore, #tpu.memory_space<semaphore_mem>>)
        %dma_wait3A = arith.constant 0 : i32
        %dma_wait3A_194 = tpu.memref_slice %arg16[%add3A_122, %dma_wait3A] : memref<41600x64xbf16, #tpu.memory_space<vmem_shared>> -> memref<32x64xbf16, #tpu.memory_space<vmem_shared>>
        %dma_wait3A_195 = arith.constant 0 : i32
        %dma_wait3A_196 = tpu.memref_slice %arg16[%add3A_122, %dma_wait3A_195] : memref<41600x64xbf16, #tpu.memory_space<vmem_shared>> -> memref<32x64xbf16, #tpu.memory_space<vmem_shared>>
        tpu.wait_dma2 semaphore(%run_scoped3A : memref<!tpu.dma_semaphore, #tpu.memory_space<semaphore_mem>>) src(%arg14 : memref<32x64xbf16, #tpu.memory_space<vmem>>) dst(%dma_wait3A_196 : memref<32x64xbf16, #tpu.memory_space<vmem_shared>>)
        tpu.yield
      }) : () -> ()
      %add3A_123 = arith.constant 1792 : i32
      %add3A_124 = arith.addi %mul3A_11, %add3A_123 : i32
      "tpu.region"() ({
        %run_scoped3A = tpu.sem_alloc : memref<!tpu.dma_semaphore, #tpu.memory_space<semaphore_mem>>
        %dma_start3A = arith.constant 0 : i32
        %dma_start3A_191 = tpu.memref_slice %arg16[%add3A_124, %dma_start3A] : memref<41600x64xbf16, #tpu.memory_space<vmem_shared>> -> memref<32x64xbf16, #tpu.memory_space<vmem_shared>>
        %dma_start3A_192 = arith.constant 0 : i32
        %dma_start3A_193 = tpu.memref_slice %arg16[%add3A_124, %dma_start3A_192] : memref<41600x64xbf16, #tpu.memory_space<vmem_shared>> -> memref<32x64xbf16, #tpu.memory_space<vmem_shared>>
        tpu.enqueue_dma source(%arg14 : memref<32x64xbf16, #tpu.memory_space<vmem>>) target(%dma_start3A_193 : memref<32x64xbf16, #tpu.memory_space<vmem_shared>>) target_semaphore(%run_scoped3A : memref<!tpu.dma_semaphore, #tpu.memory_space<semaphore_mem>>)
        %dma_wait3A = arith.constant 0 : i32
        %dma_wait3A_194 = tpu.memref_slice %arg16[%add3A_124, %dma_wait3A] : memref<41600x64xbf16, #tpu.memory_space<vmem_shared>> -> memref<32x64xbf16, #tpu.memory_space<vmem_shared>>
        %dma_wait3A_195 = arith.constant 0 : i32
        %dma_wait3A_196 = tpu.memref_slice %arg16[%add3A_124, %dma_wait3A_195] : memref<41600x64xbf16, #tpu.memory_space<vmem_shared>> -> memref<32x64xbf16, #tpu.memory_space<vmem_shared>>
        tpu.wait_dma2 semaphore(%run_scoped3A : memref<!tpu.dma_semaphore, #tpu.memory_space<semaphore_mem>>) src(%arg14 : memref<32x64xbf16, #tpu.memory_space<vmem>>) dst(%dma_wait3A_196 : memref<32x64xbf16, #tpu.memory_space<vmem_shared>>)
        tpu.yield
      }) : () -> ()
      %add3A_125 = arith.constant 1824 : i32
      %add3A_126 = arith.addi %mul3A_11, %add3A_125 : i32
      "tpu.region"() ({
        %run_scoped3A = tpu.sem_alloc : memref<!tpu.dma_semaphore, #tpu.memory_space<semaphore_mem>>
        %dma_start3A = arith.constant 0 : i32
        %dma_start3A_191 = tpu.memref_slice %arg16[%add3A_126, %dma_start3A] : memref<41600x64xbf16, #tpu.memory_space<vmem_shared>> -> memref<32x64xbf16, #tpu.memory_space<vmem_shared>>
        %dma_start3A_192 = arith.constant 0 : i32
        %dma_start3A_193 = tpu.memref_slice %arg16[%add3A_126, %dma_start3A_192] : memref<41600x64xbf16, #tpu.memory_space<vmem_shared>> -> memref<32x64xbf16, #tpu.memory_space<vmem_shared>>
        tpu.enqueue_dma source(%arg14 : memref<32x64xbf16, #tpu.memory_space<vmem>>) target(%dma_start3A_193 : memref<32x64xbf16, #tpu.memory_space<vmem_shared>>) target_semaphore(%run_scoped3A : memref<!tpu.dma_semaphore, #tpu.memory_space<semaphore_mem>>)
        %dma_wait3A = arith.constant 0 : i32
        %dma_wait3A_194 = tpu.memref_slice %arg16[%add3A_126, %dma_wait3A] : memref<41600x64xbf16, #tpu.memory_space<vmem_shared>> -> memref<32x64xbf16, #tpu.memory_space<vmem_shared>>
        %dma_wait3A_195 = arith.constant 0 : i32
        %dma_wait3A_196 = tpu.memref_slice %arg16[%add3A_126, %dma_wait3A_195] : memref<41600x64xbf16, #tpu.memory_space<vmem_shared>> -> memref<32x64xbf16, #tpu.memory_space<vmem_shared>>
        tpu.wait_dma2 semaphore(%run_scoped3A : memref<!tpu.dma_semaphore, #tpu.memory_space<semaphore_mem>>) src(%arg14 : memref<32x64xbf16, #tpu.memory_space<vmem>>) dst(%dma_wait3A_196 : memref<32x64xbf16, #tpu.memory_space<vmem_shared>>)
        tpu.yield
      }) : () -> ()
      %add3A_127 = arith.constant 1856 : i32
      %add3A_128 = arith.addi %mul3A_11, %add3A_127 : i32
      "tpu.region"() ({
        %run_scoped3A = tpu.sem_alloc : memref<!tpu.dma_semaphore, #tpu.memory_space<semaphore_mem>>
        %dma_start3A = arith.constant 0 : i32
        %dma_start3A_191 = tpu.memref_slice %arg16[%add3A_128, %dma_start3A] : memref<41600x64xbf16, #tpu.memory_space<vmem_shared>> -> memref<32x64xbf16, #tpu.memory_space<vmem_shared>>
        %dma_start3A_192 = arith.constant 0 : i32
        %dma_start3A_193 = tpu.memref_slice %arg16[%add3A_128, %dma_start3A_192] : memref<41600x64xbf16, #tpu.memory_space<vmem_shared>> -> memref<32x64xbf16, #tpu.memory_space<vmem_shared>>
        tpu.enqueue_dma source(%arg14 : memref<32x64xbf16, #tpu.memory_space<vmem>>) target(%dma_start3A_193 : memref<32x64xbf16, #tpu.memory_space<vmem_shared>>) target_semaphore(%run_scoped3A : memref<!tpu.dma_semaphore, #tpu.memory_space<semaphore_mem>>)
        %dma_wait3A = arith.constant 0 : i32
        %dma_wait3A_194 = tpu.memref_slice %arg16[%add3A_128, %dma_wait3A] : memref<41600x64xbf16, #tpu.memory_space<vmem_shared>> -> memref<32x64xbf16, #tpu.memory_space<vmem_shared>>
        %dma_wait3A_195 = arith.constant 0 : i32
        %dma_wait3A_196 = tpu.memref_slice %arg16[%add3A_128, %dma_wait3A_195] : memref<41600x64xbf16, #tpu.memory_space<vmem_shared>> -> memref<32x64xbf16, #tpu.memory_space<vmem_shared>>
        tpu.wait_dma2 semaphore(%run_scoped3A : memref<!tpu.dma_semaphore, #tpu.memory_space<semaphore_mem>>) src(%arg14 : memref<32x64xbf16, #tpu.memory_space<vmem>>) dst(%dma_wait3A_196 : memref<32x64xbf16, #tpu.memory_space<vmem_shared>>)
        tpu.yield
      }) : () -> ()
      %add3A_129 = arith.constant 1888 : i32
      %add3A_130 = arith.addi %mul3A_11, %add3A_129 : i32
      "tpu.region"() ({
        %run_scoped3A = tpu.sem_alloc : memref<!tpu.dma_semaphore, #tpu.memory_space<semaphore_mem>>
        %dma_start3A = arith.constant 0 : i32
        %dma_start3A_191 = tpu.memref_slice %arg16[%add3A_130, %dma_start3A] : memref<41600x64xbf16, #tpu.memory_space<vmem_shared>> -> memref<32x64xbf16, #tpu.memory_space<vmem_shared>>
        %dma_start3A_192 = arith.constant 0 : i32
        %dma_start3A_193 = tpu.memref_slice %arg16[%add3A_130, %dma_start3A_192] : memref<41600x64xbf16, #tpu.memory_space<vmem_shared>> -> memref<32x64xbf16, #tpu.memory_space<vmem_shared>>
        tpu.enqueue_dma source(%arg14 : memref<32x64xbf16, #tpu.memory_space<vmem>>) target(%dma_start3A_193 : memref<32x64xbf16, #tpu.memory_space<vmem_shared>>) target_semaphore(%run_scoped3A : memref<!tpu.dma_semaphore, #tpu.memory_space<semaphore_mem>>)
        %dma_wait3A = arith.constant 0 : i32
        %dma_wait3A_194 = tpu.memref_slice %arg16[%add3A_130, %dma_wait3A] : memref<41600x64xbf16, #tpu.memory_space<vmem_shared>> -> memref<32x64xbf16, #tpu.memory_space<vmem_shared>>
        %dma_wait3A_195 = arith.constant 0 : i32
        %dma_wait3A_196 = tpu.memref_slice %arg16[%add3A_130, %dma_wait3A_195] : memref<41600x64xbf16, #tpu.memory_space<vmem_shared>> -> memref<32x64xbf16, #tpu.memory_space<vmem_shared>>
        tpu.wait_dma2 semaphore(%run_scoped3A : memref<!tpu.dma_semaphore, #tpu.memory_space<semaphore_mem>>) src(%arg14 : memref<32x64xbf16, #tpu.memory_space<vmem>>) dst(%dma_wait3A_196 : memref<32x64xbf16, #tpu.memory_space<vmem_shared>>)
        tpu.yield
      }) : () -> ()
      %add3A_131 = arith.constant 1920 : i32
      %add3A_132 = arith.addi %mul3A_11, %add3A_131 : i32
      "tpu.region"() ({
        %run_scoped3A = tpu.sem_alloc : memref<!tpu.dma_semaphore, #tpu.memory_space<semaphore_mem>>
        %dma_start3A = arith.constant 0 : i32
        %dma_start3A_191 = tpu.memref_slice %arg16[%add3A_132, %dma_start3A] : memref<41600x64xbf16, #tpu.memory_space<vmem_shared>> -> memref<32x64xbf16, #tpu.memory_space<vmem_shared>>
        %dma_start3A_192 = arith.constant 0 : i32
        %dma_start3A_193 = tpu.memref_slice %arg16[%add3A_132, %dma_start3A_192] : memref<41600x64xbf16, #tpu.memory_space<vmem_shared>> -> memref<32x64xbf16, #tpu.memory_space<vmem_shared>>
        tpu.enqueue_dma source(%arg14 : memref<32x64xbf16, #tpu.memory_space<vmem>>) target(%dma_start3A_193 : memref<32x64xbf16, #tpu.memory_space<vmem_shared>>) target_semaphore(%run_scoped3A : memref<!tpu.dma_semaphore, #tpu.memory_space<semaphore_mem>>)
        %dma_wait3A = arith.constant 0 : i32
        %dma_wait3A_194 = tpu.memref_slice %arg16[%add3A_132, %dma_wait3A] : memref<41600x64xbf16, #tpu.memory_space<vmem_shared>> -> memref<32x64xbf16, #tpu.memory_space<vmem_shared>>
        %dma_wait3A_195 = arith.constant 0 : i32
        %dma_wait3A_196 = tpu.memref_slice %arg16[%add3A_132, %dma_wait3A_195] : memref<41600x64xbf16, #tpu.memory_space<vmem_shared>> -> memref<32x64xbf16, #tpu.memory_space<vmem_shared>>
        tpu.wait_dma2 semaphore(%run_scoped3A : memref<!tpu.dma_semaphore, #tpu.memory_space<semaphore_mem>>) src(%arg14 : memref<32x64xbf16, #tpu.memory_space<vmem>>) dst(%dma_wait3A_196 : memref<32x64xbf16, #tpu.memory_space<vmem_shared>>)
        tpu.yield
      }) : () -> ()
      %add3A_133 = arith.constant 1952 : i32
      %add3A_134 = arith.addi %mul3A_11, %add3A_133 : i32
      "tpu.region"() ({
        %run_scoped3A = tpu.sem_alloc : memref<!tpu.dma_semaphore, #tpu.memory_space<semaphore_mem>>
        %dma_start3A = arith.constant 0 : i32
        %dma_start3A_191 = tpu.memref_slice %arg16[%add3A_134, %dma_start3A] : memref<41600x64xbf16, #tpu.memory_space<vmem_shared>> -> memref<32x64xbf16, #tpu.memory_space<vmem_shared>>
        %dma_start3A_192 = arith.constant 0 : i32
        %dma_start3A_193 = tpu.memref_slice %arg16[%add3A_134, %dma_start3A_192] : memref<41600x64xbf16, #tpu.memory_space<vmem_shared>> -> memref<32x64xbf16, #tpu.memory_space<vmem_shared>>
        tpu.enqueue_dma source(%arg14 : memref<32x64xbf16, #tpu.memory_space<vmem>>) target(%dma_start3A_193 : memref<32x64xbf16, #tpu.memory_space<vmem_shared>>) target_semaphore(%run_scoped3A : memref<!tpu.dma_semaphore, #tpu.memory_space<semaphore_mem>>)
        %dma_wait3A = arith.constant 0 : i32
        %dma_wait3A_194 = tpu.memref_slice %arg16[%add3A_134, %dma_wait3A] : memref<41600x64xbf16, #tpu.memory_space<vmem_shared>> -> memref<32x64xbf16, #tpu.memory_space<vmem_shared>>
        %dma_wait3A_195 = arith.constant 0 : i32
        %dma_wait3A_196 = tpu.memref_slice %arg16[%add3A_134, %dma_wait3A_195] : memref<41600x64xbf16, #tpu.memory_space<vmem_shared>> -> memref<32x64xbf16, #tpu.memory_space<vmem_shared>>
        tpu.wait_dma2 semaphore(%run_scoped3A : memref<!tpu.dma_semaphore, #tpu.memory_space<semaphore_mem>>) src(%arg14 : memref<32x64xbf16, #tpu.memory_space<vmem>>) dst(%dma_wait3A_196 : memref<32x64xbf16, #tpu.memory_space<vmem_shared>>)
        tpu.yield
      }) : () -> ()
      %add3A_135 = arith.constant 1984 : i32
      %add3A_136 = arith.addi %mul3A_11, %add3A_135 : i32
      "tpu.region"() ({
        %run_scoped3A = tpu.sem_alloc : memref<!tpu.dma_semaphore, #tpu.memory_space<semaphore_mem>>
        %dma_start3A = arith.constant 0 : i32
        %dma_start3A_191 = tpu.memref_slice %arg16[%add3A_136, %dma_start3A] : memref<41600x64xbf16, #tpu.memory_space<vmem_shared>> -> memref<32x64xbf16, #tpu.memory_space<vmem_shared>>
        %dma_start3A_192 = arith.constant 0 : i32
        %dma_start3A_193 = tpu.memref_slice %arg16[%add3A_136, %dma_start3A_192] : memref<41600x64xbf16, #tpu.memory_space<vmem_shared>> -> memref<32x64xbf16, #tpu.memory_space<vmem_shared>>
        tpu.enqueue_dma source(%arg14 : memref<32x64xbf16, #tpu.memory_space<vmem>>) target(%dma_start3A_193 : memref<32x64xbf16, #tpu.memory_space<vmem_shared>>) target_semaphore(%run_scoped3A : memref<!tpu.dma_semaphore, #tpu.memory_space<semaphore_mem>>)
        %dma_wait3A = arith.constant 0 : i32
        %dma_wait3A_194 = tpu.memref_slice %arg16[%add3A_136, %dma_wait3A] : memref<41600x64xbf16, #tpu.memory_space<vmem_shared>> -> memref<32x64xbf16, #tpu.memory_space<vmem_shared>>
        %dma_wait3A_195 = arith.constant 0 : i32
        %dma_wait3A_196 = tpu.memref_slice %arg16[%add3A_136, %dma_wait3A_195] : memref<41600x64xbf16, #tpu.memory_space<vmem_shared>> -> memref<32x64xbf16, #tpu.memory_space<vmem_shared>>
        tpu.wait_dma2 semaphore(%run_scoped3A : memref<!tpu.dma_semaphore, #tpu.memory_space<semaphore_mem>>) src(%arg14 : memref<32x64xbf16, #tpu.memory_space<vmem>>) dst(%dma_wait3A_196 : memref<32x64xbf16, #tpu.memory_space<vmem_shared>>)
        tpu.yield
      }) : () -> ()
      %add3A_137 = arith.constant 2016 : i32
      %add3A_138 = arith.addi %mul3A_11, %add3A_137 : i32
      "tpu.region"() ({
        %run_scoped3A = tpu.sem_alloc : memref<!tpu.dma_semaphore, #tpu.memory_space<semaphore_mem>>
        %dma_start3A = arith.constant 0 : i32
        %dma_start3A_191 = tpu.memref_slice %arg16[%add3A_138, %dma_start3A] : memref<41600x64xbf16, #tpu.memory_space<vmem_shared>> -> memref<32x64xbf16, #tpu.memory_space<vmem_shared>>
        %dma_start3A_192 = arith.constant 0 : i32
        %dma_start3A_193 = tpu.memref_slice %arg16[%add3A_138, %dma_start3A_192] : memref<41600x64xbf16, #tpu.memory_space<vmem_shared>> -> memref<32x64xbf16, #tpu.memory_space<vmem_shared>>
        tpu.enqueue_dma source(%arg14 : memref<32x64xbf16, #tpu.memory_space<vmem>>) target(%dma_start3A_193 : memref<32x64xbf16, #tpu.memory_space<vmem_shared>>) target_semaphore(%run_scoped3A : memref<!tpu.dma_semaphore, #tpu.memory_space<semaphore_mem>>)
        %dma_wait3A = arith.constant 0 : i32
        %dma_wait3A_194 = tpu.memref_slice %arg16[%add3A_138, %dma_wait3A] : memref<41600x64xbf16, #tpu.memory_space<vmem_shared>> -> memref<32x64xbf16, #tpu.memory_space<vmem_shared>>
        %dma_wait3A_195 = arith.constant 0 : i32
        %dma_wait3A_196 = tpu.memref_slice %arg16[%add3A_138, %dma_wait3A_195] : memref<41600x64xbf16, #tpu.memory_space<vmem_shared>> -> memref<32x64xbf16, #tpu.memory_space<vmem_shared>>
        tpu.wait_dma2 semaphore(%run_scoped3A : memref<!tpu.dma_semaphore, #tpu.memory_space<semaphore_mem>>) src(%arg14 : memref<32x64xbf16, #tpu.memory_space<vmem>>) dst(%dma_wait3A_196 : memref<32x64xbf16, #tpu.memory_space<vmem_shared>>)
        tpu.yield
      }) : () -> ()
      %add3A_139 = arith.constant 2048 : i32
      %add3A_140 = arith.addi %mul3A_11, %add3A_139 : i32
      "tpu.region"() ({
        %run_scoped3A = tpu.sem_alloc : memref<!tpu.dma_semaphore, #tpu.memory_space<semaphore_mem>>
        %dma_start3A = arith.constant 0 : i32
        %dma_start3A_191 = tpu.memref_slice %arg16[%add3A_140, %dma_start3A] : memref<41600x64xbf16, #tpu.memory_space<vmem_shared>> -> memref<32x64xbf16, #tpu.memory_space<vmem_shared>>
        %dma_start3A_192 = arith.constant 0 : i32
        %dma_start3A_193 = tpu.memref_slice %arg16[%add3A_140, %dma_start3A_192] : memref<41600x64xbf16, #tpu.memory_space<vmem_shared>> -> memref<32x64xbf16, #tpu.memory_space<vmem_shared>>
        tpu.enqueue_dma source(%arg14 : memref<32x64xbf16, #tpu.memory_space<vmem>>) target(%dma_start3A_193 : memref<32x64xbf16, #tpu.memory_space<vmem_shared>>) target_semaphore(%run_scoped3A : memref<!tpu.dma_semaphore, #tpu.memory_space<semaphore_mem>>)
        %dma_wait3A = arith.constant 0 : i32
        %dma_wait3A_194 = tpu.memref_slice %arg16[%add3A_140, %dma_wait3A] : memref<41600x64xbf16, #tpu.memory_space<vmem_shared>> -> memref<32x64xbf16, #tpu.memory_space<vmem_shared>>
        %dma_wait3A_195 = arith.constant 0 : i32
        %dma_wait3A_196 = tpu.memref_slice %arg16[%add3A_140, %dma_wait3A_195] : memref<41600x64xbf16, #tpu.memory_space<vmem_shared>> -> memref<32x64xbf16, #tpu.memory_space<vmem_shared>>
        tpu.wait_dma2 semaphore(%run_scoped3A : memref<!tpu.dma_semaphore, #tpu.memory_space<semaphore_mem>>) src(%arg14 : memref<32x64xbf16, #tpu.memory_space<vmem>>) dst(%dma_wait3A_196 : memref<32x64xbf16, #tpu.memory_space<vmem_shared>>)
        tpu.yield
      }) : () -> ()
      %add3A_141 = arith.constant 2080 : i32
      %add3A_142 = arith.addi %mul3A_11, %add3A_141 : i32
      "tpu.region"() ({
        %run_scoped3A = tpu.sem_alloc : memref<!tpu.dma_semaphore, #tpu.memory_space<semaphore_mem>>
        %dma_start3A = arith.constant 0 : i32
        %dma_start3A_191 = tpu.memref_slice %arg16[%add3A_142, %dma_start3A] : memref<41600x64xbf16, #tpu.memory_space<vmem_shared>> -> memref<32x64xbf16, #tpu.memory_space<vmem_shared>>
        %dma_start3A_192 = arith.constant 0 : i32
        %dma_start3A_193 = tpu.memref_slice %arg16[%add3A_142, %dma_start3A_192] : memref<41600x64xbf16, #tpu.memory_space<vmem_shared>> -> memref<32x64xbf16, #tpu.memory_space<vmem_shared>>
        tpu.enqueue_dma source(%arg14 : memref<32x64xbf16, #tpu.memory_space<vmem>>) target(%dma_start3A_193 : memref<32x64xbf16, #tpu.memory_space<vmem_shared>>) target_semaphore(%run_scoped3A : memref<!tpu.dma_semaphore, #tpu.memory_space<semaphore_mem>>)
        %dma_wait3A = arith.constant 0 : i32
        %dma_wait3A_194 = tpu.memref_slice %arg16[%add3A_142, %dma_wait3A] : memref<41600x64xbf16, #tpu.memory_space<vmem_shared>> -> memref<32x64xbf16, #tpu.memory_space<vmem_shared>>
        %dma_wait3A_195 = arith.constant 0 : i32
        %dma_wait3A_196 = tpu.memref_slice %arg16[%add3A_142, %dma_wait3A_195] : memref<41600x64xbf16, #tpu.memory_space<vmem_shared>> -> memref<32x64xbf16, #tpu.memory_space<vmem_shared>>
        tpu.wait_dma2 semaphore(%run_scoped3A : memref<!tpu.dma_semaphore, #tpu.memory_space<semaphore_mem>>) src(%arg14 : memref<32x64xbf16, #tpu.memory_space<vmem>>) dst(%dma_wait3A_196 : memref<32x64xbf16, #tpu.memory_space<vmem_shared>>)
        tpu.yield
      }) : () -> ()
      %add3A_143 = arith.constant 2112 : i32
      %add3A_144 = arith.addi %mul3A_11, %add3A_143 : i32
      "tpu.region"() ({
        %run_scoped3A = tpu.sem_alloc : memref<!tpu.dma_semaphore, #tpu.memory_space<semaphore_mem>>
        %dma_start3A = arith.constant 0 : i32
        %dma_start3A_191 = tpu.memref_slice %arg16[%add3A_144, %dma_start3A] : memref<41600x64xbf16, #tpu.memory_space<vmem_shared>> -> memref<32x64xbf16, #tpu.memory_space<vmem_shared>>
        %dma_start3A_192 = arith.constant 0 : i32
        %dma_start3A_193 = tpu.memref_slice %arg16[%add3A_144, %dma_start3A_192] : memref<41600x64xbf16, #tpu.memory_space<vmem_shared>> -> memref<32x64xbf16, #tpu.memory_space<vmem_shared>>
        tpu.enqueue_dma source(%arg14 : memref<32x64xbf16, #tpu.memory_space<vmem>>) target(%dma_start3A_193 : memref<32x64xbf16, #tpu.memory_space<vmem_shared>>) target_semaphore(%run_scoped3A : memref<!tpu.dma_semaphore, #tpu.memory_space<semaphore_mem>>)
        %dma_wait3A = arith.constant 0 : i32
        %dma_wait3A_194 = tpu.memref_slice %arg16[%add3A_144, %dma_wait3A] : memref<41600x64xbf16, #tpu.memory_space<vmem_shared>> -> memref<32x64xbf16, #tpu.memory_space<vmem_shared>>
        %dma_wait3A_195 = arith.constant 0 : i32
        %dma_wait3A_196 = tpu.memref_slice %arg16[%add3A_144, %dma_wait3A_195] : memref<41600x64xbf16, #tpu.memory_space<vmem_shared>> -> memref<32x64xbf16, #tpu.memory_space<vmem_shared>>
        tpu.wait_dma2 semaphore(%run_scoped3A : memref<!tpu.dma_semaphore, #tpu.memory_space<semaphore_mem>>) src(%arg14 : memref<32x64xbf16, #tpu.memory_space<vmem>>) dst(%dma_wait3A_196 : memref<32x64xbf16, #tpu.memory_space<vmem_shared>>)
        tpu.yield
      }) : () -> ()
      %add3A_145 = arith.constant 2144 : i32
      %add3A_146 = arith.addi %mul3A_11, %add3A_145 : i32
      "tpu.region"() ({
        %run_scoped3A = tpu.sem_alloc : memref<!tpu.dma_semaphore, #tpu.memory_space<semaphore_mem>>
        %dma_start3A = arith.constant 0 : i32
        %dma_start3A_191 = tpu.memref_slice %arg16[%add3A_146, %dma_start3A] : memref<41600x64xbf16, #tpu.memory_space<vmem_shared>> -> memref<32x64xbf16, #tpu.memory_space<vmem_shared>>
        %dma_start3A_192 = arith.constant 0 : i32
        %dma_start3A_193 = tpu.memref_slice %arg16[%add3A_146, %dma_start3A_192] : memref<41600x64xbf16, #tpu.memory_space<vmem_shared>> -> memref<32x64xbf16, #tpu.memory_space<vmem_shared>>
        tpu.enqueue_dma source(%arg14 : memref<32x64xbf16, #tpu.memory_space<vmem>>) target(%dma_start3A_193 : memref<32x64xbf16, #tpu.memory_space<vmem_shared>>) target_semaphore(%run_scoped3A : memref<!tpu.dma_semaphore, #tpu.memory_space<semaphore_mem>>)
        %dma_wait3A = arith.constant 0 : i32
        %dma_wait3A_194 = tpu.memref_slice %arg16[%add3A_146, %dma_wait3A] : memref<41600x64xbf16, #tpu.memory_space<vmem_shared>> -> memref<32x64xbf16, #tpu.memory_space<vmem_shared>>
        %dma_wait3A_195 = arith.constant 0 : i32
        %dma_wait3A_196 = tpu.memref_slice %arg16[%add3A_146, %dma_wait3A_195] : memref<41600x64xbf16, #tpu.memory_space<vmem_shared>> -> memref<32x64xbf16, #tpu.memory_space<vmem_shared>>
        tpu.wait_dma2 semaphore(%run_scoped3A : memref<!tpu.dma_semaphore, #tpu.memory_space<semaphore_mem>>) src(%arg14 : memref<32x64xbf16, #tpu.memory_space<vmem>>) dst(%dma_wait3A_196 : memref<32x64xbf16, #tpu.memory_space<vmem_shared>>)
        tpu.yield
      }) : () -> ()
      %add3A_147 = arith.constant 2176 : i32
      %add3A_148 = arith.addi %mul3A_11, %add3A_147 : i32
      "tpu.region"() ({
        %run_scoped3A = tpu.sem_alloc : memref<!tpu.dma_semaphore, #tpu.memory_space<semaphore_mem>>
        %dma_start3A = arith.constant 0 : i32
        %dma_start3A_191 = tpu.memref_slice %arg16[%add3A_148, %dma_start3A] : memref<41600x64xbf16, #tpu.memory_space<vmem_shared>> -> memref<32x64xbf16, #tpu.memory_space<vmem_shared>>
        %dma_start3A_192 = arith.constant 0 : i32
        %dma_start3A_193 = tpu.memref_slice %arg16[%add3A_148, %dma_start3A_192] : memref<41600x64xbf16, #tpu.memory_space<vmem_shared>> -> memref<32x64xbf16, #tpu.memory_space<vmem_shared>>
        tpu.enqueue_dma source(%arg14 : memref<32x64xbf16, #tpu.memory_space<vmem>>) target(%dma_start3A_193 : memref<32x64xbf16, #tpu.memory_space<vmem_shared>>) target_semaphore(%run_scoped3A : memref<!tpu.dma_semaphore, #tpu.memory_space<semaphore_mem>>)
        %dma_wait3A = arith.constant 0 : i32
        %dma_wait3A_194 = tpu.memref_slice %arg16[%add3A_148, %dma_wait3A] : memref<41600x64xbf16, #tpu.memory_space<vmem_shared>> -> memref<32x64xbf16, #tpu.memory_space<vmem_shared>>
        %dma_wait3A_195 = arith.constant 0 : i32
        %dma_wait3A_196 = tpu.memref_slice %arg16[%add3A_148, %dma_wait3A_195] : memref<41600x64xbf16, #tpu.memory_space<vmem_shared>> -> memref<32x64xbf16, #tpu.memory_space<vmem_shared>>
        tpu.wait_dma2 semaphore(%run_scoped3A : memref<!tpu.dma_semaphore, #tpu.memory_space<semaphore_mem>>) src(%arg14 : memref<32x64xbf16, #tpu.memory_space<vmem>>) dst(%dma_wait3A_196 : memref<32x64xbf16, #tpu.memory_space<vmem_shared>>)
        tpu.yield
      }) : () -> ()
      %add3A_149 = arith.constant 2208 : i32
      %add3A_150 = arith.addi %mul3A_11, %add3A_149 : i32
      "tpu.region"() ({
        %run_scoped3A = tpu.sem_alloc : memref<!tpu.dma_semaphore, #tpu.memory_space<semaphore_mem>>
        %dma_start3A = arith.constant 0 : i32
        %dma_start3A_191 = tpu.memref_slice %arg16[%add3A_150, %dma_start3A] : memref<41600x64xbf16, #tpu.memory_space<vmem_shared>> -> memref<32x64xbf16, #tpu.memory_space<vmem_shared>>
        %dma_start3A_192 = arith.constant 0 : i32
        %dma_start3A_193 = tpu.memref_slice %arg16[%add3A_150, %dma_start3A_192] : memref<41600x64xbf16, #tpu.memory_space<vmem_shared>> -> memref<32x64xbf16, #tpu.memory_space<vmem_shared>>
        tpu.enqueue_dma source(%arg14 : memref<32x64xbf16, #tpu.memory_space<vmem>>) target(%dma_start3A_193 : memref<32x64xbf16, #tpu.memory_space<vmem_shared>>) target_semaphore(%run_scoped3A : memref<!tpu.dma_semaphore, #tpu.memory_space<semaphore_mem>>)
        %dma_wait3A = arith.constant 0 : i32
        %dma_wait3A_194 = tpu.memref_slice %arg16[%add3A_150, %dma_wait3A] : memref<41600x64xbf16, #tpu.memory_space<vmem_shared>> -> memref<32x64xbf16, #tpu.memory_space<vmem_shared>>
        %dma_wait3A_195 = arith.constant 0 : i32
        %dma_wait3A_196 = tpu.memref_slice %arg16[%add3A_150, %dma_wait3A_195] : memref<41600x64xbf16, #tpu.memory_space<vmem_shared>> -> memref<32x64xbf16, #tpu.memory_space<vmem_shared>>
        tpu.wait_dma2 semaphore(%run_scoped3A : memref<!tpu.dma_semaphore, #tpu.memory_space<semaphore_mem>>) src(%arg14 : memref<32x64xbf16, #tpu.memory_space<vmem>>) dst(%dma_wait3A_196 : memref<32x64xbf16, #tpu.memory_space<vmem_shared>>)
        tpu.yield
      }) : () -> ()
      %add3A_151 = arith.constant 2240 : i32
      %add3A_152 = arith.addi %mul3A_11, %add3A_151 : i32
      "tpu.region"() ({
        %run_scoped3A = tpu.sem_alloc : memref<!tpu.dma_semaphore, #tpu.memory_space<semaphore_mem>>
        %dma_start3A = arith.constant 0 : i32
        %dma_start3A_191 = tpu.memref_slice %arg16[%add3A_152, %dma_start3A] : memref<41600x64xbf16, #tpu.memory_space<vmem_shared>> -> memref<32x64xbf16, #tpu.memory_space<vmem_shared>>
        %dma_start3A_192 = arith.constant 0 : i32
        %dma_start3A_193 = tpu.memref_slice %arg16[%add3A_152, %dma_start3A_192] : memref<41600x64xbf16, #tpu.memory_space<vmem_shared>> -> memref<32x64xbf16, #tpu.memory_space<vmem_shared>>
        tpu.enqueue_dma source(%arg14 : memref<32x64xbf16, #tpu.memory_space<vmem>>) target(%dma_start3A_193 : memref<32x64xbf16, #tpu.memory_space<vmem_shared>>) target_semaphore(%run_scoped3A : memref<!tpu.dma_semaphore, #tpu.memory_space<semaphore_mem>>)
        %dma_wait3A = arith.constant 0 : i32
        %dma_wait3A_194 = tpu.memref_slice %arg16[%add3A_152, %dma_wait3A] : memref<41600x64xbf16, #tpu.memory_space<vmem_shared>> -> memref<32x64xbf16, #tpu.memory_space<vmem_shared>>
        %dma_wait3A_195 = arith.constant 0 : i32
        %dma_wait3A_196 = tpu.memref_slice %arg16[%add3A_152, %dma_wait3A_195] : memref<41600x64xbf16, #tpu.memory_space<vmem_shared>> -> memref<32x64xbf16, #tpu.memory_space<vmem_shared>>
        tpu.wait_dma2 semaphore(%run_scoped3A : memref<!tpu.dma_semaphore, #tpu.memory_space<semaphore_mem>>) src(%arg14 : memref<32x64xbf16, #tpu.memory_space<vmem>>) dst(%dma_wait3A_196 : memref<32x64xbf16, #tpu.memory_space<vmem_shared>>)
        tpu.yield
      }) : () -> ()
      %add3A_153 = arith.constant 2272 : i32
      %add3A_154 = arith.addi %mul3A_11, %add3A_153 : i32
      "tpu.region"() ({
        %run_scoped3A = tpu.sem_alloc : memref<!tpu.dma_semaphore, #tpu.memory_space<semaphore_mem>>
        %dma_start3A = arith.constant 0 : i32
        %dma_start3A_191 = tpu.memref_slice %arg16[%add3A_154, %dma_start3A] : memref<41600x64xbf16, #tpu.memory_space<vmem_shared>> -> memref<32x64xbf16, #tpu.memory_space<vmem_shared>>
        %dma_start3A_192 = arith.constant 0 : i32
        %dma_start3A_193 = tpu.memref_slice %arg16[%add3A_154, %dma_start3A_192] : memref<41600x64xbf16, #tpu.memory_space<vmem_shared>> -> memref<32x64xbf16, #tpu.memory_space<vmem_shared>>
        tpu.enqueue_dma source(%arg14 : memref<32x64xbf16, #tpu.memory_space<vmem>>) target(%dma_start3A_193 : memref<32x64xbf16, #tpu.memory_space<vmem_shared>>) target_semaphore(%run_scoped3A : memref<!tpu.dma_semaphore, #tpu.memory_space<semaphore_mem>>)
        %dma_wait3A = arith.constant 0 : i32
        %dma_wait3A_194 = tpu.memref_slice %arg16[%add3A_154, %dma_wait3A] : memref<41600x64xbf16, #tpu.memory_space<vmem_shared>> -> memref<32x64xbf16, #tpu.memory_space<vmem_shared>>
        %dma_wait3A_195 = arith.constant 0 : i32
        %dma_wait3A_196 = tpu.memref_slice %arg16[%add3A_154, %dma_wait3A_195] : memref<41600x64xbf16, #tpu.memory_space<vmem_shared>> -> memref<32x64xbf16, #tpu.memory_space<vmem_shared>>
        tpu.wait_dma2 semaphore(%run_scoped3A : memref<!tpu.dma_semaphore, #tpu.memory_space<semaphore_mem>>) src(%arg14 : memref<32x64xbf16, #tpu.memory_space<vmem>>) dst(%dma_wait3A_196 : memref<32x64xbf16, #tpu.memory_space<vmem_shared>>)
        tpu.yield
      }) : () -> ()
      %add3A_155 = arith.constant 2304 : i32
      %add3A_156 = arith.addi %mul3A_11, %add3A_155 : i32
      "tpu.region"() ({
        %run_scoped3A = tpu.sem_alloc : memref<!tpu.dma_semaphore, #tpu.memory_space<semaphore_mem>>
        %dma_start3A = arith.constant 0 : i32
        %dma_start3A_191 = tpu.memref_slice %arg16[%add3A_156, %dma_start3A] : memref<41600x64xbf16, #tpu.memory_space<vmem_shared>> -> memref<32x64xbf16, #tpu.memory_space<vmem_shared>>
        %dma_start3A_192 = arith.constant 0 : i32
        %dma_start3A_193 = tpu.memref_slice %arg16[%add3A_156, %dma_start3A_192] : memref<41600x64xbf16, #tpu.memory_space<vmem_shared>> -> memref<32x64xbf16, #tpu.memory_space<vmem_shared>>
        tpu.enqueue_dma source(%arg14 : memref<32x64xbf16, #tpu.memory_space<vmem>>) target(%dma_start3A_193 : memref<32x64xbf16, #tpu.memory_space<vmem_shared>>) target_semaphore(%run_scoped3A : memref<!tpu.dma_semaphore, #tpu.memory_space<semaphore_mem>>)
        %dma_wait3A = arith.constant 0 : i32
        %dma_wait3A_194 = tpu.memref_slice %arg16[%add3A_156, %dma_wait3A] : memref<41600x64xbf16, #tpu.memory_space<vmem_shared>> -> memref<32x64xbf16, #tpu.memory_space<vmem_shared>>
        %dma_wait3A_195 = arith.constant 0 : i32
        %dma_wait3A_196 = tpu.memref_slice %arg16[%add3A_156, %dma_wait3A_195] : memref<41600x64xbf16, #tpu.memory_space<vmem_shared>> -> memref<32x64xbf16, #tpu.memory_space<vmem_shared>>
        tpu.wait_dma2 semaphore(%run_scoped3A : memref<!tpu.dma_semaphore, #tpu.memory_space<semaphore_mem>>) src(%arg14 : memref<32x64xbf16, #tpu.memory_space<vmem>>) dst(%dma_wait3A_196 : memref<32x64xbf16, #tpu.memory_space<vmem_shared>>)
        tpu.yield
      }) : () -> ()
      %add3A_157 = arith.constant 2336 : i32
      %add3A_158 = arith.addi %mul3A_11, %add3A_157 : i32
      "tpu.region"() ({
        %run_scoped3A = tpu.sem_alloc : memref<!tpu.dma_semaphore, #tpu.memory_space<semaphore_mem>>
        %dma_start3A = arith.constant 0 : i32
        %dma_start3A_191 = tpu.memref_slice %arg16[%add3A_158, %dma_start3A] : memref<41600x64xbf16, #tpu.memory_space<vmem_shared>> -> memref<32x64xbf16, #tpu.memory_space<vmem_shared>>
        %dma_start3A_192 = arith.constant 0 : i32
        %dma_start3A_193 = tpu.memref_slice %arg16[%add3A_158, %dma_start3A_192] : memref<41600x64xbf16, #tpu.memory_space<vmem_shared>> -> memref<32x64xbf16, #tpu.memory_space<vmem_shared>>
        tpu.enqueue_dma source(%arg14 : memref<32x64xbf16, #tpu.memory_space<vmem>>) target(%dma_start3A_193 : memref<32x64xbf16, #tpu.memory_space<vmem_shared>>) target_semaphore(%run_scoped3A : memref<!tpu.dma_semaphore, #tpu.memory_space<semaphore_mem>>)
        %dma_wait3A = arith.constant 0 : i32
        %dma_wait3A_194 = tpu.memref_slice %arg16[%add3A_158, %dma_wait3A] : memref<41600x64xbf16, #tpu.memory_space<vmem_shared>> -> memref<32x64xbf16, #tpu.memory_space<vmem_shared>>
        %dma_wait3A_195 = arith.constant 0 : i32
        %dma_wait3A_196 = tpu.memref_slice %arg16[%add3A_158, %dma_wait3A_195] : memref<41600x64xbf16, #tpu.memory_space<vmem_shared>> -> memref<32x64xbf16, #tpu.memory_space<vmem_shared>>
        tpu.wait_dma2 semaphore(%run_scoped3A : memref<!tpu.dma_semaphore, #tpu.memory_space<semaphore_mem>>) src(%arg14 : memref<32x64xbf16, #tpu.memory_space<vmem>>) dst(%dma_wait3A_196 : memref<32x64xbf16, #tpu.memory_space<vmem_shared>>)
        tpu.yield
      }) : () -> ()
      %add3A_159 = arith.constant 2368 : i32
      %add3A_160 = arith.addi %mul3A_11, %add3A_159 : i32
      "tpu.region"() ({
        %run_scoped3A = tpu.sem_alloc : memref<!tpu.dma_semaphore, #tpu.memory_space<semaphore_mem>>
        %dma_start3A = arith.constant 0 : i32
        %dma_start3A_191 = tpu.memref_slice %arg16[%add3A_160, %dma_start3A] : memref<41600x64xbf16, #tpu.memory_space<vmem_shared>> -> memref<32x64xbf16, #tpu.memory_space<vmem_shared>>
        %dma_start3A_192 = arith.constant 0 : i32
        %dma_start3A_193 = tpu.memref_slice %arg16[%add3A_160, %dma_start3A_192] : memref<41600x64xbf16, #tpu.memory_space<vmem_shared>> -> memref<32x64xbf16, #tpu.memory_space<vmem_shared>>
        tpu.enqueue_dma source(%arg14 : memref<32x64xbf16, #tpu.memory_space<vmem>>) target(%dma_start3A_193 : memref<32x64xbf16, #tpu.memory_space<vmem_shared>>) target_semaphore(%run_scoped3A : memref<!tpu.dma_semaphore, #tpu.memory_space<semaphore_mem>>)
        %dma_wait3A = arith.constant 0 : i32
        %dma_wait3A_194 = tpu.memref_slice %arg16[%add3A_160, %dma_wait3A] : memref<41600x64xbf16, #tpu.memory_space<vmem_shared>> -> memref<32x64xbf16, #tpu.memory_space<vmem_shared>>
        %dma_wait3A_195 = arith.constant 0 : i32
        %dma_wait3A_196 = tpu.memref_slice %arg16[%add3A_160, %dma_wait3A_195] : memref<41600x64xbf16, #tpu.memory_space<vmem_shared>> -> memref<32x64xbf16, #tpu.memory_space<vmem_shared>>
        tpu.wait_dma2 semaphore(%run_scoped3A : memref<!tpu.dma_semaphore, #tpu.memory_space<semaphore_mem>>) src(%arg14 : memref<32x64xbf16, #tpu.memory_space<vmem>>) dst(%dma_wait3A_196 : memref<32x64xbf16, #tpu.memory_space<vmem_shared>>)
        tpu.yield
      }) : () -> ()
      %add3A_161 = arith.constant 2400 : i32
      %add3A_162 = arith.addi %mul3A_11, %add3A_161 : i32
      "tpu.region"() ({
        %run_scoped3A = tpu.sem_alloc : memref<!tpu.dma_semaphore, #tpu.memory_space<semaphore_mem>>
        %dma_start3A = arith.constant 0 : i32
        %dma_start3A_191 = tpu.memref_slice %arg16[%add3A_162, %dma_start3A] : memref<41600x64xbf16, #tpu.memory_space<vmem_shared>> -> memref<32x64xbf16, #tpu.memory_space<vmem_shared>>
        %dma_start3A_192 = arith.constant 0 : i32
        %dma_start3A_193 = tpu.memref_slice %arg16[%add3A_162, %dma_start3A_192] : memref<41600x64xbf16, #tpu.memory_space<vmem_shared>> -> memref<32x64xbf16, #tpu.memory_space<vmem_shared>>
        tpu.enqueue_dma source(%arg14 : memref<32x64xbf16, #tpu.memory_space<vmem>>) target(%dma_start3A_193 : memref<32x64xbf16, #tpu.memory_space<vmem_shared>>) target_semaphore(%run_scoped3A : memref<!tpu.dma_semaphore, #tpu.memory_space<semaphore_mem>>)
        %dma_wait3A = arith.constant 0 : i32
        %dma_wait3A_194 = tpu.memref_slice %arg16[%add3A_162, %dma_wait3A] : memref<41600x64xbf16, #tpu.memory_space<vmem_shared>> -> memref<32x64xbf16, #tpu.memory_space<vmem_shared>>
        %dma_wait3A_195 = arith.constant 0 : i32
        %dma_wait3A_196 = tpu.memref_slice %arg16[%add3A_162, %dma_wait3A_195] : memref<41600x64xbf16, #tpu.memory_space<vmem_shared>> -> memref<32x64xbf16, #tpu.memory_space<vmem_shared>>
        tpu.wait_dma2 semaphore(%run_scoped3A : memref<!tpu.dma_semaphore, #tpu.memory_space<semaphore_mem>>) src(%arg14 : memref<32x64xbf16, #tpu.memory_space<vmem>>) dst(%dma_wait3A_196 : memref<32x64xbf16, #tpu.memory_space<vmem_shared>>)
        tpu.yield
      }) : () -> ()
      %add3A_163 = arith.constant 2432 : i32
      %add3A_164 = arith.addi %mul3A_11, %add3A_163 : i32
      "tpu.region"() ({
        %run_scoped3A = tpu.sem_alloc : memref<!tpu.dma_semaphore, #tpu.memory_space<semaphore_mem>>
        %dma_start3A = arith.constant 0 : i32
        %dma_start3A_191 = tpu.memref_slice %arg16[%add3A_164, %dma_start3A] : memref<41600x64xbf16, #tpu.memory_space<vmem_shared>> -> memref<32x64xbf16, #tpu.memory_space<vmem_shared>>
        %dma_start3A_192 = arith.constant 0 : i32
        %dma_start3A_193 = tpu.memref_slice %arg16[%add3A_164, %dma_start3A_192] : memref<41600x64xbf16, #tpu.memory_space<vmem_shared>> -> memref<32x64xbf16, #tpu.memory_space<vmem_shared>>
        tpu.enqueue_dma source(%arg14 : memref<32x64xbf16, #tpu.memory_space<vmem>>) target(%dma_start3A_193 : memref<32x64xbf16, #tpu.memory_space<vmem_shared>>) target_semaphore(%run_scoped3A : memref<!tpu.dma_semaphore, #tpu.memory_space<semaphore_mem>>)
        %dma_wait3A = arith.constant 0 : i32
        %dma_wait3A_194 = tpu.memref_slice %arg16[%add3A_164, %dma_wait3A] : memref<41600x64xbf16, #tpu.memory_space<vmem_shared>> -> memref<32x64xbf16, #tpu.memory_space<vmem_shared>>
        %dma_wait3A_195 = arith.constant 0 : i32
        %dma_wait3A_196 = tpu.memref_slice %arg16[%add3A_164, %dma_wait3A_195] : memref<41600x64xbf16, #tpu.memory_space<vmem_shared>> -> memref<32x64xbf16, #tpu.memory_space<vmem_shared>>
        tpu.wait_dma2 semaphore(%run_scoped3A : memref<!tpu.dma_semaphore, #tpu.memory_space<semaphore_mem>>) src(%arg14 : memref<32x64xbf16, #tpu.memory_space<vmem>>) dst(%dma_wait3A_196 : memref<32x64xbf16, #tpu.memory_space<vmem_shared>>)
        tpu.yield
      }) : () -> ()
      %add3A_165 = arith.constant 2464 : i32
      %add3A_166 = arith.addi %mul3A_11, %add3A_165 : i32
      "tpu.region"() ({
        %run_scoped3A = tpu.sem_alloc : memref<!tpu.dma_semaphore, #tpu.memory_space<semaphore_mem>>
        %dma_start3A = arith.constant 0 : i32
        %dma_start3A_191 = tpu.memref_slice %arg16[%add3A_166, %dma_start3A] : memref<41600x64xbf16, #tpu.memory_space<vmem_shared>> -> memref<32x64xbf16, #tpu.memory_space<vmem_shared>>
        %dma_start3A_192 = arith.constant 0 : i32
        %dma_start3A_193 = tpu.memref_slice %arg16[%add3A_166, %dma_start3A_192] : memref<41600x64xbf16, #tpu.memory_space<vmem_shared>> -> memref<32x64xbf16, #tpu.memory_space<vmem_shared>>
        tpu.enqueue_dma source(%arg14 : memref<32x64xbf16, #tpu.memory_space<vmem>>) target(%dma_start3A_193 : memref<32x64xbf16, #tpu.memory_space<vmem_shared>>) target_semaphore(%run_scoped3A : memref<!tpu.dma_semaphore, #tpu.memory_space<semaphore_mem>>)
        %dma_wait3A = arith.constant 0 : i32
        %dma_wait3A_194 = tpu.memref_slice %arg16[%add3A_166, %dma_wait3A] : memref<41600x64xbf16, #tpu.memory_space<vmem_shared>> -> memref<32x64xbf16, #tpu.memory_space<vmem_shared>>
        %dma_wait3A_195 = arith.constant 0 : i32
        %dma_wait3A_196 = tpu.memref_slice %arg16[%add3A_166, %dma_wait3A_195] : memref<41600x64xbf16, #tpu.memory_space<vmem_shared>> -> memref<32x64xbf16, #tpu.memory_space<vmem_shared>>
        tpu.wait_dma2 semaphore(%run_scoped3A : memref<!tpu.dma_semaphore, #tpu.memory_space<semaphore_mem>>) src(%arg14 : memref<32x64xbf16, #tpu.memory_space<vmem>>) dst(%dma_wait3A_196 : memref<32x64xbf16, #tpu.memory_space<vmem_shared>>)
        tpu.yield
      }) : () -> ()
      %add3A_167 = arith.constant 2496 : i32
      %add3A_168 = arith.addi %mul3A_11, %add3A_167 : i32
      "tpu.region"() ({
        %run_scoped3A = tpu.sem_alloc : memref<!tpu.dma_semaphore, #tpu.memory_space<semaphore_mem>>
        %dma_start3A = arith.constant 0 : i32
        %dma_start3A_191 = tpu.memref_slice %arg16[%add3A_168, %dma_start3A] : memref<41600x64xbf16, #tpu.memory_space<vmem_shared>> -> memref<32x64xbf16, #tpu.memory_space<vmem_shared>>
        %dma_start3A_192 = arith.constant 0 : i32
        %dma_start3A_193 = tpu.memref_slice %arg16[%add3A_168, %dma_start3A_192] : memref<41600x64xbf16, #tpu.memory_space<vmem_shared>> -> memref<32x64xbf16, #tpu.memory_space<vmem_shared>>
        tpu.enqueue_dma source(%arg14 : memref<32x64xbf16, #tpu.memory_space<vmem>>) target(%dma_start3A_193 : memref<32x64xbf16, #tpu.memory_space<vmem_shared>>) target_semaphore(%run_scoped3A : memref<!tpu.dma_semaphore, #tpu.memory_space<semaphore_mem>>)
        %dma_wait3A = arith.constant 0 : i32
        %dma_wait3A_194 = tpu.memref_slice %arg16[%add3A_168, %dma_wait3A] : memref<41600x64xbf16, #tpu.memory_space<vmem_shared>> -> memref<32x64xbf16, #tpu.memory_space<vmem_shared>>
        %dma_wait3A_195 = arith.constant 0 : i32
        %dma_wait3A_196 = tpu.memref_slice %arg16[%add3A_168, %dma_wait3A_195] : memref<41600x64xbf16, #tpu.memory_space<vmem_shared>> -> memref<32x64xbf16, #tpu.memory_space<vmem_shared>>
        tpu.wait_dma2 semaphore(%run_scoped3A : memref<!tpu.dma_semaphore, #tpu.memory_space<semaphore_mem>>) src(%arg14 : memref<32x64xbf16, #tpu.memory_space<vmem>>) dst(%dma_wait3A_196 : memref<32x64xbf16, #tpu.memory_space<vmem_shared>>)
        tpu.yield
      }) : () -> ()
      %add3A_169 = arith.constant 2528 : i32
      %add3A_170 = arith.addi %mul3A_11, %add3A_169 : i32
      "tpu.region"() ({
        %run_scoped3A = tpu.sem_alloc : memref<!tpu.dma_semaphore, #tpu.memory_space<semaphore_mem>>
        %dma_start3A = arith.constant 0 : i32
        %dma_start3A_191 = tpu.memref_slice %arg16[%add3A_170, %dma_start3A] : memref<41600x64xbf16, #tpu.memory_space<vmem_shared>> -> memref<32x64xbf16, #tpu.memory_space<vmem_shared>>
        %dma_start3A_192 = arith.constant 0 : i32
        %dma_start3A_193 = tpu.memref_slice %arg16[%add3A_170, %dma_start3A_192] : memref<41600x64xbf16, #tpu.memory_space<vmem_shared>> -> memref<32x64xbf16, #tpu.memory_space<vmem_shared>>
        tpu.enqueue_dma source(%arg14 : memref<32x64xbf16, #tpu.memory_space<vmem>>) target(%dma_start3A_193 : memref<32x64xbf16, #tpu.memory_space<vmem_shared>>) target_semaphore(%run_scoped3A : memref<!tpu.dma_semaphore, #tpu.memory_space<semaphore_mem>>)
        %dma_wait3A = arith.constant 0 : i32
        %dma_wait3A_194 = tpu.memref_slice %arg16[%add3A_170, %dma_wait3A] : memref<41600x64xbf16, #tpu.memory_space<vmem_shared>> -> memref<32x64xbf16, #tpu.memory_space<vmem_shared>>
        %dma_wait3A_195 = arith.constant 0 : i32
        %dma_wait3A_196 = tpu.memref_slice %arg16[%add3A_170, %dma_wait3A_195] : memref<41600x64xbf16, #tpu.memory_space<vmem_shared>> -> memref<32x64xbf16, #tpu.memory_space<vmem_shared>>
        tpu.wait_dma2 semaphore(%run_scoped3A : memref<!tpu.dma_semaphore, #tpu.memory_space<semaphore_mem>>) src(%arg14 : memref<32x64xbf16, #tpu.memory_space<vmem>>) dst(%dma_wait3A_196 : memref<32x64xbf16, #tpu.memory_space<vmem_shared>>)
        tpu.yield
      }) : () -> ()
      %add3A_171 = arith.constant 2560 : i32
      %add3A_172 = arith.addi %mul3A_11, %add3A_171 : i32
      "tpu.region"() ({
        %run_scoped3A = tpu.sem_alloc : memref<!tpu.dma_semaphore, #tpu.memory_space<semaphore_mem>>
        %dma_start3A = arith.constant 0 : i32
        %dma_start3A_191 = tpu.memref_slice %arg16[%add3A_172, %dma_start3A] : memref<41600x64xbf16, #tpu.memory_space<vmem_shared>> -> memref<32x64xbf16, #tpu.memory_space<vmem_shared>>
        %dma_start3A_192 = arith.constant 0 : i32
        %dma_start3A_193 = tpu.memref_slice %arg16[%add3A_172, %dma_start3A_192] : memref<41600x64xbf16, #tpu.memory_space<vmem_shared>> -> memref<32x64xbf16, #tpu.memory_space<vmem_shared>>
        tpu.enqueue_dma source(%arg14 : memref<32x64xbf16, #tpu.memory_space<vmem>>) target(%dma_start3A_193 : memref<32x64xbf16, #tpu.memory_space<vmem_shared>>) target_semaphore(%run_scoped3A : memref<!tpu.dma_semaphore, #tpu.memory_space<semaphore_mem>>)
        %dma_wait3A = arith.constant 0 : i32
        %dma_wait3A_194 = tpu.memref_slice %arg16[%add3A_172, %dma_wait3A] : memref<41600x64xbf16, #tpu.memory_space<vmem_shared>> -> memref<32x64xbf16, #tpu.memory_space<vmem_shared>>
        %dma_wait3A_195 = arith.constant 0 : i32
        %dma_wait3A_196 = tpu.memref_slice %arg16[%add3A_172, %dma_wait3A_195] : memref<41600x64xbf16, #tpu.memory_space<vmem_shared>> -> memref<32x64xbf16, #tpu.memory_space<vmem_shared>>
        tpu.wait_dma2 semaphore(%run_scoped3A : memref<!tpu.dma_semaphore, #tpu.memory_space<semaphore_mem>>) src(%arg14 : memref<32x64xbf16, #tpu.memory_space<vmem>>) dst(%dma_wait3A_196 : memref<32x64xbf16, #tpu.memory_space<vmem_shared>>)
        tpu.yield
      }) : () -> ()
      %add3A_173 = arith.constant 2600 : i32
      %add3A_174 = arith.addi %mul3A_11, %add3A_173 : i32
      %sub3A = arith.constant 8 : i32
      %sub3A_175 = arith.subi %add3A_174, %sub3A : i32
      "tpu.region"() ({
        %run_scoped3A = tpu.sem_alloc : memref<!tpu.dma_semaphore, #tpu.memory_space<semaphore_mem>>
        %dma_start3A = arith.constant 0 : i32
        %dma_start3A_191 = arith.constant 0 : i32
        %dma_start3A_192 = tpu.memref_slice %arg14[%dma_start3A, %dma_start3A_191] : memref<32x64xbf16, #tpu.memory_space<vmem>> -> memref<8x64xbf16, #tpu.memory_space<vmem>>
        %dma_start3A_193 = arith.constant 0 : i32
        %dma_start3A_194 = tpu.memref_slice %arg16[%sub3A_175, %dma_start3A_193] : memref<41600x64xbf16, #tpu.memory_space<vmem_shared>> -> memref<8x64xbf16, #tpu.memory_space<vmem_shared>>
        %dma_start3A_195 = arith.constant 0 : i32
        %dma_start3A_196 = tpu.memref_slice %arg16[%sub3A_175, %dma_start3A_195] : memref<41600x64xbf16, #tpu.memory_space<vmem_shared>> -> memref<8x64xbf16, #tpu.memory_space<vmem_shared>>
        %dma_start3A_197 = arith.constant 0 : i32
        %dma_start3A_198 = arith.constant 0 : i32
        %dma_start3A_199 = tpu.memref_slice %arg14[%dma_start3A_197, %dma_start3A_198] : memref<32x64xbf16, #tpu.memory_space<vmem>> -> memref<8x64xbf16, #tpu.memory_space<vmem>>
        tpu.enqueue_dma source(%dma_start3A_199 : memref<8x64xbf16, #tpu.memory_space<vmem>>) target(%dma_start3A_196 : memref<8x64xbf16, #tpu.memory_space<vmem_shared>>) target_semaphore(%run_scoped3A : memref<!tpu.dma_semaphore, #tpu.memory_space<semaphore_mem>>)
        %dma_wait3A = arith.constant 0 : i32
        %dma_wait3A_200 = arith.constant 0 : i32
        %dma_wait3A_201 = tpu.memref_slice %arg14[%dma_wait3A, %dma_wait3A_200] : memref<32x64xbf16, #tpu.memory_space<vmem>> -> memref<8x64xbf16, #tpu.memory_space<vmem>>
        %dma_wait3A_202 = arith.constant 0 : i32
        %dma_wait3A_203 = tpu.memref_slice %arg16[%sub3A_175, %dma_wait3A_202] : memref<41600x64xbf16, #tpu.memory_space<vmem_shared>> -> memref<8x64xbf16, #tpu.memory_space<vmem_shared>>
        %dma_wait3A_204 = arith.constant 0 : i32
        %dma_wait3A_205 = tpu.memref_slice %arg16[%sub3A_175, %dma_wait3A_204] : memref<41600x64xbf16, #tpu.memory_space<vmem_shared>> -> memref<8x64xbf16, #tpu.memory_space<vmem_shared>>
        %dma_wait3A_206 = arith.constant 0 : i32
        %dma_wait3A_207 = arith.constant 0 : i32
        %dma_wait3A_208 = tpu.memref_slice %arg14[%dma_wait3A_206, %dma_wait3A_207] : memref<32x64xbf16, #tpu.memory_space<vmem>> -> memref<8x64xbf16, #tpu.memory_space<vmem>>
        tpu.wait_dma2 semaphore(%run_scoped3A : memref<!tpu.dma_semaphore, #tpu.memory_space<semaphore_mem>>) src(%dma_wait3A_208 : memref<8x64xbf16, #tpu.memory_space<vmem>>) dst(%dma_wait3A_205 : memref<8x64xbf16, #tpu.memory_space<vmem_shared>>)
        tpu.yield
      }) : () -> ()
      %mul3A_176 = arith.constant 640 : i32
      %mul3A_177 = arith.muli %arg1, %mul3A_176 : i32
      %mul3A_178 = arith.constant 640 : i32
      %mul3A_179 = arith.muli %arg1, %mul3A_178 : i32
      "tpu.region"() ({
        %run_scoped3A = tpu.sem_alloc : memref<!tpu.dma_semaphore, #tpu.memory_space<semaphore_mem>>
        %dma_start3A = arith.constant 0 : i32
        %dma_start3A_191 = tpu.memref_slice %arg15[%mul3A_179, %dma_start3A] : memref<10240x64xbf16, #tpu.memory_space<vmem_shared>> -> memref<640x64xbf16, #tpu.memory_space<vmem_shared>>
        %dma_start3A_192 = arith.constant 0 : i32
        %dma_start3A_193 = tpu.memref_slice %arg2[%mul3A_177, %dma_start3A_192] : memref<10240x64xbf16, #tpu.memory_space<hbm>> -> memref<640x64xbf16, #tpu.memory_space<hbm>>
        tpu.enqueue_dma source(%dma_start3A_193 : memref<640x64xbf16, #tpu.memory_space<hbm>>) target(%dma_start3A_191 : memref<640x64xbf16, #tpu.memory_space<vmem_shared>>) target_semaphore(%run_scoped3A : memref<!tpu.dma_semaphore, #tpu.memory_space<semaphore_mem>>)
        %dma_wait3A = arith.constant 0 : i32
        %dma_wait3A_194 = tpu.memref_slice %arg15[%mul3A_179, %dma_wait3A] : memref<10240x64xbf16, #tpu.memory_space<vmem_shared>> -> memref<640x64xbf16, #tpu.memory_space<vmem_shared>>
        %dma_wait3A_195 = arith.constant 0 : i32
        %dma_wait3A_196 = tpu.memref_slice %arg2[%mul3A_177, %dma_wait3A_195] : memref<10240x64xbf16, #tpu.memory_space<hbm>> -> memref<640x64xbf16, #tpu.memory_space<hbm>>
        tpu.wait_dma2 semaphore(%run_scoped3A : memref<!tpu.dma_semaphore, #tpu.memory_space<semaphore_mem>>) src(%dma_wait3A_196 : memref<640x64xbf16, #tpu.memory_space<hbm>>) dst(%dma_wait3A_194 : memref<640x64xbf16, #tpu.memory_space<vmem_shared>>)
        tpu.yield
      }) : () -> ()
      %barrier3A = arith.constant 0 : index
      tpu.barrier barrier_id(%barrier3A)
      %scan3A_180 = arith.constant 0 : i32
      %scan3A_181 = arith.constant 20 : i32
      %scan3A_182 = arith.addi %scan3A_180, %scan3A_181 : i32
      %scan3A_183 = arith.constant 1 : i32
      scf.for %scan3A_191 = %scan3A_180 to %scan3A_182 step %scan3A_183  : i32 {
        %mul3A_192 = arith.constant 1 : i32
        %mul3A_193 = arith.muli %scan3A_191, %mul3A_192 : i32
        %add3A_194 = arith.constant 0 : i32
        %add3A_195 = arith.addi %add3A_194, %mul3A_193 : i32
        "tpu.region"() ({
          %run_scoped3A = tpu.sem_alloc : memref<!tpu.dma_semaphore, #tpu.memory_space<semaphore_mem>>
          %dma_start3A_354 = arith.constant 0 : i32
          %dma_start3A_355 = tpu.memref_slice %arg4[%arg1, %add3A_195, %dma_start3A_354] : memref<16x20x1024xi32, #tpu.memory_space<hbm>> -> memref<1x1x1024xi32, #tpu.memory_space<hbm>>
          %dma_start3A_356 = tpu.memref_squeeze %dma_start3A_355 : memref<1x1x1024xi32, #tpu.memory_space<hbm>> -> memref<1024xi32, #tpu.memory_space<hbm>>
          %dma_start3A_357 = arith.constant 0 : i32
          %dma_start3A_358 = tpu.memref_slice %arg4[%arg1, %add3A_195, %dma_start3A_357] : memref<16x20x1024xi32, #tpu.memory_space<hbm>> -> memref<1x1x1024xi32, #tpu.memory_space<hbm>>
          %dma_start3A_359 = tpu.memref_squeeze %dma_start3A_358 : memref<1x1x1024xi32, #tpu.memory_space<hbm>> -> memref<1024xi32, #tpu.memory_space<hbm>>
          tpu.enqueue_dma source(%dma_start3A_359 : memref<1024xi32, #tpu.memory_space<hbm>>) target(%arg8 : memref<1024xi32, #tpu.memory_space<vmem>>) target_semaphore(%run_scoped3A : memref<!tpu.dma_semaphore, #tpu.memory_space<semaphore_mem>>)
          %dma_wait3A_360 = arith.constant 0 : i32
          %dma_wait3A_361 = tpu.memref_slice %arg4[%arg1, %add3A_195, %dma_wait3A_360] : memref<16x20x1024xi32, #tpu.memory_space<hbm>> -> memref<1x1x1024xi32, #tpu.memory_space<hbm>>
          %dma_wait3A_362 = tpu.memref_squeeze %dma_wait3A_361 : memref<1x1x1024xi32, #tpu.memory_space<hbm>> -> memref<1024xi32, #tpu.memory_space<hbm>>
          %dma_wait3A_363 = arith.constant 0 : i32
          %dma_wait3A_364 = tpu.memref_slice %arg4[%arg1, %add3A_195, %dma_wait3A_363] : memref<16x20x1024xi32, #tpu.memory_space<hbm>> -> memref<1x1x1024xi32, #tpu.memory_space<hbm>>
          %dma_wait3A_365 = tpu.memref_squeeze %dma_wait3A_364 : memref<1x1x1024xi32, #tpu.memory_space<hbm>> -> memref<1024xi32, #tpu.memory_space<hbm>>
          tpu.wait_dma2 semaphore(%run_scoped3A : memref<!tpu.dma_semaphore, #tpu.memory_space<semaphore_mem>>) src(%dma_wait3A_365 : memref<1024xi32, #tpu.memory_space<hbm>>) dst(%arg8 : memref<1024xi32, #tpu.memory_space<vmem>>)
          tpu.yield
        }) : () -> ()
        "tpu.region"() ({
          %run_scoped3A = tpu.sem_alloc : memref<!tpu.dma_semaphore, #tpu.memory_space<semaphore_mem>>
          %dma_start3A_354 = arith.constant 0 : i32
          %dma_start3A_355 = tpu.memref_slice %arg5[%arg1, %add3A_195, %dma_start3A_354] : memref<16x20x1024xi32, #tpu.memory_space<hbm>> -> memref<1x1x1024xi32, #tpu.memory_space<hbm>>
          %dma_start3A_356 = tpu.memref_squeeze %dma_start3A_355 : memref<1x1x1024xi32, #tpu.memory_space<hbm>> -> memref<1024xi32, #tpu.memory_space<hbm>>
          %dma_start3A_357 = arith.constant 0 : i32
          %dma_start3A_358 = tpu.memref_slice %arg5[%arg1, %add3A_195, %dma_start3A_357] : memref<16x20x1024xi32, #tpu.memory_space<hbm>> -> memref<1x1x1024xi32, #tpu.memory_space<hbm>>
          %dma_start3A_359 = tpu.memref_squeeze %dma_start3A_358 : memref<1x1x1024xi32, #tpu.memory_space<hbm>> -> memref<1024xi32, #tpu.memory_space<hbm>>
          tpu.enqueue_dma source(%dma_start3A_359 : memref<1024xi32, #tpu.memory_space<hbm>>) target(%arg9 : memref<1024xi32, #tpu.memory_space<vmem>>) target_semaphore(%run_scoped3A : memref<!tpu.dma_semaphore, #tpu.memory_space<semaphore_mem>>)
          %dma_wait3A_360 = arith.constant 0 : i32
          %dma_wait3A_361 = tpu.memref_slice %arg5[%arg1, %add3A_195, %dma_wait3A_360] : memref<16x20x1024xi32, #tpu.memory_space<hbm>> -> memref<1x1x1024xi32, #tpu.memory_space<hbm>>
          %dma_wait3A_362 = tpu.memref_squeeze %dma_wait3A_361 : memref<1x1x1024xi32, #tpu.memory_space<hbm>> -> memref<1024xi32, #tpu.memory_space<hbm>>
          %dma_wait3A_363 = arith.constant 0 : i32
          %dma_wait3A_364 = tpu.memref_slice %arg5[%arg1, %add3A_195, %dma_wait3A_363] : memref<16x20x1024xi32, #tpu.memory_space<hbm>> -> memref<1x1x1024xi32, #tpu.memory_space<hbm>>
          %dma_wait3A_365 = tpu.memref_squeeze %dma_wait3A_364 : memref<1x1x1024xi32, #tpu.memory_space<hbm>> -> memref<1024xi32, #tpu.memory_space<hbm>>
          tpu.wait_dma2 semaphore(%run_scoped3A : memref<!tpu.dma_semaphore, #tpu.memory_space<semaphore_mem>>) src(%dma_wait3A_365 : memref<1024xi32, #tpu.memory_space<hbm>>) dst(%arg9 : memref<1024xi32, #tpu.memory_space<vmem>>)
          tpu.yield
        }) : () -> ()
        %dma_start3A = arith.constant 0 : i32
        %dma_start3A_196 = tpu.memref_slice %arg8[%dma_start3A] : memref<1024xi32, #tpu.memory_space<vmem>> -> memref<128xi32, #tpu.memory_space<vmem>>
        %dma_start3A_197 = arith.constant 0 : i32
        %dma_start3A_198 = arith.constant 0 : i32
        %dma_start3A_199 = tpu.memref_slice %arg15[%dma_start3A_197, %dma_start3A_198] : memref<10240x64xbf16, #tpu.memory_space<vmem_shared>> -> memref<10240x64xbf16, #tpu.memory_space<vmem_shared>>
        tpu.enqueue_indirect_dma source(%dma_start3A_199 : memref<10240x64xbf16, #tpu.memory_space<vmem_shared>>) target(%arg10 : memref<128x64xbf16, #tpu.memory_space<vmem>>) offsets(%dma_start3A_196 : memref<128xi32, #tpu.memory_space<vmem>>) semaphore(%arg17 : memref<!tpu.dma_semaphore, #tpu.memory_space<semaphore_mem>>)
        %dma_start3A_200 = arith.constant 128 : i32
        %dma_start3A_201 = tpu.memref_slice %arg8[%dma_start3A_200] : memref<1024xi32, #tpu.memory_space<vmem>> -> memref<128xi32, #tpu.memory_space<vmem>>
        %dma_start3A_202 = arith.constant 0 : i32
        %dma_start3A_203 = arith.constant 0 : i32
        %dma_start3A_204 = tpu.memref_slice %arg15[%dma_start3A_202, %dma_start3A_203] : memref<10240x64xbf16, #tpu.memory_space<vmem_shared>> -> memref<10240x64xbf16, #tpu.memory_space<vmem_shared>>
        tpu.enqueue_indirect_dma source(%dma_start3A_204 : memref<10240x64xbf16, #tpu.memory_space<vmem_shared>>) target(%arg11 : memref<128x64xbf16, #tpu.memory_space<vmem>>) offsets(%dma_start3A_201 : memref<128xi32, #tpu.memory_space<vmem>>) semaphore(%arg18 : memref<!tpu.dma_semaphore, #tpu.memory_space<semaphore_mem>>)
        %dma_start3A_205 = arith.constant 256 : i32
        %dma_start3A_206 = tpu.memref_slice %arg8[%dma_start3A_205] : memref<1024xi32, #tpu.memory_space<vmem>> -> memref<128xi32, #tpu.memory_space<vmem>>
        %dma_start3A_207 = arith.constant 0 : i32
        %dma_start3A_208 = arith.constant 0 : i32
        %dma_start3A_209 = tpu.memref_slice %arg15[%dma_start3A_207, %dma_start3A_208] : memref<10240x64xbf16, #tpu.memory_space<vmem_shared>> -> memref<10240x64xbf16, #tpu.memory_space<vmem_shared>>
        tpu.enqueue_indirect_dma source(%dma_start3A_209 : memref<10240x64xbf16, #tpu.memory_space<vmem_shared>>) target(%arg12 : memref<128x64xbf16, #tpu.memory_space<vmem>>) offsets(%dma_start3A_206 : memref<128xi32, #tpu.memory_space<vmem>>) semaphore(%arg19 : memref<!tpu.dma_semaphore, #tpu.memory_space<semaphore_mem>>)
        %dma_start3A_210 = arith.constant 384 : i32
        %dma_start3A_211 = tpu.memref_slice %arg8[%dma_start3A_210] : memref<1024xi32, #tpu.memory_space<vmem>> -> memref<128xi32, #tpu.memory_space<vmem>>
        %dma_start3A_212 = arith.constant 0 : i32
        %dma_start3A_213 = arith.constant 0 : i32
        %dma_start3A_214 = tpu.memref_slice %arg15[%dma_start3A_212, %dma_start3A_213] : memref<10240x64xbf16, #tpu.memory_space<vmem_shared>> -> memref<10240x64xbf16, #tpu.memory_space<vmem_shared>>
        tpu.enqueue_indirect_dma source(%dma_start3A_214 : memref<10240x64xbf16, #tpu.memory_space<vmem_shared>>) target(%arg13 : memref<128x64xbf16, #tpu.memory_space<vmem>>) offsets(%dma_start3A_211 : memref<128xi32, #tpu.memory_space<vmem>>) semaphore(%arg20 : memref<!tpu.dma_semaphore, #tpu.memory_space<semaphore_mem>>)
        %dma_wait3A = arith.constant 0 : i32
        %dma_wait3A_215 = tpu.memref_slice %arg8[%dma_wait3A] : memref<1024xi32, #tpu.memory_space<vmem>> -> memref<128xi32, #tpu.memory_space<vmem>>
        %dma_wait3A_216 = arith.constant 0 : i32
        %dma_wait3A_217 = arith.constant 0 : i32
        %dma_wait3A_218 = tpu.memref_slice %arg15[%dma_wait3A_216, %dma_wait3A_217] : memref<10240x64xbf16, #tpu.memory_space<vmem_shared>> -> memref<10240x64xbf16, #tpu.memory_space<vmem_shared>>
        tpu.wait_indirect_dma semaphore(%arg17 : memref<!tpu.dma_semaphore, #tpu.memory_space<semaphore_mem>>) src(%dma_wait3A_218 : memref<10240x64xbf16, #tpu.memory_space<vmem_shared>>) dst(%arg10 : memref<128x64xbf16, #tpu.memory_space<vmem>>)
        %dma_start3A_219 = arith.constant 0 : i32
        %dma_start3A_220 = tpu.memref_slice %arg9[%dma_start3A_219] : memref<1024xi32, #tpu.memory_space<vmem>> -> memref<128xi32, #tpu.memory_space<vmem>>
        %dma_start3A_221 = arith.constant 0 : i32
        %dma_start3A_222 = arith.constant 0 : i32
        %dma_start3A_223 = tpu.memref_slice %arg16[%dma_start3A_221, %dma_start3A_222] : memref<41600x64xbf16, #tpu.memory_space<vmem_shared>> -> memref<41600x64xbf16, #tpu.memory_space<vmem_shared>>
        tpu.enqueue_indirect_dma source(%arg10 : memref<128x64xbf16, #tpu.memory_space<vmem>>) target(%dma_start3A_223 : memref<41600x64xbf16, #tpu.memory_space<vmem_shared>>) offsets(%dma_start3A_220 : memref<128xi32, #tpu.memory_space<vmem>>) semaphore(%arg21 : memref<!tpu.dma_semaphore, #tpu.memory_space<semaphore_mem>>) {add = true}
        %dma_wait3A_224 = arith.constant 128 : i32
        %dma_wait3A_225 = tpu.memref_slice %arg8[%dma_wait3A_224] : memref<1024xi32, #tpu.memory_space<vmem>> -> memref<128xi32, #tpu.memory_space<vmem>>
        %dma_wait3A_226 = arith.constant 0 : i32
        %dma_wait3A_227 = arith.constant 0 : i32
        %dma_wait3A_228 = tpu.memref_slice %arg15[%dma_wait3A_226, %dma_wait3A_227] : memref<10240x64xbf16, #tpu.memory_space<vmem_shared>> -> memref<10240x64xbf16, #tpu.memory_space<vmem_shared>>
        tpu.wait_indirect_dma semaphore(%arg18 : memref<!tpu.dma_semaphore, #tpu.memory_space<semaphore_mem>>) src(%dma_wait3A_228 : memref<10240x64xbf16, #tpu.memory_space<vmem_shared>>) dst(%arg11 : memref<128x64xbf16, #tpu.memory_space<vmem>>)
        %dma_start3A_229 = arith.constant 128 : i32
        %dma_start3A_230 = tpu.memref_slice %arg9[%dma_start3A_229] : memref<1024xi32, #tpu.memory_space<vmem>> -> memref<128xi32, #tpu.memory_space<vmem>>
        %dma_start3A_231 = arith.constant 0 : i32
        %dma_start3A_232 = arith.constant 0 : i32
        %dma_start3A_233 = tpu.memref_slice %arg16[%dma_start3A_231, %dma_start3A_232] : memref<41600x64xbf16, #tpu.memory_space<vmem_shared>> -> memref<41600x64xbf16, #tpu.memory_space<vmem_shared>>
        tpu.enqueue_indirect_dma source(%arg11 : memref<128x64xbf16, #tpu.memory_space<vmem>>) target(%dma_start3A_233 : memref<41600x64xbf16, #tpu.memory_space<vmem_shared>>) offsets(%dma_start3A_230 : memref<128xi32, #tpu.memory_space<vmem>>) semaphore(%arg22 : memref<!tpu.dma_semaphore, #tpu.memory_space<semaphore_mem>>) {add = true}
        %dma_wait3A_234 = arith.constant 256 : i32
        %dma_wait3A_235 = tpu.memref_slice %arg8[%dma_wait3A_234] : memref<1024xi32, #tpu.memory_space<vmem>> -> memref<128xi32, #tpu.memory_space<vmem>>
        %dma_wait3A_236 = arith.constant 0 : i32
        %dma_wait3A_237 = arith.constant 0 : i32
        %dma_wait3A_238 = tpu.memref_slice %arg15[%dma_wait3A_236, %dma_wait3A_237] : memref<10240x64xbf16, #tpu.memory_space<vmem_shared>> -> memref<10240x64xbf16, #tpu.memory_space<vmem_shared>>
        tpu.wait_indirect_dma semaphore(%arg19 : memref<!tpu.dma_semaphore, #tpu.memory_space<semaphore_mem>>) src(%dma_wait3A_238 : memref<10240x64xbf16, #tpu.memory_space<vmem_shared>>) dst(%arg12 : memref<128x64xbf16, #tpu.memory_space<vmem>>)
        %dma_start3A_239 = arith.constant 256 : i32
        %dma_start3A_240 = tpu.memref_slice %arg9[%dma_start3A_239] : memref<1024xi32, #tpu.memory_space<vmem>> -> memref<128xi32, #tpu.memory_space<vmem>>
        %dma_start3A_241 = arith.constant 0 : i32
        %dma_start3A_242 = arith.constant 0 : i32
        %dma_start3A_243 = tpu.memref_slice %arg16[%dma_start3A_241, %dma_start3A_242] : memref<41600x64xbf16, #tpu.memory_space<vmem_shared>> -> memref<41600x64xbf16, #tpu.memory_space<vmem_shared>>
        tpu.enqueue_indirect_dma source(%arg12 : memref<128x64xbf16, #tpu.memory_space<vmem>>) target(%dma_start3A_243 : memref<41600x64xbf16, #tpu.memory_space<vmem_shared>>) offsets(%dma_start3A_240 : memref<128xi32, #tpu.memory_space<vmem>>) semaphore(%arg23 : memref<!tpu.dma_semaphore, #tpu.memory_space<semaphore_mem>>) {add = true}
        %dma_wait3A_244 = arith.constant 384 : i32
        %dma_wait3A_245 = tpu.memref_slice %arg8[%dma_wait3A_244] : memref<1024xi32, #tpu.memory_space<vmem>> -> memref<128xi32, #tpu.memory_space<vmem>>
        %dma_wait3A_246 = arith.constant 0 : i32
        %dma_wait3A_247 = arith.constant 0 : i32
        %dma_wait3A_248 = tpu.memref_slice %arg15[%dma_wait3A_246, %dma_wait3A_247] : memref<10240x64xbf16, #tpu.memory_space<vmem_shared>> -> memref<10240x64xbf16, #tpu.memory_space<vmem_shared>>
        tpu.wait_indirect_dma semaphore(%arg20 : memref<!tpu.dma_semaphore, #tpu.memory_space<semaphore_mem>>) src(%dma_wait3A_248 : memref<10240x64xbf16, #tpu.memory_space<vmem_shared>>) dst(%arg13 : memref<128x64xbf16, #tpu.memory_space<vmem>>)
        %dma_start3A_249 = arith.constant 384 : i32
        %dma_start3A_250 = tpu.memref_slice %arg9[%dma_start3A_249] : memref<1024xi32, #tpu.memory_space<vmem>> -> memref<128xi32, #tpu.memory_space<vmem>>
        %dma_start3A_251 = arith.constant 0 : i32
        %dma_start3A_252 = arith.constant 0 : i32
        %dma_start3A_253 = tpu.memref_slice %arg16[%dma_start3A_251, %dma_start3A_252] : memref<41600x64xbf16, #tpu.memory_space<vmem_shared>> -> memref<41600x64xbf16, #tpu.memory_space<vmem_shared>>
        tpu.enqueue_indirect_dma source(%arg13 : memref<128x64xbf16, #tpu.memory_space<vmem>>) target(%dma_start3A_253 : memref<41600x64xbf16, #tpu.memory_space<vmem_shared>>) offsets(%dma_start3A_250 : memref<128xi32, #tpu.memory_space<vmem>>) semaphore(%arg24 : memref<!tpu.dma_semaphore, #tpu.memory_space<semaphore_mem>>) {add = true}
        %dma_wait3A_254 = arith.constant 0 : i32
        %dma_wait3A_255 = tpu.memref_slice %arg9[%dma_wait3A_254] : memref<1024xi32, #tpu.memory_space<vmem>> -> memref<128xi32, #tpu.memory_space<vmem>>
        %dma_wait3A_256 = arith.constant 0 : i32
        %dma_wait3A_257 = arith.constant 0 : i32
        %dma_wait3A_258 = tpu.memref_slice %arg16[%dma_wait3A_256, %dma_wait3A_257] : memref<41600x64xbf16, #tpu.memory_space<vmem_shared>> -> memref<41600x64xbf16, #tpu.memory_space<vmem_shared>>
        tpu.wait_indirect_dma semaphore(%arg21 : memref<!tpu.dma_semaphore, #tpu.memory_space<semaphore_mem>>) src(%arg10 : memref<128x64xbf16, #tpu.memory_space<vmem>>) dst(%dma_wait3A_258 : memref<41600x64xbf16, #tpu.memory_space<vmem_shared>>)
        %dma_start3A_259 = arith.constant 512 : i32
        %dma_start3A_260 = tpu.memref_slice %arg8[%dma_start3A_259] : memref<1024xi32, #tpu.memory_space<vmem>> -> memref<128xi32, #tpu.memory_space<vmem>>
        %dma_start3A_261 = arith.constant 0 : i32
        %dma_start3A_262 = arith.constant 0 : i32
        %dma_start3A_263 = tpu.memref_slice %arg15[%dma_start3A_261, %dma_start3A_262] : memref<10240x64xbf16, #tpu.memory_space<vmem_shared>> -> memref<10240x64xbf16, #tpu.memory_space<vmem_shared>>
        tpu.enqueue_indirect_dma source(%dma_start3A_263 : memref<10240x64xbf16, #tpu.memory_space<vmem_shared>>) target(%arg10 : memref<128x64xbf16, #tpu.memory_space<vmem>>) offsets(%dma_start3A_260 : memref<128xi32, #tpu.memory_space<vmem>>) semaphore(%arg17 : memref<!tpu.dma_semaphore, #tpu.memory_space<semaphore_mem>>)
        %dma_wait3A_264 = arith.constant 128 : i32
        %dma_wait3A_265 = tpu.memref_slice %arg9[%dma_wait3A_264] : memref<1024xi32, #tpu.memory_space<vmem>> -> memref<128xi32, #tpu.memory_space<vmem>>
        %dma_wait3A_266 = arith.constant 0 : i32
        %dma_wait3A_267 = arith.constant 0 : i32
        %dma_wait3A_268 = tpu.memref_slice %arg16[%dma_wait3A_266, %dma_wait3A_267] : memref<41600x64xbf16, #tpu.memory_space<vmem_shared>> -> memref<41600x64xbf16, #tpu.memory_space<vmem_shared>>
        tpu.wait_indirect_dma semaphore(%arg22 : memref<!tpu.dma_semaphore, #tpu.memory_space<semaphore_mem>>) src(%arg11 : memref<128x64xbf16, #tpu.memory_space<vmem>>) dst(%dma_wait3A_268 : memref<41600x64xbf16, #tpu.memory_space<vmem_shared>>)
        %dma_start3A_269 = arith.constant 640 : i32
        %dma_start3A_270 = tpu.memref_slice %arg8[%dma_start3A_269] : memref<1024xi32, #tpu.memory_space<vmem>> -> memref<128xi32, #tpu.memory_space<vmem>>
        %dma_start3A_271 = arith.constant 0 : i32
        %dma_start3A_272 = arith.constant 0 : i32
        %dma_start3A_273 = tpu.memref_slice %arg15[%dma_start3A_271, %dma_start3A_272] : memref<10240x64xbf16, #tpu.memory_space<vmem_shared>> -> memref<10240x64xbf16, #tpu.memory_space<vmem_shared>>
        tpu.enqueue_indirect_dma source(%dma_start3A_273 : memref<10240x64xbf16, #tpu.memory_space<vmem_shared>>) target(%arg11 : memref<128x64xbf16, #tpu.memory_space<vmem>>) offsets(%dma_start3A_270 : memref<128xi32, #tpu.memory_space<vmem>>) semaphore(%arg18 : memref<!tpu.dma_semaphore, #tpu.memory_space<semaphore_mem>>)
        %dma_wait3A_274 = arith.constant 256 : i32
        %dma_wait3A_275 = tpu.memref_slice %arg9[%dma_wait3A_274] : memref<1024xi32, #tpu.memory_space<vmem>> -> memref<128xi32, #tpu.memory_space<vmem>>
        %dma_wait3A_276 = arith.constant 0 : i32
        %dma_wait3A_277 = arith.constant 0 : i32
        %dma_wait3A_278 = tpu.memref_slice %arg16[%dma_wait3A_276, %dma_wait3A_277] : memref<41600x64xbf16, #tpu.memory_space<vmem_shared>> -> memref<41600x64xbf16, #tpu.memory_space<vmem_shared>>
        tpu.wait_indirect_dma semaphore(%arg23 : memref<!tpu.dma_semaphore, #tpu.memory_space<semaphore_mem>>) src(%arg12 : memref<128x64xbf16, #tpu.memory_space<vmem>>) dst(%dma_wait3A_278 : memref<41600x64xbf16, #tpu.memory_space<vmem_shared>>)
        %dma_start3A_279 = arith.constant 768 : i32
        %dma_start3A_280 = tpu.memref_slice %arg8[%dma_start3A_279] : memref<1024xi32, #tpu.memory_space<vmem>> -> memref<128xi32, #tpu.memory_space<vmem>>
        %dma_start3A_281 = arith.constant 0 : i32
        %dma_start3A_282 = arith.constant 0 : i32
        %dma_start3A_283 = tpu.memref_slice %arg15[%dma_start3A_281, %dma_start3A_282] : memref<10240x64xbf16, #tpu.memory_space<vmem_shared>> -> memref<10240x64xbf16, #tpu.memory_space<vmem_shared>>
        tpu.enqueue_indirect_dma source(%dma_start3A_283 : memref<10240x64xbf16, #tpu.memory_space<vmem_shared>>) target(%arg12 : memref<128x64xbf16, #tpu.memory_space<vmem>>) offsets(%dma_start3A_280 : memref<128xi32, #tpu.memory_space<vmem>>) semaphore(%arg19 : memref<!tpu.dma_semaphore, #tpu.memory_space<semaphore_mem>>)
        %dma_wait3A_284 = arith.constant 384 : i32
        %dma_wait3A_285 = tpu.memref_slice %arg9[%dma_wait3A_284] : memref<1024xi32, #tpu.memory_space<vmem>> -> memref<128xi32, #tpu.memory_space<vmem>>
        %dma_wait3A_286 = arith.constant 0 : i32
        %dma_wait3A_287 = arith.constant 0 : i32
        %dma_wait3A_288 = tpu.memref_slice %arg16[%dma_wait3A_286, %dma_wait3A_287] : memref<41600x64xbf16, #tpu.memory_space<vmem_shared>> -> memref<41600x64xbf16, #tpu.memory_space<vmem_shared>>
        tpu.wait_indirect_dma semaphore(%arg24 : memref<!tpu.dma_semaphore, #tpu.memory_space<semaphore_mem>>) src(%arg13 : memref<128x64xbf16, #tpu.memory_space<vmem>>) dst(%dma_wait3A_288 : memref<41600x64xbf16, #tpu.memory_space<vmem_shared>>)
        %dma_start3A_289 = arith.constant 896 : i32
        %dma_start3A_290 = tpu.memref_slice %arg8[%dma_start3A_289] : memref<1024xi32, #tpu.memory_space<vmem>> -> memref<128xi32, #tpu.memory_space<vmem>>
        %dma_start3A_291 = arith.constant 0 : i32
        %dma_start3A_292 = arith.constant 0 : i32
        %dma_start3A_293 = tpu.memref_slice %arg15[%dma_start3A_291, %dma_start3A_292] : memref<10240x64xbf16, #tpu.memory_space<vmem_shared>> -> memref<10240x64xbf16, #tpu.memory_space<vmem_shared>>
        tpu.enqueue_indirect_dma source(%dma_start3A_293 : memref<10240x64xbf16, #tpu.memory_space<vmem_shared>>) target(%arg13 : memref<128x64xbf16, #tpu.memory_space<vmem>>) offsets(%dma_start3A_290 : memref<128xi32, #tpu.memory_space<vmem>>) semaphore(%arg20 : memref<!tpu.dma_semaphore, #tpu.memory_space<semaphore_mem>>)
        %dma_wait3A_294 = arith.constant 512 : i32
        %dma_wait3A_295 = tpu.memref_slice %arg8[%dma_wait3A_294] : memref<1024xi32, #tpu.memory_space<vmem>> -> memref<128xi32, #tpu.memory_space<vmem>>
        %dma_wait3A_296 = arith.constant 0 : i32
        %dma_wait3A_297 = arith.constant 0 : i32
        %dma_wait3A_298 = tpu.memref_slice %arg15[%dma_wait3A_296, %dma_wait3A_297] : memref<10240x64xbf16, #tpu.memory_space<vmem_shared>> -> memref<10240x64xbf16, #tpu.memory_space<vmem_shared>>
        tpu.wait_indirect_dma semaphore(%arg17 : memref<!tpu.dma_semaphore, #tpu.memory_space<semaphore_mem>>) src(%dma_wait3A_298 : memref<10240x64xbf16, #tpu.memory_space<vmem_shared>>) dst(%arg10 : memref<128x64xbf16, #tpu.memory_space<vmem>>)
        %dma_start3A_299 = arith.constant 512 : i32
        %dma_start3A_300 = tpu.memref_slice %arg9[%dma_start3A_299] : memref<1024xi32, #tpu.memory_space<vmem>> -> memref<128xi32, #tpu.memory_space<vmem>>
        %dma_start3A_301 = arith.constant 0 : i32
        %dma_start3A_302 = arith.constant 0 : i32
        %dma_start3A_303 = tpu.memref_slice %arg16[%dma_start3A_301, %dma_start3A_302] : memref<41600x64xbf16, #tpu.memory_space<vmem_shared>> -> memref<41600x64xbf16, #tpu.memory_space<vmem_shared>>
        tpu.enqueue_indirect_dma source(%arg10 : memref<128x64xbf16, #tpu.memory_space<vmem>>) target(%dma_start3A_303 : memref<41600x64xbf16, #tpu.memory_space<vmem_shared>>) offsets(%dma_start3A_300 : memref<128xi32, #tpu.memory_space<vmem>>) semaphore(%arg21 : memref<!tpu.dma_semaphore, #tpu.memory_space<semaphore_mem>>) {add = true}
        %dma_wait3A_304 = arith.constant 640 : i32
        %dma_wait3A_305 = tpu.memref_slice %arg8[%dma_wait3A_304] : memref<1024xi32, #tpu.memory_space<vmem>> -> memref<128xi32, #tpu.memory_space<vmem>>
        %dma_wait3A_306 = arith.constant 0 : i32
        %dma_wait3A_307 = arith.constant 0 : i32
        %dma_wait3A_308 = tpu.memref_slice %arg15[%dma_wait3A_306, %dma_wait3A_307] : memref<10240x64xbf16, #tpu.memory_space<vmem_shared>> -> memref<10240x64xbf16, #tpu.memory_space<vmem_shared>>
        tpu.wait_indirect_dma semaphore(%arg18 : memref<!tpu.dma_semaphore, #tpu.memory_space<semaphore_mem>>) src(%dma_wait3A_308 : memref<10240x64xbf16, #tpu.memory_space<vmem_shared>>) dst(%arg11 : memref<128x64xbf16, #tpu.memory_space<vmem>>)
        %dma_start3A_309 = arith.constant 640 : i32
        %dma_start3A_310 = tpu.memref_slice %arg9[%dma_start3A_309] : memref<1024xi32, #tpu.memory_space<vmem>> -> memref<128xi32, #tpu.memory_space<vmem>>
        %dma_start3A_311 = arith.constant 0 : i32
        %dma_start3A_312 = arith.constant 0 : i32
        %dma_start3A_313 = tpu.memref_slice %arg16[%dma_start3A_311, %dma_start3A_312] : memref<41600x64xbf16, #tpu.memory_space<vmem_shared>> -> memref<41600x64xbf16, #tpu.memory_space<vmem_shared>>
        tpu.enqueue_indirect_dma source(%arg11 : memref<128x64xbf16, #tpu.memory_space<vmem>>) target(%dma_start3A_313 : memref<41600x64xbf16, #tpu.memory_space<vmem_shared>>) offsets(%dma_start3A_310 : memref<128xi32, #tpu.memory_space<vmem>>) semaphore(%arg22 : memref<!tpu.dma_semaphore, #tpu.memory_space<semaphore_mem>>) {add = true}
        %dma_wait3A_314 = arith.constant 768 : i32
        %dma_wait3A_315 = tpu.memref_slice %arg8[%dma_wait3A_314] : memref<1024xi32, #tpu.memory_space<vmem>> -> memref<128xi32, #tpu.memory_space<vmem>>
        %dma_wait3A_316 = arith.constant 0 : i32
        %dma_wait3A_317 = arith.constant 0 : i32
        %dma_wait3A_318 = tpu.memref_slice %arg15[%dma_wait3A_316, %dma_wait3A_317] : memref<10240x64xbf16, #tpu.memory_space<vmem_shared>> -> memref<10240x64xbf16, #tpu.memory_space<vmem_shared>>
        tpu.wait_indirect_dma semaphore(%arg19 : memref<!tpu.dma_semaphore, #tpu.memory_space<semaphore_mem>>) src(%dma_wait3A_318 : memref<10240x64xbf16, #tpu.memory_space<vmem_shared>>) dst(%arg12 : memref<128x64xbf16, #tpu.memory_space<vmem>>)
        %dma_start3A_319 = arith.constant 768 : i32
        %dma_start3A_320 = tpu.memref_slice %arg9[%dma_start3A_319] : memref<1024xi32, #tpu.memory_space<vmem>> -> memref<128xi32, #tpu.memory_space<vmem>>
        %dma_start3A_321 = arith.constant 0 : i32
        %dma_start3A_322 = arith.constant 0 : i32
        %dma_start3A_323 = tpu.memref_slice %arg16[%dma_start3A_321, %dma_start3A_322] : memref<41600x64xbf16, #tpu.memory_space<vmem_shared>> -> memref<41600x64xbf16, #tpu.memory_space<vmem_shared>>
        tpu.enqueue_indirect_dma source(%arg12 : memref<128x64xbf16, #tpu.memory_space<vmem>>) target(%dma_start3A_323 : memref<41600x64xbf16, #tpu.memory_space<vmem_shared>>) offsets(%dma_start3A_320 : memref<128xi32, #tpu.memory_space<vmem>>) semaphore(%arg23 : memref<!tpu.dma_semaphore, #tpu.memory_space<semaphore_mem>>) {add = true}
        %dma_wait3A_324 = arith.constant 896 : i32
        %dma_wait3A_325 = tpu.memref_slice %arg8[%dma_wait3A_324] : memref<1024xi32, #tpu.memory_space<vmem>> -> memref<128xi32, #tpu.memory_space<vmem>>
        %dma_wait3A_326 = arith.constant 0 : i32
        %dma_wait3A_327 = arith.constant 0 : i32
        %dma_wait3A_328 = tpu.memref_slice %arg15[%dma_wait3A_326, %dma_wait3A_327] : memref<10240x64xbf16, #tpu.memory_space<vmem_shared>> -> memref<10240x64xbf16, #tpu.memory_space<vmem_shared>>
        tpu.wait_indirect_dma semaphore(%arg20 : memref<!tpu.dma_semaphore, #tpu.memory_space<semaphore_mem>>) src(%dma_wait3A_328 : memref<10240x64xbf16, #tpu.memory_space<vmem_shared>>) dst(%arg13 : memref<128x64xbf16, #tpu.memory_space<vmem>>)
        %dma_start3A_329 = arith.constant 896 : i32
        %dma_start3A_330 = tpu.memref_slice %arg9[%dma_start3A_329] : memref<1024xi32, #tpu.memory_space<vmem>> -> memref<128xi32, #tpu.memory_space<vmem>>
        %dma_start3A_331 = arith.constant 0 : i32
        %dma_start3A_332 = arith.constant 0 : i32
        %dma_start3A_333 = tpu.memref_slice %arg16[%dma_start3A_331, %dma_start3A_332] : memref<41600x64xbf16, #tpu.memory_space<vmem_shared>> -> memref<41600x64xbf16, #tpu.memory_space<vmem_shared>>
        tpu.enqueue_indirect_dma source(%arg13 : memref<128x64xbf16, #tpu.memory_space<vmem>>) target(%dma_start3A_333 : memref<41600x64xbf16, #tpu.memory_space<vmem_shared>>) offsets(%dma_start3A_330 : memref<128xi32, #tpu.memory_space<vmem>>) semaphore(%arg24 : memref<!tpu.dma_semaphore, #tpu.memory_space<semaphore_mem>>) {add = true}
        %dma_wait3A_334 = arith.constant 512 : i32
        %dma_wait3A_335 = tpu.memref_slice %arg9[%dma_wait3A_334] : memref<1024xi32, #tpu.memory_space<vmem>> -> memref<128xi32, #tpu.memory_space<vmem>>
        %dma_wait3A_336 = arith.constant 0 : i32
        %dma_wait3A_337 = arith.constant 0 : i32
        %dma_wait3A_338 = tpu.memref_slice %arg16[%dma_wait3A_336, %dma_wait3A_337] : memref<41600x64xbf16, #tpu.memory_space<vmem_shared>> -> memref<41600x64xbf16, #tpu.memory_space<vmem_shared>>
        tpu.wait_indirect_dma semaphore(%arg21 : memref<!tpu.dma_semaphore, #tpu.memory_space<semaphore_mem>>) src(%arg10 : memref<128x64xbf16, #tpu.memory_space<vmem>>) dst(%dma_wait3A_338 : memref<41600x64xbf16, #tpu.memory_space<vmem_shared>>)
        %dma_wait3A_339 = arith.constant 640 : i32
        %dma_wait3A_340 = tpu.memref_slice %arg9[%dma_wait3A_339] : memref<1024xi32, #tpu.memory_space<vmem>> -> memref<128xi32, #tpu.memory_space<vmem>>
        %dma_wait3A_341 = arith.constant 0 : i32
        %dma_wait3A_342 = arith.constant 0 : i32
        %dma_wait3A_343 = tpu.memref_slice %arg16[%dma_wait3A_341, %dma_wait3A_342] : memref<41600x64xbf16, #tpu.memory_space<vmem_shared>> -> memref<41600x64xbf16, #tpu.memory_space<vmem_shared>>
        tpu.wait_indirect_dma semaphore(%arg22 : memref<!tpu.dma_semaphore, #tpu.memory_space<semaphore_mem>>) src(%arg11 : memref<128x64xbf16, #tpu.memory_space<vmem>>) dst(%dma_wait3A_343 : memref<41600x64xbf16, #tpu.memory_space<vmem_shared>>)
        %dma_wait3A_344 = arith.constant 768 : i32
        %dma_wait3A_345 = tpu.memref_slice %arg9[%dma_wait3A_344] : memref<1024xi32, #tpu.memory_space<vmem>> -> memref<128xi32, #tpu.memory_space<vmem>>
        %dma_wait3A_346 = arith.constant 0 : i32
        %dma_wait3A_347 = arith.constant 0 : i32
        %dma_wait3A_348 = tpu.memref_slice %arg16[%dma_wait3A_346, %dma_wait3A_347] : memref<41600x64xbf16, #tpu.memory_space<vmem_shared>> -> memref<41600x64xbf16, #tpu.memory_space<vmem_shared>>
        tpu.wait_indirect_dma semaphore(%arg23 : memref<!tpu.dma_semaphore, #tpu.memory_space<semaphore_mem>>) src(%arg12 : memref<128x64xbf16, #tpu.memory_space<vmem>>) dst(%dma_wait3A_348 : memref<41600x64xbf16, #tpu.memory_space<vmem_shared>>)
        %dma_wait3A_349 = arith.constant 896 : i32
        %dma_wait3A_350 = tpu.memref_slice %arg9[%dma_wait3A_349] : memref<1024xi32, #tpu.memory_space<vmem>> -> memref<128xi32, #tpu.memory_space<vmem>>
        %dma_wait3A_351 = arith.constant 0 : i32
        %dma_wait3A_352 = arith.constant 0 : i32
        %dma_wait3A_353 = tpu.memref_slice %arg16[%dma_wait3A_351, %dma_wait3A_352] : memref<41600x64xbf16, #tpu.memory_space<vmem_shared>> -> memref<41600x64xbf16, #tpu.memory_space<vmem_shared>>
        tpu.wait_indirect_dma semaphore(%arg24 : memref<!tpu.dma_semaphore, #tpu.memory_space<semaphore_mem>>) src(%arg13 : memref<128x64xbf16, #tpu.memory_space<vmem>>) dst(%dma_wait3A_353 : memref<41600x64xbf16, #tpu.memory_space<vmem_shared>>)
      }
      %scan3A_184 = arith.constant 20 : i32
      %barrier3A_185 = arith.constant 0 : index
      tpu.barrier barrier_id(%barrier3A_185)
      %mul3A_186 = arith.constant 2600 : i32
      %mul3A_187 = arith.muli %arg1, %mul3A_186 : i32
      %mul3A_188 = arith.constant 2600 : i32
      %mul3A_189 = arith.muli %arg1, %mul3A_188 : i32
      "tpu.region"() ({
        %run_scoped3A = tpu.sem_alloc : memref<!tpu.dma_semaphore, #tpu.memory_space<semaphore_mem>>
        %dma_start3A = arith.constant 0 : i32
        %dma_start3A_191 = tpu.memref_slice %arg6[%mul3A_189, %dma_start3A] : memref<41600x64xbf16, #tpu.memory_space<hbm>> -> memref<2600x64xbf16, #tpu.memory_space<hbm>>
        %dma_start3A_192 = arith.constant 0 : i32
        %dma_start3A_193 = tpu.memref_slice %arg16[%mul3A_187, %dma_start3A_192] : memref<41600x64xbf16, #tpu.memory_space<vmem_shared>> -> memref<2600x64xbf16, #tpu.memory_space<vmem_shared>>
        tpu.enqueue_dma source(%dma_start3A_193 : memref<2600x64xbf16, #tpu.memory_space<vmem_shared>>) target(%dma_start3A_191 : memref<2600x64xbf16, #tpu.memory_space<hbm>>) target_semaphore(%run_scoped3A : memref<!tpu.dma_semaphore, #tpu.memory_space<semaphore_mem>>)
        %dma_wait3A = arith.constant 0 : i32
        %dma_wait3A_194 = tpu.memref_slice %arg6[%mul3A_189, %dma_wait3A] : memref<41600x64xbf16, #tpu.memory_space<hbm>> -> memref<2600x64xbf16, #tpu.memory_space<hbm>>
        %dma_wait3A_195 = arith.constant 0 : i32
        %dma_wait3A_196 = tpu.memref_slice %arg16[%mul3A_187, %dma_wait3A_195] : memref<41600x64xbf16, #tpu.memory_space<vmem_shared>> -> memref<2600x64xbf16, #tpu.memory_space<vmem_shared>>
        tpu.wait_dma2 semaphore(%run_scoped3A : memref<!tpu.dma_semaphore, #tpu.memory_space<semaphore_mem>>) src(%dma_wait3A_196 : memref<2600x64xbf16, #tpu.memory_space<vmem_shared>>) dst(%dma_wait3A_194 : memref<2600x64xbf16, #tpu.memory_space<hbm>>)
        tpu.yield
      }) : () -> ()
      %barrier3A_190 = arith.constant 0 : index
      tpu.barrier barrier_id(%barrier3A_190)
    } else {
    }
    %eq3A_6 = arith.constant 1 : i32
    %eq3A_7 = arith.cmpi eq, %arg0, %eq3A_6 : i32
    %convert_element_type3A_8 = arith.extui %eq3A_7 : i1 to i32
    %cond3A_9 = arith.constant 0 : i32
    %cond3A_10 = arith.cmpi ne, %convert_element_type3A_8, %cond3A_9 : i32
    scf.if %cond3A_10 {
      %mul3A = arith.constant 2600 : i32
      %mul3A_11 = arith.muli %arg1, %mul3A : i32
      %add3A = arith.constant 0 : i32
      %add3A_12 = arith.addi %mul3A_11, %add3A : i32
      "tpu.region"() ({
        %run_scoped3A = tpu.sem_alloc : memref<!tpu.dma_semaphore, #tpu.memory_space<semaphore_mem>>
        %dma_start3A = arith.constant 0 : i32
        %dma_start3A_191 = tpu.memref_slice %arg16[%add3A_12, %dma_start3A] : memref<41600x64xbf16, #tpu.memory_space<vmem_shared>> -> memref<32x64xbf16, #tpu.memory_space<vmem_shared>>
        %dma_start3A_192 = arith.constant 0 : i32
        %dma_start3A_193 = tpu.memref_slice %arg16[%add3A_12, %dma_start3A_192] : memref<41600x64xbf16, #tpu.memory_space<vmem_shared>> -> memref<32x64xbf16, #tpu.memory_space<vmem_shared>>
        tpu.enqueue_dma source(%arg14 : memref<32x64xbf16, #tpu.memory_space<vmem>>) target(%dma_start3A_193 : memref<32x64xbf16, #tpu.memory_space<vmem_shared>>) target_semaphore(%run_scoped3A : memref<!tpu.dma_semaphore, #tpu.memory_space<semaphore_mem>>)
        %dma_wait3A = arith.constant 0 : i32
        %dma_wait3A_194 = tpu.memref_slice %arg16[%add3A_12, %dma_wait3A] : memref<41600x64xbf16, #tpu.memory_space<vmem_shared>> -> memref<32x64xbf16, #tpu.memory_space<vmem_shared>>
        %dma_wait3A_195 = arith.constant 0 : i32
        %dma_wait3A_196 = tpu.memref_slice %arg16[%add3A_12, %dma_wait3A_195] : memref<41600x64xbf16, #tpu.memory_space<vmem_shared>> -> memref<32x64xbf16, #tpu.memory_space<vmem_shared>>
        tpu.wait_dma2 semaphore(%run_scoped3A : memref<!tpu.dma_semaphore, #tpu.memory_space<semaphore_mem>>) src(%arg14 : memref<32x64xbf16, #tpu.memory_space<vmem>>) dst(%dma_wait3A_196 : memref<32x64xbf16, #tpu.memory_space<vmem_shared>>)
        tpu.yield
      }) : () -> ()
      %add3A_13 = arith.constant 32 : i32
      %add3A_14 = arith.addi %mul3A_11, %add3A_13 : i32
      "tpu.region"() ({
        %run_scoped3A = tpu.sem_alloc : memref<!tpu.dma_semaphore, #tpu.memory_space<semaphore_mem>>
        %dma_start3A = arith.constant 0 : i32
        %dma_start3A_191 = tpu.memref_slice %arg16[%add3A_14, %dma_start3A] : memref<41600x64xbf16, #tpu.memory_space<vmem_shared>> -> memref<32x64xbf16, #tpu.memory_space<vmem_shared>>
        %dma_start3A_192 = arith.constant 0 : i32
        %dma_start3A_193 = tpu.memref_slice %arg16[%add3A_14, %dma_start3A_192] : memref<41600x64xbf16, #tpu.memory_space<vmem_shared>> -> memref<32x64xbf16, #tpu.memory_space<vmem_shared>>
        tpu.enqueue_dma source(%arg14 : memref<32x64xbf16, #tpu.memory_space<vmem>>) target(%dma_start3A_193 : memref<32x64xbf16, #tpu.memory_space<vmem_shared>>) target_semaphore(%run_scoped3A : memref<!tpu.dma_semaphore, #tpu.memory_space<semaphore_mem>>)
        %dma_wait3A = arith.constant 0 : i32
        %dma_wait3A_194 = tpu.memref_slice %arg16[%add3A_14, %dma_wait3A] : memref<41600x64xbf16, #tpu.memory_space<vmem_shared>> -> memref<32x64xbf16, #tpu.memory_space<vmem_shared>>
        %dma_wait3A_195 = arith.constant 0 : i32
        %dma_wait3A_196 = tpu.memref_slice %arg16[%add3A_14, %dma_wait3A_195] : memref<41600x64xbf16, #tpu.memory_space<vmem_shared>> -> memref<32x64xbf16, #tpu.memory_space<vmem_shared>>
        tpu.wait_dma2 semaphore(%run_scoped3A : memref<!tpu.dma_semaphore, #tpu.memory_space<semaphore_mem>>) src(%arg14 : memref<32x64xbf16, #tpu.memory_space<vmem>>) dst(%dma_wait3A_196 : memref<32x64xbf16, #tpu.memory_space<vmem_shared>>)
        tpu.yield
      }) : () -> ()
      %add3A_15 = arith.constant 64 : i32
      %add3A_16 = arith.addi %mul3A_11, %add3A_15 : i32
      "tpu.region"() ({
        %run_scoped3A = tpu.sem_alloc : memref<!tpu.dma_semaphore, #tpu.memory_space<semaphore_mem>>
        %dma_start3A = arith.constant 0 : i32
        %dma_start3A_191 = tpu.memref_slice %arg16[%add3A_16, %dma_start3A] : memref<41600x64xbf16, #tpu.memory_space<vmem_shared>> -> memref<32x64xbf16, #tpu.memory_space<vmem_shared>>
        %dma_start3A_192 = arith.constant 0 : i32
        %dma_start3A_193 = tpu.memref_slice %arg16[%add3A_16, %dma_start3A_192] : memref<41600x64xbf16, #tpu.memory_space<vmem_shared>> -> memref<32x64xbf16, #tpu.memory_space<vmem_shared>>
        tpu.enqueue_dma source(%arg14 : memref<32x64xbf16, #tpu.memory_space<vmem>>) target(%dma_start3A_193 : memref<32x64xbf16, #tpu.memory_space<vmem_shared>>) target_semaphore(%run_scoped3A : memref<!tpu.dma_semaphore, #tpu.memory_space<semaphore_mem>>)
        %dma_wait3A = arith.constant 0 : i32
        %dma_wait3A_194 = tpu.memref_slice %arg16[%add3A_16, %dma_wait3A] : memref<41600x64xbf16, #tpu.memory_space<vmem_shared>> -> memref<32x64xbf16, #tpu.memory_space<vmem_shared>>
        %dma_wait3A_195 = arith.constant 0 : i32
        %dma_wait3A_196 = tpu.memref_slice %arg16[%add3A_16, %dma_wait3A_195] : memref<41600x64xbf16, #tpu.memory_space<vmem_shared>> -> memref<32x64xbf16, #tpu.memory_space<vmem_shared>>
        tpu.wait_dma2 semaphore(%run_scoped3A : memref<!tpu.dma_semaphore, #tpu.memory_space<semaphore_mem>>) src(%arg14 : memref<32x64xbf16, #tpu.memory_space<vmem>>) dst(%dma_wait3A_196 : memref<32x64xbf16, #tpu.memory_space<vmem_shared>>)
        tpu.yield
      }) : () -> ()
      %add3A_17 = arith.constant 96 : i32
      %add3A_18 = arith.addi %mul3A_11, %add3A_17 : i32
      "tpu.region"() ({
        %run_scoped3A = tpu.sem_alloc : memref<!tpu.dma_semaphore, #tpu.memory_space<semaphore_mem>>
        %dma_start3A = arith.constant 0 : i32
        %dma_start3A_191 = tpu.memref_slice %arg16[%add3A_18, %dma_start3A] : memref<41600x64xbf16, #tpu.memory_space<vmem_shared>> -> memref<32x64xbf16, #tpu.memory_space<vmem_shared>>
        %dma_start3A_192 = arith.constant 0 : i32
        %dma_start3A_193 = tpu.memref_slice %arg16[%add3A_18, %dma_start3A_192] : memref<41600x64xbf16, #tpu.memory_space<vmem_shared>> -> memref<32x64xbf16, #tpu.memory_space<vmem_shared>>
        tpu.enqueue_dma source(%arg14 : memref<32x64xbf16, #tpu.memory_space<vmem>>) target(%dma_start3A_193 : memref<32x64xbf16, #tpu.memory_space<vmem_shared>>) target_semaphore(%run_scoped3A : memref<!tpu.dma_semaphore, #tpu.memory_space<semaphore_mem>>)
        %dma_wait3A = arith.constant 0 : i32
        %dma_wait3A_194 = tpu.memref_slice %arg16[%add3A_18, %dma_wait3A] : memref<41600x64xbf16, #tpu.memory_space<vmem_shared>> -> memref<32x64xbf16, #tpu.memory_space<vmem_shared>>
        %dma_wait3A_195 = arith.constant 0 : i32
        %dma_wait3A_196 = tpu.memref_slice %arg16[%add3A_18, %dma_wait3A_195] : memref<41600x64xbf16, #tpu.memory_space<vmem_shared>> -> memref<32x64xbf16, #tpu.memory_space<vmem_shared>>
        tpu.wait_dma2 semaphore(%run_scoped3A : memref<!tpu.dma_semaphore, #tpu.memory_space<semaphore_mem>>) src(%arg14 : memref<32x64xbf16, #tpu.memory_space<vmem>>) dst(%dma_wait3A_196 : memref<32x64xbf16, #tpu.memory_space<vmem_shared>>)
        tpu.yield
      }) : () -> ()
      %add3A_19 = arith.constant 128 : i32
      %add3A_20 = arith.addi %mul3A_11, %add3A_19 : i32
      "tpu.region"() ({
        %run_scoped3A = tpu.sem_alloc : memref<!tpu.dma_semaphore, #tpu.memory_space<semaphore_mem>>
        %dma_start3A = arith.constant 0 : i32
        %dma_start3A_191 = tpu.memref_slice %arg16[%add3A_20, %dma_start3A] : memref<41600x64xbf16, #tpu.memory_space<vmem_shared>> -> memref<32x64xbf16, #tpu.memory_space<vmem_shared>>
        %dma_start3A_192 = arith.constant 0 : i32
        %dma_start3A_193 = tpu.memref_slice %arg16[%add3A_20, %dma_start3A_192] : memref<41600x64xbf16, #tpu.memory_space<vmem_shared>> -> memref<32x64xbf16, #tpu.memory_space<vmem_shared>>
        tpu.enqueue_dma source(%arg14 : memref<32x64xbf16, #tpu.memory_space<vmem>>) target(%dma_start3A_193 : memref<32x64xbf16, #tpu.memory_space<vmem_shared>>) target_semaphore(%run_scoped3A : memref<!tpu.dma_semaphore, #tpu.memory_space<semaphore_mem>>)
        %dma_wait3A = arith.constant 0 : i32
        %dma_wait3A_194 = tpu.memref_slice %arg16[%add3A_20, %dma_wait3A] : memref<41600x64xbf16, #tpu.memory_space<vmem_shared>> -> memref<32x64xbf16, #tpu.memory_space<vmem_shared>>
        %dma_wait3A_195 = arith.constant 0 : i32
        %dma_wait3A_196 = tpu.memref_slice %arg16[%add3A_20, %dma_wait3A_195] : memref<41600x64xbf16, #tpu.memory_space<vmem_shared>> -> memref<32x64xbf16, #tpu.memory_space<vmem_shared>>
        tpu.wait_dma2 semaphore(%run_scoped3A : memref<!tpu.dma_semaphore, #tpu.memory_space<semaphore_mem>>) src(%arg14 : memref<32x64xbf16, #tpu.memory_space<vmem>>) dst(%dma_wait3A_196 : memref<32x64xbf16, #tpu.memory_space<vmem_shared>>)
        tpu.yield
      }) : () -> ()
      %add3A_21 = arith.constant 160 : i32
      %add3A_22 = arith.addi %mul3A_11, %add3A_21 : i32
      "tpu.region"() ({
        %run_scoped3A = tpu.sem_alloc : memref<!tpu.dma_semaphore, #tpu.memory_space<semaphore_mem>>
        %dma_start3A = arith.constant 0 : i32
        %dma_start3A_191 = tpu.memref_slice %arg16[%add3A_22, %dma_start3A] : memref<41600x64xbf16, #tpu.memory_space<vmem_shared>> -> memref<32x64xbf16, #tpu.memory_space<vmem_shared>>
        %dma_start3A_192 = arith.constant 0 : i32
        %dma_start3A_193 = tpu.memref_slice %arg16[%add3A_22, %dma_start3A_192] : memref<41600x64xbf16, #tpu.memory_space<vmem_shared>> -> memref<32x64xbf16, #tpu.memory_space<vmem_shared>>
        tpu.enqueue_dma source(%arg14 : memref<32x64xbf16, #tpu.memory_space<vmem>>) target(%dma_start3A_193 : memref<32x64xbf16, #tpu.memory_space<vmem_shared>>) target_semaphore(%run_scoped3A : memref<!tpu.dma_semaphore, #tpu.memory_space<semaphore_mem>>)
        %dma_wait3A = arith.constant 0 : i32
        %dma_wait3A_194 = tpu.memref_slice %arg16[%add3A_22, %dma_wait3A] : memref<41600x64xbf16, #tpu.memory_space<vmem_shared>> -> memref<32x64xbf16, #tpu.memory_space<vmem_shared>>
        %dma_wait3A_195 = arith.constant 0 : i32
        %dma_wait3A_196 = tpu.memref_slice %arg16[%add3A_22, %dma_wait3A_195] : memref<41600x64xbf16, #tpu.memory_space<vmem_shared>> -> memref<32x64xbf16, #tpu.memory_space<vmem_shared>>
        tpu.wait_dma2 semaphore(%run_scoped3A : memref<!tpu.dma_semaphore, #tpu.memory_space<semaphore_mem>>) src(%arg14 : memref<32x64xbf16, #tpu.memory_space<vmem>>) dst(%dma_wait3A_196 : memref<32x64xbf16, #tpu.memory_space<vmem_shared>>)
        tpu.yield
      }) : () -> ()
      %add3A_23 = arith.constant 192 : i32
      %add3A_24 = arith.addi %mul3A_11, %add3A_23 : i32
      "tpu.region"() ({
        %run_scoped3A = tpu.sem_alloc : memref<!tpu.dma_semaphore, #tpu.memory_space<semaphore_mem>>
        %dma_start3A = arith.constant 0 : i32
        %dma_start3A_191 = tpu.memref_slice %arg16[%add3A_24, %dma_start3A] : memref<41600x64xbf16, #tpu.memory_space<vmem_shared>> -> memref<32x64xbf16, #tpu.memory_space<vmem_shared>>
        %dma_start3A_192 = arith.constant 0 : i32
        %dma_start3A_193 = tpu.memref_slice %arg16[%add3A_24, %dma_start3A_192] : memref<41600x64xbf16, #tpu.memory_space<vmem_shared>> -> memref<32x64xbf16, #tpu.memory_space<vmem_shared>>
        tpu.enqueue_dma source(%arg14 : memref<32x64xbf16, #tpu.memory_space<vmem>>) target(%dma_start3A_193 : memref<32x64xbf16, #tpu.memory_space<vmem_shared>>) target_semaphore(%run_scoped3A : memref<!tpu.dma_semaphore, #tpu.memory_space<semaphore_mem>>)
        %dma_wait3A = arith.constant 0 : i32
        %dma_wait3A_194 = tpu.memref_slice %arg16[%add3A_24, %dma_wait3A] : memref<41600x64xbf16, #tpu.memory_space<vmem_shared>> -> memref<32x64xbf16, #tpu.memory_space<vmem_shared>>
        %dma_wait3A_195 = arith.constant 0 : i32
        %dma_wait3A_196 = tpu.memref_slice %arg16[%add3A_24, %dma_wait3A_195] : memref<41600x64xbf16, #tpu.memory_space<vmem_shared>> -> memref<32x64xbf16, #tpu.memory_space<vmem_shared>>
        tpu.wait_dma2 semaphore(%run_scoped3A : memref<!tpu.dma_semaphore, #tpu.memory_space<semaphore_mem>>) src(%arg14 : memref<32x64xbf16, #tpu.memory_space<vmem>>) dst(%dma_wait3A_196 : memref<32x64xbf16, #tpu.memory_space<vmem_shared>>)
        tpu.yield
      }) : () -> ()
      %add3A_25 = arith.constant 224 : i32
      %add3A_26 = arith.addi %mul3A_11, %add3A_25 : i32
      "tpu.region"() ({
        %run_scoped3A = tpu.sem_alloc : memref<!tpu.dma_semaphore, #tpu.memory_space<semaphore_mem>>
        %dma_start3A = arith.constant 0 : i32
        %dma_start3A_191 = tpu.memref_slice %arg16[%add3A_26, %dma_start3A] : memref<41600x64xbf16, #tpu.memory_space<vmem_shared>> -> memref<32x64xbf16, #tpu.memory_space<vmem_shared>>
        %dma_start3A_192 = arith.constant 0 : i32
        %dma_start3A_193 = tpu.memref_slice %arg16[%add3A_26, %dma_start3A_192] : memref<41600x64xbf16, #tpu.memory_space<vmem_shared>> -> memref<32x64xbf16, #tpu.memory_space<vmem_shared>>
        tpu.enqueue_dma source(%arg14 : memref<32x64xbf16, #tpu.memory_space<vmem>>) target(%dma_start3A_193 : memref<32x64xbf16, #tpu.memory_space<vmem_shared>>) target_semaphore(%run_scoped3A : memref<!tpu.dma_semaphore, #tpu.memory_space<semaphore_mem>>)
        %dma_wait3A = arith.constant 0 : i32
        %dma_wait3A_194 = tpu.memref_slice %arg16[%add3A_26, %dma_wait3A] : memref<41600x64xbf16, #tpu.memory_space<vmem_shared>> -> memref<32x64xbf16, #tpu.memory_space<vmem_shared>>
        %dma_wait3A_195 = arith.constant 0 : i32
        %dma_wait3A_196 = tpu.memref_slice %arg16[%add3A_26, %dma_wait3A_195] : memref<41600x64xbf16, #tpu.memory_space<vmem_shared>> -> memref<32x64xbf16, #tpu.memory_space<vmem_shared>>
        tpu.wait_dma2 semaphore(%run_scoped3A : memref<!tpu.dma_semaphore, #tpu.memory_space<semaphore_mem>>) src(%arg14 : memref<32x64xbf16, #tpu.memory_space<vmem>>) dst(%dma_wait3A_196 : memref<32x64xbf16, #tpu.memory_space<vmem_shared>>)
        tpu.yield
      }) : () -> ()
      %add3A_27 = arith.constant 256 : i32
      %add3A_28 = arith.addi %mul3A_11, %add3A_27 : i32
      "tpu.region"() ({
        %run_scoped3A = tpu.sem_alloc : memref<!tpu.dma_semaphore, #tpu.memory_space<semaphore_mem>>
        %dma_start3A = arith.constant 0 : i32
        %dma_start3A_191 = tpu.memref_slice %arg16[%add3A_28, %dma_start3A] : memref<41600x64xbf16, #tpu.memory_space<vmem_shared>> -> memref<32x64xbf16, #tpu.memory_space<vmem_shared>>
        %dma_start3A_192 = arith.constant 0 : i32
        %dma_start3A_193 = tpu.memref_slice %arg16[%add3A_28, %dma_start3A_192] : memref<41600x64xbf16, #tpu.memory_space<vmem_shared>> -> memref<32x64xbf16, #tpu.memory_space<vmem_shared>>
        tpu.enqueue_dma source(%arg14 : memref<32x64xbf16, #tpu.memory_space<vmem>>) target(%dma_start3A_193 : memref<32x64xbf16, #tpu.memory_space<vmem_shared>>) target_semaphore(%run_scoped3A : memref<!tpu.dma_semaphore, #tpu.memory_space<semaphore_mem>>)
        %dma_wait3A = arith.constant 0 : i32
        %dma_wait3A_194 = tpu.memref_slice %arg16[%add3A_28, %dma_wait3A] : memref<41600x64xbf16, #tpu.memory_space<vmem_shared>> -> memref<32x64xbf16, #tpu.memory_space<vmem_shared>>
        %dma_wait3A_195 = arith.constant 0 : i32
        %dma_wait3A_196 = tpu.memref_slice %arg16[%add3A_28, %dma_wait3A_195] : memref<41600x64xbf16, #tpu.memory_space<vmem_shared>> -> memref<32x64xbf16, #tpu.memory_space<vmem_shared>>
        tpu.wait_dma2 semaphore(%run_scoped3A : memref<!tpu.dma_semaphore, #tpu.memory_space<semaphore_mem>>) src(%arg14 : memref<32x64xbf16, #tpu.memory_space<vmem>>) dst(%dma_wait3A_196 : memref<32x64xbf16, #tpu.memory_space<vmem_shared>>)
        tpu.yield
      }) : () -> ()
      %add3A_29 = arith.constant 288 : i32
      %add3A_30 = arith.addi %mul3A_11, %add3A_29 : i32
      "tpu.region"() ({
        %run_scoped3A = tpu.sem_alloc : memref<!tpu.dma_semaphore, #tpu.memory_space<semaphore_mem>>
        %dma_start3A = arith.constant 0 : i32
        %dma_start3A_191 = tpu.memref_slice %arg16[%add3A_30, %dma_start3A] : memref<41600x64xbf16, #tpu.memory_space<vmem_shared>> -> memref<32x64xbf16, #tpu.memory_space<vmem_shared>>
        %dma_start3A_192 = arith.constant 0 : i32
        %dma_start3A_193 = tpu.memref_slice %arg16[%add3A_30, %dma_start3A_192] : memref<41600x64xbf16, #tpu.memory_space<vmem_shared>> -> memref<32x64xbf16, #tpu.memory_space<vmem_shared>>
        tpu.enqueue_dma source(%arg14 : memref<32x64xbf16, #tpu.memory_space<vmem>>) target(%dma_start3A_193 : memref<32x64xbf16, #tpu.memory_space<vmem_shared>>) target_semaphore(%run_scoped3A : memref<!tpu.dma_semaphore, #tpu.memory_space<semaphore_mem>>)
        %dma_wait3A = arith.constant 0 : i32
        %dma_wait3A_194 = tpu.memref_slice %arg16[%add3A_30, %dma_wait3A] : memref<41600x64xbf16, #tpu.memory_space<vmem_shared>> -> memref<32x64xbf16, #tpu.memory_space<vmem_shared>>
        %dma_wait3A_195 = arith.constant 0 : i32
        %dma_wait3A_196 = tpu.memref_slice %arg16[%add3A_30, %dma_wait3A_195] : memref<41600x64xbf16, #tpu.memory_space<vmem_shared>> -> memref<32x64xbf16, #tpu.memory_space<vmem_shared>>
        tpu.wait_dma2 semaphore(%run_scoped3A : memref<!tpu.dma_semaphore, #tpu.memory_space<semaphore_mem>>) src(%arg14 : memref<32x64xbf16, #tpu.memory_space<vmem>>) dst(%dma_wait3A_196 : memref<32x64xbf16, #tpu.memory_space<vmem_shared>>)
        tpu.yield
      }) : () -> ()
      %add3A_31 = arith.constant 320 : i32
      %add3A_32 = arith.addi %mul3A_11, %add3A_31 : i32
      "tpu.region"() ({
        %run_scoped3A = tpu.sem_alloc : memref<!tpu.dma_semaphore, #tpu.memory_space<semaphore_mem>>
        %dma_start3A = arith.constant 0 : i32
        %dma_start3A_191 = tpu.memref_slice %arg16[%add3A_32, %dma_start3A] : memref<41600x64xbf16, #tpu.memory_space<vmem_shared>> -> memref<32x64xbf16, #tpu.memory_space<vmem_shared>>
        %dma_start3A_192 = arith.constant 0 : i32
        %dma_start3A_193 = tpu.memref_slice %arg16[%add3A_32, %dma_start3A_192] : memref<41600x64xbf16, #tpu.memory_space<vmem_shared>> -> memref<32x64xbf16, #tpu.memory_space<vmem_shared>>
        tpu.enqueue_dma source(%arg14 : memref<32x64xbf16, #tpu.memory_space<vmem>>) target(%dma_start3A_193 : memref<32x64xbf16, #tpu.memory_space<vmem_shared>>) target_semaphore(%run_scoped3A : memref<!tpu.dma_semaphore, #tpu.memory_space<semaphore_mem>>)
        %dma_wait3A = arith.constant 0 : i32
        %dma_wait3A_194 = tpu.memref_slice %arg16[%add3A_32, %dma_wait3A] : memref<41600x64xbf16, #tpu.memory_space<vmem_shared>> -> memref<32x64xbf16, #tpu.memory_space<vmem_shared>>
        %dma_wait3A_195 = arith.constant 0 : i32
        %dma_wait3A_196 = tpu.memref_slice %arg16[%add3A_32, %dma_wait3A_195] : memref<41600x64xbf16, #tpu.memory_space<vmem_shared>> -> memref<32x64xbf16, #tpu.memory_space<vmem_shared>>
        tpu.wait_dma2 semaphore(%run_scoped3A : memref<!tpu.dma_semaphore, #tpu.memory_space<semaphore_mem>>) src(%arg14 : memref<32x64xbf16, #tpu.memory_space<vmem>>) dst(%dma_wait3A_196 : memref<32x64xbf16, #tpu.memory_space<vmem_shared>>)
        tpu.yield
      }) : () -> ()
      %add3A_33 = arith.constant 352 : i32
      %add3A_34 = arith.addi %mul3A_11, %add3A_33 : i32
      "tpu.region"() ({
        %run_scoped3A = tpu.sem_alloc : memref<!tpu.dma_semaphore, #tpu.memory_space<semaphore_mem>>
        %dma_start3A = arith.constant 0 : i32
        %dma_start3A_191 = tpu.memref_slice %arg16[%add3A_34, %dma_start3A] : memref<41600x64xbf16, #tpu.memory_space<vmem_shared>> -> memref<32x64xbf16, #tpu.memory_space<vmem_shared>>
        %dma_start3A_192 = arith.constant 0 : i32
        %dma_start3A_193 = tpu.memref_slice %arg16[%add3A_34, %dma_start3A_192] : memref<41600x64xbf16, #tpu.memory_space<vmem_shared>> -> memref<32x64xbf16, #tpu.memory_space<vmem_shared>>
        tpu.enqueue_dma source(%arg14 : memref<32x64xbf16, #tpu.memory_space<vmem>>) target(%dma_start3A_193 : memref<32x64xbf16, #tpu.memory_space<vmem_shared>>) target_semaphore(%run_scoped3A : memref<!tpu.dma_semaphore, #tpu.memory_space<semaphore_mem>>)
        %dma_wait3A = arith.constant 0 : i32
        %dma_wait3A_194 = tpu.memref_slice %arg16[%add3A_34, %dma_wait3A] : memref<41600x64xbf16, #tpu.memory_space<vmem_shared>> -> memref<32x64xbf16, #tpu.memory_space<vmem_shared>>
        %dma_wait3A_195 = arith.constant 0 : i32
        %dma_wait3A_196 = tpu.memref_slice %arg16[%add3A_34, %dma_wait3A_195] : memref<41600x64xbf16, #tpu.memory_space<vmem_shared>> -> memref<32x64xbf16, #tpu.memory_space<vmem_shared>>
        tpu.wait_dma2 semaphore(%run_scoped3A : memref<!tpu.dma_semaphore, #tpu.memory_space<semaphore_mem>>) src(%arg14 : memref<32x64xbf16, #tpu.memory_space<vmem>>) dst(%dma_wait3A_196 : memref<32x64xbf16, #tpu.memory_space<vmem_shared>>)
        tpu.yield
      }) : () -> ()
      %add3A_35 = arith.constant 384 : i32
      %add3A_36 = arith.addi %mul3A_11, %add3A_35 : i32
      "tpu.region"() ({
        %run_scoped3A = tpu.sem_alloc : memref<!tpu.dma_semaphore, #tpu.memory_space<semaphore_mem>>
        %dma_start3A = arith.constant 0 : i32
        %dma_start3A_191 = tpu.memref_slice %arg16[%add3A_36, %dma_start3A] : memref<41600x64xbf16, #tpu.memory_space<vmem_shared>> -> memref<32x64xbf16, #tpu.memory_space<vmem_shared>>
        %dma_start3A_192 = arith.constant 0 : i32
        %dma_start3A_193 = tpu.memref_slice %arg16[%add3A_36, %dma_start3A_192] : memref<41600x64xbf16, #tpu.memory_space<vmem_shared>> -> memref<32x64xbf16, #tpu.memory_space<vmem_shared>>
        tpu.enqueue_dma source(%arg14 : memref<32x64xbf16, #tpu.memory_space<vmem>>) target(%dma_start3A_193 : memref<32x64xbf16, #tpu.memory_space<vmem_shared>>) target_semaphore(%run_scoped3A : memref<!tpu.dma_semaphore, #tpu.memory_space<semaphore_mem>>)
        %dma_wait3A = arith.constant 0 : i32
        %dma_wait3A_194 = tpu.memref_slice %arg16[%add3A_36, %dma_wait3A] : memref<41600x64xbf16, #tpu.memory_space<vmem_shared>> -> memref<32x64xbf16, #tpu.memory_space<vmem_shared>>
        %dma_wait3A_195 = arith.constant 0 : i32
        %dma_wait3A_196 = tpu.memref_slice %arg16[%add3A_36, %dma_wait3A_195] : memref<41600x64xbf16, #tpu.memory_space<vmem_shared>> -> memref<32x64xbf16, #tpu.memory_space<vmem_shared>>
        tpu.wait_dma2 semaphore(%run_scoped3A : memref<!tpu.dma_semaphore, #tpu.memory_space<semaphore_mem>>) src(%arg14 : memref<32x64xbf16, #tpu.memory_space<vmem>>) dst(%dma_wait3A_196 : memref<32x64xbf16, #tpu.memory_space<vmem_shared>>)
        tpu.yield
      }) : () -> ()
      %add3A_37 = arith.constant 416 : i32
      %add3A_38 = arith.addi %mul3A_11, %add3A_37 : i32
      "tpu.region"() ({
        %run_scoped3A = tpu.sem_alloc : memref<!tpu.dma_semaphore, #tpu.memory_space<semaphore_mem>>
        %dma_start3A = arith.constant 0 : i32
        %dma_start3A_191 = tpu.memref_slice %arg16[%add3A_38, %dma_start3A] : memref<41600x64xbf16, #tpu.memory_space<vmem_shared>> -> memref<32x64xbf16, #tpu.memory_space<vmem_shared>>
        %dma_start3A_192 = arith.constant 0 : i32
        %dma_start3A_193 = tpu.memref_slice %arg16[%add3A_38, %dma_start3A_192] : memref<41600x64xbf16, #tpu.memory_space<vmem_shared>> -> memref<32x64xbf16, #tpu.memory_space<vmem_shared>>
        tpu.enqueue_dma source(%arg14 : memref<32x64xbf16, #tpu.memory_space<vmem>>) target(%dma_start3A_193 : memref<32x64xbf16, #tpu.memory_space<vmem_shared>>) target_semaphore(%run_scoped3A : memref<!tpu.dma_semaphore, #tpu.memory_space<semaphore_mem>>)
        %dma_wait3A = arith.constant 0 : i32
        %dma_wait3A_194 = tpu.memref_slice %arg16[%add3A_38, %dma_wait3A] : memref<41600x64xbf16, #tpu.memory_space<vmem_shared>> -> memref<32x64xbf16, #tpu.memory_space<vmem_shared>>
        %dma_wait3A_195 = arith.constant 0 : i32
        %dma_wait3A_196 = tpu.memref_slice %arg16[%add3A_38, %dma_wait3A_195] : memref<41600x64xbf16, #tpu.memory_space<vmem_shared>> -> memref<32x64xbf16, #tpu.memory_space<vmem_shared>>
        tpu.wait_dma2 semaphore(%run_scoped3A : memref<!tpu.dma_semaphore, #tpu.memory_space<semaphore_mem>>) src(%arg14 : memref<32x64xbf16, #tpu.memory_space<vmem>>) dst(%dma_wait3A_196 : memref<32x64xbf16, #tpu.memory_space<vmem_shared>>)
        tpu.yield
      }) : () -> ()
      %add3A_39 = arith.constant 448 : i32
      %add3A_40 = arith.addi %mul3A_11, %add3A_39 : i32
      "tpu.region"() ({
        %run_scoped3A = tpu.sem_alloc : memref<!tpu.dma_semaphore, #tpu.memory_space<semaphore_mem>>
        %dma_start3A = arith.constant 0 : i32
        %dma_start3A_191 = tpu.memref_slice %arg16[%add3A_40, %dma_start3A] : memref<41600x64xbf16, #tpu.memory_space<vmem_shared>> -> memref<32x64xbf16, #tpu.memory_space<vmem_shared>>
        %dma_start3A_192 = arith.constant 0 : i32
        %dma_start3A_193 = tpu.memref_slice %arg16[%add3A_40, %dma_start3A_192] : memref<41600x64xbf16, #tpu.memory_space<vmem_shared>> -> memref<32x64xbf16, #tpu.memory_space<vmem_shared>>
        tpu.enqueue_dma source(%arg14 : memref<32x64xbf16, #tpu.memory_space<vmem>>) target(%dma_start3A_193 : memref<32x64xbf16, #tpu.memory_space<vmem_shared>>) target_semaphore(%run_scoped3A : memref<!tpu.dma_semaphore, #tpu.memory_space<semaphore_mem>>)
        %dma_wait3A = arith.constant 0 : i32
        %dma_wait3A_194 = tpu.memref_slice %arg16[%add3A_40, %dma_wait3A] : memref<41600x64xbf16, #tpu.memory_space<vmem_shared>> -> memref<32x64xbf16, #tpu.memory_space<vmem_shared>>
        %dma_wait3A_195 = arith.constant 0 : i32
        %dma_wait3A_196 = tpu.memref_slice %arg16[%add3A_40, %dma_wait3A_195] : memref<41600x64xbf16, #tpu.memory_space<vmem_shared>> -> memref<32x64xbf16, #tpu.memory_space<vmem_shared>>
        tpu.wait_dma2 semaphore(%run_scoped3A : memref<!tpu.dma_semaphore, #tpu.memory_space<semaphore_mem>>) src(%arg14 : memref<32x64xbf16, #tpu.memory_space<vmem>>) dst(%dma_wait3A_196 : memref<32x64xbf16, #tpu.memory_space<vmem_shared>>)
        tpu.yield
      }) : () -> ()
      %add3A_41 = arith.constant 480 : i32
      %add3A_42 = arith.addi %mul3A_11, %add3A_41 : i32
      "tpu.region"() ({
        %run_scoped3A = tpu.sem_alloc : memref<!tpu.dma_semaphore, #tpu.memory_space<semaphore_mem>>
        %dma_start3A = arith.constant 0 : i32
        %dma_start3A_191 = tpu.memref_slice %arg16[%add3A_42, %dma_start3A] : memref<41600x64xbf16, #tpu.memory_space<vmem_shared>> -> memref<32x64xbf16, #tpu.memory_space<vmem_shared>>
        %dma_start3A_192 = arith.constant 0 : i32
        %dma_start3A_193 = tpu.memref_slice %arg16[%add3A_42, %dma_start3A_192] : memref<41600x64xbf16, #tpu.memory_space<vmem_shared>> -> memref<32x64xbf16, #tpu.memory_space<vmem_shared>>
        tpu.enqueue_dma source(%arg14 : memref<32x64xbf16, #tpu.memory_space<vmem>>) target(%dma_start3A_193 : memref<32x64xbf16, #tpu.memory_space<vmem_shared>>) target_semaphore(%run_scoped3A : memref<!tpu.dma_semaphore, #tpu.memory_space<semaphore_mem>>)
        %dma_wait3A = arith.constant 0 : i32
        %dma_wait3A_194 = tpu.memref_slice %arg16[%add3A_42, %dma_wait3A] : memref<41600x64xbf16, #tpu.memory_space<vmem_shared>> -> memref<32x64xbf16, #tpu.memory_space<vmem_shared>>
        %dma_wait3A_195 = arith.constant 0 : i32
        %dma_wait3A_196 = tpu.memref_slice %arg16[%add3A_42, %dma_wait3A_195] : memref<41600x64xbf16, #tpu.memory_space<vmem_shared>> -> memref<32x64xbf16, #tpu.memory_space<vmem_shared>>
        tpu.wait_dma2 semaphore(%run_scoped3A : memref<!tpu.dma_semaphore, #tpu.memory_space<semaphore_mem>>) src(%arg14 : memref<32x64xbf16, #tpu.memory_space<vmem>>) dst(%dma_wait3A_196 : memref<32x64xbf16, #tpu.memory_space<vmem_shared>>)
        tpu.yield
      }) : () -> ()
      %add3A_43 = arith.constant 512 : i32
      %add3A_44 = arith.addi %mul3A_11, %add3A_43 : i32
      "tpu.region"() ({
        %run_scoped3A = tpu.sem_alloc : memref<!tpu.dma_semaphore, #tpu.memory_space<semaphore_mem>>
        %dma_start3A = arith.constant 0 : i32
        %dma_start3A_191 = tpu.memref_slice %arg16[%add3A_44, %dma_start3A] : memref<41600x64xbf16, #tpu.memory_space<vmem_shared>> -> memref<32x64xbf16, #tpu.memory_space<vmem_shared>>
        %dma_start3A_192 = arith.constant 0 : i32
        %dma_start3A_193 = tpu.memref_slice %arg16[%add3A_44, %dma_start3A_192] : memref<41600x64xbf16, #tpu.memory_space<vmem_shared>> -> memref<32x64xbf16, #tpu.memory_space<vmem_shared>>
        tpu.enqueue_dma source(%arg14 : memref<32x64xbf16, #tpu.memory_space<vmem>>) target(%dma_start3A_193 : memref<32x64xbf16, #tpu.memory_space<vmem_shared>>) target_semaphore(%run_scoped3A : memref<!tpu.dma_semaphore, #tpu.memory_space<semaphore_mem>>)
        %dma_wait3A = arith.constant 0 : i32
        %dma_wait3A_194 = tpu.memref_slice %arg16[%add3A_44, %dma_wait3A] : memref<41600x64xbf16, #tpu.memory_space<vmem_shared>> -> memref<32x64xbf16, #tpu.memory_space<vmem_shared>>
        %dma_wait3A_195 = arith.constant 0 : i32
        %dma_wait3A_196 = tpu.memref_slice %arg16[%add3A_44, %dma_wait3A_195] : memref<41600x64xbf16, #tpu.memory_space<vmem_shared>> -> memref<32x64xbf16, #tpu.memory_space<vmem_shared>>
        tpu.wait_dma2 semaphore(%run_scoped3A : memref<!tpu.dma_semaphore, #tpu.memory_space<semaphore_mem>>) src(%arg14 : memref<32x64xbf16, #tpu.memory_space<vmem>>) dst(%dma_wait3A_196 : memref<32x64xbf16, #tpu.memory_space<vmem_shared>>)
        tpu.yield
      }) : () -> ()
      %add3A_45 = arith.constant 544 : i32
      %add3A_46 = arith.addi %mul3A_11, %add3A_45 : i32
      "tpu.region"() ({
        %run_scoped3A = tpu.sem_alloc : memref<!tpu.dma_semaphore, #tpu.memory_space<semaphore_mem>>
        %dma_start3A = arith.constant 0 : i32
        %dma_start3A_191 = tpu.memref_slice %arg16[%add3A_46, %dma_start3A] : memref<41600x64xbf16, #tpu.memory_space<vmem_shared>> -> memref<32x64xbf16, #tpu.memory_space<vmem_shared>>
        %dma_start3A_192 = arith.constant 0 : i32
        %dma_start3A_193 = tpu.memref_slice %arg16[%add3A_46, %dma_start3A_192] : memref<41600x64xbf16, #tpu.memory_space<vmem_shared>> -> memref<32x64xbf16, #tpu.memory_space<vmem_shared>>
        tpu.enqueue_dma source(%arg14 : memref<32x64xbf16, #tpu.memory_space<vmem>>) target(%dma_start3A_193 : memref<32x64xbf16, #tpu.memory_space<vmem_shared>>) target_semaphore(%run_scoped3A : memref<!tpu.dma_semaphore, #tpu.memory_space<semaphore_mem>>)
        %dma_wait3A = arith.constant 0 : i32
        %dma_wait3A_194 = tpu.memref_slice %arg16[%add3A_46, %dma_wait3A] : memref<41600x64xbf16, #tpu.memory_space<vmem_shared>> -> memref<32x64xbf16, #tpu.memory_space<vmem_shared>>
        %dma_wait3A_195 = arith.constant 0 : i32
        %dma_wait3A_196 = tpu.memref_slice %arg16[%add3A_46, %dma_wait3A_195] : memref<41600x64xbf16, #tpu.memory_space<vmem_shared>> -> memref<32x64xbf16, #tpu.memory_space<vmem_shared>>
        tpu.wait_dma2 semaphore(%run_scoped3A : memref<!tpu.dma_semaphore, #tpu.memory_space<semaphore_mem>>) src(%arg14 : memref<32x64xbf16, #tpu.memory_space<vmem>>) dst(%dma_wait3A_196 : memref<32x64xbf16, #tpu.memory_space<vmem_shared>>)
        tpu.yield
      }) : () -> ()
      %add3A_47 = arith.constant 576 : i32
      %add3A_48 = arith.addi %mul3A_11, %add3A_47 : i32
      "tpu.region"() ({
        %run_scoped3A = tpu.sem_alloc : memref<!tpu.dma_semaphore, #tpu.memory_space<semaphore_mem>>
        %dma_start3A = arith.constant 0 : i32
        %dma_start3A_191 = tpu.memref_slice %arg16[%add3A_48, %dma_start3A] : memref<41600x64xbf16, #tpu.memory_space<vmem_shared>> -> memref<32x64xbf16, #tpu.memory_space<vmem_shared>>
        %dma_start3A_192 = arith.constant 0 : i32
        %dma_start3A_193 = tpu.memref_slice %arg16[%add3A_48, %dma_start3A_192] : memref<41600x64xbf16, #tpu.memory_space<vmem_shared>> -> memref<32x64xbf16, #tpu.memory_space<vmem_shared>>
        tpu.enqueue_dma source(%arg14 : memref<32x64xbf16, #tpu.memory_space<vmem>>) target(%dma_start3A_193 : memref<32x64xbf16, #tpu.memory_space<vmem_shared>>) target_semaphore(%run_scoped3A : memref<!tpu.dma_semaphore, #tpu.memory_space<semaphore_mem>>)
        %dma_wait3A = arith.constant 0 : i32
        %dma_wait3A_194 = tpu.memref_slice %arg16[%add3A_48, %dma_wait3A] : memref<41600x64xbf16, #tpu.memory_space<vmem_shared>> -> memref<32x64xbf16, #tpu.memory_space<vmem_shared>>
        %dma_wait3A_195 = arith.constant 0 : i32
        %dma_wait3A_196 = tpu.memref_slice %arg16[%add3A_48, %dma_wait3A_195] : memref<41600x64xbf16, #tpu.memory_space<vmem_shared>> -> memref<32x64xbf16, #tpu.memory_space<vmem_shared>>
        tpu.wait_dma2 semaphore(%run_scoped3A : memref<!tpu.dma_semaphore, #tpu.memory_space<semaphore_mem>>) src(%arg14 : memref<32x64xbf16, #tpu.memory_space<vmem>>) dst(%dma_wait3A_196 : memref<32x64xbf16, #tpu.memory_space<vmem_shared>>)
        tpu.yield
      }) : () -> ()
      %add3A_49 = arith.constant 608 : i32
      %add3A_50 = arith.addi %mul3A_11, %add3A_49 : i32
      "tpu.region"() ({
        %run_scoped3A = tpu.sem_alloc : memref<!tpu.dma_semaphore, #tpu.memory_space<semaphore_mem>>
        %dma_start3A = arith.constant 0 : i32
        %dma_start3A_191 = tpu.memref_slice %arg16[%add3A_50, %dma_start3A] : memref<41600x64xbf16, #tpu.memory_space<vmem_shared>> -> memref<32x64xbf16, #tpu.memory_space<vmem_shared>>
        %dma_start3A_192 = arith.constant 0 : i32
        %dma_start3A_193 = tpu.memref_slice %arg16[%add3A_50, %dma_start3A_192] : memref<41600x64xbf16, #tpu.memory_space<vmem_shared>> -> memref<32x64xbf16, #tpu.memory_space<vmem_shared>>
        tpu.enqueue_dma source(%arg14 : memref<32x64xbf16, #tpu.memory_space<vmem>>) target(%dma_start3A_193 : memref<32x64xbf16, #tpu.memory_space<vmem_shared>>) target_semaphore(%run_scoped3A : memref<!tpu.dma_semaphore, #tpu.memory_space<semaphore_mem>>)
        %dma_wait3A = arith.constant 0 : i32
        %dma_wait3A_194 = tpu.memref_slice %arg16[%add3A_50, %dma_wait3A] : memref<41600x64xbf16, #tpu.memory_space<vmem_shared>> -> memref<32x64xbf16, #tpu.memory_space<vmem_shared>>
        %dma_wait3A_195 = arith.constant 0 : i32
        %dma_wait3A_196 = tpu.memref_slice %arg16[%add3A_50, %dma_wait3A_195] : memref<41600x64xbf16, #tpu.memory_space<vmem_shared>> -> memref<32x64xbf16, #tpu.memory_space<vmem_shared>>
        tpu.wait_dma2 semaphore(%run_scoped3A : memref<!tpu.dma_semaphore, #tpu.memory_space<semaphore_mem>>) src(%arg14 : memref<32x64xbf16, #tpu.memory_space<vmem>>) dst(%dma_wait3A_196 : memref<32x64xbf16, #tpu.memory_space<vmem_shared>>)
        tpu.yield
      }) : () -> ()
      %add3A_51 = arith.constant 640 : i32
      %add3A_52 = arith.addi %mul3A_11, %add3A_51 : i32
      "tpu.region"() ({
        %run_scoped3A = tpu.sem_alloc : memref<!tpu.dma_semaphore, #tpu.memory_space<semaphore_mem>>
        %dma_start3A = arith.constant 0 : i32
        %dma_start3A_191 = tpu.memref_slice %arg16[%add3A_52, %dma_start3A] : memref<41600x64xbf16, #tpu.memory_space<vmem_shared>> -> memref<32x64xbf16, #tpu.memory_space<vmem_shared>>
        %dma_start3A_192 = arith.constant 0 : i32
        %dma_start3A_193 = tpu.memref_slice %arg16[%add3A_52, %dma_start3A_192] : memref<41600x64xbf16, #tpu.memory_space<vmem_shared>> -> memref<32x64xbf16, #tpu.memory_space<vmem_shared>>
        tpu.enqueue_dma source(%arg14 : memref<32x64xbf16, #tpu.memory_space<vmem>>) target(%dma_start3A_193 : memref<32x64xbf16, #tpu.memory_space<vmem_shared>>) target_semaphore(%run_scoped3A : memref<!tpu.dma_semaphore, #tpu.memory_space<semaphore_mem>>)
        %dma_wait3A = arith.constant 0 : i32
        %dma_wait3A_194 = tpu.memref_slice %arg16[%add3A_52, %dma_wait3A] : memref<41600x64xbf16, #tpu.memory_space<vmem_shared>> -> memref<32x64xbf16, #tpu.memory_space<vmem_shared>>
        %dma_wait3A_195 = arith.constant 0 : i32
        %dma_wait3A_196 = tpu.memref_slice %arg16[%add3A_52, %dma_wait3A_195] : memref<41600x64xbf16, #tpu.memory_space<vmem_shared>> -> memref<32x64xbf16, #tpu.memory_space<vmem_shared>>
        tpu.wait_dma2 semaphore(%run_scoped3A : memref<!tpu.dma_semaphore, #tpu.memory_space<semaphore_mem>>) src(%arg14 : memref<32x64xbf16, #tpu.memory_space<vmem>>) dst(%dma_wait3A_196 : memref<32x64xbf16, #tpu.memory_space<vmem_shared>>)
        tpu.yield
      }) : () -> ()
      %add3A_53 = arith.constant 672 : i32
      %add3A_54 = arith.addi %mul3A_11, %add3A_53 : i32
      "tpu.region"() ({
        %run_scoped3A = tpu.sem_alloc : memref<!tpu.dma_semaphore, #tpu.memory_space<semaphore_mem>>
        %dma_start3A = arith.constant 0 : i32
        %dma_start3A_191 = tpu.memref_slice %arg16[%add3A_54, %dma_start3A] : memref<41600x64xbf16, #tpu.memory_space<vmem_shared>> -> memref<32x64xbf16, #tpu.memory_space<vmem_shared>>
        %dma_start3A_192 = arith.constant 0 : i32
        %dma_start3A_193 = tpu.memref_slice %arg16[%add3A_54, %dma_start3A_192] : memref<41600x64xbf16, #tpu.memory_space<vmem_shared>> -> memref<32x64xbf16, #tpu.memory_space<vmem_shared>>
        tpu.enqueue_dma source(%arg14 : memref<32x64xbf16, #tpu.memory_space<vmem>>) target(%dma_start3A_193 : memref<32x64xbf16, #tpu.memory_space<vmem_shared>>) target_semaphore(%run_scoped3A : memref<!tpu.dma_semaphore, #tpu.memory_space<semaphore_mem>>)
        %dma_wait3A = arith.constant 0 : i32
        %dma_wait3A_194 = tpu.memref_slice %arg16[%add3A_54, %dma_wait3A] : memref<41600x64xbf16, #tpu.memory_space<vmem_shared>> -> memref<32x64xbf16, #tpu.memory_space<vmem_shared>>
        %dma_wait3A_195 = arith.constant 0 : i32
        %dma_wait3A_196 = tpu.memref_slice %arg16[%add3A_54, %dma_wait3A_195] : memref<41600x64xbf16, #tpu.memory_space<vmem_shared>> -> memref<32x64xbf16, #tpu.memory_space<vmem_shared>>
        tpu.wait_dma2 semaphore(%run_scoped3A : memref<!tpu.dma_semaphore, #tpu.memory_space<semaphore_mem>>) src(%arg14 : memref<32x64xbf16, #tpu.memory_space<vmem>>) dst(%dma_wait3A_196 : memref<32x64xbf16, #tpu.memory_space<vmem_shared>>)
        tpu.yield
      }) : () -> ()
      %add3A_55 = arith.constant 704 : i32
      %add3A_56 = arith.addi %mul3A_11, %add3A_55 : i32
      "tpu.region"() ({
        %run_scoped3A = tpu.sem_alloc : memref<!tpu.dma_semaphore, #tpu.memory_space<semaphore_mem>>
        %dma_start3A = arith.constant 0 : i32
        %dma_start3A_191 = tpu.memref_slice %arg16[%add3A_56, %dma_start3A] : memref<41600x64xbf16, #tpu.memory_space<vmem_shared>> -> memref<32x64xbf16, #tpu.memory_space<vmem_shared>>
        %dma_start3A_192 = arith.constant 0 : i32
        %dma_start3A_193 = tpu.memref_slice %arg16[%add3A_56, %dma_start3A_192] : memref<41600x64xbf16, #tpu.memory_space<vmem_shared>> -> memref<32x64xbf16, #tpu.memory_space<vmem_shared>>
        tpu.enqueue_dma source(%arg14 : memref<32x64xbf16, #tpu.memory_space<vmem>>) target(%dma_start3A_193 : memref<32x64xbf16, #tpu.memory_space<vmem_shared>>) target_semaphore(%run_scoped3A : memref<!tpu.dma_semaphore, #tpu.memory_space<semaphore_mem>>)
        %dma_wait3A = arith.constant 0 : i32
        %dma_wait3A_194 = tpu.memref_slice %arg16[%add3A_56, %dma_wait3A] : memref<41600x64xbf16, #tpu.memory_space<vmem_shared>> -> memref<32x64xbf16, #tpu.memory_space<vmem_shared>>
        %dma_wait3A_195 = arith.constant 0 : i32
        %dma_wait3A_196 = tpu.memref_slice %arg16[%add3A_56, %dma_wait3A_195] : memref<41600x64xbf16, #tpu.memory_space<vmem_shared>> -> memref<32x64xbf16, #tpu.memory_space<vmem_shared>>
        tpu.wait_dma2 semaphore(%run_scoped3A : memref<!tpu.dma_semaphore, #tpu.memory_space<semaphore_mem>>) src(%arg14 : memref<32x64xbf16, #tpu.memory_space<vmem>>) dst(%dma_wait3A_196 : memref<32x64xbf16, #tpu.memory_space<vmem_shared>>)
        tpu.yield
      }) : () -> ()
      %add3A_57 = arith.constant 736 : i32
      %add3A_58 = arith.addi %mul3A_11, %add3A_57 : i32
      "tpu.region"() ({
        %run_scoped3A = tpu.sem_alloc : memref<!tpu.dma_semaphore, #tpu.memory_space<semaphore_mem>>
        %dma_start3A = arith.constant 0 : i32
        %dma_start3A_191 = tpu.memref_slice %arg16[%add3A_58, %dma_start3A] : memref<41600x64xbf16, #tpu.memory_space<vmem_shared>> -> memref<32x64xbf16, #tpu.memory_space<vmem_shared>>
        %dma_start3A_192 = arith.constant 0 : i32
        %dma_start3A_193 = tpu.memref_slice %arg16[%add3A_58, %dma_start3A_192] : memref<41600x64xbf16, #tpu.memory_space<vmem_shared>> -> memref<32x64xbf16, #tpu.memory_space<vmem_shared>>
        tpu.enqueue_dma source(%arg14 : memref<32x64xbf16, #tpu.memory_space<vmem>>) target(%dma_start3A_193 : memref<32x64xbf16, #tpu.memory_space<vmem_shared>>) target_semaphore(%run_scoped3A : memref<!tpu.dma_semaphore, #tpu.memory_space<semaphore_mem>>)
        %dma_wait3A = arith.constant 0 : i32
        %dma_wait3A_194 = tpu.memref_slice %arg16[%add3A_58, %dma_wait3A] : memref<41600x64xbf16, #tpu.memory_space<vmem_shared>> -> memref<32x64xbf16, #tpu.memory_space<vmem_shared>>
        %dma_wait3A_195 = arith.constant 0 : i32
        %dma_wait3A_196 = tpu.memref_slice %arg16[%add3A_58, %dma_wait3A_195] : memref<41600x64xbf16, #tpu.memory_space<vmem_shared>> -> memref<32x64xbf16, #tpu.memory_space<vmem_shared>>
        tpu.wait_dma2 semaphore(%run_scoped3A : memref<!tpu.dma_semaphore, #tpu.memory_space<semaphore_mem>>) src(%arg14 : memref<32x64xbf16, #tpu.memory_space<vmem>>) dst(%dma_wait3A_196 : memref<32x64xbf16, #tpu.memory_space<vmem_shared>>)
        tpu.yield
      }) : () -> ()
      %add3A_59 = arith.constant 768 : i32
      %add3A_60 = arith.addi %mul3A_11, %add3A_59 : i32
      "tpu.region"() ({
        %run_scoped3A = tpu.sem_alloc : memref<!tpu.dma_semaphore, #tpu.memory_space<semaphore_mem>>
        %dma_start3A = arith.constant 0 : i32
        %dma_start3A_191 = tpu.memref_slice %arg16[%add3A_60, %dma_start3A] : memref<41600x64xbf16, #tpu.memory_space<vmem_shared>> -> memref<32x64xbf16, #tpu.memory_space<vmem_shared>>
        %dma_start3A_192 = arith.constant 0 : i32
        %dma_start3A_193 = tpu.memref_slice %arg16[%add3A_60, %dma_start3A_192] : memref<41600x64xbf16, #tpu.memory_space<vmem_shared>> -> memref<32x64xbf16, #tpu.memory_space<vmem_shared>>
        tpu.enqueue_dma source(%arg14 : memref<32x64xbf16, #tpu.memory_space<vmem>>) target(%dma_start3A_193 : memref<32x64xbf16, #tpu.memory_space<vmem_shared>>) target_semaphore(%run_scoped3A : memref<!tpu.dma_semaphore, #tpu.memory_space<semaphore_mem>>)
        %dma_wait3A = arith.constant 0 : i32
        %dma_wait3A_194 = tpu.memref_slice %arg16[%add3A_60, %dma_wait3A] : memref<41600x64xbf16, #tpu.memory_space<vmem_shared>> -> memref<32x64xbf16, #tpu.memory_space<vmem_shared>>
        %dma_wait3A_195 = arith.constant 0 : i32
        %dma_wait3A_196 = tpu.memref_slice %arg16[%add3A_60, %dma_wait3A_195] : memref<41600x64xbf16, #tpu.memory_space<vmem_shared>> -> memref<32x64xbf16, #tpu.memory_space<vmem_shared>>
        tpu.wait_dma2 semaphore(%run_scoped3A : memref<!tpu.dma_semaphore, #tpu.memory_space<semaphore_mem>>) src(%arg14 : memref<32x64xbf16, #tpu.memory_space<vmem>>) dst(%dma_wait3A_196 : memref<32x64xbf16, #tpu.memory_space<vmem_shared>>)
        tpu.yield
      }) : () -> ()
      %add3A_61 = arith.constant 800 : i32
      %add3A_62 = arith.addi %mul3A_11, %add3A_61 : i32
      "tpu.region"() ({
        %run_scoped3A = tpu.sem_alloc : memref<!tpu.dma_semaphore, #tpu.memory_space<semaphore_mem>>
        %dma_start3A = arith.constant 0 : i32
        %dma_start3A_191 = tpu.memref_slice %arg16[%add3A_62, %dma_start3A] : memref<41600x64xbf16, #tpu.memory_space<vmem_shared>> -> memref<32x64xbf16, #tpu.memory_space<vmem_shared>>
        %dma_start3A_192 = arith.constant 0 : i32
        %dma_start3A_193 = tpu.memref_slice %arg16[%add3A_62, %dma_start3A_192] : memref<41600x64xbf16, #tpu.memory_space<vmem_shared>> -> memref<32x64xbf16, #tpu.memory_space<vmem_shared>>
        tpu.enqueue_dma source(%arg14 : memref<32x64xbf16, #tpu.memory_space<vmem>>) target(%dma_start3A_193 : memref<32x64xbf16, #tpu.memory_space<vmem_shared>>) target_semaphore(%run_scoped3A : memref<!tpu.dma_semaphore, #tpu.memory_space<semaphore_mem>>)
        %dma_wait3A = arith.constant 0 : i32
        %dma_wait3A_194 = tpu.memref_slice %arg16[%add3A_62, %dma_wait3A] : memref<41600x64xbf16, #tpu.memory_space<vmem_shared>> -> memref<32x64xbf16, #tpu.memory_space<vmem_shared>>
        %dma_wait3A_195 = arith.constant 0 : i32
        %dma_wait3A_196 = tpu.memref_slice %arg16[%add3A_62, %dma_wait3A_195] : memref<41600x64xbf16, #tpu.memory_space<vmem_shared>> -> memref<32x64xbf16, #tpu.memory_space<vmem_shared>>
        tpu.wait_dma2 semaphore(%run_scoped3A : memref<!tpu.dma_semaphore, #tpu.memory_space<semaphore_mem>>) src(%arg14 : memref<32x64xbf16, #tpu.memory_space<vmem>>) dst(%dma_wait3A_196 : memref<32x64xbf16, #tpu.memory_space<vmem_shared>>)
        tpu.yield
      }) : () -> ()
      %add3A_63 = arith.constant 832 : i32
      %add3A_64 = arith.addi %mul3A_11, %add3A_63 : i32
      "tpu.region"() ({
        %run_scoped3A = tpu.sem_alloc : memref<!tpu.dma_semaphore, #tpu.memory_space<semaphore_mem>>
        %dma_start3A = arith.constant 0 : i32
        %dma_start3A_191 = tpu.memref_slice %arg16[%add3A_64, %dma_start3A] : memref<41600x64xbf16, #tpu.memory_space<vmem_shared>> -> memref<32x64xbf16, #tpu.memory_space<vmem_shared>>
        %dma_start3A_192 = arith.constant 0 : i32
        %dma_start3A_193 = tpu.memref_slice %arg16[%add3A_64, %dma_start3A_192] : memref<41600x64xbf16, #tpu.memory_space<vmem_shared>> -> memref<32x64xbf16, #tpu.memory_space<vmem_shared>>
        tpu.enqueue_dma source(%arg14 : memref<32x64xbf16, #tpu.memory_space<vmem>>) target(%dma_start3A_193 : memref<32x64xbf16, #tpu.memory_space<vmem_shared>>) target_semaphore(%run_scoped3A : memref<!tpu.dma_semaphore, #tpu.memory_space<semaphore_mem>>)
        %dma_wait3A = arith.constant 0 : i32
        %dma_wait3A_194 = tpu.memref_slice %arg16[%add3A_64, %dma_wait3A] : memref<41600x64xbf16, #tpu.memory_space<vmem_shared>> -> memref<32x64xbf16, #tpu.memory_space<vmem_shared>>
        %dma_wait3A_195 = arith.constant 0 : i32
        %dma_wait3A_196 = tpu.memref_slice %arg16[%add3A_64, %dma_wait3A_195] : memref<41600x64xbf16, #tpu.memory_space<vmem_shared>> -> memref<32x64xbf16, #tpu.memory_space<vmem_shared>>
        tpu.wait_dma2 semaphore(%run_scoped3A : memref<!tpu.dma_semaphore, #tpu.memory_space<semaphore_mem>>) src(%arg14 : memref<32x64xbf16, #tpu.memory_space<vmem>>) dst(%dma_wait3A_196 : memref<32x64xbf16, #tpu.memory_space<vmem_shared>>)
        tpu.yield
      }) : () -> ()
      %add3A_65 = arith.constant 864 : i32
      %add3A_66 = arith.addi %mul3A_11, %add3A_65 : i32
      "tpu.region"() ({
        %run_scoped3A = tpu.sem_alloc : memref<!tpu.dma_semaphore, #tpu.memory_space<semaphore_mem>>
        %dma_start3A = arith.constant 0 : i32
        %dma_start3A_191 = tpu.memref_slice %arg16[%add3A_66, %dma_start3A] : memref<41600x64xbf16, #tpu.memory_space<vmem_shared>> -> memref<32x64xbf16, #tpu.memory_space<vmem_shared>>
        %dma_start3A_192 = arith.constant 0 : i32
        %dma_start3A_193 = tpu.memref_slice %arg16[%add3A_66, %dma_start3A_192] : memref<41600x64xbf16, #tpu.memory_space<vmem_shared>> -> memref<32x64xbf16, #tpu.memory_space<vmem_shared>>
        tpu.enqueue_dma source(%arg14 : memref<32x64xbf16, #tpu.memory_space<vmem>>) target(%dma_start3A_193 : memref<32x64xbf16, #tpu.memory_space<vmem_shared>>) target_semaphore(%run_scoped3A : memref<!tpu.dma_semaphore, #tpu.memory_space<semaphore_mem>>)
        %dma_wait3A = arith.constant 0 : i32
        %dma_wait3A_194 = tpu.memref_slice %arg16[%add3A_66, %dma_wait3A] : memref<41600x64xbf16, #tpu.memory_space<vmem_shared>> -> memref<32x64xbf16, #tpu.memory_space<vmem_shared>>
        %dma_wait3A_195 = arith.constant 0 : i32
        %dma_wait3A_196 = tpu.memref_slice %arg16[%add3A_66, %dma_wait3A_195] : memref<41600x64xbf16, #tpu.memory_space<vmem_shared>> -> memref<32x64xbf16, #tpu.memory_space<vmem_shared>>
        tpu.wait_dma2 semaphore(%run_scoped3A : memref<!tpu.dma_semaphore, #tpu.memory_space<semaphore_mem>>) src(%arg14 : memref<32x64xbf16, #tpu.memory_space<vmem>>) dst(%dma_wait3A_196 : memref<32x64xbf16, #tpu.memory_space<vmem_shared>>)
        tpu.yield
      }) : () -> ()
      %add3A_67 = arith.constant 896 : i32
      %add3A_68 = arith.addi %mul3A_11, %add3A_67 : i32
      "tpu.region"() ({
        %run_scoped3A = tpu.sem_alloc : memref<!tpu.dma_semaphore, #tpu.memory_space<semaphore_mem>>
        %dma_start3A = arith.constant 0 : i32
        %dma_start3A_191 = tpu.memref_slice %arg16[%add3A_68, %dma_start3A] : memref<41600x64xbf16, #tpu.memory_space<vmem_shared>> -> memref<32x64xbf16, #tpu.memory_space<vmem_shared>>
        %dma_start3A_192 = arith.constant 0 : i32
        %dma_start3A_193 = tpu.memref_slice %arg16[%add3A_68, %dma_start3A_192] : memref<41600x64xbf16, #tpu.memory_space<vmem_shared>> -> memref<32x64xbf16, #tpu.memory_space<vmem_shared>>
        tpu.enqueue_dma source(%arg14 : memref<32x64xbf16, #tpu.memory_space<vmem>>) target(%dma_start3A_193 : memref<32x64xbf16, #tpu.memory_space<vmem_shared>>) target_semaphore(%run_scoped3A : memref<!tpu.dma_semaphore, #tpu.memory_space<semaphore_mem>>)
        %dma_wait3A = arith.constant 0 : i32
        %dma_wait3A_194 = tpu.memref_slice %arg16[%add3A_68, %dma_wait3A] : memref<41600x64xbf16, #tpu.memory_space<vmem_shared>> -> memref<32x64xbf16, #tpu.memory_space<vmem_shared>>
        %dma_wait3A_195 = arith.constant 0 : i32
        %dma_wait3A_196 = tpu.memref_slice %arg16[%add3A_68, %dma_wait3A_195] : memref<41600x64xbf16, #tpu.memory_space<vmem_shared>> -> memref<32x64xbf16, #tpu.memory_space<vmem_shared>>
        tpu.wait_dma2 semaphore(%run_scoped3A : memref<!tpu.dma_semaphore, #tpu.memory_space<semaphore_mem>>) src(%arg14 : memref<32x64xbf16, #tpu.memory_space<vmem>>) dst(%dma_wait3A_196 : memref<32x64xbf16, #tpu.memory_space<vmem_shared>>)
        tpu.yield
      }) : () -> ()
      %add3A_69 = arith.constant 928 : i32
      %add3A_70 = arith.addi %mul3A_11, %add3A_69 : i32
      "tpu.region"() ({
        %run_scoped3A = tpu.sem_alloc : memref<!tpu.dma_semaphore, #tpu.memory_space<semaphore_mem>>
        %dma_start3A = arith.constant 0 : i32
        %dma_start3A_191 = tpu.memref_slice %arg16[%add3A_70, %dma_start3A] : memref<41600x64xbf16, #tpu.memory_space<vmem_shared>> -> memref<32x64xbf16, #tpu.memory_space<vmem_shared>>
        %dma_start3A_192 = arith.constant 0 : i32
        %dma_start3A_193 = tpu.memref_slice %arg16[%add3A_70, %dma_start3A_192] : memref<41600x64xbf16, #tpu.memory_space<vmem_shared>> -> memref<32x64xbf16, #tpu.memory_space<vmem_shared>>
        tpu.enqueue_dma source(%arg14 : memref<32x64xbf16, #tpu.memory_space<vmem>>) target(%dma_start3A_193 : memref<32x64xbf16, #tpu.memory_space<vmem_shared>>) target_semaphore(%run_scoped3A : memref<!tpu.dma_semaphore, #tpu.memory_space<semaphore_mem>>)
        %dma_wait3A = arith.constant 0 : i32
        %dma_wait3A_194 = tpu.memref_slice %arg16[%add3A_70, %dma_wait3A] : memref<41600x64xbf16, #tpu.memory_space<vmem_shared>> -> memref<32x64xbf16, #tpu.memory_space<vmem_shared>>
        %dma_wait3A_195 = arith.constant 0 : i32
        %dma_wait3A_196 = tpu.memref_slice %arg16[%add3A_70, %dma_wait3A_195] : memref<41600x64xbf16, #tpu.memory_space<vmem_shared>> -> memref<32x64xbf16, #tpu.memory_space<vmem_shared>>
        tpu.wait_dma2 semaphore(%run_scoped3A : memref<!tpu.dma_semaphore, #tpu.memory_space<semaphore_mem>>) src(%arg14 : memref<32x64xbf16, #tpu.memory_space<vmem>>) dst(%dma_wait3A_196 : memref<32x64xbf16, #tpu.memory_space<vmem_shared>>)
        tpu.yield
      }) : () -> ()
      %add3A_71 = arith.constant 960 : i32
      %add3A_72 = arith.addi %mul3A_11, %add3A_71 : i32
      "tpu.region"() ({
        %run_scoped3A = tpu.sem_alloc : memref<!tpu.dma_semaphore, #tpu.memory_space<semaphore_mem>>
        %dma_start3A = arith.constant 0 : i32
        %dma_start3A_191 = tpu.memref_slice %arg16[%add3A_72, %dma_start3A] : memref<41600x64xbf16, #tpu.memory_space<vmem_shared>> -> memref<32x64xbf16, #tpu.memory_space<vmem_shared>>
        %dma_start3A_192 = arith.constant 0 : i32
        %dma_start3A_193 = tpu.memref_slice %arg16[%add3A_72, %dma_start3A_192] : memref<41600x64xbf16, #tpu.memory_space<vmem_shared>> -> memref<32x64xbf16, #tpu.memory_space<vmem_shared>>
        tpu.enqueue_dma source(%arg14 : memref<32x64xbf16, #tpu.memory_space<vmem>>) target(%dma_start3A_193 : memref<32x64xbf16, #tpu.memory_space<vmem_shared>>) target_semaphore(%run_scoped3A : memref<!tpu.dma_semaphore, #tpu.memory_space<semaphore_mem>>)
        %dma_wait3A = arith.constant 0 : i32
        %dma_wait3A_194 = tpu.memref_slice %arg16[%add3A_72, %dma_wait3A] : memref<41600x64xbf16, #tpu.memory_space<vmem_shared>> -> memref<32x64xbf16, #tpu.memory_space<vmem_shared>>
        %dma_wait3A_195 = arith.constant 0 : i32
        %dma_wait3A_196 = tpu.memref_slice %arg16[%add3A_72, %dma_wait3A_195] : memref<41600x64xbf16, #tpu.memory_space<vmem_shared>> -> memref<32x64xbf16, #tpu.memory_space<vmem_shared>>
        tpu.wait_dma2 semaphore(%run_scoped3A : memref<!tpu.dma_semaphore, #tpu.memory_space<semaphore_mem>>) src(%arg14 : memref<32x64xbf16, #tpu.memory_space<vmem>>) dst(%dma_wait3A_196 : memref<32x64xbf16, #tpu.memory_space<vmem_shared>>)
        tpu.yield
      }) : () -> ()
      %add3A_73 = arith.constant 992 : i32
      %add3A_74 = arith.addi %mul3A_11, %add3A_73 : i32
      "tpu.region"() ({
        %run_scoped3A = tpu.sem_alloc : memref<!tpu.dma_semaphore, #tpu.memory_space<semaphore_mem>>
        %dma_start3A = arith.constant 0 : i32
        %dma_start3A_191 = tpu.memref_slice %arg16[%add3A_74, %dma_start3A] : memref<41600x64xbf16, #tpu.memory_space<vmem_shared>> -> memref<32x64xbf16, #tpu.memory_space<vmem_shared>>
        %dma_start3A_192 = arith.constant 0 : i32
        %dma_start3A_193 = tpu.memref_slice %arg16[%add3A_74, %dma_start3A_192] : memref<41600x64xbf16, #tpu.memory_space<vmem_shared>> -> memref<32x64xbf16, #tpu.memory_space<vmem_shared>>
        tpu.enqueue_dma source(%arg14 : memref<32x64xbf16, #tpu.memory_space<vmem>>) target(%dma_start3A_193 : memref<32x64xbf16, #tpu.memory_space<vmem_shared>>) target_semaphore(%run_scoped3A : memref<!tpu.dma_semaphore, #tpu.memory_space<semaphore_mem>>)
        %dma_wait3A = arith.constant 0 : i32
        %dma_wait3A_194 = tpu.memref_slice %arg16[%add3A_74, %dma_wait3A] : memref<41600x64xbf16, #tpu.memory_space<vmem_shared>> -> memref<32x64xbf16, #tpu.memory_space<vmem_shared>>
        %dma_wait3A_195 = arith.constant 0 : i32
        %dma_wait3A_196 = tpu.memref_slice %arg16[%add3A_74, %dma_wait3A_195] : memref<41600x64xbf16, #tpu.memory_space<vmem_shared>> -> memref<32x64xbf16, #tpu.memory_space<vmem_shared>>
        tpu.wait_dma2 semaphore(%run_scoped3A : memref<!tpu.dma_semaphore, #tpu.memory_space<semaphore_mem>>) src(%arg14 : memref<32x64xbf16, #tpu.memory_space<vmem>>) dst(%dma_wait3A_196 : memref<32x64xbf16, #tpu.memory_space<vmem_shared>>)
        tpu.yield
      }) : () -> ()
      %add3A_75 = arith.constant 1024 : i32
      %add3A_76 = arith.addi %mul3A_11, %add3A_75 : i32
      "tpu.region"() ({
        %run_scoped3A = tpu.sem_alloc : memref<!tpu.dma_semaphore, #tpu.memory_space<semaphore_mem>>
        %dma_start3A = arith.constant 0 : i32
        %dma_start3A_191 = tpu.memref_slice %arg16[%add3A_76, %dma_start3A] : memref<41600x64xbf16, #tpu.memory_space<vmem_shared>> -> memref<32x64xbf16, #tpu.memory_space<vmem_shared>>
        %dma_start3A_192 = arith.constant 0 : i32
        %dma_start3A_193 = tpu.memref_slice %arg16[%add3A_76, %dma_start3A_192] : memref<41600x64xbf16, #tpu.memory_space<vmem_shared>> -> memref<32x64xbf16, #tpu.memory_space<vmem_shared>>
        tpu.enqueue_dma source(%arg14 : memref<32x64xbf16, #tpu.memory_space<vmem>>) target(%dma_start3A_193 : memref<32x64xbf16, #tpu.memory_space<vmem_shared>>) target_semaphore(%run_scoped3A : memref<!tpu.dma_semaphore, #tpu.memory_space<semaphore_mem>>)
        %dma_wait3A = arith.constant 0 : i32
        %dma_wait3A_194 = tpu.memref_slice %arg16[%add3A_76, %dma_wait3A] : memref<41600x64xbf16, #tpu.memory_space<vmem_shared>> -> memref<32x64xbf16, #tpu.memory_space<vmem_shared>>
        %dma_wait3A_195 = arith.constant 0 : i32
        %dma_wait3A_196 = tpu.memref_slice %arg16[%add3A_76, %dma_wait3A_195] : memref<41600x64xbf16, #tpu.memory_space<vmem_shared>> -> memref<32x64xbf16, #tpu.memory_space<vmem_shared>>
        tpu.wait_dma2 semaphore(%run_scoped3A : memref<!tpu.dma_semaphore, #tpu.memory_space<semaphore_mem>>) src(%arg14 : memref<32x64xbf16, #tpu.memory_space<vmem>>) dst(%dma_wait3A_196 : memref<32x64xbf16, #tpu.memory_space<vmem_shared>>)
        tpu.yield
      }) : () -> ()
      %add3A_77 = arith.constant 1056 : i32
      %add3A_78 = arith.addi %mul3A_11, %add3A_77 : i32
      "tpu.region"() ({
        %run_scoped3A = tpu.sem_alloc : memref<!tpu.dma_semaphore, #tpu.memory_space<semaphore_mem>>
        %dma_start3A = arith.constant 0 : i32
        %dma_start3A_191 = tpu.memref_slice %arg16[%add3A_78, %dma_start3A] : memref<41600x64xbf16, #tpu.memory_space<vmem_shared>> -> memref<32x64xbf16, #tpu.memory_space<vmem_shared>>
        %dma_start3A_192 = arith.constant 0 : i32
        %dma_start3A_193 = tpu.memref_slice %arg16[%add3A_78, %dma_start3A_192] : memref<41600x64xbf16, #tpu.memory_space<vmem_shared>> -> memref<32x64xbf16, #tpu.memory_space<vmem_shared>>
        tpu.enqueue_dma source(%arg14 : memref<32x64xbf16, #tpu.memory_space<vmem>>) target(%dma_start3A_193 : memref<32x64xbf16, #tpu.memory_space<vmem_shared>>) target_semaphore(%run_scoped3A : memref<!tpu.dma_semaphore, #tpu.memory_space<semaphore_mem>>)
        %dma_wait3A = arith.constant 0 : i32
        %dma_wait3A_194 = tpu.memref_slice %arg16[%add3A_78, %dma_wait3A] : memref<41600x64xbf16, #tpu.memory_space<vmem_shared>> -> memref<32x64xbf16, #tpu.memory_space<vmem_shared>>
        %dma_wait3A_195 = arith.constant 0 : i32
        %dma_wait3A_196 = tpu.memref_slice %arg16[%add3A_78, %dma_wait3A_195] : memref<41600x64xbf16, #tpu.memory_space<vmem_shared>> -> memref<32x64xbf16, #tpu.memory_space<vmem_shared>>
        tpu.wait_dma2 semaphore(%run_scoped3A : memref<!tpu.dma_semaphore, #tpu.memory_space<semaphore_mem>>) src(%arg14 : memref<32x64xbf16, #tpu.memory_space<vmem>>) dst(%dma_wait3A_196 : memref<32x64xbf16, #tpu.memory_space<vmem_shared>>)
        tpu.yield
      }) : () -> ()
      %add3A_79 = arith.constant 1088 : i32
      %add3A_80 = arith.addi %mul3A_11, %add3A_79 : i32
      "tpu.region"() ({
        %run_scoped3A = tpu.sem_alloc : memref<!tpu.dma_semaphore, #tpu.memory_space<semaphore_mem>>
        %dma_start3A = arith.constant 0 : i32
        %dma_start3A_191 = tpu.memref_slice %arg16[%add3A_80, %dma_start3A] : memref<41600x64xbf16, #tpu.memory_space<vmem_shared>> -> memref<32x64xbf16, #tpu.memory_space<vmem_shared>>
        %dma_start3A_192 = arith.constant 0 : i32
        %dma_start3A_193 = tpu.memref_slice %arg16[%add3A_80, %dma_start3A_192] : memref<41600x64xbf16, #tpu.memory_space<vmem_shared>> -> memref<32x64xbf16, #tpu.memory_space<vmem_shared>>
        tpu.enqueue_dma source(%arg14 : memref<32x64xbf16, #tpu.memory_space<vmem>>) target(%dma_start3A_193 : memref<32x64xbf16, #tpu.memory_space<vmem_shared>>) target_semaphore(%run_scoped3A : memref<!tpu.dma_semaphore, #tpu.memory_space<semaphore_mem>>)
        %dma_wait3A = arith.constant 0 : i32
        %dma_wait3A_194 = tpu.memref_slice %arg16[%add3A_80, %dma_wait3A] : memref<41600x64xbf16, #tpu.memory_space<vmem_shared>> -> memref<32x64xbf16, #tpu.memory_space<vmem_shared>>
        %dma_wait3A_195 = arith.constant 0 : i32
        %dma_wait3A_196 = tpu.memref_slice %arg16[%add3A_80, %dma_wait3A_195] : memref<41600x64xbf16, #tpu.memory_space<vmem_shared>> -> memref<32x64xbf16, #tpu.memory_space<vmem_shared>>
        tpu.wait_dma2 semaphore(%run_scoped3A : memref<!tpu.dma_semaphore, #tpu.memory_space<semaphore_mem>>) src(%arg14 : memref<32x64xbf16, #tpu.memory_space<vmem>>) dst(%dma_wait3A_196 : memref<32x64xbf16, #tpu.memory_space<vmem_shared>>)
        tpu.yield
      }) : () -> ()
      %add3A_81 = arith.constant 1120 : i32
      %add3A_82 = arith.addi %mul3A_11, %add3A_81 : i32
      "tpu.region"() ({
        %run_scoped3A = tpu.sem_alloc : memref<!tpu.dma_semaphore, #tpu.memory_space<semaphore_mem>>
        %dma_start3A = arith.constant 0 : i32
        %dma_start3A_191 = tpu.memref_slice %arg16[%add3A_82, %dma_start3A] : memref<41600x64xbf16, #tpu.memory_space<vmem_shared>> -> memref<32x64xbf16, #tpu.memory_space<vmem_shared>>
        %dma_start3A_192 = arith.constant 0 : i32
        %dma_start3A_193 = tpu.memref_slice %arg16[%add3A_82, %dma_start3A_192] : memref<41600x64xbf16, #tpu.memory_space<vmem_shared>> -> memref<32x64xbf16, #tpu.memory_space<vmem_shared>>
        tpu.enqueue_dma source(%arg14 : memref<32x64xbf16, #tpu.memory_space<vmem>>) target(%dma_start3A_193 : memref<32x64xbf16, #tpu.memory_space<vmem_shared>>) target_semaphore(%run_scoped3A : memref<!tpu.dma_semaphore, #tpu.memory_space<semaphore_mem>>)
        %dma_wait3A = arith.constant 0 : i32
        %dma_wait3A_194 = tpu.memref_slice %arg16[%add3A_82, %dma_wait3A] : memref<41600x64xbf16, #tpu.memory_space<vmem_shared>> -> memref<32x64xbf16, #tpu.memory_space<vmem_shared>>
        %dma_wait3A_195 = arith.constant 0 : i32
        %dma_wait3A_196 = tpu.memref_slice %arg16[%add3A_82, %dma_wait3A_195] : memref<41600x64xbf16, #tpu.memory_space<vmem_shared>> -> memref<32x64xbf16, #tpu.memory_space<vmem_shared>>
        tpu.wait_dma2 semaphore(%run_scoped3A : memref<!tpu.dma_semaphore, #tpu.memory_space<semaphore_mem>>) src(%arg14 : memref<32x64xbf16, #tpu.memory_space<vmem>>) dst(%dma_wait3A_196 : memref<32x64xbf16, #tpu.memory_space<vmem_shared>>)
        tpu.yield
      }) : () -> ()
      %add3A_83 = arith.constant 1152 : i32
      %add3A_84 = arith.addi %mul3A_11, %add3A_83 : i32
      "tpu.region"() ({
        %run_scoped3A = tpu.sem_alloc : memref<!tpu.dma_semaphore, #tpu.memory_space<semaphore_mem>>
        %dma_start3A = arith.constant 0 : i32
        %dma_start3A_191 = tpu.memref_slice %arg16[%add3A_84, %dma_start3A] : memref<41600x64xbf16, #tpu.memory_space<vmem_shared>> -> memref<32x64xbf16, #tpu.memory_space<vmem_shared>>
        %dma_start3A_192 = arith.constant 0 : i32
        %dma_start3A_193 = tpu.memref_slice %arg16[%add3A_84, %dma_start3A_192] : memref<41600x64xbf16, #tpu.memory_space<vmem_shared>> -> memref<32x64xbf16, #tpu.memory_space<vmem_shared>>
        tpu.enqueue_dma source(%arg14 : memref<32x64xbf16, #tpu.memory_space<vmem>>) target(%dma_start3A_193 : memref<32x64xbf16, #tpu.memory_space<vmem_shared>>) target_semaphore(%run_scoped3A : memref<!tpu.dma_semaphore, #tpu.memory_space<semaphore_mem>>)
        %dma_wait3A = arith.constant 0 : i32
        %dma_wait3A_194 = tpu.memref_slice %arg16[%add3A_84, %dma_wait3A] : memref<41600x64xbf16, #tpu.memory_space<vmem_shared>> -> memref<32x64xbf16, #tpu.memory_space<vmem_shared>>
        %dma_wait3A_195 = arith.constant 0 : i32
        %dma_wait3A_196 = tpu.memref_slice %arg16[%add3A_84, %dma_wait3A_195] : memref<41600x64xbf16, #tpu.memory_space<vmem_shared>> -> memref<32x64xbf16, #tpu.memory_space<vmem_shared>>
        tpu.wait_dma2 semaphore(%run_scoped3A : memref<!tpu.dma_semaphore, #tpu.memory_space<semaphore_mem>>) src(%arg14 : memref<32x64xbf16, #tpu.memory_space<vmem>>) dst(%dma_wait3A_196 : memref<32x64xbf16, #tpu.memory_space<vmem_shared>>)
        tpu.yield
      }) : () -> ()
      %add3A_85 = arith.constant 1184 : i32
      %add3A_86 = arith.addi %mul3A_11, %add3A_85 : i32
      "tpu.region"() ({
        %run_scoped3A = tpu.sem_alloc : memref<!tpu.dma_semaphore, #tpu.memory_space<semaphore_mem>>
        %dma_start3A = arith.constant 0 : i32
        %dma_start3A_191 = tpu.memref_slice %arg16[%add3A_86, %dma_start3A] : memref<41600x64xbf16, #tpu.memory_space<vmem_shared>> -> memref<32x64xbf16, #tpu.memory_space<vmem_shared>>
        %dma_start3A_192 = arith.constant 0 : i32
        %dma_start3A_193 = tpu.memref_slice %arg16[%add3A_86, %dma_start3A_192] : memref<41600x64xbf16, #tpu.memory_space<vmem_shared>> -> memref<32x64xbf16, #tpu.memory_space<vmem_shared>>
        tpu.enqueue_dma source(%arg14 : memref<32x64xbf16, #tpu.memory_space<vmem>>) target(%dma_start3A_193 : memref<32x64xbf16, #tpu.memory_space<vmem_shared>>) target_semaphore(%run_scoped3A : memref<!tpu.dma_semaphore, #tpu.memory_space<semaphore_mem>>)
        %dma_wait3A = arith.constant 0 : i32
        %dma_wait3A_194 = tpu.memref_slice %arg16[%add3A_86, %dma_wait3A] : memref<41600x64xbf16, #tpu.memory_space<vmem_shared>> -> memref<32x64xbf16, #tpu.memory_space<vmem_shared>>
        %dma_wait3A_195 = arith.constant 0 : i32
        %dma_wait3A_196 = tpu.memref_slice %arg16[%add3A_86, %dma_wait3A_195] : memref<41600x64xbf16, #tpu.memory_space<vmem_shared>> -> memref<32x64xbf16, #tpu.memory_space<vmem_shared>>
        tpu.wait_dma2 semaphore(%run_scoped3A : memref<!tpu.dma_semaphore, #tpu.memory_space<semaphore_mem>>) src(%arg14 : memref<32x64xbf16, #tpu.memory_space<vmem>>) dst(%dma_wait3A_196 : memref<32x64xbf16, #tpu.memory_space<vmem_shared>>)
        tpu.yield
      }) : () -> ()
      %add3A_87 = arith.constant 1216 : i32
      %add3A_88 = arith.addi %mul3A_11, %add3A_87 : i32
      "tpu.region"() ({
        %run_scoped3A = tpu.sem_alloc : memref<!tpu.dma_semaphore, #tpu.memory_space<semaphore_mem>>
        %dma_start3A = arith.constant 0 : i32
        %dma_start3A_191 = tpu.memref_slice %arg16[%add3A_88, %dma_start3A] : memref<41600x64xbf16, #tpu.memory_space<vmem_shared>> -> memref<32x64xbf16, #tpu.memory_space<vmem_shared>>
        %dma_start3A_192 = arith.constant 0 : i32
        %dma_start3A_193 = tpu.memref_slice %arg16[%add3A_88, %dma_start3A_192] : memref<41600x64xbf16, #tpu.memory_space<vmem_shared>> -> memref<32x64xbf16, #tpu.memory_space<vmem_shared>>
        tpu.enqueue_dma source(%arg14 : memref<32x64xbf16, #tpu.memory_space<vmem>>) target(%dma_start3A_193 : memref<32x64xbf16, #tpu.memory_space<vmem_shared>>) target_semaphore(%run_scoped3A : memref<!tpu.dma_semaphore, #tpu.memory_space<semaphore_mem>>)
        %dma_wait3A = arith.constant 0 : i32
        %dma_wait3A_194 = tpu.memref_slice %arg16[%add3A_88, %dma_wait3A] : memref<41600x64xbf16, #tpu.memory_space<vmem_shared>> -> memref<32x64xbf16, #tpu.memory_space<vmem_shared>>
        %dma_wait3A_195 = arith.constant 0 : i32
        %dma_wait3A_196 = tpu.memref_slice %arg16[%add3A_88, %dma_wait3A_195] : memref<41600x64xbf16, #tpu.memory_space<vmem_shared>> -> memref<32x64xbf16, #tpu.memory_space<vmem_shared>>
        tpu.wait_dma2 semaphore(%run_scoped3A : memref<!tpu.dma_semaphore, #tpu.memory_space<semaphore_mem>>) src(%arg14 : memref<32x64xbf16, #tpu.memory_space<vmem>>) dst(%dma_wait3A_196 : memref<32x64xbf16, #tpu.memory_space<vmem_shared>>)
        tpu.yield
      }) : () -> ()
      %add3A_89 = arith.constant 1248 : i32
      %add3A_90 = arith.addi %mul3A_11, %add3A_89 : i32
      "tpu.region"() ({
        %run_scoped3A = tpu.sem_alloc : memref<!tpu.dma_semaphore, #tpu.memory_space<semaphore_mem>>
        %dma_start3A = arith.constant 0 : i32
        %dma_start3A_191 = tpu.memref_slice %arg16[%add3A_90, %dma_start3A] : memref<41600x64xbf16, #tpu.memory_space<vmem_shared>> -> memref<32x64xbf16, #tpu.memory_space<vmem_shared>>
        %dma_start3A_192 = arith.constant 0 : i32
        %dma_start3A_193 = tpu.memref_slice %arg16[%add3A_90, %dma_start3A_192] : memref<41600x64xbf16, #tpu.memory_space<vmem_shared>> -> memref<32x64xbf16, #tpu.memory_space<vmem_shared>>
        tpu.enqueue_dma source(%arg14 : memref<32x64xbf16, #tpu.memory_space<vmem>>) target(%dma_start3A_193 : memref<32x64xbf16, #tpu.memory_space<vmem_shared>>) target_semaphore(%run_scoped3A : memref<!tpu.dma_semaphore, #tpu.memory_space<semaphore_mem>>)
        %dma_wait3A = arith.constant 0 : i32
        %dma_wait3A_194 = tpu.memref_slice %arg16[%add3A_90, %dma_wait3A] : memref<41600x64xbf16, #tpu.memory_space<vmem_shared>> -> memref<32x64xbf16, #tpu.memory_space<vmem_shared>>
        %dma_wait3A_195 = arith.constant 0 : i32
        %dma_wait3A_196 = tpu.memref_slice %arg16[%add3A_90, %dma_wait3A_195] : memref<41600x64xbf16, #tpu.memory_space<vmem_shared>> -> memref<32x64xbf16, #tpu.memory_space<vmem_shared>>
        tpu.wait_dma2 semaphore(%run_scoped3A : memref<!tpu.dma_semaphore, #tpu.memory_space<semaphore_mem>>) src(%arg14 : memref<32x64xbf16, #tpu.memory_space<vmem>>) dst(%dma_wait3A_196 : memref<32x64xbf16, #tpu.memory_space<vmem_shared>>)
        tpu.yield
      }) : () -> ()
      %add3A_91 = arith.constant 1280 : i32
      %add3A_92 = arith.addi %mul3A_11, %add3A_91 : i32
      "tpu.region"() ({
        %run_scoped3A = tpu.sem_alloc : memref<!tpu.dma_semaphore, #tpu.memory_space<semaphore_mem>>
        %dma_start3A = arith.constant 0 : i32
        %dma_start3A_191 = tpu.memref_slice %arg16[%add3A_92, %dma_start3A] : memref<41600x64xbf16, #tpu.memory_space<vmem_shared>> -> memref<32x64xbf16, #tpu.memory_space<vmem_shared>>
        %dma_start3A_192 = arith.constant 0 : i32
        %dma_start3A_193 = tpu.memref_slice %arg16[%add3A_92, %dma_start3A_192] : memref<41600x64xbf16, #tpu.memory_space<vmem_shared>> -> memref<32x64xbf16, #tpu.memory_space<vmem_shared>>
        tpu.enqueue_dma source(%arg14 : memref<32x64xbf16, #tpu.memory_space<vmem>>) target(%dma_start3A_193 : memref<32x64xbf16, #tpu.memory_space<vmem_shared>>) target_semaphore(%run_scoped3A : memref<!tpu.dma_semaphore, #tpu.memory_space<semaphore_mem>>)
        %dma_wait3A = arith.constant 0 : i32
        %dma_wait3A_194 = tpu.memref_slice %arg16[%add3A_92, %dma_wait3A] : memref<41600x64xbf16, #tpu.memory_space<vmem_shared>> -> memref<32x64xbf16, #tpu.memory_space<vmem_shared>>
        %dma_wait3A_195 = arith.constant 0 : i32
        %dma_wait3A_196 = tpu.memref_slice %arg16[%add3A_92, %dma_wait3A_195] : memref<41600x64xbf16, #tpu.memory_space<vmem_shared>> -> memref<32x64xbf16, #tpu.memory_space<vmem_shared>>
        tpu.wait_dma2 semaphore(%run_scoped3A : memref<!tpu.dma_semaphore, #tpu.memory_space<semaphore_mem>>) src(%arg14 : memref<32x64xbf16, #tpu.memory_space<vmem>>) dst(%dma_wait3A_196 : memref<32x64xbf16, #tpu.memory_space<vmem_shared>>)
        tpu.yield
      }) : () -> ()
      %add3A_93 = arith.constant 1312 : i32
      %add3A_94 = arith.addi %mul3A_11, %add3A_93 : i32
      "tpu.region"() ({
        %run_scoped3A = tpu.sem_alloc : memref<!tpu.dma_semaphore, #tpu.memory_space<semaphore_mem>>
        %dma_start3A = arith.constant 0 : i32
        %dma_start3A_191 = tpu.memref_slice %arg16[%add3A_94, %dma_start3A] : memref<41600x64xbf16, #tpu.memory_space<vmem_shared>> -> memref<32x64xbf16, #tpu.memory_space<vmem_shared>>
        %dma_start3A_192 = arith.constant 0 : i32
        %dma_start3A_193 = tpu.memref_slice %arg16[%add3A_94, %dma_start3A_192] : memref<41600x64xbf16, #tpu.memory_space<vmem_shared>> -> memref<32x64xbf16, #tpu.memory_space<vmem_shared>>
        tpu.enqueue_dma source(%arg14 : memref<32x64xbf16, #tpu.memory_space<vmem>>) target(%dma_start3A_193 : memref<32x64xbf16, #tpu.memory_space<vmem_shared>>) target_semaphore(%run_scoped3A : memref<!tpu.dma_semaphore, #tpu.memory_space<semaphore_mem>>)
        %dma_wait3A = arith.constant 0 : i32
        %dma_wait3A_194 = tpu.memref_slice %arg16[%add3A_94, %dma_wait3A] : memref<41600x64xbf16, #tpu.memory_space<vmem_shared>> -> memref<32x64xbf16, #tpu.memory_space<vmem_shared>>
        %dma_wait3A_195 = arith.constant 0 : i32
        %dma_wait3A_196 = tpu.memref_slice %arg16[%add3A_94, %dma_wait3A_195] : memref<41600x64xbf16, #tpu.memory_space<vmem_shared>> -> memref<32x64xbf16, #tpu.memory_space<vmem_shared>>
        tpu.wait_dma2 semaphore(%run_scoped3A : memref<!tpu.dma_semaphore, #tpu.memory_space<semaphore_mem>>) src(%arg14 : memref<32x64xbf16, #tpu.memory_space<vmem>>) dst(%dma_wait3A_196 : memref<32x64xbf16, #tpu.memory_space<vmem_shared>>)
        tpu.yield
      }) : () -> ()
      %add3A_95 = arith.constant 1344 : i32
      %add3A_96 = arith.addi %mul3A_11, %add3A_95 : i32
      "tpu.region"() ({
        %run_scoped3A = tpu.sem_alloc : memref<!tpu.dma_semaphore, #tpu.memory_space<semaphore_mem>>
        %dma_start3A = arith.constant 0 : i32
        %dma_start3A_191 = tpu.memref_slice %arg16[%add3A_96, %dma_start3A] : memref<41600x64xbf16, #tpu.memory_space<vmem_shared>> -> memref<32x64xbf16, #tpu.memory_space<vmem_shared>>
        %dma_start3A_192 = arith.constant 0 : i32
        %dma_start3A_193 = tpu.memref_slice %arg16[%add3A_96, %dma_start3A_192] : memref<41600x64xbf16, #tpu.memory_space<vmem_shared>> -> memref<32x64xbf16, #tpu.memory_space<vmem_shared>>
        tpu.enqueue_dma source(%arg14 : memref<32x64xbf16, #tpu.memory_space<vmem>>) target(%dma_start3A_193 : memref<32x64xbf16, #tpu.memory_space<vmem_shared>>) target_semaphore(%run_scoped3A : memref<!tpu.dma_semaphore, #tpu.memory_space<semaphore_mem>>)
        %dma_wait3A = arith.constant 0 : i32
        %dma_wait3A_194 = tpu.memref_slice %arg16[%add3A_96, %dma_wait3A] : memref<41600x64xbf16, #tpu.memory_space<vmem_shared>> -> memref<32x64xbf16, #tpu.memory_space<vmem_shared>>
        %dma_wait3A_195 = arith.constant 0 : i32
        %dma_wait3A_196 = tpu.memref_slice %arg16[%add3A_96, %dma_wait3A_195] : memref<41600x64xbf16, #tpu.memory_space<vmem_shared>> -> memref<32x64xbf16, #tpu.memory_space<vmem_shared>>
        tpu.wait_dma2 semaphore(%run_scoped3A : memref<!tpu.dma_semaphore, #tpu.memory_space<semaphore_mem>>) src(%arg14 : memref<32x64xbf16, #tpu.memory_space<vmem>>) dst(%dma_wait3A_196 : memref<32x64xbf16, #tpu.memory_space<vmem_shared>>)
        tpu.yield
      }) : () -> ()
      %add3A_97 = arith.constant 1376 : i32
      %add3A_98 = arith.addi %mul3A_11, %add3A_97 : i32
      "tpu.region"() ({
        %run_scoped3A = tpu.sem_alloc : memref<!tpu.dma_semaphore, #tpu.memory_space<semaphore_mem>>
        %dma_start3A = arith.constant 0 : i32
        %dma_start3A_191 = tpu.memref_slice %arg16[%add3A_98, %dma_start3A] : memref<41600x64xbf16, #tpu.memory_space<vmem_shared>> -> memref<32x64xbf16, #tpu.memory_space<vmem_shared>>
        %dma_start3A_192 = arith.constant 0 : i32
        %dma_start3A_193 = tpu.memref_slice %arg16[%add3A_98, %dma_start3A_192] : memref<41600x64xbf16, #tpu.memory_space<vmem_shared>> -> memref<32x64xbf16, #tpu.memory_space<vmem_shared>>
        tpu.enqueue_dma source(%arg14 : memref<32x64xbf16, #tpu.memory_space<vmem>>) target(%dma_start3A_193 : memref<32x64xbf16, #tpu.memory_space<vmem_shared>>) target_semaphore(%run_scoped3A : memref<!tpu.dma_semaphore, #tpu.memory_space<semaphore_mem>>)
        %dma_wait3A = arith.constant 0 : i32
        %dma_wait3A_194 = tpu.memref_slice %arg16[%add3A_98, %dma_wait3A] : memref<41600x64xbf16, #tpu.memory_space<vmem_shared>> -> memref<32x64xbf16, #tpu.memory_space<vmem_shared>>
        %dma_wait3A_195 = arith.constant 0 : i32
        %dma_wait3A_196 = tpu.memref_slice %arg16[%add3A_98, %dma_wait3A_195] : memref<41600x64xbf16, #tpu.memory_space<vmem_shared>> -> memref<32x64xbf16, #tpu.memory_space<vmem_shared>>
        tpu.wait_dma2 semaphore(%run_scoped3A : memref<!tpu.dma_semaphore, #tpu.memory_space<semaphore_mem>>) src(%arg14 : memref<32x64xbf16, #tpu.memory_space<vmem>>) dst(%dma_wait3A_196 : memref<32x64xbf16, #tpu.memory_space<vmem_shared>>)
        tpu.yield
      }) : () -> ()
      %add3A_99 = arith.constant 1408 : i32
      %add3A_100 = arith.addi %mul3A_11, %add3A_99 : i32
      "tpu.region"() ({
        %run_scoped3A = tpu.sem_alloc : memref<!tpu.dma_semaphore, #tpu.memory_space<semaphore_mem>>
        %dma_start3A = arith.constant 0 : i32
        %dma_start3A_191 = tpu.memref_slice %arg16[%add3A_100, %dma_start3A] : memref<41600x64xbf16, #tpu.memory_space<vmem_shared>> -> memref<32x64xbf16, #tpu.memory_space<vmem_shared>>
        %dma_start3A_192 = arith.constant 0 : i32
        %dma_start3A_193 = tpu.memref_slice %arg16[%add3A_100, %dma_start3A_192] : memref<41600x64xbf16, #tpu.memory_space<vmem_shared>> -> memref<32x64xbf16, #tpu.memory_space<vmem_shared>>
        tpu.enqueue_dma source(%arg14 : memref<32x64xbf16, #tpu.memory_space<vmem>>) target(%dma_start3A_193 : memref<32x64xbf16, #tpu.memory_space<vmem_shared>>) target_semaphore(%run_scoped3A : memref<!tpu.dma_semaphore, #tpu.memory_space<semaphore_mem>>)
        %dma_wait3A = arith.constant 0 : i32
        %dma_wait3A_194 = tpu.memref_slice %arg16[%add3A_100, %dma_wait3A] : memref<41600x64xbf16, #tpu.memory_space<vmem_shared>> -> memref<32x64xbf16, #tpu.memory_space<vmem_shared>>
        %dma_wait3A_195 = arith.constant 0 : i32
        %dma_wait3A_196 = tpu.memref_slice %arg16[%add3A_100, %dma_wait3A_195] : memref<41600x64xbf16, #tpu.memory_space<vmem_shared>> -> memref<32x64xbf16, #tpu.memory_space<vmem_shared>>
        tpu.wait_dma2 semaphore(%run_scoped3A : memref<!tpu.dma_semaphore, #tpu.memory_space<semaphore_mem>>) src(%arg14 : memref<32x64xbf16, #tpu.memory_space<vmem>>) dst(%dma_wait3A_196 : memref<32x64xbf16, #tpu.memory_space<vmem_shared>>)
        tpu.yield
      }) : () -> ()
      %add3A_101 = arith.constant 1440 : i32
      %add3A_102 = arith.addi %mul3A_11, %add3A_101 : i32
      "tpu.region"() ({
        %run_scoped3A = tpu.sem_alloc : memref<!tpu.dma_semaphore, #tpu.memory_space<semaphore_mem>>
        %dma_start3A = arith.constant 0 : i32
        %dma_start3A_191 = tpu.memref_slice %arg16[%add3A_102, %dma_start3A] : memref<41600x64xbf16, #tpu.memory_space<vmem_shared>> -> memref<32x64xbf16, #tpu.memory_space<vmem_shared>>
        %dma_start3A_192 = arith.constant 0 : i32
        %dma_start3A_193 = tpu.memref_slice %arg16[%add3A_102, %dma_start3A_192] : memref<41600x64xbf16, #tpu.memory_space<vmem_shared>> -> memref<32x64xbf16, #tpu.memory_space<vmem_shared>>
        tpu.enqueue_dma source(%arg14 : memref<32x64xbf16, #tpu.memory_space<vmem>>) target(%dma_start3A_193 : memref<32x64xbf16, #tpu.memory_space<vmem_shared>>) target_semaphore(%run_scoped3A : memref<!tpu.dma_semaphore, #tpu.memory_space<semaphore_mem>>)
        %dma_wait3A = arith.constant 0 : i32
        %dma_wait3A_194 = tpu.memref_slice %arg16[%add3A_102, %dma_wait3A] : memref<41600x64xbf16, #tpu.memory_space<vmem_shared>> -> memref<32x64xbf16, #tpu.memory_space<vmem_shared>>
        %dma_wait3A_195 = arith.constant 0 : i32
        %dma_wait3A_196 = tpu.memref_slice %arg16[%add3A_102, %dma_wait3A_195] : memref<41600x64xbf16, #tpu.memory_space<vmem_shared>> -> memref<32x64xbf16, #tpu.memory_space<vmem_shared>>
        tpu.wait_dma2 semaphore(%run_scoped3A : memref<!tpu.dma_semaphore, #tpu.memory_space<semaphore_mem>>) src(%arg14 : memref<32x64xbf16, #tpu.memory_space<vmem>>) dst(%dma_wait3A_196 : memref<32x64xbf16, #tpu.memory_space<vmem_shared>>)
        tpu.yield
      }) : () -> ()
      %add3A_103 = arith.constant 1472 : i32
      %add3A_104 = arith.addi %mul3A_11, %add3A_103 : i32
      "tpu.region"() ({
        %run_scoped3A = tpu.sem_alloc : memref<!tpu.dma_semaphore, #tpu.memory_space<semaphore_mem>>
        %dma_start3A = arith.constant 0 : i32
        %dma_start3A_191 = tpu.memref_slice %arg16[%add3A_104, %dma_start3A] : memref<41600x64xbf16, #tpu.memory_space<vmem_shared>> -> memref<32x64xbf16, #tpu.memory_space<vmem_shared>>
        %dma_start3A_192 = arith.constant 0 : i32
        %dma_start3A_193 = tpu.memref_slice %arg16[%add3A_104, %dma_start3A_192] : memref<41600x64xbf16, #tpu.memory_space<vmem_shared>> -> memref<32x64xbf16, #tpu.memory_space<vmem_shared>>
        tpu.enqueue_dma source(%arg14 : memref<32x64xbf16, #tpu.memory_space<vmem>>) target(%dma_start3A_193 : memref<32x64xbf16, #tpu.memory_space<vmem_shared>>) target_semaphore(%run_scoped3A : memref<!tpu.dma_semaphore, #tpu.memory_space<semaphore_mem>>)
        %dma_wait3A = arith.constant 0 : i32
        %dma_wait3A_194 = tpu.memref_slice %arg16[%add3A_104, %dma_wait3A] : memref<41600x64xbf16, #tpu.memory_space<vmem_shared>> -> memref<32x64xbf16, #tpu.memory_space<vmem_shared>>
        %dma_wait3A_195 = arith.constant 0 : i32
        %dma_wait3A_196 = tpu.memref_slice %arg16[%add3A_104, %dma_wait3A_195] : memref<41600x64xbf16, #tpu.memory_space<vmem_shared>> -> memref<32x64xbf16, #tpu.memory_space<vmem_shared>>
        tpu.wait_dma2 semaphore(%run_scoped3A : memref<!tpu.dma_semaphore, #tpu.memory_space<semaphore_mem>>) src(%arg14 : memref<32x64xbf16, #tpu.memory_space<vmem>>) dst(%dma_wait3A_196 : memref<32x64xbf16, #tpu.memory_space<vmem_shared>>)
        tpu.yield
      }) : () -> ()
      %add3A_105 = arith.constant 1504 : i32
      %add3A_106 = arith.addi %mul3A_11, %add3A_105 : i32
      "tpu.region"() ({
        %run_scoped3A = tpu.sem_alloc : memref<!tpu.dma_semaphore, #tpu.memory_space<semaphore_mem>>
        %dma_start3A = arith.constant 0 : i32
        %dma_start3A_191 = tpu.memref_slice %arg16[%add3A_106, %dma_start3A] : memref<41600x64xbf16, #tpu.memory_space<vmem_shared>> -> memref<32x64xbf16, #tpu.memory_space<vmem_shared>>
        %dma_start3A_192 = arith.constant 0 : i32
        %dma_start3A_193 = tpu.memref_slice %arg16[%add3A_106, %dma_start3A_192] : memref<41600x64xbf16, #tpu.memory_space<vmem_shared>> -> memref<32x64xbf16, #tpu.memory_space<vmem_shared>>
        tpu.enqueue_dma source(%arg14 : memref<32x64xbf16, #tpu.memory_space<vmem>>) target(%dma_start3A_193 : memref<32x64xbf16, #tpu.memory_space<vmem_shared>>) target_semaphore(%run_scoped3A : memref<!tpu.dma_semaphore, #tpu.memory_space<semaphore_mem>>)
        %dma_wait3A = arith.constant 0 : i32
        %dma_wait3A_194 = tpu.memref_slice %arg16[%add3A_106, %dma_wait3A] : memref<41600x64xbf16, #tpu.memory_space<vmem_shared>> -> memref<32x64xbf16, #tpu.memory_space<vmem_shared>>
        %dma_wait3A_195 = arith.constant 0 : i32
        %dma_wait3A_196 = tpu.memref_slice %arg16[%add3A_106, %dma_wait3A_195] : memref<41600x64xbf16, #tpu.memory_space<vmem_shared>> -> memref<32x64xbf16, #tpu.memory_space<vmem_shared>>
        tpu.wait_dma2 semaphore(%run_scoped3A : memref<!tpu.dma_semaphore, #tpu.memory_space<semaphore_mem>>) src(%arg14 : memref<32x64xbf16, #tpu.memory_space<vmem>>) dst(%dma_wait3A_196 : memref<32x64xbf16, #tpu.memory_space<vmem_shared>>)
        tpu.yield
      }) : () -> ()
      %add3A_107 = arith.constant 1536 : i32
      %add3A_108 = arith.addi %mul3A_11, %add3A_107 : i32
      "tpu.region"() ({
        %run_scoped3A = tpu.sem_alloc : memref<!tpu.dma_semaphore, #tpu.memory_space<semaphore_mem>>
        %dma_start3A = arith.constant 0 : i32
        %dma_start3A_191 = tpu.memref_slice %arg16[%add3A_108, %dma_start3A] : memref<41600x64xbf16, #tpu.memory_space<vmem_shared>> -> memref<32x64xbf16, #tpu.memory_space<vmem_shared>>
        %dma_start3A_192 = arith.constant 0 : i32
        %dma_start3A_193 = tpu.memref_slice %arg16[%add3A_108, %dma_start3A_192] : memref<41600x64xbf16, #tpu.memory_space<vmem_shared>> -> memref<32x64xbf16, #tpu.memory_space<vmem_shared>>
        tpu.enqueue_dma source(%arg14 : memref<32x64xbf16, #tpu.memory_space<vmem>>) target(%dma_start3A_193 : memref<32x64xbf16, #tpu.memory_space<vmem_shared>>) target_semaphore(%run_scoped3A : memref<!tpu.dma_semaphore, #tpu.memory_space<semaphore_mem>>)
        %dma_wait3A = arith.constant 0 : i32
        %dma_wait3A_194 = tpu.memref_slice %arg16[%add3A_108, %dma_wait3A] : memref<41600x64xbf16, #tpu.memory_space<vmem_shared>> -> memref<32x64xbf16, #tpu.memory_space<vmem_shared>>
        %dma_wait3A_195 = arith.constant 0 : i32
        %dma_wait3A_196 = tpu.memref_slice %arg16[%add3A_108, %dma_wait3A_195] : memref<41600x64xbf16, #tpu.memory_space<vmem_shared>> -> memref<32x64xbf16, #tpu.memory_space<vmem_shared>>
        tpu.wait_dma2 semaphore(%run_scoped3A : memref<!tpu.dma_semaphore, #tpu.memory_space<semaphore_mem>>) src(%arg14 : memref<32x64xbf16, #tpu.memory_space<vmem>>) dst(%dma_wait3A_196 : memref<32x64xbf16, #tpu.memory_space<vmem_shared>>)
        tpu.yield
      }) : () -> ()
      %add3A_109 = arith.constant 1568 : i32
      %add3A_110 = arith.addi %mul3A_11, %add3A_109 : i32
      "tpu.region"() ({
        %run_scoped3A = tpu.sem_alloc : memref<!tpu.dma_semaphore, #tpu.memory_space<semaphore_mem>>
        %dma_start3A = arith.constant 0 : i32
        %dma_start3A_191 = tpu.memref_slice %arg16[%add3A_110, %dma_start3A] : memref<41600x64xbf16, #tpu.memory_space<vmem_shared>> -> memref<32x64xbf16, #tpu.memory_space<vmem_shared>>
        %dma_start3A_192 = arith.constant 0 : i32
        %dma_start3A_193 = tpu.memref_slice %arg16[%add3A_110, %dma_start3A_192] : memref<41600x64xbf16, #tpu.memory_space<vmem_shared>> -> memref<32x64xbf16, #tpu.memory_space<vmem_shared>>
        tpu.enqueue_dma source(%arg14 : memref<32x64xbf16, #tpu.memory_space<vmem>>) target(%dma_start3A_193 : memref<32x64xbf16, #tpu.memory_space<vmem_shared>>) target_semaphore(%run_scoped3A : memref<!tpu.dma_semaphore, #tpu.memory_space<semaphore_mem>>)
        %dma_wait3A = arith.constant 0 : i32
        %dma_wait3A_194 = tpu.memref_slice %arg16[%add3A_110, %dma_wait3A] : memref<41600x64xbf16, #tpu.memory_space<vmem_shared>> -> memref<32x64xbf16, #tpu.memory_space<vmem_shared>>
        %dma_wait3A_195 = arith.constant 0 : i32
        %dma_wait3A_196 = tpu.memref_slice %arg16[%add3A_110, %dma_wait3A_195] : memref<41600x64xbf16, #tpu.memory_space<vmem_shared>> -> memref<32x64xbf16, #tpu.memory_space<vmem_shared>>
        tpu.wait_dma2 semaphore(%run_scoped3A : memref<!tpu.dma_semaphore, #tpu.memory_space<semaphore_mem>>) src(%arg14 : memref<32x64xbf16, #tpu.memory_space<vmem>>) dst(%dma_wait3A_196 : memref<32x64xbf16, #tpu.memory_space<vmem_shared>>)
        tpu.yield
      }) : () -> ()
      %add3A_111 = arith.constant 1600 : i32
      %add3A_112 = arith.addi %mul3A_11, %add3A_111 : i32
      "tpu.region"() ({
        %run_scoped3A = tpu.sem_alloc : memref<!tpu.dma_semaphore, #tpu.memory_space<semaphore_mem>>
        %dma_start3A = arith.constant 0 : i32
        %dma_start3A_191 = tpu.memref_slice %arg16[%add3A_112, %dma_start3A] : memref<41600x64xbf16, #tpu.memory_space<vmem_shared>> -> memref<32x64xbf16, #tpu.memory_space<vmem_shared>>
        %dma_start3A_192 = arith.constant 0 : i32
        %dma_start3A_193 = tpu.memref_slice %arg16[%add3A_112, %dma_start3A_192] : memref<41600x64xbf16, #tpu.memory_space<vmem_shared>> -> memref<32x64xbf16, #tpu.memory_space<vmem_shared>>
        tpu.enqueue_dma source(%arg14 : memref<32x64xbf16, #tpu.memory_space<vmem>>) target(%dma_start3A_193 : memref<32x64xbf16, #tpu.memory_space<vmem_shared>>) target_semaphore(%run_scoped3A : memref<!tpu.dma_semaphore, #tpu.memory_space<semaphore_mem>>)
        %dma_wait3A = arith.constant 0 : i32
        %dma_wait3A_194 = tpu.memref_slice %arg16[%add3A_112, %dma_wait3A] : memref<41600x64xbf16, #tpu.memory_space<vmem_shared>> -> memref<32x64xbf16, #tpu.memory_space<vmem_shared>>
        %dma_wait3A_195 = arith.constant 0 : i32
        %dma_wait3A_196 = tpu.memref_slice %arg16[%add3A_112, %dma_wait3A_195] : memref<41600x64xbf16, #tpu.memory_space<vmem_shared>> -> memref<32x64xbf16, #tpu.memory_space<vmem_shared>>
        tpu.wait_dma2 semaphore(%run_scoped3A : memref<!tpu.dma_semaphore, #tpu.memory_space<semaphore_mem>>) src(%arg14 : memref<32x64xbf16, #tpu.memory_space<vmem>>) dst(%dma_wait3A_196 : memref<32x64xbf16, #tpu.memory_space<vmem_shared>>)
        tpu.yield
      }) : () -> ()
      %add3A_113 = arith.constant 1632 : i32
      %add3A_114 = arith.addi %mul3A_11, %add3A_113 : i32
      "tpu.region"() ({
        %run_scoped3A = tpu.sem_alloc : memref<!tpu.dma_semaphore, #tpu.memory_space<semaphore_mem>>
        %dma_start3A = arith.constant 0 : i32
        %dma_start3A_191 = tpu.memref_slice %arg16[%add3A_114, %dma_start3A] : memref<41600x64xbf16, #tpu.memory_space<vmem_shared>> -> memref<32x64xbf16, #tpu.memory_space<vmem_shared>>
        %dma_start3A_192 = arith.constant 0 : i32
        %dma_start3A_193 = tpu.memref_slice %arg16[%add3A_114, %dma_start3A_192] : memref<41600x64xbf16, #tpu.memory_space<vmem_shared>> -> memref<32x64xbf16, #tpu.memory_space<vmem_shared>>
        tpu.enqueue_dma source(%arg14 : memref<32x64xbf16, #tpu.memory_space<vmem>>) target(%dma_start3A_193 : memref<32x64xbf16, #tpu.memory_space<vmem_shared>>) target_semaphore(%run_scoped3A : memref<!tpu.dma_semaphore, #tpu.memory_space<semaphore_mem>>)
        %dma_wait3A = arith.constant 0 : i32
        %dma_wait3A_194 = tpu.memref_slice %arg16[%add3A_114, %dma_wait3A] : memref<41600x64xbf16, #tpu.memory_space<vmem_shared>> -> memref<32x64xbf16, #tpu.memory_space<vmem_shared>>
        %dma_wait3A_195 = arith.constant 0 : i32
        %dma_wait3A_196 = tpu.memref_slice %arg16[%add3A_114, %dma_wait3A_195] : memref<41600x64xbf16, #tpu.memory_space<vmem_shared>> -> memref<32x64xbf16, #tpu.memory_space<vmem_shared>>
        tpu.wait_dma2 semaphore(%run_scoped3A : memref<!tpu.dma_semaphore, #tpu.memory_space<semaphore_mem>>) src(%arg14 : memref<32x64xbf16, #tpu.memory_space<vmem>>) dst(%dma_wait3A_196 : memref<32x64xbf16, #tpu.memory_space<vmem_shared>>)
        tpu.yield
      }) : () -> ()
      %add3A_115 = arith.constant 1664 : i32
      %add3A_116 = arith.addi %mul3A_11, %add3A_115 : i32
      "tpu.region"() ({
        %run_scoped3A = tpu.sem_alloc : memref<!tpu.dma_semaphore, #tpu.memory_space<semaphore_mem>>
        %dma_start3A = arith.constant 0 : i32
        %dma_start3A_191 = tpu.memref_slice %arg16[%add3A_116, %dma_start3A] : memref<41600x64xbf16, #tpu.memory_space<vmem_shared>> -> memref<32x64xbf16, #tpu.memory_space<vmem_shared>>
        %dma_start3A_192 = arith.constant 0 : i32
        %dma_start3A_193 = tpu.memref_slice %arg16[%add3A_116, %dma_start3A_192] : memref<41600x64xbf16, #tpu.memory_space<vmem_shared>> -> memref<32x64xbf16, #tpu.memory_space<vmem_shared>>
        tpu.enqueue_dma source(%arg14 : memref<32x64xbf16, #tpu.memory_space<vmem>>) target(%dma_start3A_193 : memref<32x64xbf16, #tpu.memory_space<vmem_shared>>) target_semaphore(%run_scoped3A : memref<!tpu.dma_semaphore, #tpu.memory_space<semaphore_mem>>)
        %dma_wait3A = arith.constant 0 : i32
        %dma_wait3A_194 = tpu.memref_slice %arg16[%add3A_116, %dma_wait3A] : memref<41600x64xbf16, #tpu.memory_space<vmem_shared>> -> memref<32x64xbf16, #tpu.memory_space<vmem_shared>>
        %dma_wait3A_195 = arith.constant 0 : i32
        %dma_wait3A_196 = tpu.memref_slice %arg16[%add3A_116, %dma_wait3A_195] : memref<41600x64xbf16, #tpu.memory_space<vmem_shared>> -> memref<32x64xbf16, #tpu.memory_space<vmem_shared>>
        tpu.wait_dma2 semaphore(%run_scoped3A : memref<!tpu.dma_semaphore, #tpu.memory_space<semaphore_mem>>) src(%arg14 : memref<32x64xbf16, #tpu.memory_space<vmem>>) dst(%dma_wait3A_196 : memref<32x64xbf16, #tpu.memory_space<vmem_shared>>)
        tpu.yield
      }) : () -> ()
      %add3A_117 = arith.constant 1696 : i32
      %add3A_118 = arith.addi %mul3A_11, %add3A_117 : i32
      "tpu.region"() ({
        %run_scoped3A = tpu.sem_alloc : memref<!tpu.dma_semaphore, #tpu.memory_space<semaphore_mem>>
        %dma_start3A = arith.constant 0 : i32
        %dma_start3A_191 = tpu.memref_slice %arg16[%add3A_118, %dma_start3A] : memref<41600x64xbf16, #tpu.memory_space<vmem_shared>> -> memref<32x64xbf16, #tpu.memory_space<vmem_shared>>
        %dma_start3A_192 = arith.constant 0 : i32
        %dma_start3A_193 = tpu.memref_slice %arg16[%add3A_118, %dma_start3A_192] : memref<41600x64xbf16, #tpu.memory_space<vmem_shared>> -> memref<32x64xbf16, #tpu.memory_space<vmem_shared>>
        tpu.enqueue_dma source(%arg14 : memref<32x64xbf16, #tpu.memory_space<vmem>>) target(%dma_start3A_193 : memref<32x64xbf16, #tpu.memory_space<vmem_shared>>) target_semaphore(%run_scoped3A : memref<!tpu.dma_semaphore, #tpu.memory_space<semaphore_mem>>)
        %dma_wait3A = arith.constant 0 : i32
        %dma_wait3A_194 = tpu.memref_slice %arg16[%add3A_118, %dma_wait3A] : memref<41600x64xbf16, #tpu.memory_space<vmem_shared>> -> memref<32x64xbf16, #tpu.memory_space<vmem_shared>>
        %dma_wait3A_195 = arith.constant 0 : i32
        %dma_wait3A_196 = tpu.memref_slice %arg16[%add3A_118, %dma_wait3A_195] : memref<41600x64xbf16, #tpu.memory_space<vmem_shared>> -> memref<32x64xbf16, #tpu.memory_space<vmem_shared>>
        tpu.wait_dma2 semaphore(%run_scoped3A : memref<!tpu.dma_semaphore, #tpu.memory_space<semaphore_mem>>) src(%arg14 : memref<32x64xbf16, #tpu.memory_space<vmem>>) dst(%dma_wait3A_196 : memref<32x64xbf16, #tpu.memory_space<vmem_shared>>)
        tpu.yield
      }) : () -> ()
      %add3A_119 = arith.constant 1728 : i32
      %add3A_120 = arith.addi %mul3A_11, %add3A_119 : i32
      "tpu.region"() ({
        %run_scoped3A = tpu.sem_alloc : memref<!tpu.dma_semaphore, #tpu.memory_space<semaphore_mem>>
        %dma_start3A = arith.constant 0 : i32
        %dma_start3A_191 = tpu.memref_slice %arg16[%add3A_120, %dma_start3A] : memref<41600x64xbf16, #tpu.memory_space<vmem_shared>> -> memref<32x64xbf16, #tpu.memory_space<vmem_shared>>
        %dma_start3A_192 = arith.constant 0 : i32
        %dma_start3A_193 = tpu.memref_slice %arg16[%add3A_120, %dma_start3A_192] : memref<41600x64xbf16, #tpu.memory_space<vmem_shared>> -> memref<32x64xbf16, #tpu.memory_space<vmem_shared>>
        tpu.enqueue_dma source(%arg14 : memref<32x64xbf16, #tpu.memory_space<vmem>>) target(%dma_start3A_193 : memref<32x64xbf16, #tpu.memory_space<vmem_shared>>) target_semaphore(%run_scoped3A : memref<!tpu.dma_semaphore, #tpu.memory_space<semaphore_mem>>)
        %dma_wait3A = arith.constant 0 : i32
        %dma_wait3A_194 = tpu.memref_slice %arg16[%add3A_120, %dma_wait3A] : memref<41600x64xbf16, #tpu.memory_space<vmem_shared>> -> memref<32x64xbf16, #tpu.memory_space<vmem_shared>>
        %dma_wait3A_195 = arith.constant 0 : i32
        %dma_wait3A_196 = tpu.memref_slice %arg16[%add3A_120, %dma_wait3A_195] : memref<41600x64xbf16, #tpu.memory_space<vmem_shared>> -> memref<32x64xbf16, #tpu.memory_space<vmem_shared>>
        tpu.wait_dma2 semaphore(%run_scoped3A : memref<!tpu.dma_semaphore, #tpu.memory_space<semaphore_mem>>) src(%arg14 : memref<32x64xbf16, #tpu.memory_space<vmem>>) dst(%dma_wait3A_196 : memref<32x64xbf16, #tpu.memory_space<vmem_shared>>)
        tpu.yield
      }) : () -> ()
      %add3A_121 = arith.constant 1760 : i32
      %add3A_122 = arith.addi %mul3A_11, %add3A_121 : i32
      "tpu.region"() ({
        %run_scoped3A = tpu.sem_alloc : memref<!tpu.dma_semaphore, #tpu.memory_space<semaphore_mem>>
        %dma_start3A = arith.constant 0 : i32
        %dma_start3A_191 = tpu.memref_slice %arg16[%add3A_122, %dma_start3A] : memref<41600x64xbf16, #tpu.memory_space<vmem_shared>> -> memref<32x64xbf16, #tpu.memory_space<vmem_shared>>
        %dma_start3A_192 = arith.constant 0 : i32
        %dma_start3A_193 = tpu.memref_slice %arg16[%add3A_122, %dma_start3A_192] : memref<41600x64xbf16, #tpu.memory_space<vmem_shared>> -> memref<32x64xbf16, #tpu.memory_space<vmem_shared>>
        tpu.enqueue_dma source(%arg14 : memref<32x64xbf16, #tpu.memory_space<vmem>>) target(%dma_start3A_193 : memref<32x64xbf16, #tpu.memory_space<vmem_shared>>) target_semaphore(%run_scoped3A : memref<!tpu.dma_semaphore, #tpu.memory_space<semaphore_mem>>)
        %dma_wait3A = arith.constant 0 : i32
        %dma_wait3A_194 = tpu.memref_slice %arg16[%add3A_122, %dma_wait3A] : memref<41600x64xbf16, #tpu.memory_space<vmem_shared>> -> memref<32x64xbf16, #tpu.memory_space<vmem_shared>>
        %dma_wait3A_195 = arith.constant 0 : i32
        %dma_wait3A_196 = tpu.memref_slice %arg16[%add3A_122, %dma_wait3A_195] : memref<41600x64xbf16, #tpu.memory_space<vmem_shared>> -> memref<32x64xbf16, #tpu.memory_space<vmem_shared>>
        tpu.wait_dma2 semaphore(%run_scoped3A : memref<!tpu.dma_semaphore, #tpu.memory_space<semaphore_mem>>) src(%arg14 : memref<32x64xbf16, #tpu.memory_space<vmem>>) dst(%dma_wait3A_196 : memref<32x64xbf16, #tpu.memory_space<vmem_shared>>)
        tpu.yield
      }) : () -> ()
      %add3A_123 = arith.constant 1792 : i32
      %add3A_124 = arith.addi %mul3A_11, %add3A_123 : i32
      "tpu.region"() ({
        %run_scoped3A = tpu.sem_alloc : memref<!tpu.dma_semaphore, #tpu.memory_space<semaphore_mem>>
        %dma_start3A = arith.constant 0 : i32
        %dma_start3A_191 = tpu.memref_slice %arg16[%add3A_124, %dma_start3A] : memref<41600x64xbf16, #tpu.memory_space<vmem_shared>> -> memref<32x64xbf16, #tpu.memory_space<vmem_shared>>
        %dma_start3A_192 = arith.constant 0 : i32
        %dma_start3A_193 = tpu.memref_slice %arg16[%add3A_124, %dma_start3A_192] : memref<41600x64xbf16, #tpu.memory_space<vmem_shared>> -> memref<32x64xbf16, #tpu.memory_space<vmem_shared>>
        tpu.enqueue_dma source(%arg14 : memref<32x64xbf16, #tpu.memory_space<vmem>>) target(%dma_start3A_193 : memref<32x64xbf16, #tpu.memory_space<vmem_shared>>) target_semaphore(%run_scoped3A : memref<!tpu.dma_semaphore, #tpu.memory_space<semaphore_mem>>)
        %dma_wait3A = arith.constant 0 : i32
        %dma_wait3A_194 = tpu.memref_slice %arg16[%add3A_124, %dma_wait3A] : memref<41600x64xbf16, #tpu.memory_space<vmem_shared>> -> memref<32x64xbf16, #tpu.memory_space<vmem_shared>>
        %dma_wait3A_195 = arith.constant 0 : i32
        %dma_wait3A_196 = tpu.memref_slice %arg16[%add3A_124, %dma_wait3A_195] : memref<41600x64xbf16, #tpu.memory_space<vmem_shared>> -> memref<32x64xbf16, #tpu.memory_space<vmem_shared>>
        tpu.wait_dma2 semaphore(%run_scoped3A : memref<!tpu.dma_semaphore, #tpu.memory_space<semaphore_mem>>) src(%arg14 : memref<32x64xbf16, #tpu.memory_space<vmem>>) dst(%dma_wait3A_196 : memref<32x64xbf16, #tpu.memory_space<vmem_shared>>)
        tpu.yield
      }) : () -> ()
      %add3A_125 = arith.constant 1824 : i32
      %add3A_126 = arith.addi %mul3A_11, %add3A_125 : i32
      "tpu.region"() ({
        %run_scoped3A = tpu.sem_alloc : memref<!tpu.dma_semaphore, #tpu.memory_space<semaphore_mem>>
        %dma_start3A = arith.constant 0 : i32
        %dma_start3A_191 = tpu.memref_slice %arg16[%add3A_126, %dma_start3A] : memref<41600x64xbf16, #tpu.memory_space<vmem_shared>> -> memref<32x64xbf16, #tpu.memory_space<vmem_shared>>
        %dma_start3A_192 = arith.constant 0 : i32
        %dma_start3A_193 = tpu.memref_slice %arg16[%add3A_126, %dma_start3A_192] : memref<41600x64xbf16, #tpu.memory_space<vmem_shared>> -> memref<32x64xbf16, #tpu.memory_space<vmem_shared>>
        tpu.enqueue_dma source(%arg14 : memref<32x64xbf16, #tpu.memory_space<vmem>>) target(%dma_start3A_193 : memref<32x64xbf16, #tpu.memory_space<vmem_shared>>) target_semaphore(%run_scoped3A : memref<!tpu.dma_semaphore, #tpu.memory_space<semaphore_mem>>)
        %dma_wait3A = arith.constant 0 : i32
        %dma_wait3A_194 = tpu.memref_slice %arg16[%add3A_126, %dma_wait3A] : memref<41600x64xbf16, #tpu.memory_space<vmem_shared>> -> memref<32x64xbf16, #tpu.memory_space<vmem_shared>>
        %dma_wait3A_195 = arith.constant 0 : i32
        %dma_wait3A_196 = tpu.memref_slice %arg16[%add3A_126, %dma_wait3A_195] : memref<41600x64xbf16, #tpu.memory_space<vmem_shared>> -> memref<32x64xbf16, #tpu.memory_space<vmem_shared>>
        tpu.wait_dma2 semaphore(%run_scoped3A : memref<!tpu.dma_semaphore, #tpu.memory_space<semaphore_mem>>) src(%arg14 : memref<32x64xbf16, #tpu.memory_space<vmem>>) dst(%dma_wait3A_196 : memref<32x64xbf16, #tpu.memory_space<vmem_shared>>)
        tpu.yield
      }) : () -> ()
      %add3A_127 = arith.constant 1856 : i32
      %add3A_128 = arith.addi %mul3A_11, %add3A_127 : i32
      "tpu.region"() ({
        %run_scoped3A = tpu.sem_alloc : memref<!tpu.dma_semaphore, #tpu.memory_space<semaphore_mem>>
        %dma_start3A = arith.constant 0 : i32
        %dma_start3A_191 = tpu.memref_slice %arg16[%add3A_128, %dma_start3A] : memref<41600x64xbf16, #tpu.memory_space<vmem_shared>> -> memref<32x64xbf16, #tpu.memory_space<vmem_shared>>
        %dma_start3A_192 = arith.constant 0 : i32
        %dma_start3A_193 = tpu.memref_slice %arg16[%add3A_128, %dma_start3A_192] : memref<41600x64xbf16, #tpu.memory_space<vmem_shared>> -> memref<32x64xbf16, #tpu.memory_space<vmem_shared>>
        tpu.enqueue_dma source(%arg14 : memref<32x64xbf16, #tpu.memory_space<vmem>>) target(%dma_start3A_193 : memref<32x64xbf16, #tpu.memory_space<vmem_shared>>) target_semaphore(%run_scoped3A : memref<!tpu.dma_semaphore, #tpu.memory_space<semaphore_mem>>)
        %dma_wait3A = arith.constant 0 : i32
        %dma_wait3A_194 = tpu.memref_slice %arg16[%add3A_128, %dma_wait3A] : memref<41600x64xbf16, #tpu.memory_space<vmem_shared>> -> memref<32x64xbf16, #tpu.memory_space<vmem_shared>>
        %dma_wait3A_195 = arith.constant 0 : i32
        %dma_wait3A_196 = tpu.memref_slice %arg16[%add3A_128, %dma_wait3A_195] : memref<41600x64xbf16, #tpu.memory_space<vmem_shared>> -> memref<32x64xbf16, #tpu.memory_space<vmem_shared>>
        tpu.wait_dma2 semaphore(%run_scoped3A : memref<!tpu.dma_semaphore, #tpu.memory_space<semaphore_mem>>) src(%arg14 : memref<32x64xbf16, #tpu.memory_space<vmem>>) dst(%dma_wait3A_196 : memref<32x64xbf16, #tpu.memory_space<vmem_shared>>)
        tpu.yield
      }) : () -> ()
      %add3A_129 = arith.constant 1888 : i32
      %add3A_130 = arith.addi %mul3A_11, %add3A_129 : i32
      "tpu.region"() ({
        %run_scoped3A = tpu.sem_alloc : memref<!tpu.dma_semaphore, #tpu.memory_space<semaphore_mem>>
        %dma_start3A = arith.constant 0 : i32
        %dma_start3A_191 = tpu.memref_slice %arg16[%add3A_130, %dma_start3A] : memref<41600x64xbf16, #tpu.memory_space<vmem_shared>> -> memref<32x64xbf16, #tpu.memory_space<vmem_shared>>
        %dma_start3A_192 = arith.constant 0 : i32
        %dma_start3A_193 = tpu.memref_slice %arg16[%add3A_130, %dma_start3A_192] : memref<41600x64xbf16, #tpu.memory_space<vmem_shared>> -> memref<32x64xbf16, #tpu.memory_space<vmem_shared>>
        tpu.enqueue_dma source(%arg14 : memref<32x64xbf16, #tpu.memory_space<vmem>>) target(%dma_start3A_193 : memref<32x64xbf16, #tpu.memory_space<vmem_shared>>) target_semaphore(%run_scoped3A : memref<!tpu.dma_semaphore, #tpu.memory_space<semaphore_mem>>)
        %dma_wait3A = arith.constant 0 : i32
        %dma_wait3A_194 = tpu.memref_slice %arg16[%add3A_130, %dma_wait3A] : memref<41600x64xbf16, #tpu.memory_space<vmem_shared>> -> memref<32x64xbf16, #tpu.memory_space<vmem_shared>>
        %dma_wait3A_195 = arith.constant 0 : i32
        %dma_wait3A_196 = tpu.memref_slice %arg16[%add3A_130, %dma_wait3A_195] : memref<41600x64xbf16, #tpu.memory_space<vmem_shared>> -> memref<32x64xbf16, #tpu.memory_space<vmem_shared>>
        tpu.wait_dma2 semaphore(%run_scoped3A : memref<!tpu.dma_semaphore, #tpu.memory_space<semaphore_mem>>) src(%arg14 : memref<32x64xbf16, #tpu.memory_space<vmem>>) dst(%dma_wait3A_196 : memref<32x64xbf16, #tpu.memory_space<vmem_shared>>)
        tpu.yield
      }) : () -> ()
      %add3A_131 = arith.constant 1920 : i32
      %add3A_132 = arith.addi %mul3A_11, %add3A_131 : i32
      "tpu.region"() ({
        %run_scoped3A = tpu.sem_alloc : memref<!tpu.dma_semaphore, #tpu.memory_space<semaphore_mem>>
        %dma_start3A = arith.constant 0 : i32
        %dma_start3A_191 = tpu.memref_slice %arg16[%add3A_132, %dma_start3A] : memref<41600x64xbf16, #tpu.memory_space<vmem_shared>> -> memref<32x64xbf16, #tpu.memory_space<vmem_shared>>
        %dma_start3A_192 = arith.constant 0 : i32
        %dma_start3A_193 = tpu.memref_slice %arg16[%add3A_132, %dma_start3A_192] : memref<41600x64xbf16, #tpu.memory_space<vmem_shared>> -> memref<32x64xbf16, #tpu.memory_space<vmem_shared>>
        tpu.enqueue_dma source(%arg14 : memref<32x64xbf16, #tpu.memory_space<vmem>>) target(%dma_start3A_193 : memref<32x64xbf16, #tpu.memory_space<vmem_shared>>) target_semaphore(%run_scoped3A : memref<!tpu.dma_semaphore, #tpu.memory_space<semaphore_mem>>)
        %dma_wait3A = arith.constant 0 : i32
        %dma_wait3A_194 = tpu.memref_slice %arg16[%add3A_132, %dma_wait3A] : memref<41600x64xbf16, #tpu.memory_space<vmem_shared>> -> memref<32x64xbf16, #tpu.memory_space<vmem_shared>>
        %dma_wait3A_195 = arith.constant 0 : i32
        %dma_wait3A_196 = tpu.memref_slice %arg16[%add3A_132, %dma_wait3A_195] : memref<41600x64xbf16, #tpu.memory_space<vmem_shared>> -> memref<32x64xbf16, #tpu.memory_space<vmem_shared>>
        tpu.wait_dma2 semaphore(%run_scoped3A : memref<!tpu.dma_semaphore, #tpu.memory_space<semaphore_mem>>) src(%arg14 : memref<32x64xbf16, #tpu.memory_space<vmem>>) dst(%dma_wait3A_196 : memref<32x64xbf16, #tpu.memory_space<vmem_shared>>)
        tpu.yield
      }) : () -> ()
      %add3A_133 = arith.constant 1952 : i32
      %add3A_134 = arith.addi %mul3A_11, %add3A_133 : i32
      "tpu.region"() ({
        %run_scoped3A = tpu.sem_alloc : memref<!tpu.dma_semaphore, #tpu.memory_space<semaphore_mem>>
        %dma_start3A = arith.constant 0 : i32
        %dma_start3A_191 = tpu.memref_slice %arg16[%add3A_134, %dma_start3A] : memref<41600x64xbf16, #tpu.memory_space<vmem_shared>> -> memref<32x64xbf16, #tpu.memory_space<vmem_shared>>
        %dma_start3A_192 = arith.constant 0 : i32
        %dma_start3A_193 = tpu.memref_slice %arg16[%add3A_134, %dma_start3A_192] : memref<41600x64xbf16, #tpu.memory_space<vmem_shared>> -> memref<32x64xbf16, #tpu.memory_space<vmem_shared>>
        tpu.enqueue_dma source(%arg14 : memref<32x64xbf16, #tpu.memory_space<vmem>>) target(%dma_start3A_193 : memref<32x64xbf16, #tpu.memory_space<vmem_shared>>) target_semaphore(%run_scoped3A : memref<!tpu.dma_semaphore, #tpu.memory_space<semaphore_mem>>)
        %dma_wait3A = arith.constant 0 : i32
        %dma_wait3A_194 = tpu.memref_slice %arg16[%add3A_134, %dma_wait3A] : memref<41600x64xbf16, #tpu.memory_space<vmem_shared>> -> memref<32x64xbf16, #tpu.memory_space<vmem_shared>>
        %dma_wait3A_195 = arith.constant 0 : i32
        %dma_wait3A_196 = tpu.memref_slice %arg16[%add3A_134, %dma_wait3A_195] : memref<41600x64xbf16, #tpu.memory_space<vmem_shared>> -> memref<32x64xbf16, #tpu.memory_space<vmem_shared>>
        tpu.wait_dma2 semaphore(%run_scoped3A : memref<!tpu.dma_semaphore, #tpu.memory_space<semaphore_mem>>) src(%arg14 : memref<32x64xbf16, #tpu.memory_space<vmem>>) dst(%dma_wait3A_196 : memref<32x64xbf16, #tpu.memory_space<vmem_shared>>)
        tpu.yield
      }) : () -> ()
      %add3A_135 = arith.constant 1984 : i32
      %add3A_136 = arith.addi %mul3A_11, %add3A_135 : i32
      "tpu.region"() ({
        %run_scoped3A = tpu.sem_alloc : memref<!tpu.dma_semaphore, #tpu.memory_space<semaphore_mem>>
        %dma_start3A = arith.constant 0 : i32
        %dma_start3A_191 = tpu.memref_slice %arg16[%add3A_136, %dma_start3A] : memref<41600x64xbf16, #tpu.memory_space<vmem_shared>> -> memref<32x64xbf16, #tpu.memory_space<vmem_shared>>
        %dma_start3A_192 = arith.constant 0 : i32
        %dma_start3A_193 = tpu.memref_slice %arg16[%add3A_136, %dma_start3A_192] : memref<41600x64xbf16, #tpu.memory_space<vmem_shared>> -> memref<32x64xbf16, #tpu.memory_space<vmem_shared>>
        tpu.enqueue_dma source(%arg14 : memref<32x64xbf16, #tpu.memory_space<vmem>>) target(%dma_start3A_193 : memref<32x64xbf16, #tpu.memory_space<vmem_shared>>) target_semaphore(%run_scoped3A : memref<!tpu.dma_semaphore, #tpu.memory_space<semaphore_mem>>)
        %dma_wait3A = arith.constant 0 : i32
        %dma_wait3A_194 = tpu.memref_slice %arg16[%add3A_136, %dma_wait3A] : memref<41600x64xbf16, #tpu.memory_space<vmem_shared>> -> memref<32x64xbf16, #tpu.memory_space<vmem_shared>>
        %dma_wait3A_195 = arith.constant 0 : i32
        %dma_wait3A_196 = tpu.memref_slice %arg16[%add3A_136, %dma_wait3A_195] : memref<41600x64xbf16, #tpu.memory_space<vmem_shared>> -> memref<32x64xbf16, #tpu.memory_space<vmem_shared>>
        tpu.wait_dma2 semaphore(%run_scoped3A : memref<!tpu.dma_semaphore, #tpu.memory_space<semaphore_mem>>) src(%arg14 : memref<32x64xbf16, #tpu.memory_space<vmem>>) dst(%dma_wait3A_196 : memref<32x64xbf16, #tpu.memory_space<vmem_shared>>)
        tpu.yield
      }) : () -> ()
      %add3A_137 = arith.constant 2016 : i32
      %add3A_138 = arith.addi %mul3A_11, %add3A_137 : i32
      "tpu.region"() ({
        %run_scoped3A = tpu.sem_alloc : memref<!tpu.dma_semaphore, #tpu.memory_space<semaphore_mem>>
        %dma_start3A = arith.constant 0 : i32
        %dma_start3A_191 = tpu.memref_slice %arg16[%add3A_138, %dma_start3A] : memref<41600x64xbf16, #tpu.memory_space<vmem_shared>> -> memref<32x64xbf16, #tpu.memory_space<vmem_shared>>
        %dma_start3A_192 = arith.constant 0 : i32
        %dma_start3A_193 = tpu.memref_slice %arg16[%add3A_138, %dma_start3A_192] : memref<41600x64xbf16, #tpu.memory_space<vmem_shared>> -> memref<32x64xbf16, #tpu.memory_space<vmem_shared>>
        tpu.enqueue_dma source(%arg14 : memref<32x64xbf16, #tpu.memory_space<vmem>>) target(%dma_start3A_193 : memref<32x64xbf16, #tpu.memory_space<vmem_shared>>) target_semaphore(%run_scoped3A : memref<!tpu.dma_semaphore, #tpu.memory_space<semaphore_mem>>)
        %dma_wait3A = arith.constant 0 : i32
        %dma_wait3A_194 = tpu.memref_slice %arg16[%add3A_138, %dma_wait3A] : memref<41600x64xbf16, #tpu.memory_space<vmem_shared>> -> memref<32x64xbf16, #tpu.memory_space<vmem_shared>>
        %dma_wait3A_195 = arith.constant 0 : i32
        %dma_wait3A_196 = tpu.memref_slice %arg16[%add3A_138, %dma_wait3A_195] : memref<41600x64xbf16, #tpu.memory_space<vmem_shared>> -> memref<32x64xbf16, #tpu.memory_space<vmem_shared>>
        tpu.wait_dma2 semaphore(%run_scoped3A : memref<!tpu.dma_semaphore, #tpu.memory_space<semaphore_mem>>) src(%arg14 : memref<32x64xbf16, #tpu.memory_space<vmem>>) dst(%dma_wait3A_196 : memref<32x64xbf16, #tpu.memory_space<vmem_shared>>)
        tpu.yield
      }) : () -> ()
      %add3A_139 = arith.constant 2048 : i32
      %add3A_140 = arith.addi %mul3A_11, %add3A_139 : i32
      "tpu.region"() ({
        %run_scoped3A = tpu.sem_alloc : memref<!tpu.dma_semaphore, #tpu.memory_space<semaphore_mem>>
        %dma_start3A = arith.constant 0 : i32
        %dma_start3A_191 = tpu.memref_slice %arg16[%add3A_140, %dma_start3A] : memref<41600x64xbf16, #tpu.memory_space<vmem_shared>> -> memref<32x64xbf16, #tpu.memory_space<vmem_shared>>
        %dma_start3A_192 = arith.constant 0 : i32
        %dma_start3A_193 = tpu.memref_slice %arg16[%add3A_140, %dma_start3A_192] : memref<41600x64xbf16, #tpu.memory_space<vmem_shared>> -> memref<32x64xbf16, #tpu.memory_space<vmem_shared>>
        tpu.enqueue_dma source(%arg14 : memref<32x64xbf16, #tpu.memory_space<vmem>>) target(%dma_start3A_193 : memref<32x64xbf16, #tpu.memory_space<vmem_shared>>) target_semaphore(%run_scoped3A : memref<!tpu.dma_semaphore, #tpu.memory_space<semaphore_mem>>)
        %dma_wait3A = arith.constant 0 : i32
        %dma_wait3A_194 = tpu.memref_slice %arg16[%add3A_140, %dma_wait3A] : memref<41600x64xbf16, #tpu.memory_space<vmem_shared>> -> memref<32x64xbf16, #tpu.memory_space<vmem_shared>>
        %dma_wait3A_195 = arith.constant 0 : i32
        %dma_wait3A_196 = tpu.memref_slice %arg16[%add3A_140, %dma_wait3A_195] : memref<41600x64xbf16, #tpu.memory_space<vmem_shared>> -> memref<32x64xbf16, #tpu.memory_space<vmem_shared>>
        tpu.wait_dma2 semaphore(%run_scoped3A : memref<!tpu.dma_semaphore, #tpu.memory_space<semaphore_mem>>) src(%arg14 : memref<32x64xbf16, #tpu.memory_space<vmem>>) dst(%dma_wait3A_196 : memref<32x64xbf16, #tpu.memory_space<vmem_shared>>)
        tpu.yield
      }) : () -> ()
      %add3A_141 = arith.constant 2080 : i32
      %add3A_142 = arith.addi %mul3A_11, %add3A_141 : i32
      "tpu.region"() ({
        %run_scoped3A = tpu.sem_alloc : memref<!tpu.dma_semaphore, #tpu.memory_space<semaphore_mem>>
        %dma_start3A = arith.constant 0 : i32
        %dma_start3A_191 = tpu.memref_slice %arg16[%add3A_142, %dma_start3A] : memref<41600x64xbf16, #tpu.memory_space<vmem_shared>> -> memref<32x64xbf16, #tpu.memory_space<vmem_shared>>
        %dma_start3A_192 = arith.constant 0 : i32
        %dma_start3A_193 = tpu.memref_slice %arg16[%add3A_142, %dma_start3A_192] : memref<41600x64xbf16, #tpu.memory_space<vmem_shared>> -> memref<32x64xbf16, #tpu.memory_space<vmem_shared>>
        tpu.enqueue_dma source(%arg14 : memref<32x64xbf16, #tpu.memory_space<vmem>>) target(%dma_start3A_193 : memref<32x64xbf16, #tpu.memory_space<vmem_shared>>) target_semaphore(%run_scoped3A : memref<!tpu.dma_semaphore, #tpu.memory_space<semaphore_mem>>)
        %dma_wait3A = arith.constant 0 : i32
        %dma_wait3A_194 = tpu.memref_slice %arg16[%add3A_142, %dma_wait3A] : memref<41600x64xbf16, #tpu.memory_space<vmem_shared>> -> memref<32x64xbf16, #tpu.memory_space<vmem_shared>>
        %dma_wait3A_195 = arith.constant 0 : i32
        %dma_wait3A_196 = tpu.memref_slice %arg16[%add3A_142, %dma_wait3A_195] : memref<41600x64xbf16, #tpu.memory_space<vmem_shared>> -> memref<32x64xbf16, #tpu.memory_space<vmem_shared>>
        tpu.wait_dma2 semaphore(%run_scoped3A : memref<!tpu.dma_semaphore, #tpu.memory_space<semaphore_mem>>) src(%arg14 : memref<32x64xbf16, #tpu.memory_space<vmem>>) dst(%dma_wait3A_196 : memref<32x64xbf16, #tpu.memory_space<vmem_shared>>)
        tpu.yield
      }) : () -> ()
      %add3A_143 = arith.constant 2112 : i32
      %add3A_144 = arith.addi %mul3A_11, %add3A_143 : i32
      "tpu.region"() ({
        %run_scoped3A = tpu.sem_alloc : memref<!tpu.dma_semaphore, #tpu.memory_space<semaphore_mem>>
        %dma_start3A = arith.constant 0 : i32
        %dma_start3A_191 = tpu.memref_slice %arg16[%add3A_144, %dma_start3A] : memref<41600x64xbf16, #tpu.memory_space<vmem_shared>> -> memref<32x64xbf16, #tpu.memory_space<vmem_shared>>
        %dma_start3A_192 = arith.constant 0 : i32
        %dma_start3A_193 = tpu.memref_slice %arg16[%add3A_144, %dma_start3A_192] : memref<41600x64xbf16, #tpu.memory_space<vmem_shared>> -> memref<32x64xbf16, #tpu.memory_space<vmem_shared>>
        tpu.enqueue_dma source(%arg14 : memref<32x64xbf16, #tpu.memory_space<vmem>>) target(%dma_start3A_193 : memref<32x64xbf16, #tpu.memory_space<vmem_shared>>) target_semaphore(%run_scoped3A : memref<!tpu.dma_semaphore, #tpu.memory_space<semaphore_mem>>)
        %dma_wait3A = arith.constant 0 : i32
        %dma_wait3A_194 = tpu.memref_slice %arg16[%add3A_144, %dma_wait3A] : memref<41600x64xbf16, #tpu.memory_space<vmem_shared>> -> memref<32x64xbf16, #tpu.memory_space<vmem_shared>>
        %dma_wait3A_195 = arith.constant 0 : i32
        %dma_wait3A_196 = tpu.memref_slice %arg16[%add3A_144, %dma_wait3A_195] : memref<41600x64xbf16, #tpu.memory_space<vmem_shared>> -> memref<32x64xbf16, #tpu.memory_space<vmem_shared>>
        tpu.wait_dma2 semaphore(%run_scoped3A : memref<!tpu.dma_semaphore, #tpu.memory_space<semaphore_mem>>) src(%arg14 : memref<32x64xbf16, #tpu.memory_space<vmem>>) dst(%dma_wait3A_196 : memref<32x64xbf16, #tpu.memory_space<vmem_shared>>)
        tpu.yield
      }) : () -> ()
      %add3A_145 = arith.constant 2144 : i32
      %add3A_146 = arith.addi %mul3A_11, %add3A_145 : i32
      "tpu.region"() ({
        %run_scoped3A = tpu.sem_alloc : memref<!tpu.dma_semaphore, #tpu.memory_space<semaphore_mem>>
        %dma_start3A = arith.constant 0 : i32
        %dma_start3A_191 = tpu.memref_slice %arg16[%add3A_146, %dma_start3A] : memref<41600x64xbf16, #tpu.memory_space<vmem_shared>> -> memref<32x64xbf16, #tpu.memory_space<vmem_shared>>
        %dma_start3A_192 = arith.constant 0 : i32
        %dma_start3A_193 = tpu.memref_slice %arg16[%add3A_146, %dma_start3A_192] : memref<41600x64xbf16, #tpu.memory_space<vmem_shared>> -> memref<32x64xbf16, #tpu.memory_space<vmem_shared>>
        tpu.enqueue_dma source(%arg14 : memref<32x64xbf16, #tpu.memory_space<vmem>>) target(%dma_start3A_193 : memref<32x64xbf16, #tpu.memory_space<vmem_shared>>) target_semaphore(%run_scoped3A : memref<!tpu.dma_semaphore, #tpu.memory_space<semaphore_mem>>)
        %dma_wait3A = arith.constant 0 : i32
        %dma_wait3A_194 = tpu.memref_slice %arg16[%add3A_146, %dma_wait3A] : memref<41600x64xbf16, #tpu.memory_space<vmem_shared>> -> memref<32x64xbf16, #tpu.memory_space<vmem_shared>>
        %dma_wait3A_195 = arith.constant 0 : i32
        %dma_wait3A_196 = tpu.memref_slice %arg16[%add3A_146, %dma_wait3A_195] : memref<41600x64xbf16, #tpu.memory_space<vmem_shared>> -> memref<32x64xbf16, #tpu.memory_space<vmem_shared>>
        tpu.wait_dma2 semaphore(%run_scoped3A : memref<!tpu.dma_semaphore, #tpu.memory_space<semaphore_mem>>) src(%arg14 : memref<32x64xbf16, #tpu.memory_space<vmem>>) dst(%dma_wait3A_196 : memref<32x64xbf16, #tpu.memory_space<vmem_shared>>)
        tpu.yield
      }) : () -> ()
      %add3A_147 = arith.constant 2176 : i32
      %add3A_148 = arith.addi %mul3A_11, %add3A_147 : i32
      "tpu.region"() ({
        %run_scoped3A = tpu.sem_alloc : memref<!tpu.dma_semaphore, #tpu.memory_space<semaphore_mem>>
        %dma_start3A = arith.constant 0 : i32
        %dma_start3A_191 = tpu.memref_slice %arg16[%add3A_148, %dma_start3A] : memref<41600x64xbf16, #tpu.memory_space<vmem_shared>> -> memref<32x64xbf16, #tpu.memory_space<vmem_shared>>
        %dma_start3A_192 = arith.constant 0 : i32
        %dma_start3A_193 = tpu.memref_slice %arg16[%add3A_148, %dma_start3A_192] : memref<41600x64xbf16, #tpu.memory_space<vmem_shared>> -> memref<32x64xbf16, #tpu.memory_space<vmem_shared>>
        tpu.enqueue_dma source(%arg14 : memref<32x64xbf16, #tpu.memory_space<vmem>>) target(%dma_start3A_193 : memref<32x64xbf16, #tpu.memory_space<vmem_shared>>) target_semaphore(%run_scoped3A : memref<!tpu.dma_semaphore, #tpu.memory_space<semaphore_mem>>)
        %dma_wait3A = arith.constant 0 : i32
        %dma_wait3A_194 = tpu.memref_slice %arg16[%add3A_148, %dma_wait3A] : memref<41600x64xbf16, #tpu.memory_space<vmem_shared>> -> memref<32x64xbf16, #tpu.memory_space<vmem_shared>>
        %dma_wait3A_195 = arith.constant 0 : i32
        %dma_wait3A_196 = tpu.memref_slice %arg16[%add3A_148, %dma_wait3A_195] : memref<41600x64xbf16, #tpu.memory_space<vmem_shared>> -> memref<32x64xbf16, #tpu.memory_space<vmem_shared>>
        tpu.wait_dma2 semaphore(%run_scoped3A : memref<!tpu.dma_semaphore, #tpu.memory_space<semaphore_mem>>) src(%arg14 : memref<32x64xbf16, #tpu.memory_space<vmem>>) dst(%dma_wait3A_196 : memref<32x64xbf16, #tpu.memory_space<vmem_shared>>)
        tpu.yield
      }) : () -> ()
      %add3A_149 = arith.constant 2208 : i32
      %add3A_150 = arith.addi %mul3A_11, %add3A_149 : i32
      "tpu.region"() ({
        %run_scoped3A = tpu.sem_alloc : memref<!tpu.dma_semaphore, #tpu.memory_space<semaphore_mem>>
        %dma_start3A = arith.constant 0 : i32
        %dma_start3A_191 = tpu.memref_slice %arg16[%add3A_150, %dma_start3A] : memref<41600x64xbf16, #tpu.memory_space<vmem_shared>> -> memref<32x64xbf16, #tpu.memory_space<vmem_shared>>
        %dma_start3A_192 = arith.constant 0 : i32
        %dma_start3A_193 = tpu.memref_slice %arg16[%add3A_150, %dma_start3A_192] : memref<41600x64xbf16, #tpu.memory_space<vmem_shared>> -> memref<32x64xbf16, #tpu.memory_space<vmem_shared>>
        tpu.enqueue_dma source(%arg14 : memref<32x64xbf16, #tpu.memory_space<vmem>>) target(%dma_start3A_193 : memref<32x64xbf16, #tpu.memory_space<vmem_shared>>) target_semaphore(%run_scoped3A : memref<!tpu.dma_semaphore, #tpu.memory_space<semaphore_mem>>)
        %dma_wait3A = arith.constant 0 : i32
        %dma_wait3A_194 = tpu.memref_slice %arg16[%add3A_150, %dma_wait3A] : memref<41600x64xbf16, #tpu.memory_space<vmem_shared>> -> memref<32x64xbf16, #tpu.memory_space<vmem_shared>>
        %dma_wait3A_195 = arith.constant 0 : i32
        %dma_wait3A_196 = tpu.memref_slice %arg16[%add3A_150, %dma_wait3A_195] : memref<41600x64xbf16, #tpu.memory_space<vmem_shared>> -> memref<32x64xbf16, #tpu.memory_space<vmem_shared>>
        tpu.wait_dma2 semaphore(%run_scoped3A : memref<!tpu.dma_semaphore, #tpu.memory_space<semaphore_mem>>) src(%arg14 : memref<32x64xbf16, #tpu.memory_space<vmem>>) dst(%dma_wait3A_196 : memref<32x64xbf16, #tpu.memory_space<vmem_shared>>)
        tpu.yield
      }) : () -> ()
      %add3A_151 = arith.constant 2240 : i32
      %add3A_152 = arith.addi %mul3A_11, %add3A_151 : i32
      "tpu.region"() ({
        %run_scoped3A = tpu.sem_alloc : memref<!tpu.dma_semaphore, #tpu.memory_space<semaphore_mem>>
        %dma_start3A = arith.constant 0 : i32
        %dma_start3A_191 = tpu.memref_slice %arg16[%add3A_152, %dma_start3A] : memref<41600x64xbf16, #tpu.memory_space<vmem_shared>> -> memref<32x64xbf16, #tpu.memory_space<vmem_shared>>
        %dma_start3A_192 = arith.constant 0 : i32
        %dma_start3A_193 = tpu.memref_slice %arg16[%add3A_152, %dma_start3A_192] : memref<41600x64xbf16, #tpu.memory_space<vmem_shared>> -> memref<32x64xbf16, #tpu.memory_space<vmem_shared>>
        tpu.enqueue_dma source(%arg14 : memref<32x64xbf16, #tpu.memory_space<vmem>>) target(%dma_start3A_193 : memref<32x64xbf16, #tpu.memory_space<vmem_shared>>) target_semaphore(%run_scoped3A : memref<!tpu.dma_semaphore, #tpu.memory_space<semaphore_mem>>)
        %dma_wait3A = arith.constant 0 : i32
        %dma_wait3A_194 = tpu.memref_slice %arg16[%add3A_152, %dma_wait3A] : memref<41600x64xbf16, #tpu.memory_space<vmem_shared>> -> memref<32x64xbf16, #tpu.memory_space<vmem_shared>>
        %dma_wait3A_195 = arith.constant 0 : i32
        %dma_wait3A_196 = tpu.memref_slice %arg16[%add3A_152, %dma_wait3A_195] : memref<41600x64xbf16, #tpu.memory_space<vmem_shared>> -> memref<32x64xbf16, #tpu.memory_space<vmem_shared>>
        tpu.wait_dma2 semaphore(%run_scoped3A : memref<!tpu.dma_semaphore, #tpu.memory_space<semaphore_mem>>) src(%arg14 : memref<32x64xbf16, #tpu.memory_space<vmem>>) dst(%dma_wait3A_196 : memref<32x64xbf16, #tpu.memory_space<vmem_shared>>)
        tpu.yield
      }) : () -> ()
      %add3A_153 = arith.constant 2272 : i32
      %add3A_154 = arith.addi %mul3A_11, %add3A_153 : i32
      "tpu.region"() ({
        %run_scoped3A = tpu.sem_alloc : memref<!tpu.dma_semaphore, #tpu.memory_space<semaphore_mem>>
        %dma_start3A = arith.constant 0 : i32
        %dma_start3A_191 = tpu.memref_slice %arg16[%add3A_154, %dma_start3A] : memref<41600x64xbf16, #tpu.memory_space<vmem_shared>> -> memref<32x64xbf16, #tpu.memory_space<vmem_shared>>
        %dma_start3A_192 = arith.constant 0 : i32
        %dma_start3A_193 = tpu.memref_slice %arg16[%add3A_154, %dma_start3A_192] : memref<41600x64xbf16, #tpu.memory_space<vmem_shared>> -> memref<32x64xbf16, #tpu.memory_space<vmem_shared>>
        tpu.enqueue_dma source(%arg14 : memref<32x64xbf16, #tpu.memory_space<vmem>>) target(%dma_start3A_193 : memref<32x64xbf16, #tpu.memory_space<vmem_shared>>) target_semaphore(%run_scoped3A : memref<!tpu.dma_semaphore, #tpu.memory_space<semaphore_mem>>)
        %dma_wait3A = arith.constant 0 : i32
        %dma_wait3A_194 = tpu.memref_slice %arg16[%add3A_154, %dma_wait3A] : memref<41600x64xbf16, #tpu.memory_space<vmem_shared>> -> memref<32x64xbf16, #tpu.memory_space<vmem_shared>>
        %dma_wait3A_195 = arith.constant 0 : i32
        %dma_wait3A_196 = tpu.memref_slice %arg16[%add3A_154, %dma_wait3A_195] : memref<41600x64xbf16, #tpu.memory_space<vmem_shared>> -> memref<32x64xbf16, #tpu.memory_space<vmem_shared>>
        tpu.wait_dma2 semaphore(%run_scoped3A : memref<!tpu.dma_semaphore, #tpu.memory_space<semaphore_mem>>) src(%arg14 : memref<32x64xbf16, #tpu.memory_space<vmem>>) dst(%dma_wait3A_196 : memref<32x64xbf16, #tpu.memory_space<vmem_shared>>)
        tpu.yield
      }) : () -> ()
      %add3A_155 = arith.constant 2304 : i32
      %add3A_156 = arith.addi %mul3A_11, %add3A_155 : i32
      "tpu.region"() ({
        %run_scoped3A = tpu.sem_alloc : memref<!tpu.dma_semaphore, #tpu.memory_space<semaphore_mem>>
        %dma_start3A = arith.constant 0 : i32
        %dma_start3A_191 = tpu.memref_slice %arg16[%add3A_156, %dma_start3A] : memref<41600x64xbf16, #tpu.memory_space<vmem_shared>> -> memref<32x64xbf16, #tpu.memory_space<vmem_shared>>
        %dma_start3A_192 = arith.constant 0 : i32
        %dma_start3A_193 = tpu.memref_slice %arg16[%add3A_156, %dma_start3A_192] : memref<41600x64xbf16, #tpu.memory_space<vmem_shared>> -> memref<32x64xbf16, #tpu.memory_space<vmem_shared>>
        tpu.enqueue_dma source(%arg14 : memref<32x64xbf16, #tpu.memory_space<vmem>>) target(%dma_start3A_193 : memref<32x64xbf16, #tpu.memory_space<vmem_shared>>) target_semaphore(%run_scoped3A : memref<!tpu.dma_semaphore, #tpu.memory_space<semaphore_mem>>)
        %dma_wait3A = arith.constant 0 : i32
        %dma_wait3A_194 = tpu.memref_slice %arg16[%add3A_156, %dma_wait3A] : memref<41600x64xbf16, #tpu.memory_space<vmem_shared>> -> memref<32x64xbf16, #tpu.memory_space<vmem_shared>>
        %dma_wait3A_195 = arith.constant 0 : i32
        %dma_wait3A_196 = tpu.memref_slice %arg16[%add3A_156, %dma_wait3A_195] : memref<41600x64xbf16, #tpu.memory_space<vmem_shared>> -> memref<32x64xbf16, #tpu.memory_space<vmem_shared>>
        tpu.wait_dma2 semaphore(%run_scoped3A : memref<!tpu.dma_semaphore, #tpu.memory_space<semaphore_mem>>) src(%arg14 : memref<32x64xbf16, #tpu.memory_space<vmem>>) dst(%dma_wait3A_196 : memref<32x64xbf16, #tpu.memory_space<vmem_shared>>)
        tpu.yield
      }) : () -> ()
      %add3A_157 = arith.constant 2336 : i32
      %add3A_158 = arith.addi %mul3A_11, %add3A_157 : i32
      "tpu.region"() ({
        %run_scoped3A = tpu.sem_alloc : memref<!tpu.dma_semaphore, #tpu.memory_space<semaphore_mem>>
        %dma_start3A = arith.constant 0 : i32
        %dma_start3A_191 = tpu.memref_slice %arg16[%add3A_158, %dma_start3A] : memref<41600x64xbf16, #tpu.memory_space<vmem_shared>> -> memref<32x64xbf16, #tpu.memory_space<vmem_shared>>
        %dma_start3A_192 = arith.constant 0 : i32
        %dma_start3A_193 = tpu.memref_slice %arg16[%add3A_158, %dma_start3A_192] : memref<41600x64xbf16, #tpu.memory_space<vmem_shared>> -> memref<32x64xbf16, #tpu.memory_space<vmem_shared>>
        tpu.enqueue_dma source(%arg14 : memref<32x64xbf16, #tpu.memory_space<vmem>>) target(%dma_start3A_193 : memref<32x64xbf16, #tpu.memory_space<vmem_shared>>) target_semaphore(%run_scoped3A : memref<!tpu.dma_semaphore, #tpu.memory_space<semaphore_mem>>)
        %dma_wait3A = arith.constant 0 : i32
        %dma_wait3A_194 = tpu.memref_slice %arg16[%add3A_158, %dma_wait3A] : memref<41600x64xbf16, #tpu.memory_space<vmem_shared>> -> memref<32x64xbf16, #tpu.memory_space<vmem_shared>>
        %dma_wait3A_195 = arith.constant 0 : i32
        %dma_wait3A_196 = tpu.memref_slice %arg16[%add3A_158, %dma_wait3A_195] : memref<41600x64xbf16, #tpu.memory_space<vmem_shared>> -> memref<32x64xbf16, #tpu.memory_space<vmem_shared>>
        tpu.wait_dma2 semaphore(%run_scoped3A : memref<!tpu.dma_semaphore, #tpu.memory_space<semaphore_mem>>) src(%arg14 : memref<32x64xbf16, #tpu.memory_space<vmem>>) dst(%dma_wait3A_196 : memref<32x64xbf16, #tpu.memory_space<vmem_shared>>)
        tpu.yield
      }) : () -> ()
      %add3A_159 = arith.constant 2368 : i32
      %add3A_160 = arith.addi %mul3A_11, %add3A_159 : i32
      "tpu.region"() ({
        %run_scoped3A = tpu.sem_alloc : memref<!tpu.dma_semaphore, #tpu.memory_space<semaphore_mem>>
        %dma_start3A = arith.constant 0 : i32
        %dma_start3A_191 = tpu.memref_slice %arg16[%add3A_160, %dma_start3A] : memref<41600x64xbf16, #tpu.memory_space<vmem_shared>> -> memref<32x64xbf16, #tpu.memory_space<vmem_shared>>
        %dma_start3A_192 = arith.constant 0 : i32
        %dma_start3A_193 = tpu.memref_slice %arg16[%add3A_160, %dma_start3A_192] : memref<41600x64xbf16, #tpu.memory_space<vmem_shared>> -> memref<32x64xbf16, #tpu.memory_space<vmem_shared>>
        tpu.enqueue_dma source(%arg14 : memref<32x64xbf16, #tpu.memory_space<vmem>>) target(%dma_start3A_193 : memref<32x64xbf16, #tpu.memory_space<vmem_shared>>) target_semaphore(%run_scoped3A : memref<!tpu.dma_semaphore, #tpu.memory_space<semaphore_mem>>)
        %dma_wait3A = arith.constant 0 : i32
        %dma_wait3A_194 = tpu.memref_slice %arg16[%add3A_160, %dma_wait3A] : memref<41600x64xbf16, #tpu.memory_space<vmem_shared>> -> memref<32x64xbf16, #tpu.memory_space<vmem_shared>>
        %dma_wait3A_195 = arith.constant 0 : i32
        %dma_wait3A_196 = tpu.memref_slice %arg16[%add3A_160, %dma_wait3A_195] : memref<41600x64xbf16, #tpu.memory_space<vmem_shared>> -> memref<32x64xbf16, #tpu.memory_space<vmem_shared>>
        tpu.wait_dma2 semaphore(%run_scoped3A : memref<!tpu.dma_semaphore, #tpu.memory_space<semaphore_mem>>) src(%arg14 : memref<32x64xbf16, #tpu.memory_space<vmem>>) dst(%dma_wait3A_196 : memref<32x64xbf16, #tpu.memory_space<vmem_shared>>)
        tpu.yield
      }) : () -> ()
      %add3A_161 = arith.constant 2400 : i32
      %add3A_162 = arith.addi %mul3A_11, %add3A_161 : i32
      "tpu.region"() ({
        %run_scoped3A = tpu.sem_alloc : memref<!tpu.dma_semaphore, #tpu.memory_space<semaphore_mem>>
        %dma_start3A = arith.constant 0 : i32
        %dma_start3A_191 = tpu.memref_slice %arg16[%add3A_162, %dma_start3A] : memref<41600x64xbf16, #tpu.memory_space<vmem_shared>> -> memref<32x64xbf16, #tpu.memory_space<vmem_shared>>
        %dma_start3A_192 = arith.constant 0 : i32
        %dma_start3A_193 = tpu.memref_slice %arg16[%add3A_162, %dma_start3A_192] : memref<41600x64xbf16, #tpu.memory_space<vmem_shared>> -> memref<32x64xbf16, #tpu.memory_space<vmem_shared>>
        tpu.enqueue_dma source(%arg14 : memref<32x64xbf16, #tpu.memory_space<vmem>>) target(%dma_start3A_193 : memref<32x64xbf16, #tpu.memory_space<vmem_shared>>) target_semaphore(%run_scoped3A : memref<!tpu.dma_semaphore, #tpu.memory_space<semaphore_mem>>)
        %dma_wait3A = arith.constant 0 : i32
        %dma_wait3A_194 = tpu.memref_slice %arg16[%add3A_162, %dma_wait3A] : memref<41600x64xbf16, #tpu.memory_space<vmem_shared>> -> memref<32x64xbf16, #tpu.memory_space<vmem_shared>>
        %dma_wait3A_195 = arith.constant 0 : i32
        %dma_wait3A_196 = tpu.memref_slice %arg16[%add3A_162, %dma_wait3A_195] : memref<41600x64xbf16, #tpu.memory_space<vmem_shared>> -> memref<32x64xbf16, #tpu.memory_space<vmem_shared>>
        tpu.wait_dma2 semaphore(%run_scoped3A : memref<!tpu.dma_semaphore, #tpu.memory_space<semaphore_mem>>) src(%arg14 : memref<32x64xbf16, #tpu.memory_space<vmem>>) dst(%dma_wait3A_196 : memref<32x64xbf16, #tpu.memory_space<vmem_shared>>)
        tpu.yield
      }) : () -> ()
      %add3A_163 = arith.constant 2432 : i32
      %add3A_164 = arith.addi %mul3A_11, %add3A_163 : i32
      "tpu.region"() ({
        %run_scoped3A = tpu.sem_alloc : memref<!tpu.dma_semaphore, #tpu.memory_space<semaphore_mem>>
        %dma_start3A = arith.constant 0 : i32
        %dma_start3A_191 = tpu.memref_slice %arg16[%add3A_164, %dma_start3A] : memref<41600x64xbf16, #tpu.memory_space<vmem_shared>> -> memref<32x64xbf16, #tpu.memory_space<vmem_shared>>
        %dma_start3A_192 = arith.constant 0 : i32
        %dma_start3A_193 = tpu.memref_slice %arg16[%add3A_164, %dma_start3A_192] : memref<41600x64xbf16, #tpu.memory_space<vmem_shared>> -> memref<32x64xbf16, #tpu.memory_space<vmem_shared>>
        tpu.enqueue_dma source(%arg14 : memref<32x64xbf16, #tpu.memory_space<vmem>>) target(%dma_start3A_193 : memref<32x64xbf16, #tpu.memory_space<vmem_shared>>) target_semaphore(%run_scoped3A : memref<!tpu.dma_semaphore, #tpu.memory_space<semaphore_mem>>)
        %dma_wait3A = arith.constant 0 : i32
        %dma_wait3A_194 = tpu.memref_slice %arg16[%add3A_164, %dma_wait3A] : memref<41600x64xbf16, #tpu.memory_space<vmem_shared>> -> memref<32x64xbf16, #tpu.memory_space<vmem_shared>>
        %dma_wait3A_195 = arith.constant 0 : i32
        %dma_wait3A_196 = tpu.memref_slice %arg16[%add3A_164, %dma_wait3A_195] : memref<41600x64xbf16, #tpu.memory_space<vmem_shared>> -> memref<32x64xbf16, #tpu.memory_space<vmem_shared>>
        tpu.wait_dma2 semaphore(%run_scoped3A : memref<!tpu.dma_semaphore, #tpu.memory_space<semaphore_mem>>) src(%arg14 : memref<32x64xbf16, #tpu.memory_space<vmem>>) dst(%dma_wait3A_196 : memref<32x64xbf16, #tpu.memory_space<vmem_shared>>)
        tpu.yield
      }) : () -> ()
      %add3A_165 = arith.constant 2464 : i32
      %add3A_166 = arith.addi %mul3A_11, %add3A_165 : i32
      "tpu.region"() ({
        %run_scoped3A = tpu.sem_alloc : memref<!tpu.dma_semaphore, #tpu.memory_space<semaphore_mem>>
        %dma_start3A = arith.constant 0 : i32
        %dma_start3A_191 = tpu.memref_slice %arg16[%add3A_166, %dma_start3A] : memref<41600x64xbf16, #tpu.memory_space<vmem_shared>> -> memref<32x64xbf16, #tpu.memory_space<vmem_shared>>
        %dma_start3A_192 = arith.constant 0 : i32
        %dma_start3A_193 = tpu.memref_slice %arg16[%add3A_166, %dma_start3A_192] : memref<41600x64xbf16, #tpu.memory_space<vmem_shared>> -> memref<32x64xbf16, #tpu.memory_space<vmem_shared>>
        tpu.enqueue_dma source(%arg14 : memref<32x64xbf16, #tpu.memory_space<vmem>>) target(%dma_start3A_193 : memref<32x64xbf16, #tpu.memory_space<vmem_shared>>) target_semaphore(%run_scoped3A : memref<!tpu.dma_semaphore, #tpu.memory_space<semaphore_mem>>)
        %dma_wait3A = arith.constant 0 : i32
        %dma_wait3A_194 = tpu.memref_slice %arg16[%add3A_166, %dma_wait3A] : memref<41600x64xbf16, #tpu.memory_space<vmem_shared>> -> memref<32x64xbf16, #tpu.memory_space<vmem_shared>>
        %dma_wait3A_195 = arith.constant 0 : i32
        %dma_wait3A_196 = tpu.memref_slice %arg16[%add3A_166, %dma_wait3A_195] : memref<41600x64xbf16, #tpu.memory_space<vmem_shared>> -> memref<32x64xbf16, #tpu.memory_space<vmem_shared>>
        tpu.wait_dma2 semaphore(%run_scoped3A : memref<!tpu.dma_semaphore, #tpu.memory_space<semaphore_mem>>) src(%arg14 : memref<32x64xbf16, #tpu.memory_space<vmem>>) dst(%dma_wait3A_196 : memref<32x64xbf16, #tpu.memory_space<vmem_shared>>)
        tpu.yield
      }) : () -> ()
      %add3A_167 = arith.constant 2496 : i32
      %add3A_168 = arith.addi %mul3A_11, %add3A_167 : i32
      "tpu.region"() ({
        %run_scoped3A = tpu.sem_alloc : memref<!tpu.dma_semaphore, #tpu.memory_space<semaphore_mem>>
        %dma_start3A = arith.constant 0 : i32
        %dma_start3A_191 = tpu.memref_slice %arg16[%add3A_168, %dma_start3A] : memref<41600x64xbf16, #tpu.memory_space<vmem_shared>> -> memref<32x64xbf16, #tpu.memory_space<vmem_shared>>
        %dma_start3A_192 = arith.constant 0 : i32
        %dma_start3A_193 = tpu.memref_slice %arg16[%add3A_168, %dma_start3A_192] : memref<41600x64xbf16, #tpu.memory_space<vmem_shared>> -> memref<32x64xbf16, #tpu.memory_space<vmem_shared>>
        tpu.enqueue_dma source(%arg14 : memref<32x64xbf16, #tpu.memory_space<vmem>>) target(%dma_start3A_193 : memref<32x64xbf16, #tpu.memory_space<vmem_shared>>) target_semaphore(%run_scoped3A : memref<!tpu.dma_semaphore, #tpu.memory_space<semaphore_mem>>)
        %dma_wait3A = arith.constant 0 : i32
        %dma_wait3A_194 = tpu.memref_slice %arg16[%add3A_168, %dma_wait3A] : memref<41600x64xbf16, #tpu.memory_space<vmem_shared>> -> memref<32x64xbf16, #tpu.memory_space<vmem_shared>>
        %dma_wait3A_195 = arith.constant 0 : i32
        %dma_wait3A_196 = tpu.memref_slice %arg16[%add3A_168, %dma_wait3A_195] : memref<41600x64xbf16, #tpu.memory_space<vmem_shared>> -> memref<32x64xbf16, #tpu.memory_space<vmem_shared>>
        tpu.wait_dma2 semaphore(%run_scoped3A : memref<!tpu.dma_semaphore, #tpu.memory_space<semaphore_mem>>) src(%arg14 : memref<32x64xbf16, #tpu.memory_space<vmem>>) dst(%dma_wait3A_196 : memref<32x64xbf16, #tpu.memory_space<vmem_shared>>)
        tpu.yield
      }) : () -> ()
      %add3A_169 = arith.constant 2528 : i32
      %add3A_170 = arith.addi %mul3A_11, %add3A_169 : i32
      "tpu.region"() ({
        %run_scoped3A = tpu.sem_alloc : memref<!tpu.dma_semaphore, #tpu.memory_space<semaphore_mem>>
        %dma_start3A = arith.constant 0 : i32
        %dma_start3A_191 = tpu.memref_slice %arg16[%add3A_170, %dma_start3A] : memref<41600x64xbf16, #tpu.memory_space<vmem_shared>> -> memref<32x64xbf16, #tpu.memory_space<vmem_shared>>
        %dma_start3A_192 = arith.constant 0 : i32
        %dma_start3A_193 = tpu.memref_slice %arg16[%add3A_170, %dma_start3A_192] : memref<41600x64xbf16, #tpu.memory_space<vmem_shared>> -> memref<32x64xbf16, #tpu.memory_space<vmem_shared>>
        tpu.enqueue_dma source(%arg14 : memref<32x64xbf16, #tpu.memory_space<vmem>>) target(%dma_start3A_193 : memref<32x64xbf16, #tpu.memory_space<vmem_shared>>) target_semaphore(%run_scoped3A : memref<!tpu.dma_semaphore, #tpu.memory_space<semaphore_mem>>)
        %dma_wait3A = arith.constant 0 : i32
        %dma_wait3A_194 = tpu.memref_slice %arg16[%add3A_170, %dma_wait3A] : memref<41600x64xbf16, #tpu.memory_space<vmem_shared>> -> memref<32x64xbf16, #tpu.memory_space<vmem_shared>>
        %dma_wait3A_195 = arith.constant 0 : i32
        %dma_wait3A_196 = tpu.memref_slice %arg16[%add3A_170, %dma_wait3A_195] : memref<41600x64xbf16, #tpu.memory_space<vmem_shared>> -> memref<32x64xbf16, #tpu.memory_space<vmem_shared>>
        tpu.wait_dma2 semaphore(%run_scoped3A : memref<!tpu.dma_semaphore, #tpu.memory_space<semaphore_mem>>) src(%arg14 : memref<32x64xbf16, #tpu.memory_space<vmem>>) dst(%dma_wait3A_196 : memref<32x64xbf16, #tpu.memory_space<vmem_shared>>)
        tpu.yield
      }) : () -> ()
      %add3A_171 = arith.constant 2560 : i32
      %add3A_172 = arith.addi %mul3A_11, %add3A_171 : i32
      "tpu.region"() ({
        %run_scoped3A = tpu.sem_alloc : memref<!tpu.dma_semaphore, #tpu.memory_space<semaphore_mem>>
        %dma_start3A = arith.constant 0 : i32
        %dma_start3A_191 = tpu.memref_slice %arg16[%add3A_172, %dma_start3A] : memref<41600x64xbf16, #tpu.memory_space<vmem_shared>> -> memref<32x64xbf16, #tpu.memory_space<vmem_shared>>
        %dma_start3A_192 = arith.constant 0 : i32
        %dma_start3A_193 = tpu.memref_slice %arg16[%add3A_172, %dma_start3A_192] : memref<41600x64xbf16, #tpu.memory_space<vmem_shared>> -> memref<32x64xbf16, #tpu.memory_space<vmem_shared>>
        tpu.enqueue_dma source(%arg14 : memref<32x64xbf16, #tpu.memory_space<vmem>>) target(%dma_start3A_193 : memref<32x64xbf16, #tpu.memory_space<vmem_shared>>) target_semaphore(%run_scoped3A : memref<!tpu.dma_semaphore, #tpu.memory_space<semaphore_mem>>)
        %dma_wait3A = arith.constant 0 : i32
        %dma_wait3A_194 = tpu.memref_slice %arg16[%add3A_172, %dma_wait3A] : memref<41600x64xbf16, #tpu.memory_space<vmem_shared>> -> memref<32x64xbf16, #tpu.memory_space<vmem_shared>>
        %dma_wait3A_195 = arith.constant 0 : i32
        %dma_wait3A_196 = tpu.memref_slice %arg16[%add3A_172, %dma_wait3A_195] : memref<41600x64xbf16, #tpu.memory_space<vmem_shared>> -> memref<32x64xbf16, #tpu.memory_space<vmem_shared>>
        tpu.wait_dma2 semaphore(%run_scoped3A : memref<!tpu.dma_semaphore, #tpu.memory_space<semaphore_mem>>) src(%arg14 : memref<32x64xbf16, #tpu.memory_space<vmem>>) dst(%dma_wait3A_196 : memref<32x64xbf16, #tpu.memory_space<vmem_shared>>)
        tpu.yield
      }) : () -> ()
      %add3A_173 = arith.constant 2600 : i32
      %add3A_174 = arith.addi %mul3A_11, %add3A_173 : i32
      %sub3A = arith.constant 8 : i32
      %sub3A_175 = arith.subi %add3A_174, %sub3A : i32
      "tpu.region"() ({
        %run_scoped3A = tpu.sem_alloc : memref<!tpu.dma_semaphore, #tpu.memory_space<semaphore_mem>>
        %dma_start3A = arith.constant 0 : i32
        %dma_start3A_191 = arith.constant 0 : i32
        %dma_start3A_192 = tpu.memref_slice %arg14[%dma_start3A, %dma_start3A_191] : memref<32x64xbf16, #tpu.memory_space<vmem>> -> memref<8x64xbf16, #tpu.memory_space<vmem>>
        %dma_start3A_193 = arith.constant 0 : i32
        %dma_start3A_194 = tpu.memref_slice %arg16[%sub3A_175, %dma_start3A_193] : memref<41600x64xbf16, #tpu.memory_space<vmem_shared>> -> memref<8x64xbf16, #tpu.memory_space<vmem_shared>>
        %dma_start3A_195 = arith.constant 0 : i32
        %dma_start3A_196 = tpu.memref_slice %arg16[%sub3A_175, %dma_start3A_195] : memref<41600x64xbf16, #tpu.memory_space<vmem_shared>> -> memref<8x64xbf16, #tpu.memory_space<vmem_shared>>
        %dma_start3A_197 = arith.constant 0 : i32
        %dma_start3A_198 = arith.constant 0 : i32
        %dma_start3A_199 = tpu.memref_slice %arg14[%dma_start3A_197, %dma_start3A_198] : memref<32x64xbf16, #tpu.memory_space<vmem>> -> memref<8x64xbf16, #tpu.memory_space<vmem>>
        tpu.enqueue_dma source(%dma_start3A_199 : memref<8x64xbf16, #tpu.memory_space<vmem>>) target(%dma_start3A_196 : memref<8x64xbf16, #tpu.memory_space<vmem_shared>>) target_semaphore(%run_scoped3A : memref<!tpu.dma_semaphore, #tpu.memory_space<semaphore_mem>>)
        %dma_wait3A = arith.constant 0 : i32
        %dma_wait3A_200 = arith.constant 0 : i32
        %dma_wait3A_201 = tpu.memref_slice %arg14[%dma_wait3A, %dma_wait3A_200] : memref<32x64xbf16, #tpu.memory_space<vmem>> -> memref<8x64xbf16, #tpu.memory_space<vmem>>
        %dma_wait3A_202 = arith.constant 0 : i32
        %dma_wait3A_203 = tpu.memref_slice %arg16[%sub3A_175, %dma_wait3A_202] : memref<41600x64xbf16, #tpu.memory_space<vmem_shared>> -> memref<8x64xbf16, #tpu.memory_space<vmem_shared>>
        %dma_wait3A_204 = arith.constant 0 : i32
        %dma_wait3A_205 = tpu.memref_slice %arg16[%sub3A_175, %dma_wait3A_204] : memref<41600x64xbf16, #tpu.memory_space<vmem_shared>> -> memref<8x64xbf16, #tpu.memory_space<vmem_shared>>
        %dma_wait3A_206 = arith.constant 0 : i32
        %dma_wait3A_207 = arith.constant 0 : i32
        %dma_wait3A_208 = tpu.memref_slice %arg14[%dma_wait3A_206, %dma_wait3A_207] : memref<32x64xbf16, #tpu.memory_space<vmem>> -> memref<8x64xbf16, #tpu.memory_space<vmem>>
        tpu.wait_dma2 semaphore(%run_scoped3A : memref<!tpu.dma_semaphore, #tpu.memory_space<semaphore_mem>>) src(%dma_wait3A_208 : memref<8x64xbf16, #tpu.memory_space<vmem>>) dst(%dma_wait3A_205 : memref<8x64xbf16, #tpu.memory_space<vmem_shared>>)
        tpu.yield
      }) : () -> ()
      %mul3A_176 = arith.constant 640 : i32
      %mul3A_177 = arith.muli %arg1, %mul3A_176 : i32
      %mul3A_178 = arith.constant 640 : i32
      %mul3A_179 = arith.muli %arg1, %mul3A_178 : i32
      "tpu.region"() ({
        %run_scoped3A = tpu.sem_alloc : memref<!tpu.dma_semaphore, #tpu.memory_space<semaphore_mem>>
        %dma_start3A = arith.constant 0 : i32
        %dma_start3A_191 = tpu.memref_slice %arg15[%mul3A_179, %dma_start3A] : memref<10240x64xbf16, #tpu.memory_space<vmem_shared>> -> memref<640x64xbf16, #tpu.memory_space<vmem_shared>>
        %dma_start3A_192 = arith.constant 0 : i32
        %dma_start3A_193 = tpu.memref_slice %arg3[%mul3A_177, %dma_start3A_192] : memref<10240x64xbf16, #tpu.memory_space<hbm>> -> memref<640x64xbf16, #tpu.memory_space<hbm>>
        tpu.enqueue_dma source(%dma_start3A_193 : memref<640x64xbf16, #tpu.memory_space<hbm>>) target(%dma_start3A_191 : memref<640x64xbf16, #tpu.memory_space<vmem_shared>>) target_semaphore(%run_scoped3A : memref<!tpu.dma_semaphore, #tpu.memory_space<semaphore_mem>>)
        %dma_wait3A = arith.constant 0 : i32
        %dma_wait3A_194 = tpu.memref_slice %arg15[%mul3A_179, %dma_wait3A] : memref<10240x64xbf16, #tpu.memory_space<vmem_shared>> -> memref<640x64xbf16, #tpu.memory_space<vmem_shared>>
        %dma_wait3A_195 = arith.constant 0 : i32
        %dma_wait3A_196 = tpu.memref_slice %arg3[%mul3A_177, %dma_wait3A_195] : memref<10240x64xbf16, #tpu.memory_space<hbm>> -> memref<640x64xbf16, #tpu.memory_space<hbm>>
        tpu.wait_dma2 semaphore(%run_scoped3A : memref<!tpu.dma_semaphore, #tpu.memory_space<semaphore_mem>>) src(%dma_wait3A_196 : memref<640x64xbf16, #tpu.memory_space<hbm>>) dst(%dma_wait3A_194 : memref<640x64xbf16, #tpu.memory_space<vmem_shared>>)
        tpu.yield
      }) : () -> ()
      %barrier3A = arith.constant 0 : index
      tpu.barrier barrier_id(%barrier3A)
      %scan3A_180 = arith.constant 0 : i32
      %scan3A_181 = arith.constant 20 : i32
      %scan3A_182 = arith.addi %scan3A_180, %scan3A_181 : i32
      %scan3A_183 = arith.constant 1 : i32
      scf.for %scan3A_191 = %scan3A_180 to %scan3A_182 step %scan3A_183  : i32 {
        %mul3A_192 = arith.constant 1 : i32
        %mul3A_193 = arith.muli %scan3A_191, %mul3A_192 : i32
        %add3A_194 = arith.constant 0 : i32
        %add3A_195 = arith.addi %add3A_194, %mul3A_193 : i32
        "tpu.region"() ({
          %run_scoped3A = tpu.sem_alloc : memref<!tpu.dma_semaphore, #tpu.memory_space<semaphore_mem>>
          %dma_start3A_354 = arith.constant 0 : i32
          %dma_start3A_355 = tpu.memref_slice %arg4[%arg1, %add3A_195, %dma_start3A_354] : memref<16x20x1024xi32, #tpu.memory_space<hbm>> -> memref<1x1x1024xi32, #tpu.memory_space<hbm>>
          %dma_start3A_356 = tpu.memref_squeeze %dma_start3A_355 : memref<1x1x1024xi32, #tpu.memory_space<hbm>> -> memref<1024xi32, #tpu.memory_space<hbm>>
          %dma_start3A_357 = arith.constant 0 : i32
          %dma_start3A_358 = tpu.memref_slice %arg4[%arg1, %add3A_195, %dma_start3A_357] : memref<16x20x1024xi32, #tpu.memory_space<hbm>> -> memref<1x1x1024xi32, #tpu.memory_space<hbm>>
          %dma_start3A_359 = tpu.memref_squeeze %dma_start3A_358 : memref<1x1x1024xi32, #tpu.memory_space<hbm>> -> memref<1024xi32, #tpu.memory_space<hbm>>
          tpu.enqueue_dma source(%dma_start3A_359 : memref<1024xi32, #tpu.memory_space<hbm>>) target(%arg8 : memref<1024xi32, #tpu.memory_space<vmem>>) target_semaphore(%run_scoped3A : memref<!tpu.dma_semaphore, #tpu.memory_space<semaphore_mem>>)
          %dma_wait3A_360 = arith.constant 0 : i32
          %dma_wait3A_361 = tpu.memref_slice %arg4[%arg1, %add3A_195, %dma_wait3A_360] : memref<16x20x1024xi32, #tpu.memory_space<hbm>> -> memref<1x1x1024xi32, #tpu.memory_space<hbm>>
          %dma_wait3A_362 = tpu.memref_squeeze %dma_wait3A_361 : memref<1x1x1024xi32, #tpu.memory_space<hbm>> -> memref<1024xi32, #tpu.memory_space<hbm>>
          %dma_wait3A_363 = arith.constant 0 : i32
          %dma_wait3A_364 = tpu.memref_slice %arg4[%arg1, %add3A_195, %dma_wait3A_363] : memref<16x20x1024xi32, #tpu.memory_space<hbm>> -> memref<1x1x1024xi32, #tpu.memory_space<hbm>>
          %dma_wait3A_365 = tpu.memref_squeeze %dma_wait3A_364 : memref<1x1x1024xi32, #tpu.memory_space<hbm>> -> memref<1024xi32, #tpu.memory_space<hbm>>
          tpu.wait_dma2 semaphore(%run_scoped3A : memref<!tpu.dma_semaphore, #tpu.memory_space<semaphore_mem>>) src(%dma_wait3A_365 : memref<1024xi32, #tpu.memory_space<hbm>>) dst(%arg8 : memref<1024xi32, #tpu.memory_space<vmem>>)
          tpu.yield
        }) : () -> ()
        "tpu.region"() ({
          %run_scoped3A = tpu.sem_alloc : memref<!tpu.dma_semaphore, #tpu.memory_space<semaphore_mem>>
          %dma_start3A_354 = arith.constant 0 : i32
          %dma_start3A_355 = tpu.memref_slice %arg5[%arg1, %add3A_195, %dma_start3A_354] : memref<16x20x1024xi32, #tpu.memory_space<hbm>> -> memref<1x1x1024xi32, #tpu.memory_space<hbm>>
          %dma_start3A_356 = tpu.memref_squeeze %dma_start3A_355 : memref<1x1x1024xi32, #tpu.memory_space<hbm>> -> memref<1024xi32, #tpu.memory_space<hbm>>
          %dma_start3A_357 = arith.constant 0 : i32
          %dma_start3A_358 = tpu.memref_slice %arg5[%arg1, %add3A_195, %dma_start3A_357] : memref<16x20x1024xi32, #tpu.memory_space<hbm>> -> memref<1x1x1024xi32, #tpu.memory_space<hbm>>
          %dma_start3A_359 = tpu.memref_squeeze %dma_start3A_358 : memref<1x1x1024xi32, #tpu.memory_space<hbm>> -> memref<1024xi32, #tpu.memory_space<hbm>>
          tpu.enqueue_dma source(%dma_start3A_359 : memref<1024xi32, #tpu.memory_space<hbm>>) target(%arg9 : memref<1024xi32, #tpu.memory_space<vmem>>) target_semaphore(%run_scoped3A : memref<!tpu.dma_semaphore, #tpu.memory_space<semaphore_mem>>)
          %dma_wait3A_360 = arith.constant 0 : i32
          %dma_wait3A_361 = tpu.memref_slice %arg5[%arg1, %add3A_195, %dma_wait3A_360] : memref<16x20x1024xi32, #tpu.memory_space<hbm>> -> memref<1x1x1024xi32, #tpu.memory_space<hbm>>
          %dma_wait3A_362 = tpu.memref_squeeze %dma_wait3A_361 : memref<1x1x1024xi32, #tpu.memory_space<hbm>> -> memref<1024xi32, #tpu.memory_space<hbm>>
          %dma_wait3A_363 = arith.constant 0 : i32
          %dma_wait3A_364 = tpu.memref_slice %arg5[%arg1, %add3A_195, %dma_wait3A_363] : memref<16x20x1024xi32, #tpu.memory_space<hbm>> -> memref<1x1x1024xi32, #tpu.memory_space<hbm>>
          %dma_wait3A_365 = tpu.memref_squeeze %dma_wait3A_364 : memref<1x1x1024xi32, #tpu.memory_space<hbm>> -> memref<1024xi32, #tpu.memory_space<hbm>>
          tpu.wait_dma2 semaphore(%run_scoped3A : memref<!tpu.dma_semaphore, #tpu.memory_space<semaphore_mem>>) src(%dma_wait3A_365 : memref<1024xi32, #tpu.memory_space<hbm>>) dst(%arg9 : memref<1024xi32, #tpu.memory_space<vmem>>)
          tpu.yield
        }) : () -> ()
        %dma_start3A = arith.constant 0 : i32
        %dma_start3A_196 = tpu.memref_slice %arg8[%dma_start3A] : memref<1024xi32, #tpu.memory_space<vmem>> -> memref<128xi32, #tpu.memory_space<vmem>>
        %dma_start3A_197 = arith.constant 0 : i32
        %dma_start3A_198 = arith.constant 0 : i32
        %dma_start3A_199 = tpu.memref_slice %arg15[%dma_start3A_197, %dma_start3A_198] : memref<10240x64xbf16, #tpu.memory_space<vmem_shared>> -> memref<10240x64xbf16, #tpu.memory_space<vmem_shared>>
        tpu.enqueue_indirect_dma source(%dma_start3A_199 : memref<10240x64xbf16, #tpu.memory_space<vmem_shared>>) target(%arg10 : memref<128x64xbf16, #tpu.memory_space<vmem>>) offsets(%dma_start3A_196 : memref<128xi32, #tpu.memory_space<vmem>>) semaphore(%arg17 : memref<!tpu.dma_semaphore, #tpu.memory_space<semaphore_mem>>)
        %dma_start3A_200 = arith.constant 128 : i32
        %dma_start3A_201 = tpu.memref_slice %arg8[%dma_start3A_200] : memref<1024xi32, #tpu.memory_space<vmem>> -> memref<128xi32, #tpu.memory_space<vmem>>
        %dma_start3A_202 = arith.constant 0 : i32
        %dma_start3A_203 = arith.constant 0 : i32
        %dma_start3A_204 = tpu.memref_slice %arg15[%dma_start3A_202, %dma_start3A_203] : memref<10240x64xbf16, #tpu.memory_space<vmem_shared>> -> memref<10240x64xbf16, #tpu.memory_space<vmem_shared>>
        tpu.enqueue_indirect_dma source(%dma_start3A_204 : memref<10240x64xbf16, #tpu.memory_space<vmem_shared>>) target(%arg11 : memref<128x64xbf16, #tpu.memory_space<vmem>>) offsets(%dma_start3A_201 : memref<128xi32, #tpu.memory_space<vmem>>) semaphore(%arg18 : memref<!tpu.dma_semaphore, #tpu.memory_space<semaphore_mem>>)
        %dma_start3A_205 = arith.constant 256 : i32
        %dma_start3A_206 = tpu.memref_slice %arg8[%dma_start3A_205] : memref<1024xi32, #tpu.memory_space<vmem>> -> memref<128xi32, #tpu.memory_space<vmem>>
        %dma_start3A_207 = arith.constant 0 : i32
        %dma_start3A_208 = arith.constant 0 : i32
        %dma_start3A_209 = tpu.memref_slice %arg15[%dma_start3A_207, %dma_start3A_208] : memref<10240x64xbf16, #tpu.memory_space<vmem_shared>> -> memref<10240x64xbf16, #tpu.memory_space<vmem_shared>>
        tpu.enqueue_indirect_dma source(%dma_start3A_209 : memref<10240x64xbf16, #tpu.memory_space<vmem_shared>>) target(%arg12 : memref<128x64xbf16, #tpu.memory_space<vmem>>) offsets(%dma_start3A_206 : memref<128xi32, #tpu.memory_space<vmem>>) semaphore(%arg19 : memref<!tpu.dma_semaphore, #tpu.memory_space<semaphore_mem>>)
        %dma_start3A_210 = arith.constant 384 : i32
        %dma_start3A_211 = tpu.memref_slice %arg8[%dma_start3A_210] : memref<1024xi32, #tpu.memory_space<vmem>> -> memref<128xi32, #tpu.memory_space<vmem>>
        %dma_start3A_212 = arith.constant 0 : i32
        %dma_start3A_213 = arith.constant 0 : i32
        %dma_start3A_214 = tpu.memref_slice %arg15[%dma_start3A_212, %dma_start3A_213] : memref<10240x64xbf16, #tpu.memory_space<vmem_shared>> -> memref<10240x64xbf16, #tpu.memory_space<vmem_shared>>
        tpu.enqueue_indirect_dma source(%dma_start3A_214 : memref<10240x64xbf16, #tpu.memory_space<vmem_shared>>) target(%arg13 : memref<128x64xbf16, #tpu.memory_space<vmem>>) offsets(%dma_start3A_211 : memref<128xi32, #tpu.memory_space<vmem>>) semaphore(%arg20 : memref<!tpu.dma_semaphore, #tpu.memory_space<semaphore_mem>>)
        %dma_wait3A = arith.constant 0 : i32
        %dma_wait3A_215 = tpu.memref_slice %arg8[%dma_wait3A] : memref<1024xi32, #tpu.memory_space<vmem>> -> memref<128xi32, #tpu.memory_space<vmem>>
        %dma_wait3A_216 = arith.constant 0 : i32
        %dma_wait3A_217 = arith.constant 0 : i32
        %dma_wait3A_218 = tpu.memref_slice %arg15[%dma_wait3A_216, %dma_wait3A_217] : memref<10240x64xbf16, #tpu.memory_space<vmem_shared>> -> memref<10240x64xbf16, #tpu.memory_space<vmem_shared>>
        tpu.wait_indirect_dma semaphore(%arg17 : memref<!tpu.dma_semaphore, #tpu.memory_space<semaphore_mem>>) src(%dma_wait3A_218 : memref<10240x64xbf16, #tpu.memory_space<vmem_shared>>) dst(%arg10 : memref<128x64xbf16, #tpu.memory_space<vmem>>)
        %dma_start3A_219 = arith.constant 0 : i32
        %dma_start3A_220 = tpu.memref_slice %arg9[%dma_start3A_219] : memref<1024xi32, #tpu.memory_space<vmem>> -> memref<128xi32, #tpu.memory_space<vmem>>
        %dma_start3A_221 = arith.constant 0 : i32
        %dma_start3A_222 = arith.constant 0 : i32
        %dma_start3A_223 = tpu.memref_slice %arg16[%dma_start3A_221, %dma_start3A_222] : memref<41600x64xbf16, #tpu.memory_space<vmem_shared>> -> memref<41600x64xbf16, #tpu.memory_space<vmem_shared>>
        tpu.enqueue_indirect_dma source(%arg10 : memref<128x64xbf16, #tpu.memory_space<vmem>>) target(%dma_start3A_223 : memref<41600x64xbf16, #tpu.memory_space<vmem_shared>>) offsets(%dma_start3A_220 : memref<128xi32, #tpu.memory_space<vmem>>) semaphore(%arg21 : memref<!tpu.dma_semaphore, #tpu.memory_space<semaphore_mem>>) {add = true}
        %dma_wait3A_224 = arith.constant 128 : i32
        %dma_wait3A_225 = tpu.memref_slice %arg8[%dma_wait3A_224] : memref<1024xi32, #tpu.memory_space<vmem>> -> memref<128xi32, #tpu.memory_space<vmem>>
        %dma_wait3A_226 = arith.constant 0 : i32
        %dma_wait3A_227 = arith.constant 0 : i32
        %dma_wait3A_228 = tpu.memref_slice %arg15[%dma_wait3A_226, %dma_wait3A_227] : memref<10240x64xbf16, #tpu.memory_space<vmem_shared>> -> memref<10240x64xbf16, #tpu.memory_space<vmem_shared>>
        tpu.wait_indirect_dma semaphore(%arg18 : memref<!tpu.dma_semaphore, #tpu.memory_space<semaphore_mem>>) src(%dma_wait3A_228 : memref<10240x64xbf16, #tpu.memory_space<vmem_shared>>) dst(%arg11 : memref<128x64xbf16, #tpu.memory_space<vmem>>)
        %dma_start3A_229 = arith.constant 128 : i32
        %dma_start3A_230 = tpu.memref_slice %arg9[%dma_start3A_229] : memref<1024xi32, #tpu.memory_space<vmem>> -> memref<128xi32, #tpu.memory_space<vmem>>
        %dma_start3A_231 = arith.constant 0 : i32
        %dma_start3A_232 = arith.constant 0 : i32
        %dma_start3A_233 = tpu.memref_slice %arg16[%dma_start3A_231, %dma_start3A_232] : memref<41600x64xbf16, #tpu.memory_space<vmem_shared>> -> memref<41600x64xbf16, #tpu.memory_space<vmem_shared>>
        tpu.enqueue_indirect_dma source(%arg11 : memref<128x64xbf16, #tpu.memory_space<vmem>>) target(%dma_start3A_233 : memref<41600x64xbf16, #tpu.memory_space<vmem_shared>>) offsets(%dma_start3A_230 : memref<128xi32, #tpu.memory_space<vmem>>) semaphore(%arg22 : memref<!tpu.dma_semaphore, #tpu.memory_space<semaphore_mem>>) {add = true}
        %dma_wait3A_234 = arith.constant 256 : i32
        %dma_wait3A_235 = tpu.memref_slice %arg8[%dma_wait3A_234] : memref<1024xi32, #tpu.memory_space<vmem>> -> memref<128xi32, #tpu.memory_space<vmem>>
        %dma_wait3A_236 = arith.constant 0 : i32
        %dma_wait3A_237 = arith.constant 0 : i32
        %dma_wait3A_238 = tpu.memref_slice %arg15[%dma_wait3A_236, %dma_wait3A_237] : memref<10240x64xbf16, #tpu.memory_space<vmem_shared>> -> memref<10240x64xbf16, #tpu.memory_space<vmem_shared>>
        tpu.wait_indirect_dma semaphore(%arg19 : memref<!tpu.dma_semaphore, #tpu.memory_space<semaphore_mem>>) src(%dma_wait3A_238 : memref<10240x64xbf16, #tpu.memory_space<vmem_shared>>) dst(%arg12 : memref<128x64xbf16, #tpu.memory_space<vmem>>)
        %dma_start3A_239 = arith.constant 256 : i32
        %dma_start3A_240 = tpu.memref_slice %arg9[%dma_start3A_239] : memref<1024xi32, #tpu.memory_space<vmem>> -> memref<128xi32, #tpu.memory_space<vmem>>
        %dma_start3A_241 = arith.constant 0 : i32
        %dma_start3A_242 = arith.constant 0 : i32
        %dma_start3A_243 = tpu.memref_slice %arg16[%dma_start3A_241, %dma_start3A_242] : memref<41600x64xbf16, #tpu.memory_space<vmem_shared>> -> memref<41600x64xbf16, #tpu.memory_space<vmem_shared>>
        tpu.enqueue_indirect_dma source(%arg12 : memref<128x64xbf16, #tpu.memory_space<vmem>>) target(%dma_start3A_243 : memref<41600x64xbf16, #tpu.memory_space<vmem_shared>>) offsets(%dma_start3A_240 : memref<128xi32, #tpu.memory_space<vmem>>) semaphore(%arg23 : memref<!tpu.dma_semaphore, #tpu.memory_space<semaphore_mem>>) {add = true}
        %dma_wait3A_244 = arith.constant 384 : i32
        %dma_wait3A_245 = tpu.memref_slice %arg8[%dma_wait3A_244] : memref<1024xi32, #tpu.memory_space<vmem>> -> memref<128xi32, #tpu.memory_space<vmem>>
        %dma_wait3A_246 = arith.constant 0 : i32
        %dma_wait3A_247 = arith.constant 0 : i32
        %dma_wait3A_248 = tpu.memref_slice %arg15[%dma_wait3A_246, %dma_wait3A_247] : memref<10240x64xbf16, #tpu.memory_space<vmem_shared>> -> memref<10240x64xbf16, #tpu.memory_space<vmem_shared>>
        tpu.wait_indirect_dma semaphore(%arg20 : memref<!tpu.dma_semaphore, #tpu.memory_space<semaphore_mem>>) src(%dma_wait3A_248 : memref<10240x64xbf16, #tpu.memory_space<vmem_shared>>) dst(%arg13 : memref<128x64xbf16, #tpu.memory_space<vmem>>)
        %dma_start3A_249 = arith.constant 384 : i32
        %dma_start3A_250 = tpu.memref_slice %arg9[%dma_start3A_249] : memref<1024xi32, #tpu.memory_space<vmem>> -> memref<128xi32, #tpu.memory_space<vmem>>
        %dma_start3A_251 = arith.constant 0 : i32
        %dma_start3A_252 = arith.constant 0 : i32
        %dma_start3A_253 = tpu.memref_slice %arg16[%dma_start3A_251, %dma_start3A_252] : memref<41600x64xbf16, #tpu.memory_space<vmem_shared>> -> memref<41600x64xbf16, #tpu.memory_space<vmem_shared>>
        tpu.enqueue_indirect_dma source(%arg13 : memref<128x64xbf16, #tpu.memory_space<vmem>>) target(%dma_start3A_253 : memref<41600x64xbf16, #tpu.memory_space<vmem_shared>>) offsets(%dma_start3A_250 : memref<128xi32, #tpu.memory_space<vmem>>) semaphore(%arg24 : memref<!tpu.dma_semaphore, #tpu.memory_space<semaphore_mem>>) {add = true}
        %dma_wait3A_254 = arith.constant 0 : i32
        %dma_wait3A_255 = tpu.memref_slice %arg9[%dma_wait3A_254] : memref<1024xi32, #tpu.memory_space<vmem>> -> memref<128xi32, #tpu.memory_space<vmem>>
        %dma_wait3A_256 = arith.constant 0 : i32
        %dma_wait3A_257 = arith.constant 0 : i32
        %dma_wait3A_258 = tpu.memref_slice %arg16[%dma_wait3A_256, %dma_wait3A_257] : memref<41600x64xbf16, #tpu.memory_space<vmem_shared>> -> memref<41600x64xbf16, #tpu.memory_space<vmem_shared>>
        tpu.wait_indirect_dma semaphore(%arg21 : memref<!tpu.dma_semaphore, #tpu.memory_space<semaphore_mem>>) src(%arg10 : memref<128x64xbf16, #tpu.memory_space<vmem>>) dst(%dma_wait3A_258 : memref<41600x64xbf16, #tpu.memory_space<vmem_shared>>)
        %dma_start3A_259 = arith.constant 512 : i32
        %dma_start3A_260 = tpu.memref_slice %arg8[%dma_start3A_259] : memref<1024xi32, #tpu.memory_space<vmem>> -> memref<128xi32, #tpu.memory_space<vmem>>
        %dma_start3A_261 = arith.constant 0 : i32
        %dma_start3A_262 = arith.constant 0 : i32
        %dma_start3A_263 = tpu.memref_slice %arg15[%dma_start3A_261, %dma_start3A_262] : memref<10240x64xbf16, #tpu.memory_space<vmem_shared>> -> memref<10240x64xbf16, #tpu.memory_space<vmem_shared>>
        tpu.enqueue_indirect_dma source(%dma_start3A_263 : memref<10240x64xbf16, #tpu.memory_space<vmem_shared>>) target(%arg10 : memref<128x64xbf16, #tpu.memory_space<vmem>>) offsets(%dma_start3A_260 : memref<128xi32, #tpu.memory_space<vmem>>) semaphore(%arg17 : memref<!tpu.dma_semaphore, #tpu.memory_space<semaphore_mem>>)
        %dma_wait3A_264 = arith.constant 128 : i32
        %dma_wait3A_265 = tpu.memref_slice %arg9[%dma_wait3A_264] : memref<1024xi32, #tpu.memory_space<vmem>> -> memref<128xi32, #tpu.memory_space<vmem>>
        %dma_wait3A_266 = arith.constant 0 : i32
        %dma_wait3A_267 = arith.constant 0 : i32
        %dma_wait3A_268 = tpu.memref_slice %arg16[%dma_wait3A_266, %dma_wait3A_267] : memref<41600x64xbf16, #tpu.memory_space<vmem_shared>> -> memref<41600x64xbf16, #tpu.memory_space<vmem_shared>>
        tpu.wait_indirect_dma semaphore(%arg22 : memref<!tpu.dma_semaphore, #tpu.memory_space<semaphore_mem>>) src(%arg11 : memref<128x64xbf16, #tpu.memory_space<vmem>>) dst(%dma_wait3A_268 : memref<41600x64xbf16, #tpu.memory_space<vmem_shared>>)
        %dma_start3A_269 = arith.constant 640 : i32
        %dma_start3A_270 = tpu.memref_slice %arg8[%dma_start3A_269] : memref<1024xi32, #tpu.memory_space<vmem>> -> memref<128xi32, #tpu.memory_space<vmem>>
        %dma_start3A_271 = arith.constant 0 : i32
        %dma_start3A_272 = arith.constant 0 : i32
        %dma_start3A_273 = tpu.memref_slice %arg15[%dma_start3A_271, %dma_start3A_272] : memref<10240x64xbf16, #tpu.memory_space<vmem_shared>> -> memref<10240x64xbf16, #tpu.memory_space<vmem_shared>>
        tpu.enqueue_indirect_dma source(%dma_start3A_273 : memref<10240x64xbf16, #tpu.memory_space<vmem_shared>>) target(%arg11 : memref<128x64xbf16, #tpu.memory_space<vmem>>) offsets(%dma_start3A_270 : memref<128xi32, #tpu.memory_space<vmem>>) semaphore(%arg18 : memref<!tpu.dma_semaphore, #tpu.memory_space<semaphore_mem>>)
        %dma_wait3A_274 = arith.constant 256 : i32
        %dma_wait3A_275 = tpu.memref_slice %arg9[%dma_wait3A_274] : memref<1024xi32, #tpu.memory_space<vmem>> -> memref<128xi32, #tpu.memory_space<vmem>>
        %dma_wait3A_276 = arith.constant 0 : i32
        %dma_wait3A_277 = arith.constant 0 : i32
        %dma_wait3A_278 = tpu.memref_slice %arg16[%dma_wait3A_276, %dma_wait3A_277] : memref<41600x64xbf16, #tpu.memory_space<vmem_shared>> -> memref<41600x64xbf16, #tpu.memory_space<vmem_shared>>
        tpu.wait_indirect_dma semaphore(%arg23 : memref<!tpu.dma_semaphore, #tpu.memory_space<semaphore_mem>>) src(%arg12 : memref<128x64xbf16, #tpu.memory_space<vmem>>) dst(%dma_wait3A_278 : memref<41600x64xbf16, #tpu.memory_space<vmem_shared>>)
        %dma_start3A_279 = arith.constant 768 : i32
        %dma_start3A_280 = tpu.memref_slice %arg8[%dma_start3A_279] : memref<1024xi32, #tpu.memory_space<vmem>> -> memref<128xi32, #tpu.memory_space<vmem>>
        %dma_start3A_281 = arith.constant 0 : i32
        %dma_start3A_282 = arith.constant 0 : i32
        %dma_start3A_283 = tpu.memref_slice %arg15[%dma_start3A_281, %dma_start3A_282] : memref<10240x64xbf16, #tpu.memory_space<vmem_shared>> -> memref<10240x64xbf16, #tpu.memory_space<vmem_shared>>
        tpu.enqueue_indirect_dma source(%dma_start3A_283 : memref<10240x64xbf16, #tpu.memory_space<vmem_shared>>) target(%arg12 : memref<128x64xbf16, #tpu.memory_space<vmem>>) offsets(%dma_start3A_280 : memref<128xi32, #tpu.memory_space<vmem>>) semaphore(%arg19 : memref<!tpu.dma_semaphore, #tpu.memory_space<semaphore_mem>>)
        %dma_wait3A_284 = arith.constant 384 : i32
        %dma_wait3A_285 = tpu.memref_slice %arg9[%dma_wait3A_284] : memref<1024xi32, #tpu.memory_space<vmem>> -> memref<128xi32, #tpu.memory_space<vmem>>
        %dma_wait3A_286 = arith.constant 0 : i32
        %dma_wait3A_287 = arith.constant 0 : i32
        %dma_wait3A_288 = tpu.memref_slice %arg16[%dma_wait3A_286, %dma_wait3A_287] : memref<41600x64xbf16, #tpu.memory_space<vmem_shared>> -> memref<41600x64xbf16, #tpu.memory_space<vmem_shared>>
        tpu.wait_indirect_dma semaphore(%arg24 : memref<!tpu.dma_semaphore, #tpu.memory_space<semaphore_mem>>) src(%arg13 : memref<128x64xbf16, #tpu.memory_space<vmem>>) dst(%dma_wait3A_288 : memref<41600x64xbf16, #tpu.memory_space<vmem_shared>>)
        %dma_start3A_289 = arith.constant 896 : i32
        %dma_start3A_290 = tpu.memref_slice %arg8[%dma_start3A_289] : memref<1024xi32, #tpu.memory_space<vmem>> -> memref<128xi32, #tpu.memory_space<vmem>>
        %dma_start3A_291 = arith.constant 0 : i32
        %dma_start3A_292 = arith.constant 0 : i32
        %dma_start3A_293 = tpu.memref_slice %arg15[%dma_start3A_291, %dma_start3A_292] : memref<10240x64xbf16, #tpu.memory_space<vmem_shared>> -> memref<10240x64xbf16, #tpu.memory_space<vmem_shared>>
        tpu.enqueue_indirect_dma source(%dma_start3A_293 : memref<10240x64xbf16, #tpu.memory_space<vmem_shared>>) target(%arg13 : memref<128x64xbf16, #tpu.memory_space<vmem>>) offsets(%dma_start3A_290 : memref<128xi32, #tpu.memory_space<vmem>>) semaphore(%arg20 : memref<!tpu.dma_semaphore, #tpu.memory_space<semaphore_mem>>)
        %dma_wait3A_294 = arith.constant 512 : i32
        %dma_wait3A_295 = tpu.memref_slice %arg8[%dma_wait3A_294] : memref<1024xi32, #tpu.memory_space<vmem>> -> memref<128xi32, #tpu.memory_space<vmem>>
        %dma_wait3A_296 = arith.constant 0 : i32
        %dma_wait3A_297 = arith.constant 0 : i32
        %dma_wait3A_298 = tpu.memref_slice %arg15[%dma_wait3A_296, %dma_wait3A_297] : memref<10240x64xbf16, #tpu.memory_space<vmem_shared>> -> memref<10240x64xbf16, #tpu.memory_space<vmem_shared>>
        tpu.wait_indirect_dma semaphore(%arg17 : memref<!tpu.dma_semaphore, #tpu.memory_space<semaphore_mem>>) src(%dma_wait3A_298 : memref<10240x64xbf16, #tpu.memory_space<vmem_shared>>) dst(%arg10 : memref<128x64xbf16, #tpu.memory_space<vmem>>)
        %dma_start3A_299 = arith.constant 512 : i32
        %dma_start3A_300 = tpu.memref_slice %arg9[%dma_start3A_299] : memref<1024xi32, #tpu.memory_space<vmem>> -> memref<128xi32, #tpu.memory_space<vmem>>
        %dma_start3A_301 = arith.constant 0 : i32
        %dma_start3A_302 = arith.constant 0 : i32
        %dma_start3A_303 = tpu.memref_slice %arg16[%dma_start3A_301, %dma_start3A_302] : memref<41600x64xbf16, #tpu.memory_space<vmem_shared>> -> memref<41600x64xbf16, #tpu.memory_space<vmem_shared>>
        tpu.enqueue_indirect_dma source(%arg10 : memref<128x64xbf16, #tpu.memory_space<vmem>>) target(%dma_start3A_303 : memref<41600x64xbf16, #tpu.memory_space<vmem_shared>>) offsets(%dma_start3A_300 : memref<128xi32, #tpu.memory_space<vmem>>) semaphore(%arg21 : memref<!tpu.dma_semaphore, #tpu.memory_space<semaphore_mem>>) {add = true}
        %dma_wait3A_304 = arith.constant 640 : i32
        %dma_wait3A_305 = tpu.memref_slice %arg8[%dma_wait3A_304] : memref<1024xi32, #tpu.memory_space<vmem>> -> memref<128xi32, #tpu.memory_space<vmem>>
        %dma_wait3A_306 = arith.constant 0 : i32
        %dma_wait3A_307 = arith.constant 0 : i32
        %dma_wait3A_308 = tpu.memref_slice %arg15[%dma_wait3A_306, %dma_wait3A_307] : memref<10240x64xbf16, #tpu.memory_space<vmem_shared>> -> memref<10240x64xbf16, #tpu.memory_space<vmem_shared>>
        tpu.wait_indirect_dma semaphore(%arg18 : memref<!tpu.dma_semaphore, #tpu.memory_space<semaphore_mem>>) src(%dma_wait3A_308 : memref<10240x64xbf16, #tpu.memory_space<vmem_shared>>) dst(%arg11 : memref<128x64xbf16, #tpu.memory_space<vmem>>)
        %dma_start3A_309 = arith.constant 640 : i32
        %dma_start3A_310 = tpu.memref_slice %arg9[%dma_start3A_309] : memref<1024xi32, #tpu.memory_space<vmem>> -> memref<128xi32, #tpu.memory_space<vmem>>
        %dma_start3A_311 = arith.constant 0 : i32
        %dma_start3A_312 = arith.constant 0 : i32
        %dma_start3A_313 = tpu.memref_slice %arg16[%dma_start3A_311, %dma_start3A_312] : memref<41600x64xbf16, #tpu.memory_space<vmem_shared>> -> memref<41600x64xbf16, #tpu.memory_space<vmem_shared>>
        tpu.enqueue_indirect_dma source(%arg11 : memref<128x64xbf16, #tpu.memory_space<vmem>>) target(%dma_start3A_313 : memref<41600x64xbf16, #tpu.memory_space<vmem_shared>>) offsets(%dma_start3A_310 : memref<128xi32, #tpu.memory_space<vmem>>) semaphore(%arg22 : memref<!tpu.dma_semaphore, #tpu.memory_space<semaphore_mem>>) {add = true}
        %dma_wait3A_314 = arith.constant 768 : i32
        %dma_wait3A_315 = tpu.memref_slice %arg8[%dma_wait3A_314] : memref<1024xi32, #tpu.memory_space<vmem>> -> memref<128xi32, #tpu.memory_space<vmem>>
        %dma_wait3A_316 = arith.constant 0 : i32
        %dma_wait3A_317 = arith.constant 0 : i32
        %dma_wait3A_318 = tpu.memref_slice %arg15[%dma_wait3A_316, %dma_wait3A_317] : memref<10240x64xbf16, #tpu.memory_space<vmem_shared>> -> memref<10240x64xbf16, #tpu.memory_space<vmem_shared>>
        tpu.wait_indirect_dma semaphore(%arg19 : memref<!tpu.dma_semaphore, #tpu.memory_space<semaphore_mem>>) src(%dma_wait3A_318 : memref<10240x64xbf16, #tpu.memory_space<vmem_shared>>) dst(%arg12 : memref<128x64xbf16, #tpu.memory_space<vmem>>)
        %dma_start3A_319 = arith.constant 768 : i32
        %dma_start3A_320 = tpu.memref_slice %arg9[%dma_start3A_319] : memref<1024xi32, #tpu.memory_space<vmem>> -> memref<128xi32, #tpu.memory_space<vmem>>
        %dma_start3A_321 = arith.constant 0 : i32
        %dma_start3A_322 = arith.constant 0 : i32
        %dma_start3A_323 = tpu.memref_slice %arg16[%dma_start3A_321, %dma_start3A_322] : memref<41600x64xbf16, #tpu.memory_space<vmem_shared>> -> memref<41600x64xbf16, #tpu.memory_space<vmem_shared>>
        tpu.enqueue_indirect_dma source(%arg12 : memref<128x64xbf16, #tpu.memory_space<vmem>>) target(%dma_start3A_323 : memref<41600x64xbf16, #tpu.memory_space<vmem_shared>>) offsets(%dma_start3A_320 : memref<128xi32, #tpu.memory_space<vmem>>) semaphore(%arg23 : memref<!tpu.dma_semaphore, #tpu.memory_space<semaphore_mem>>) {add = true}
        %dma_wait3A_324 = arith.constant 896 : i32
        %dma_wait3A_325 = tpu.memref_slice %arg8[%dma_wait3A_324] : memref<1024xi32, #tpu.memory_space<vmem>> -> memref<128xi32, #tpu.memory_space<vmem>>
        %dma_wait3A_326 = arith.constant 0 : i32
        %dma_wait3A_327 = arith.constant 0 : i32
        %dma_wait3A_328 = tpu.memref_slice %arg15[%dma_wait3A_326, %dma_wait3A_327] : memref<10240x64xbf16, #tpu.memory_space<vmem_shared>> -> memref<10240x64xbf16, #tpu.memory_space<vmem_shared>>
        tpu.wait_indirect_dma semaphore(%arg20 : memref<!tpu.dma_semaphore, #tpu.memory_space<semaphore_mem>>) src(%dma_wait3A_328 : memref<10240x64xbf16, #tpu.memory_space<vmem_shared>>) dst(%arg13 : memref<128x64xbf16, #tpu.memory_space<vmem>>)
        %dma_start3A_329 = arith.constant 896 : i32
        %dma_start3A_330 = tpu.memref_slice %arg9[%dma_start3A_329] : memref<1024xi32, #tpu.memory_space<vmem>> -> memref<128xi32, #tpu.memory_space<vmem>>
        %dma_start3A_331 = arith.constant 0 : i32
        %dma_start3A_332 = arith.constant 0 : i32
        %dma_start3A_333 = tpu.memref_slice %arg16[%dma_start3A_331, %dma_start3A_332] : memref<41600x64xbf16, #tpu.memory_space<vmem_shared>> -> memref<41600x64xbf16, #tpu.memory_space<vmem_shared>>
        tpu.enqueue_indirect_dma source(%arg13 : memref<128x64xbf16, #tpu.memory_space<vmem>>) target(%dma_start3A_333 : memref<41600x64xbf16, #tpu.memory_space<vmem_shared>>) offsets(%dma_start3A_330 : memref<128xi32, #tpu.memory_space<vmem>>) semaphore(%arg24 : memref<!tpu.dma_semaphore, #tpu.memory_space<semaphore_mem>>) {add = true}
        %dma_wait3A_334 = arith.constant 512 : i32
        %dma_wait3A_335 = tpu.memref_slice %arg9[%dma_wait3A_334] : memref<1024xi32, #tpu.memory_space<vmem>> -> memref<128xi32, #tpu.memory_space<vmem>>
        %dma_wait3A_336 = arith.constant 0 : i32
        %dma_wait3A_337 = arith.constant 0 : i32
        %dma_wait3A_338 = tpu.memref_slice %arg16[%dma_wait3A_336, %dma_wait3A_337] : memref<41600x64xbf16, #tpu.memory_space<vmem_shared>> -> memref<41600x64xbf16, #tpu.memory_space<vmem_shared>>
        tpu.wait_indirect_dma semaphore(%arg21 : memref<!tpu.dma_semaphore, #tpu.memory_space<semaphore_mem>>) src(%arg10 : memref<128x64xbf16, #tpu.memory_space<vmem>>) dst(%dma_wait3A_338 : memref<41600x64xbf16, #tpu.memory_space<vmem_shared>>)
        %dma_wait3A_339 = arith.constant 640 : i32
        %dma_wait3A_340 = tpu.memref_slice %arg9[%dma_wait3A_339] : memref<1024xi32, #tpu.memory_space<vmem>> -> memref<128xi32, #tpu.memory_space<vmem>>
        %dma_wait3A_341 = arith.constant 0 : i32
        %dma_wait3A_342 = arith.constant 0 : i32
        %dma_wait3A_343 = tpu.memref_slice %arg16[%dma_wait3A_341, %dma_wait3A_342] : memref<41600x64xbf16, #tpu.memory_space<vmem_shared>> -> memref<41600x64xbf16, #tpu.memory_space<vmem_shared>>
        tpu.wait_indirect_dma semaphore(%arg22 : memref<!tpu.dma_semaphore, #tpu.memory_space<semaphore_mem>>) src(%arg11 : memref<128x64xbf16, #tpu.memory_space<vmem>>) dst(%dma_wait3A_343 : memref<41600x64xbf16, #tpu.memory_space<vmem_shared>>)
        %dma_wait3A_344 = arith.constant 768 : i32
        %dma_wait3A_345 = tpu.memref_slice %arg9[%dma_wait3A_344] : memref<1024xi32, #tpu.memory_space<vmem>> -> memref<128xi32, #tpu.memory_space<vmem>>
        %dma_wait3A_346 = arith.constant 0 : i32
        %dma_wait3A_347 = arith.constant 0 : i32
        %dma_wait3A_348 = tpu.memref_slice %arg16[%dma_wait3A_346, %dma_wait3A_347] : memref<41600x64xbf16, #tpu.memory_space<vmem_shared>> -> memref<41600x64xbf16, #tpu.memory_space<vmem_shared>>
        tpu.wait_indirect_dma semaphore(%arg23 : memref<!tpu.dma_semaphore, #tpu.memory_space<semaphore_mem>>) src(%arg12 : memref<128x64xbf16, #tpu.memory_space<vmem>>) dst(%dma_wait3A_348 : memref<41600x64xbf16, #tpu.memory_space<vmem_shared>>)
        %dma_wait3A_349 = arith.constant 896 : i32
        %dma_wait3A_350 = tpu.memref_slice %arg9[%dma_wait3A_349] : memref<1024xi32, #tpu.memory_space<vmem>> -> memref<128xi32, #tpu.memory_space<vmem>>
        %dma_wait3A_351 = arith.constant 0 : i32
        %dma_wait3A_352 = arith.constant 0 : i32
        %dma_wait3A_353 = tpu.memref_slice %arg16[%dma_wait3A_351, %dma_wait3A_352] : memref<41600x64xbf16, #tpu.memory_space<vmem_shared>> -> memref<41600x64xbf16, #tpu.memory_space<vmem_shared>>
        tpu.wait_indirect_dma semaphore(%arg24 : memref<!tpu.dma_semaphore, #tpu.memory_space<semaphore_mem>>) src(%arg13 : memref<128x64xbf16, #tpu.memory_space<vmem>>) dst(%dma_wait3A_353 : memref<41600x64xbf16, #tpu.memory_space<vmem_shared>>)
      }
      %scan3A_184 = arith.constant 20 : i32
      %barrier3A_185 = arith.constant 0 : index
      tpu.barrier barrier_id(%barrier3A_185)
      %mul3A_186 = arith.constant 2600 : i32
      %mul3A_187 = arith.muli %arg1, %mul3A_186 : i32
      %mul3A_188 = arith.constant 2600 : i32
      %mul3A_189 = arith.muli %arg1, %mul3A_188 : i32
      "tpu.region"() ({
        %run_scoped3A = tpu.sem_alloc : memref<!tpu.dma_semaphore, #tpu.memory_space<semaphore_mem>>
        %dma_start3A = arith.constant 0 : i32
        %dma_start3A_191 = tpu.memref_slice %arg7[%mul3A_189, %dma_start3A] : memref<41600x64xbf16, #tpu.memory_space<hbm>> -> memref<2600x64xbf16, #tpu.memory_space<hbm>>
        %dma_start3A_192 = arith.constant 0 : i32
        %dma_start3A_193 = tpu.memref_slice %arg16[%mul3A_187, %dma_start3A_192] : memref<41600x64xbf16, #tpu.memory_space<vmem_shared>> -> memref<2600x64xbf16, #tpu.memory_space<vmem_shared>>
        tpu.enqueue_dma source(%dma_start3A_193 : memref<2600x64xbf16, #tpu.memory_space<vmem_shared>>) target(%dma_start3A_191 : memref<2600x64xbf16, #tpu.memory_space<hbm>>) target_semaphore(%run_scoped3A : memref<!tpu.dma_semaphore, #tpu.memory_space<semaphore_mem>>)
        %dma_wait3A = arith.constant 0 : i32
        %dma_wait3A_194 = tpu.memref_slice %arg7[%mul3A_189, %dma_wait3A] : memref<41600x64xbf16, #tpu.memory_space<hbm>> -> memref<2600x64xbf16, #tpu.memory_space<hbm>>
        %dma_wait3A_195 = arith.constant 0 : i32
        %dma_wait3A_196 = tpu.memref_slice %arg16[%mul3A_187, %dma_wait3A_195] : memref<41600x64xbf16, #tpu.memory_space<vmem_shared>> -> memref<2600x64xbf16, #tpu.memory_space<vmem_shared>>
        tpu.wait_dma2 semaphore(%run_scoped3A : memref<!tpu.dma_semaphore, #tpu.memory_space<semaphore_mem>>) src(%dma_wait3A_196 : memref<2600x64xbf16, #tpu.memory_space<vmem_shared>>) dst(%dma_wait3A_194 : memref<2600x64xbf16, #tpu.memory_space<hbm>>)
        tpu.yield
      }) : () -> ()
      %barrier3A_190 = arith.constant 0 : index
      tpu.barrier barrier_id(%barrier3A_190)
    } else {
    }
    return
  }
}

module attributes {stable_mosaic.version = 14 : i64} {
  func.func @_stats1_body(%arg0: i32, %arg1: memref<2x400x64xf32, #tpu.memory_space<vmem>>, %arg2: memref<8x128xf32, #tpu.memory_space<vmem>>) attributes {dimension_semantics = [#tpu.dimension_semantics<arbitrary>], iteration_bounds = array<i64: 25>, scalar_prefetch = 0 : i64, scratch_operands = 0 : i64, tpu.core_type = #tpu.core_type<tc>, window_params = [{transform_indices = @transform_0, window_bounds = array<i64: 2, 400, 64>}, {pipeline_mode = #tpu.pipeline_mode<synchronous>, transform_indices = @transform_1, window_bounds = array<i64: 8, 128>}]} {
    %get3A = arith.constant 0 : index
    %get3A_0 = arith.constant 0 : index
    %get3A_1 = arith.constant 0 : index
    %get3A_2 = vector.load %arg1[%get3A, %get3A_0, %get3A_1] : memref<2x400x64xf32, #tpu.memory_space<vmem>>, vector<1x400x64xf32>
    %get3A_3 = vector.shape_cast %get3A_2 : vector<1x400x64xf32> to vector<400x64xf32>
    %get3A_4 = arith.constant 1 : index
    %get3A_5 = arith.constant 0 : index
    %get3A_6 = arith.constant 0 : index
    %get3A_7 = vector.load %arg1[%get3A_4, %get3A_5, %get3A_6] : memref<2x400x64xf32, #tpu.memory_space<vmem>>, vector<1x400x64xf32>
    %get3A_8 = vector.shape_cast %get3A_7 : vector<1x400x64xf32> to vector<400x64xf32>
    %concatenate3A = tpu.concatenate %get3A_3, %get3A_8 in 1 : vector<400x64xf32>, vector<400x64xf32> -> vector<400x128xf32>
    %reduce_sum3A = arith.constant dense<0.000000e+00> : vector<128xf32>
    %reduce_sum3A_9 = vector.multi_reduction <add>, %concatenate3A, %reduce_sum3A [0] : vector<400x128xf32> to vector<128xf32>
    %broadcast_in_dim3A = vector.shape_cast %reduce_sum3A_9 : vector<128xf32> to vector<1x128xf32>
    %mul3A = arith.mulf %concatenate3A, %concatenate3A : vector<400x128xf32>
    %reduce_sum3A_10 = arith.constant dense<0.000000e+00> : vector<128xf32>
    %reduce_sum3A_11 = vector.multi_reduction <add>, %mul3A, %reduce_sum3A_10 [0] : vector<400x128xf32> to vector<128xf32>
    %broadcast_in_dim3A_12 = vector.shape_cast %reduce_sum3A_11 : vector<128xf32> to vector<1x128xf32>
    %broadcast_in_dim3A_13 = arith.constant 0.000000e+00 : f32
    %broadcast_in_dim3A_14 = vector.broadcast %broadcast_in_dim3A_13 : f32 to vector<6x128xf32>
    %concatenate3A_15 = tpu.concatenate %broadcast_in_dim3A, %broadcast_in_dim3A_12, %broadcast_in_dim3A_14 in 0 : vector<1x128xf32>, vector<1x128xf32>, vector<6x128xf32> -> vector<8x128xf32>
    %eq3A = arith.constant 0 : i32
    %eq3A_16 = arith.cmpi eq, %arg0, %eq3A : i32
    %convert_element_type3A = arith.extui %eq3A_16 : i1 to i32
    %cond3A = arith.constant 0 : i32
    %cond3A_17 = arith.cmpi ne, %convert_element_type3A, %cond3A : i32
    scf.if %cond3A_17 {
      %broadcast_in_dim3A_23 = arith.constant 0.000000e+00 : f32
      %broadcast_in_dim3A_24 = vector.broadcast %broadcast_in_dim3A_23 : f32 to vector<8x128xf32>
      %swap3A_25 = arith.constant 0 : index
      %swap3A_26 = arith.constant 0 : index
      %swap3A_27 = vector.load %arg2[%swap3A_25, %swap3A_26] : memref<8x128xf32, #tpu.memory_space<vmem>>, vector<8x128xf32>
      tpu.vector_store %arg2[%swap3A_25, %swap3A_26], %broadcast_in_dim3A_24 {strides = array<i32>} : memref<8x128xf32, #tpu.memory_space<vmem>>, vector<8x128xf32>,
    } else {
    }
    %get3A_18 = arith.constant 0 : index
    %get3A_19 = arith.constant 0 : index
    %get3A_20 = vector.load %arg2[%get3A_18, %get3A_19] : memref<8x128xf32, #tpu.memory_space<vmem>>, vector<8x128xf32>
    %add3A = arith.addf %get3A_20, %concatenate3A_15 : vector<8x128xf32>
    %swap3A = arith.constant 0 : index
    %swap3A_21 = arith.constant 0 : index
    %swap3A_22 = vector.load %arg2[%swap3A, %swap3A_21] : memref<8x128xf32, #tpu.memory_space<vmem>>, vector<8x128xf32>
    tpu.vector_store %arg2[%swap3A, %swap3A_21], %add3A {strides = array<i32>} : memref<8x128xf32, #tpu.memory_space<vmem>>, vector<8x128xf32>,
    return
  }
  func.func @transform_0(%arg0: i32) -> (i32, i32, i32) {
    %c0_i32 = arith.constant 0 : i32
    %c0_i32_0 = arith.constant 0 : i32
    %c0_i32_1 = arith.constant 0 : i32
    return %c0_i32, %arg0, %c0_i32_0 : i32, i32, i32
  }
  func.func @transform_1(%arg0: i32) -> (i32, i32) {
    %c0_i32 = arith.constant 0 : i32
    %c0_i32_0 = arith.constant 0 : i32
    %c0_i32_1 = arith.constant 0 : i32
    return %c0_i32, %c0_i32_0 : i32, i32
  }
}

module attributes {stable_mosaic.version = 14 : i64} {
  func.func @_h_body(%arg0: i32, %arg1: memref<2x400x64xf32, #tpu.memory_space<vmem>>, %arg2: memref<8x128xf32, #tpu.memory_space<vmem>>, %arg3: memref<1x128xf32, #tpu.memory_space<vmem>>, %arg4: memref<1x128xf32, #tpu.memory_space<vmem>>, %arg5: memref<128x128xf32, #tpu.memory_space<vmem>>, %arg6: memref<400x128xf32, #tpu.memory_space<vmem>>, %arg7: memref<400x64xbf16, #tpu.memory_space<vmem>>, %arg8: memref<400x64xbf16, #tpu.memory_space<vmem>>, %arg9: memref<8x128xf32, #tpu.memory_space<vmem>>) attributes {dimension_semantics = [#tpu.dimension_semantics<arbitrary>], iteration_bounds = array<i64: 25>, scalar_prefetch = 0 : i64, scratch_operands = 0 : i64, tpu.core_type = #tpu.core_type<tc>, window_params = [{transform_indices = @transform_0, window_bounds = array<i64: 2, 400, 64>}, {pipeline_mode = #tpu.pipeline_mode<synchronous>, transform_indices = @transform_1, window_bounds = array<i64: 8, 128>}, {pipeline_mode = #tpu.pipeline_mode<synchronous>, transform_indices = @transform_2, window_bounds = array<i64: 1, 128>}, {pipeline_mode = #tpu.pipeline_mode<synchronous>, transform_indices = @transform_3, window_bounds = array<i64: 1, 128>}, {pipeline_mode = #tpu.pipeline_mode<synchronous>, transform_indices = @transform_4, window_bounds = array<i64: 128, 128>}, {transform_indices = @transform_5, window_bounds = array<i64: 400, 128>}, {transform_indices = @transform_6, window_bounds = array<i64: 400, 64>}, {transform_indices = @transform_7, window_bounds = array<i64: 400, 64>}, {pipeline_mode = #tpu.pipeline_mode<synchronous>, transform_indices = @transform_8, window_bounds = array<i64: 8, 128>}]} {
    %get3A = arith.constant 0 : index
    %get3A_0 = arith.constant 0 : index
    %get3A_1 = arith.constant 0 : index
    %get3A_2 = vector.load %arg1[%get3A, %get3A_0, %get3A_1] : memref<2x400x64xf32, #tpu.memory_space<vmem>>, vector<1x400x64xf32>
    %get3A_3 = vector.shape_cast %get3A_2 : vector<1x400x64xf32> to vector<400x64xf32>
    %get3A_4 = arith.constant 1 : index
    %get3A_5 = arith.constant 0 : index
    %get3A_6 = arith.constant 0 : index
    %get3A_7 = vector.load %arg1[%get3A_4, %get3A_5, %get3A_6] : memref<2x400x64xf32, #tpu.memory_space<vmem>>, vector<1x400x64xf32>
    %get3A_8 = vector.shape_cast %get3A_7 : vector<1x400x64xf32> to vector<400x64xf32>
    %concatenate3A = tpu.concatenate %get3A_3, %get3A_8 in 1 : vector<400x64xf32>, vector<400x64xf32> -> vector<400x128xf32>
    %get3A_9 = arith.constant 0 : index
    %get3A_10 = arith.constant 0 : index
    %get3A_11 = vector.load %arg2[%get3A_9, %get3A_10] : memref<8x128xf32, #tpu.memory_space<vmem>>, vector<1x128xf32>
    %get3A_12 = arith.constant 1 : index
    %get3A_13 = arith.constant 0 : index
    %get3A_14 = vector.load %arg2[%get3A_12, %get3A_13] : memref<8x128xf32, #tpu.memory_space<vmem>>, vector<1x128xf32>
    %get3A_15 = arith.constant 0 : index
    %get3A_16 = arith.constant 0 : index
    %get3A_17 = vector.load %arg3[%get3A_15, %get3A_16] : memref<1x128xf32, #tpu.memory_space<vmem>>, vector<1x128xf32>
    %get3A_18 = arith.constant 0 : index
    %get3A_19 = arith.constant 0 : index
    %get3A_20 = vector.load %arg4[%get3A_18, %get3A_19] : memref<1x128xf32, #tpu.memory_space<vmem>>, vector<1x128xf32>
    %div3A = arith.constant 1.000000e+04 : f32
    %div3A_21 = vector.broadcast %div3A : f32 to vector<1x128xf32>
    %div3A_22 = arith.divf %get3A_11, %div3A_21 : vector<1x128xf32>
    %div3A_23 = arith.constant 1.000000e+04 : f32
    %div3A_24 = vector.broadcast %div3A_23 : f32 to vector<1x128xf32>
    %div3A_25 = arith.divf %get3A_14, %div3A_24 : vector<1x128xf32>
    %mul3A = arith.mulf %div3A_22, %div3A_22 : vector<1x128xf32>
    %sub3A = arith.subf %div3A_25, %mul3A : vector<1x128xf32>
    %sub3A_26 = vector.broadcast %div3A_22 : vector<1x128xf32> to vector<400x128xf32>
    %sub3A_27 = arith.subf %concatenate3A, %sub3A_26 : vector<400x128xf32>
    %add3A = arith.constant 9.99999974E-6 : f32
    %add3A_28 = vector.broadcast %add3A : f32 to vector<1x128xf32>
    %add3A_29 = arith.addf %sub3A, %add3A_28 : vector<1x128xf32>
    %rsqrt3A = math.rsqrt %add3A_29 : vector<1x128xf32>
    %mul3A_30 = vector.broadcast %rsqrt3A : vector<1x128xf32> to vector<400x128xf32>
    %mul3A_31 = arith.mulf %sub3A_27, %mul3A_30 : vector<400x128xf32>
    %mul3A_32 = vector.broadcast %get3A_17 : vector<1x128xf32> to vector<400x128xf32>
    %mul3A_33 = arith.mulf %mul3A_31, %mul3A_32 : vector<400x128xf32>
    %add3A_34 = vector.broadcast %get3A_20 : vector<1x128xf32> to vector<400x128xf32>
    %add3A_35 = arith.addf %mul3A_33, %add3A_34 : vector<400x128xf32>
    %gt3A = arith.constant 0.000000e+00 : f32
    %gt3A_36 = vector.broadcast %gt3A : f32 to vector<400x128xf32>
    %gt3A_37 = arith.cmpf ogt, %add3A_35, %gt3A_36 : vector<400x128xf32>
    %exp3A = math.exp %add3A_35 : vector<400x128xf32>
    %sub3A_38 = arith.constant 1.000000e+00 : f32
    %sub3A_39 = vector.broadcast %sub3A_38 : f32 to vector<400x128xf32>
    %sub3A_40 = arith.subf %exp3A, %sub3A_39 : vector<400x128xf32>
    %select_n3A = arith.select %gt3A_37, %add3A_35, %sub3A_40 : vector<400x128xi1>, vector<400x128xf32>
    %get3A_41 = arith.constant 0 : index
    %get3A_42 = arith.constant 0 : index
    %get3A_43 = vector.load %arg5[%get3A_41, %get3A_42] : memref<128x128xf32, #tpu.memory_space<vmem>>, vector<128x128xf32>
    %dot_general3A = arith.constant dense<0.000000e+00> : vector<400x128xf32>
    %dot_general3A_44 = tpu.matmul %select_n3A, %get3A_43, %dot_general3A {dimension_numbers = #tpu.dot_dimension_numbers<[1], [0], [0], [1], [0, 0, 1, 1], [], []>, transpose_lhs_hint = false} : vector<400x128xf32>, vector<128x128xf32>, vector<400x128xf32> -> vector<400x128xf32>
    %swap3A = arith.constant 0 : index
    %swap3A_45 = arith.constant 0 : index
    %swap3A_46 = vector.load %arg6[%swap3A, %swap3A_45] : memref<400x128xf32, #tpu.memory_space<vmem>>, vector<400x128xf32>
    tpu.vector_store %arg6[%swap3A, %swap3A_45], %dot_general3A_44 {strides = array<i32>} : memref<400x128xf32, #tpu.memory_space<vmem>>, vector<400x128xf32>,
    %slice3A = vector.extract_strided_slice %dot_general3A_44 {offsets = [0, 0], sizes = [400, 64], strides = [1, 1]} : vector<400x128xf32> to vector<400x64xf32>
    %convert_element_type3A = arith.truncf %slice3A : vector<400x64xf32> to vector<400x64xbf16>
    %swap3A_47 = arith.constant 0 : index
    %swap3A_48 = arith.constant 0 : index
    %swap3A_49 = vector.load %arg7[%swap3A_47, %swap3A_48] : memref<400x64xbf16, #tpu.memory_space<vmem>>, vector<400x64xbf16>
    tpu.vector_store %arg7[%swap3A_47, %swap3A_48], %convert_element_type3A {strides = array<i32>} : memref<400x64xbf16, #tpu.memory_space<vmem>>, vector<400x64xbf16>,
    %slice3A_50 = vector.extract_strided_slice %dot_general3A_44 {offsets = [0, 64], sizes = [400, 64], strides = [1, 1]} : vector<400x128xf32> to vector<400x64xf32>
    %convert_element_type3A_51 = arith.truncf %slice3A_50 : vector<400x64xf32> to vector<400x64xbf16>
    %swap3A_52 = arith.constant 0 : index
    %swap3A_53 = arith.constant 0 : index
    %swap3A_54 = vector.load %arg8[%swap3A_52, %swap3A_53] : memref<400x64xbf16, #tpu.memory_space<vmem>>, vector<400x64xbf16>
    tpu.vector_store %arg8[%swap3A_52, %swap3A_53], %convert_element_type3A_51 {strides = array<i32>} : memref<400x64xbf16, #tpu.memory_space<vmem>>, vector<400x64xbf16>,
    %reduce_sum3A = arith.constant dense<0.000000e+00> : vector<128xf32>
    %reduce_sum3A_55 = vector.multi_reduction <add>, %dot_general3A_44, %reduce_sum3A [0] : vector<400x128xf32> to vector<128xf32>
    %broadcast_in_dim3A = vector.shape_cast %reduce_sum3A_55 : vector<128xf32> to vector<1x128xf32>
    %mul3A_56 = arith.mulf %dot_general3A_44, %dot_general3A_44 : vector<400x128xf32>
    %reduce_sum3A_57 = arith.constant dense<0.000000e+00> : vector<128xf32>
    %reduce_sum3A_58 = vector.multi_reduction <add>, %mul3A_56, %reduce_sum3A_57 [0] : vector<400x128xf32> to vector<128xf32>
    %broadcast_in_dim3A_59 = vector.shape_cast %reduce_sum3A_58 : vector<128xf32> to vector<1x128xf32>
    %broadcast_in_dim3A_60 = arith.constant 0.000000e+00 : f32
    %broadcast_in_dim3A_61 = vector.broadcast %broadcast_in_dim3A_60 : f32 to vector<6x128xf32>
    %concatenate3A_62 = tpu.concatenate %broadcast_in_dim3A, %broadcast_in_dim3A_59, %broadcast_in_dim3A_61 in 0 : vector<1x128xf32>, vector<1x128xf32>, vector<6x128xf32> -> vector<8x128xf32>
    %eq3A = arith.constant 0 : i32
    %eq3A_63 = arith.cmpi eq, %arg0, %eq3A : i32
    %convert_element_type3A_64 = arith.extui %eq3A_63 : i1 to i32
    %cond3A = arith.constant 0 : i32
    %cond3A_65 = arith.cmpi ne, %convert_element_type3A_64, %cond3A : i32
    scf.if %cond3A_65 {
      %broadcast_in_dim3A_73 = arith.constant 0.000000e+00 : f32
      %broadcast_in_dim3A_74 = vector.broadcast %broadcast_in_dim3A_73 : f32 to vector<8x128xf32>
      %swap3A_75 = arith.constant 0 : index
      %swap3A_76 = arith.constant 0 : index
      %swap3A_77 = vector.load %arg9[%swap3A_75, %swap3A_76] : memref<8x128xf32, #tpu.memory_space<vmem>>, vector<8x128xf32>
      tpu.vector_store %arg9[%swap3A_75, %swap3A_76], %broadcast_in_dim3A_74 {strides = array<i32>} : memref<8x128xf32, #tpu.memory_space<vmem>>, vector<8x128xf32>,
    } else {
    }
    %get3A_66 = arith.constant 0 : index
    %get3A_67 = arith.constant 0 : index
    %get3A_68 = vector.load %arg9[%get3A_66, %get3A_67] : memref<8x128xf32, #tpu.memory_space<vmem>>, vector<8x128xf32>
    %add3A_69 = arith.addf %get3A_68, %concatenate3A_62 : vector<8x128xf32>
    %swap3A_70 = arith.constant 0 : index
    %swap3A_71 = arith.constant 0 : index
    %swap3A_72 = vector.load %arg9[%swap3A_70, %swap3A_71] : memref<8x128xf32, #tpu.memory_space<vmem>>, vector<8x128xf32>
    tpu.vector_store %arg9[%swap3A_70, %swap3A_71], %add3A_69 {strides = array<i32>} : memref<8x128xf32, #tpu.memory_space<vmem>>, vector<8x128xf32>,
    return
  }
  func.func @transform_0(%arg0: i32) -> (i32, i32, i32) {
    %c0_i32 = arith.constant 0 : i32
    %c0_i32_0 = arith.constant 0 : i32
    %c0_i32_1 = arith.constant 0 : i32
    return %c0_i32, %arg0, %c0_i32_0 : i32, i32, i32
  }
  func.func @transform_1(%arg0: i32) -> (i32, i32) {
    %c0_i32 = arith.constant 0 : i32
    %c0_i32_0 = arith.constant 0 : i32
    %c0_i32_1 = arith.constant 0 : i32
    return %c0_i32, %c0_i32_0 : i32, i32
  }
  func.func @transform_2(%arg0: i32) -> (i32, i32) {
    %c0_i32 = arith.constant 0 : i32
    %c0_i32_0 = arith.constant 0 : i32
    %c0_i32_1 = arith.constant 0 : i32
    return %c0_i32, %c0_i32_0 : i32, i32
  }
  func.func @transform_3(%arg0: i32) -> (i32, i32) {
    %c0_i32 = arith.constant 0 : i32
    %c0_i32_0 = arith.constant 0 : i32
    %c0_i32_1 = arith.constant 0 : i32
    return %c0_i32, %c0_i32_0 : i32, i32
  }
  func.func @transform_4(%arg0: i32) -> (i32, i32) {
    %c0_i32 = arith.constant 0 : i32
    %c0_i32_0 = arith.constant 0 : i32
    %c0_i32_1 = arith.constant 0 : i32
    return %c0_i32, %c0_i32_0 : i32, i32
  }
  func.func @transform_5(%arg0: i32) -> (i32, i32) {
    %c0_i32 = arith.constant 0 : i32
    %c0_i32_0 = arith.constant 0 : i32
    return %arg0, %c0_i32 : i32, i32
  }
  func.func @transform_6(%arg0: i32) -> (i32, i32) {
    %c0_i32 = arith.constant 0 : i32
    %c0_i32_0 = arith.constant 0 : i32
    return %arg0, %c0_i32 : i32, i32
  }
  func.func @transform_7(%arg0: i32) -> (i32, i32) {
    %c0_i32 = arith.constant 0 : i32
    %c0_i32_0 = arith.constant 0 : i32
    return %arg0, %c0_i32 : i32, i32
  }
  func.func @transform_8(%arg0: i32) -> (i32, i32) {
    %c0_i32 = arith.constant 0 : i32
    %c0_i32_0 = arith.constant 0 : i32
    %c0_i32_1 = arith.constant 0 : i32
    return %c0_i32, %c0_i32_0 : i32, i32
  }
}

module attributes {stable_mosaic.version = 14 : i64} {
  func.func @_edge_body(%arg0: i32, %arg1: memref<2000x3xi32, #tpu.memory_space<vmem>>, %arg2: memref<1x1x2000xi32, #tpu.memory_space<vmem>>, %arg3: memref<1x1x2000xi32, #tpu.memory_space<vmem>>) attributes {dimension_semantics = [#tpu.dimension_semantics<arbitrary>], iteration_bounds = array<i64: 160>, scalar_prefetch = 0 : i64, scratch_operands = 0 : i64, tpu.core_type = #tpu.core_type<tc>, window_params = [{transform_indices = @transform_0, window_bounds = array<i64: 2000, 3>}, {transform_indices = @transform_1, window_bounds = array<i64: 1, 1, 2000>}, {transform_indices = @transform_2, window_bounds = array<i64: 1, 1, 2000>}]} {
    %get3A = arith.constant 0 : index
    %get3A_0 = arith.constant 0 : index
    %get3A_1 = vector.load %arg1[%get3A, %get3A_0] : memref<2000x3xi32, #tpu.memory_space<vmem>>, vector<2000x3xi32>
    %slice3A = vector.extract_strided_slice %get3A_1 {offsets = [0, 0], sizes = [2000, 1], strides = [1, 1]} : vector<2000x3xi32> to vector<2000x1xi32>
    %squeeze3A = vector.shape_cast %slice3A : vector<2000x1xi32> to vector<2000xi32>
    %swap3A = arith.constant 0 : index
    %swap3A_2 = arith.constant 0 : index
    %swap3A_3 = arith.constant 0 : index
    %swap3A_4 = vector.load %arg2[%swap3A, %swap3A_2, %swap3A_3] : memref<1x1x2000xi32, #tpu.memory_space<vmem>>, vector<1x1x2000xi32>
    %swap3A_5 = vector.shape_cast %swap3A_4 : vector<1x1x2000xi32> to vector<2000xi32>
    %swap3A_6 = vector.shape_cast %squeeze3A : vector<2000xi32> to vector<1x1x2000xi32>
    tpu.vector_store %arg2[%swap3A, %swap3A_2, %swap3A_3], %swap3A_6 {strides = array<i32>} : memref<1x1x2000xi32, #tpu.memory_space<vmem>>, vector<1x1x2000xi32>,
    %slice3A_7 = vector.extract_strided_slice %get3A_1 {offsets = [0, 2], sizes = [2000, 1], strides = [1, 1]} : vector<2000x3xi32> to vector<2000x1xi32>
    %squeeze3A_8 = vector.shape_cast %slice3A_7 : vector<2000x1xi32> to vector<2000xi32>
    %and3A = arith.constant 3 : i32
    %and3A_9 = vector.broadcast %and3A : i32 to vector<2000xi32>
    %and3A_10 = arith.andi %squeeze3A_8, %and3A_9 : vector<2000xi32>
    %mul3A = arith.constant 10400 : i32
    %mul3A_11 = vector.broadcast %mul3A : i32 to vector<2000xi32>
    %mul3A_12 = arith.muli %and3A_10, %mul3A_11 : vector<2000xi32>
    %slice3A_13 = vector.extract_strided_slice %get3A_1 {offsets = [0, 1], sizes = [2000, 1], strides = [1, 1]} : vector<2000x3xi32> to vector<2000x1xi32>
    %squeeze3A_14 = vector.shape_cast %slice3A_13 : vector<2000x1xi32> to vector<2000xi32>
    %add3A = arith.addi %mul3A_12, %squeeze3A_14 : vector<2000xi32>
    %swap3A_15 = arith.constant 0 : index
    %swap3A_16 = arith.constant 0 : index
    %swap3A_17 = arith.constant 0 : index
    %swap3A_18 = vector.load %arg3[%swap3A_15, %swap3A_16, %swap3A_17] : memref<1x1x2000xi32, #tpu.memory_space<vmem>>, vector<1x1x2000xi32>
    %swap3A_19 = vector.shape_cast %swap3A_18 : vector<1x1x2000xi32> to vector<2000xi32>
    %swap3A_20 = vector.shape_cast %add3A : vector<2000xi32> to vector<1x1x2000xi32>
    tpu.vector_store %arg3[%swap3A_15, %swap3A_16, %swap3A_17], %swap3A_20 {strides = array<i32>} : memref<1x1x2000xi32, #tpu.memory_space<vmem>>, vector<1x1x2000xi32>,
    return
  }
  func.func @transform_0(%arg0: i32) -> (i32, i32) {
    %c0_i32 = arith.constant 0 : i32
    %c0_i32_0 = arith.constant 0 : i32
    return %arg0, %c0_i32 : i32, i32
  }
  func.func @transform_1(%arg0: i32) -> (i32, i32, i32) {
    %c0_i32 = arith.constant 0 : i32
    %c0_i32_0 = arith.constant 0 : i32
    %c0_i32_1 = arith.constant 0 : i32
    return %arg0, %c0_i32, %c0_i32_0 : i32, i32, i32
  }
  func.func @transform_2(%arg0: i32) -> (i32, i32, i32) {
    %c0_i32 = arith.constant 0 : i32
    %c0_i32_0 = arith.constant 0 : i32
    %c0_i32_1 = arith.constant 0 : i32
    return %arg0, %c0_i32, %c0_i32_0 : i32, i32, i32
  }
}

module attributes {stable_mosaic.version = 14 : i64} {
  func.func @_stats2_body(%arg0: i32, %arg1: memref<400x64xbf16, #tpu.memory_space<vmem>>, %arg2: memref<400x64xbf16, #tpu.memory_space<vmem>>, %arg3: memref<400x64xbf16, #tpu.memory_space<vmem>>, %arg4: memref<400x64xbf16, #tpu.memory_space<vmem>>, %arg5: memref<400x64xbf16, #tpu.memory_space<vmem>>, %arg6: memref<400x64xbf16, #tpu.memory_space<vmem>>, %arg7: memref<400x64xbf16, #tpu.memory_space<vmem>>, %arg8: memref<400x64xbf16, #tpu.memory_space<vmem>>, %arg9: memref<8x512xf32, #tpu.memory_space<vmem>>) attributes {dimension_semantics = [#tpu.dimension_semantics<arbitrary>], iteration_bounds = array<i64: 25>, scalar_prefetch = 0 : i64, scratch_operands = 0 : i64, tpu.core_type = #tpu.core_type<tc>, window_params = [{transform_indices = @transform_0, window_bounds = array<i64: 400, 64>}, {transform_indices = @transform_1, window_bounds = array<i64: 400, 64>}, {transform_indices = @transform_2, window_bounds = array<i64: 400, 64>}, {transform_indices = @transform_3, window_bounds = array<i64: 400, 64>}, {transform_indices = @transform_4, window_bounds = array<i64: 400, 64>}, {transform_indices = @transform_5, window_bounds = array<i64: 400, 64>}, {transform_indices = @transform_6, window_bounds = array<i64: 400, 64>}, {transform_indices = @transform_7, window_bounds = array<i64: 400, 64>}, {pipeline_mode = #tpu.pipeline_mode<synchronous>, transform_indices = @transform_8, window_bounds = array<i64: 8, 512>}]} {
    %get3A = arith.constant 0 : index
    %get3A_0 = arith.constant 0 : index
    %get3A_1 = vector.load %arg1[%get3A, %get3A_0] : memref<400x64xbf16, #tpu.memory_space<vmem>>, vector<400x64xbf16>
    %get3A_2 = arith.constant 0 : index
    %get3A_3 = arith.constant 0 : index
    %get3A_4 = vector.load %arg2[%get3A_2, %get3A_3] : memref<400x64xbf16, #tpu.memory_space<vmem>>, vector<400x64xbf16>
    %concatenate3A = tpu.concatenate %get3A_1, %get3A_4 in 1 : vector<400x64xbf16>, vector<400x64xbf16> -> vector<400x128xbf16>
    %convert_element_type3A = arith.extf %concatenate3A : vector<400x128xbf16> to vector<400x128xf32>
    %reduce_sum3A = arith.constant dense<0.000000e+00> : vector<128xf32>
    %reduce_sum3A_5 = vector.multi_reduction <add>, %convert_element_type3A, %reduce_sum3A [0] : vector<400x128xf32> to vector<128xf32>
    %broadcast_in_dim3A = vector.shape_cast %reduce_sum3A_5 : vector<128xf32> to vector<1x128xf32>
    %mul3A = arith.mulf %convert_element_type3A, %convert_element_type3A : vector<400x128xf32>
    %reduce_sum3A_6 = arith.constant dense<0.000000e+00> : vector<128xf32>
    %reduce_sum3A_7 = vector.multi_reduction <add>, %mul3A, %reduce_sum3A_6 [0] : vector<400x128xf32> to vector<128xf32>
    %broadcast_in_dim3A_8 = vector.shape_cast %reduce_sum3A_7 : vector<128xf32> to vector<1x128xf32>
    %get3A_9 = arith.constant 0 : index
    %get3A_10 = arith.constant 0 : index
    %get3A_11 = vector.load %arg3[%get3A_9, %get3A_10] : memref<400x64xbf16, #tpu.memory_space<vmem>>, vector<400x64xbf16>
    %get3A_12 = arith.constant 0 : index
    %get3A_13 = arith.constant 0 : index
    %get3A_14 = vector.load %arg4[%get3A_12, %get3A_13] : memref<400x64xbf16, #tpu.memory_space<vmem>>, vector<400x64xbf16>
    %concatenate3A_15 = tpu.concatenate %get3A_11, %get3A_14 in 1 : vector<400x64xbf16>, vector<400x64xbf16> -> vector<400x128xbf16>
    %convert_element_type3A_16 = arith.extf %concatenate3A_15 : vector<400x128xbf16> to vector<400x128xf32>
    %reduce_sum3A_17 = arith.constant dense<0.000000e+00> : vector<128xf32>
    %reduce_sum3A_18 = vector.multi_reduction <add>, %convert_element_type3A_16, %reduce_sum3A_17 [0] : vector<400x128xf32> to vector<128xf32>
    %broadcast_in_dim3A_19 = vector.shape_cast %reduce_sum3A_18 : vector<128xf32> to vector<1x128xf32>
    %mul3A_20 = arith.mulf %convert_element_type3A_16, %convert_element_type3A_16 : vector<400x128xf32>
    %reduce_sum3A_21 = arith.constant dense<0.000000e+00> : vector<128xf32>
    %reduce_sum3A_22 = vector.multi_reduction <add>, %mul3A_20, %reduce_sum3A_21 [0] : vector<400x128xf32> to vector<128xf32>
    %broadcast_in_dim3A_23 = vector.shape_cast %reduce_sum3A_22 : vector<128xf32> to vector<1x128xf32>
    %get3A_24 = arith.constant 0 : index
    %get3A_25 = arith.constant 0 : index
    %get3A_26 = vector.load %arg5[%get3A_24, %get3A_25] : memref<400x64xbf16, #tpu.memory_space<vmem>>, vector<400x64xbf16>
    %get3A_27 = arith.constant 0 : index
    %get3A_28 = arith.constant 0 : index
    %get3A_29 = vector.load %arg6[%get3A_27, %get3A_28] : memref<400x64xbf16, #tpu.memory_space<vmem>>, vector<400x64xbf16>
    %concatenate3A_30 = tpu.concatenate %get3A_26, %get3A_29 in 1 : vector<400x64xbf16>, vector<400x64xbf16> -> vector<400x128xbf16>
    %convert_element_type3A_31 = arith.extf %concatenate3A_30 : vector<400x128xbf16> to vector<400x128xf32>
    %reduce_sum3A_32 = arith.constant dense<0.000000e+00> : vector<128xf32>
    %reduce_sum3A_33 = vector.multi_reduction <add>, %convert_element_type3A_31, %reduce_sum3A_32 [0] : vector<400x128xf32> to vector<128xf32>
    %broadcast_in_dim3A_34 = vector.shape_cast %reduce_sum3A_33 : vector<128xf32> to vector<1x128xf32>
    %mul3A_35 = arith.mulf %convert_element_type3A_31, %convert_element_type3A_31 : vector<400x128xf32>
    %reduce_sum3A_36 = arith.constant dense<0.000000e+00> : vector<128xf32>
    %reduce_sum3A_37 = vector.multi_reduction <add>, %mul3A_35, %reduce_sum3A_36 [0] : vector<400x128xf32> to vector<128xf32>
    %broadcast_in_dim3A_38 = vector.shape_cast %reduce_sum3A_37 : vector<128xf32> to vector<1x128xf32>
    %get3A_39 = arith.constant 0 : index
    %get3A_40 = arith.constant 0 : index
    %get3A_41 = vector.load %arg7[%get3A_39, %get3A_40] : memref<400x64xbf16, #tpu.memory_space<vmem>>, vector<400x64xbf16>
    %get3A_42 = arith.constant 0 : index
    %get3A_43 = arith.constant 0 : index
    %get3A_44 = vector.load %arg8[%get3A_42, %get3A_43] : memref<400x64xbf16, #tpu.memory_space<vmem>>, vector<400x64xbf16>
    %concatenate3A_45 = tpu.concatenate %get3A_41, %get3A_44 in 1 : vector<400x64xbf16>, vector<400x64xbf16> -> vector<400x128xbf16>
    %convert_element_type3A_46 = arith.extf %concatenate3A_45 : vector<400x128xbf16> to vector<400x128xf32>
    %reduce_sum3A_47 = arith.constant dense<0.000000e+00> : vector<128xf32>
    %reduce_sum3A_48 = vector.multi_reduction <add>, %convert_element_type3A_46, %reduce_sum3A_47 [0] : vector<400x128xf32> to vector<128xf32>
    %broadcast_in_dim3A_49 = vector.shape_cast %reduce_sum3A_48 : vector<128xf32> to vector<1x128xf32>
    %mul3A_50 = arith.mulf %convert_element_type3A_46, %convert_element_type3A_46 : vector<400x128xf32>
    %reduce_sum3A_51 = arith.constant dense<0.000000e+00> : vector<128xf32>
    %reduce_sum3A_52 = vector.multi_reduction <add>, %mul3A_50, %reduce_sum3A_51 [0] : vector<400x128xf32> to vector<128xf32>
    %broadcast_in_dim3A_53 = vector.shape_cast %reduce_sum3A_52 : vector<128xf32> to vector<1x128xf32>
    %concatenate3A_54 = tpu.concatenate %broadcast_in_dim3A, %broadcast_in_dim3A_19, %broadcast_in_dim3A_34, %broadcast_in_dim3A_49 in 1 : vector<1x128xf32>, vector<1x128xf32>, vector<1x128xf32>, vector<1x128xf32> -> vector<1x512xf32>
    %concatenate3A_55 = tpu.concatenate %broadcast_in_dim3A_8, %broadcast_in_dim3A_23, %broadcast_in_dim3A_38, %broadcast_in_dim3A_53 in 1 : vector<1x128xf32>, vector<1x128xf32>, vector<1x128xf32>, vector<1x128xf32> -> vector<1x512xf32>
    %broadcast_in_dim3A_56 = arith.constant 0.000000e+00 : f32
    %broadcast_in_dim3A_57 = vector.broadcast %broadcast_in_dim3A_56 : f32 to vector<6x512xf32>
    %concatenate3A_58 = tpu.concatenate %concatenate3A_54, %concatenate3A_55, %broadcast_in_dim3A_57 in 0 : vector<1x512xf32>, vector<1x512xf32>, vector<6x512xf32> -> vector<8x512xf32>
    %eq3A = arith.constant 0 : i32
    %eq3A_59 = arith.cmpi eq, %arg0, %eq3A : i32
    %convert_element_type3A_60 = arith.extui %eq3A_59 : i1 to i32
    %cond3A = arith.constant 0 : i32
    %cond3A_61 = arith.cmpi ne, %convert_element_type3A_60, %cond3A : i32
    scf.if %cond3A_61 {
      %broadcast_in_dim3A_67 = arith.constant 0.000000e+00 : f32
      %broadcast_in_dim3A_68 = vector.broadcast %broadcast_in_dim3A_67 : f32 to vector<8x512xf32>
      %swap3A_69 = arith.constant 0 : index
      %swap3A_70 = arith.constant 0 : index
      %swap3A_71 = vector.load %arg9[%swap3A_69, %swap3A_70] : memref<8x512xf32, #tpu.memory_space<vmem>>, vector<8x512xf32>
      tpu.vector_store %arg9[%swap3A_69, %swap3A_70], %broadcast_in_dim3A_68 {strides = array<i32>} : memref<8x512xf32, #tpu.memory_space<vmem>>, vector<8x512xf32>,
    } else {
    }
    %get3A_62 = arith.constant 0 : index
    %get3A_63 = arith.constant 0 : index
    %get3A_64 = vector.load %arg9[%get3A_62, %get3A_63] : memref<8x512xf32, #tpu.memory_space<vmem>>, vector<8x512xf32>
    %add3A = arith.addf %get3A_64, %concatenate3A_58 : vector<8x512xf32>
    %swap3A = arith.constant 0 : index
    %swap3A_65 = arith.constant 0 : index
    %swap3A_66 = vector.load %arg9[%swap3A, %swap3A_65] : memref<8x512xf32, #tpu.memory_space<vmem>>, vector<8x512xf32>
    tpu.vector_store %arg9[%swap3A, %swap3A_65], %add3A {strides = array<i32>} : memref<8x512xf32, #tpu.memory_space<vmem>>, vector<8x512xf32>,
    return
  }
  func.func @transform_0(%arg0: i32) -> (i32, i32) {
    %add3A = arith.constant 0 : i32
    %add3A_0 = arith.addi %add3A, %arg0 : i32
    %c0_i32 = arith.constant 0 : i32
    %c0_i32_1 = arith.constant 0 : i32
    return %add3A_0, %c0_i32 : i32, i32
  }
  func.func @transform_1(%arg0: i32) -> (i32, i32) {
    %add3A = arith.constant 0 : i32
    %add3A_0 = arith.addi %add3A, %arg0 : i32
    %c0_i32 = arith.constant 0 : i32
    %c0_i32_1 = arith.constant 0 : i32
    return %add3A_0, %c0_i32 : i32, i32
  }
  func.func @transform_2(%arg0: i32) -> (i32, i32) {
    %add3A = arith.constant 26 : i32
    %add3A_0 = arith.addi %add3A, %arg0 : i32
    %c0_i32 = arith.constant 0 : i32
    %c0_i32_1 = arith.constant 0 : i32
    return %add3A_0, %c0_i32 : i32, i32
  }
  func.func @transform_3(%arg0: i32) -> (i32, i32) {
    %add3A = arith.constant 26 : i32
    %add3A_0 = arith.addi %add3A, %arg0 : i32
    %c0_i32 = arith.constant 0 : i32
    %c0_i32_1 = arith.constant 0 : i32
    return %add3A_0, %c0_i32 : i32, i32
  }
  func.func @transform_4(%arg0: i32) -> (i32, i32) {
    %add3A = arith.constant 52 : i32
    %add3A_0 = arith.addi %add3A, %arg0 : i32
    %c0_i32 = arith.constant 0 : i32
    %c0_i32_1 = arith.constant 0 : i32
    return %add3A_0, %c0_i32 : i32, i32
  }
  func.func @transform_5(%arg0: i32) -> (i32, i32) {
    %add3A = arith.constant 52 : i32
    %add3A_0 = arith.addi %add3A, %arg0 : i32
    %c0_i32 = arith.constant 0 : i32
    %c0_i32_1 = arith.constant 0 : i32
    return %add3A_0, %c0_i32 : i32, i32
  }
  func.func @transform_6(%arg0: i32) -> (i32, i32) {
    %add3A = arith.constant 78 : i32
    %add3A_0 = arith.addi %add3A, %arg0 : i32
    %c0_i32 = arith.constant 0 : i32
    %c0_i32_1 = arith.constant 0 : i32
    return %add3A_0, %c0_i32 : i32, i32
  }
  func.func @transform_7(%arg0: i32) -> (i32, i32) {
    %add3A = arith.constant 78 : i32
    %add3A_0 = arith.addi %add3A, %arg0 : i32
    %c0_i32 = arith.constant 0 : i32
    %c0_i32_1 = arith.constant 0 : i32
    return %add3A_0, %c0_i32 : i32, i32
  }
  func.func @transform_8(%arg0: i32) -> (i32, i32) {
    %c0_i32 = arith.constant 0 : i32
    %c0_i32_0 = arith.constant 0 : i32
    %c0_i32_1 = arith.constant 0 : i32
    return %c0_i32, %c0_i32_0 : i32, i32
  }
}

module attributes {stable_mosaic.version = 14 : i64} {
  func.func @_out_body(%arg0: i32, %arg1: memref<400x128xf32, #tpu.memory_space<vmem>>, %arg2: memref<400x64xbf16, #tpu.memory_space<vmem>>, %arg3: memref<400x64xbf16, #tpu.memory_space<vmem>>, %arg4: memref<400x64xbf16, #tpu.memory_space<vmem>>, %arg5: memref<400x64xbf16, #tpu.memory_space<vmem>>, %arg6: memref<400x64xbf16, #tpu.memory_space<vmem>>, %arg7: memref<400x64xbf16, #tpu.memory_space<vmem>>, %arg8: memref<400x64xbf16, #tpu.memory_space<vmem>>, %arg9: memref<400x64xbf16, #tpu.memory_space<vmem>>, %arg10: memref<8x128xf32, #tpu.memory_space<vmem>>, %arg11: memref<8x512xf32, #tpu.memory_space<vmem>>, %arg12: memref<1x640xf32, #tpu.memory_space<vmem>>, %arg13: memref<1x640xf32, #tpu.memory_space<vmem>>, %arg14: memref<640x128xf32, #tpu.memory_space<vmem>>, %arg15: memref<400x128xf32, #tpu.memory_space<vmem>>) attributes {dimension_semantics = [#tpu.dimension_semantics<arbitrary>], iteration_bounds = array<i64: 25>, scalar_prefetch = 0 : i64, scratch_operands = 0 : i64, tpu.core_type = #tpu.core_type<tc>, window_params = [{transform_indices = @transform_0, window_bounds = array<i64: 400, 128>}, {transform_indices = @transform_1, window_bounds = array<i64: 400, 64>}, {transform_indices = @transform_2, window_bounds = array<i64: 400, 64>}, {transform_indices = @transform_3, window_bounds = array<i64: 400, 64>}, {transform_indices = @transform_4, window_bounds = array<i64: 400, 64>}, {transform_indices = @transform_5, window_bounds = array<i64: 400, 64>}, {transform_indices = @transform_6, window_bounds = array<i64: 400, 64>}, {transform_indices = @transform_7, window_bounds = array<i64: 400, 64>}, {transform_indices = @transform_8, window_bounds = array<i64: 400, 64>}, {pipeline_mode = #tpu.pipeline_mode<synchronous>, transform_indices = @transform_9, window_bounds = array<i64: 8, 128>}, {pipeline_mode = #tpu.pipeline_mode<synchronous>, transform_indices = @transform_10, window_bounds = array<i64: 8, 512>}, {pipeline_mode = #tpu.pipeline_mode<synchronous>, transform_indices = @transform_11, window_bounds = array<i64: 1, 640>}, {pipeline_mode = #tpu.pipeline_mode<synchronous>, transform_indices = @transform_12, window_bounds = array<i64: 1, 640>}, {pipeline_mode = #tpu.pipeline_mode<synchronous>, transform_indices = @transform_13, window_bounds = array<i64: 640, 128>}, {transform_indices = @transform_14, window_bounds = array<i64: 400, 128>}]} {
    %get3A = arith.constant 0 : index
    %get3A_0 = arith.constant 0 : index
    %get3A_1 = vector.load %arg1[%get3A, %get3A_0] : memref<400x128xf32, #tpu.memory_space<vmem>>, vector<400x128xf32>
    %get3A_2 = arith.constant 0 : index
    %get3A_3 = arith.constant 0 : index
    %get3A_4 = vector.load %arg10[%get3A_2, %get3A_3] : memref<8x128xf32, #tpu.memory_space<vmem>>, vector<1x128xf32>
    %get3A_5 = arith.constant 1 : index
    %get3A_6 = arith.constant 0 : index
    %get3A_7 = vector.load %arg10[%get3A_5, %get3A_6] : memref<8x128xf32, #tpu.memory_space<vmem>>, vector<1x128xf32>
    %get3A_8 = arith.constant 0 : index
    %get3A_9 = arith.constant 0 : index
    %get3A_10 = vector.load %arg12[%get3A_8, %get3A_9] : memref<1x640xf32, #tpu.memory_space<vmem>>, vector<1x128xf32>
    %get3A_11 = arith.constant 0 : index
    %get3A_12 = arith.constant 0 : index
    %get3A_13 = vector.load %arg13[%get3A_11, %get3A_12] : memref<1x640xf32, #tpu.memory_space<vmem>>, vector<1x128xf32>
    %div3A = arith.constant 1.000000e+04 : f32
    %div3A_14 = vector.broadcast %div3A : f32 to vector<1x128xf32>
    %div3A_15 = arith.divf %get3A_4, %div3A_14 : vector<1x128xf32>
    %div3A_16 = arith.constant 1.000000e+04 : f32
    %div3A_17 = vector.broadcast %div3A_16 : f32 to vector<1x128xf32>
    %div3A_18 = arith.divf %get3A_7, %div3A_17 : vector<1x128xf32>
    %mul3A = arith.mulf %div3A_15, %div3A_15 : vector<1x128xf32>
    %sub3A = arith.subf %div3A_18, %mul3A : vector<1x128xf32>
    %sub3A_19 = vector.broadcast %div3A_15 : vector<1x128xf32> to vector<400x128xf32>
    %sub3A_20 = arith.subf %get3A_1, %sub3A_19 : vector<400x128xf32>
    %add3A = arith.constant 9.99999974E-6 : f32
    %add3A_21 = vector.broadcast %add3A : f32 to vector<1x128xf32>
    %add3A_22 = arith.addf %sub3A, %add3A_21 : vector<1x128xf32>
    %rsqrt3A = math.rsqrt %add3A_22 : vector<1x128xf32>
    %mul3A_23 = vector.broadcast %rsqrt3A : vector<1x128xf32> to vector<400x128xf32>
    %mul3A_24 = arith.mulf %sub3A_20, %mul3A_23 : vector<400x128xf32>
    %mul3A_25 = vector.broadcast %get3A_10 : vector<1x128xf32> to vector<400x128xf32>
    %mul3A_26 = arith.mulf %mul3A_24, %mul3A_25 : vector<400x128xf32>
    %add3A_27 = vector.broadcast %get3A_13 : vector<1x128xf32> to vector<400x128xf32>
    %add3A_28 = arith.addf %mul3A_26, %add3A_27 : vector<400x128xf32>
    %gt3A = arith.constant 0.000000e+00 : f32
    %gt3A_29 = vector.broadcast %gt3A : f32 to vector<400x128xf32>
    %gt3A_30 = arith.cmpf ogt, %add3A_28, %gt3A_29 : vector<400x128xf32>
    %exp3A = math.exp %add3A_28 : vector<400x128xf32>
    %sub3A_31 = arith.constant 1.000000e+00 : f32
    %sub3A_32 = vector.broadcast %sub3A_31 : f32 to vector<400x128xf32>
    %sub3A_33 = arith.subf %exp3A, %sub3A_32 : vector<400x128xf32>
    %select_n3A = arith.select %gt3A_30, %add3A_28, %sub3A_33 : vector<400x128xi1>, vector<400x128xf32>
    %get3A_34 = arith.constant 0 : index
    %get3A_35 = arith.constant 0 : index
    %get3A_36 = vector.load %arg14[%get3A_34, %get3A_35] : memref<640x128xf32, #tpu.memory_space<vmem>>, vector<128x128xf32>
    %dot_general3A = arith.constant dense<0.000000e+00> : vector<400x128xf32>
    %dot_general3A_37 = tpu.matmul %select_n3A, %get3A_36, %dot_general3A {dimension_numbers = #tpu.dot_dimension_numbers<[1], [0], [0], [1], [0, 0, 1, 1], [], []>, transpose_lhs_hint = false} : vector<400x128xf32>, vector<128x128xf32>, vector<400x128xf32> -> vector<400x128xf32>
    %get3A_38 = arith.constant 0 : index
    %get3A_39 = arith.constant 0 : index
    %get3A_40 = vector.load %arg2[%get3A_38, %get3A_39] : memref<400x64xbf16, #tpu.memory_space<vmem>>, vector<400x64xbf16>
    %get3A_41 = arith.constant 0 : index
    %get3A_42 = arith.constant 0 : index
    %get3A_43 = vector.load %arg3[%get3A_41, %get3A_42] : memref<400x64xbf16, #tpu.memory_space<vmem>>, vector<400x64xbf16>
    %concatenate3A = tpu.concatenate %get3A_40, %get3A_43 in 1 : vector<400x64xbf16>, vector<400x64xbf16> -> vector<400x128xbf16>
    %convert_element_type3A = arith.extf %concatenate3A : vector<400x128xbf16> to vector<400x128xf32>
    %get3A_44 = arith.constant 0 : index
    %get3A_45 = arith.constant 0 : index
    %get3A_46 = vector.load %arg11[%get3A_44, %get3A_45] : memref<8x512xf32, #tpu.memory_space<vmem>>, vector<1x128xf32>
    %get3A_47 = arith.constant 1 : index
    %get3A_48 = arith.constant 0 : index
    %get3A_49 = vector.load %arg11[%get3A_47, %get3A_48] : memref<8x512xf32, #tpu.memory_space<vmem>>, vector<1x128xf32>
    %get3A_50 = arith.constant 0 : index
    %get3A_51 = arith.constant 128 : index
    %get3A_52 = vector.load %arg12[%get3A_50, %get3A_51] : memref<1x640xf32, #tpu.memory_space<vmem>>, vector<1x128xf32>
    %get3A_53 = arith.constant 0 : index
    %get3A_54 = arith.constant 128 : index
    %get3A_55 = vector.load %arg13[%get3A_53, %get3A_54] : memref<1x640xf32, #tpu.memory_space<vmem>>, vector<1x128xf32>
    %div3A_56 = arith.constant 1.000000e+04 : f32
    %div3A_57 = vector.broadcast %div3A_56 : f32 to vector<1x128xf32>
    %div3A_58 = arith.divf %get3A_46, %div3A_57 : vector<1x128xf32>
    %div3A_59 = arith.constant 1.000000e+04 : f32
    %div3A_60 = vector.broadcast %div3A_59 : f32 to vector<1x128xf32>
    %div3A_61 = arith.divf %get3A_49, %div3A_60 : vector<1x128xf32>
    %mul3A_62 = arith.mulf %div3A_58, %div3A_58 : vector<1x128xf32>
    %sub3A_63 = arith.subf %div3A_61, %mul3A_62 : vector<1x128xf32>
    %sub3A_64 = vector.broadcast %div3A_58 : vector<1x128xf32> to vector<400x128xf32>
    %sub3A_65 = arith.subf %convert_element_type3A, %sub3A_64 : vector<400x128xf32>
    %add3A_66 = arith.constant 9.99999974E-6 : f32
    %add3A_67 = vector.broadcast %add3A_66 : f32 to vector<1x128xf32>
    %add3A_68 = arith.addf %sub3A_63, %add3A_67 : vector<1x128xf32>
    %rsqrt3A_69 = math.rsqrt %add3A_68 : vector<1x128xf32>
    %mul3A_70 = vector.broadcast %rsqrt3A_69 : vector<1x128xf32> to vector<400x128xf32>
    %mul3A_71 = arith.mulf %sub3A_65, %mul3A_70 : vector<400x128xf32>
    %mul3A_72 = vector.broadcast %get3A_52 : vector<1x128xf32> to vector<400x128xf32>
    %mul3A_73 = arith.mulf %mul3A_71, %mul3A_72 : vector<400x128xf32>
    %add3A_74 = vector.broadcast %get3A_55 : vector<1x128xf32> to vector<400x128xf32>
    %add3A_75 = arith.addf %mul3A_73, %add3A_74 : vector<400x128xf32>
    %gt3A_76 = arith.constant 0.000000e+00 : f32
    %gt3A_77 = vector.broadcast %gt3A_76 : f32 to vector<400x128xf32>
    %gt3A_78 = arith.cmpf ogt, %add3A_75, %gt3A_77 : vector<400x128xf32>
    %exp3A_79 = math.exp %add3A_75 : vector<400x128xf32>
    %sub3A_80 = arith.constant 1.000000e+00 : f32
    %sub3A_81 = vector.broadcast %sub3A_80 : f32 to vector<400x128xf32>
    %sub3A_82 = arith.subf %exp3A_79, %sub3A_81 : vector<400x128xf32>
    %select_n3A_83 = arith.select %gt3A_78, %add3A_75, %sub3A_82 : vector<400x128xi1>, vector<400x128xf32>
    %get3A_84 = arith.constant 128 : index
    %get3A_85 = arith.constant 0 : index
    %get3A_86 = vector.load %arg14[%get3A_84, %get3A_85] : memref<640x128xf32, #tpu.memory_space<vmem>>, vector<128x128xf32>
    %dot_general3A_87 = arith.constant dense<0.000000e+00> : vector<400x128xf32>
    %dot_general3A_88 = tpu.matmul %select_n3A_83, %get3A_86, %dot_general3A_87 {dimension_numbers = #tpu.dot_dimension_numbers<[1], [0], [0], [1], [0, 0, 1, 1], [], []>, transpose_lhs_hint = false} : vector<400x128xf32>, vector<128x128xf32>, vector<400x128xf32> -> vector<400x128xf32>
    %add3A_89 = arith.addf %dot_general3A_37, %dot_general3A_88 : vector<400x128xf32>
    %get3A_90 = arith.constant 0 : index
    %get3A_91 = arith.constant 0 : index
    %get3A_92 = vector.load %arg4[%get3A_90, %get3A_91] : memref<400x64xbf16, #tpu.memory_space<vmem>>, vector<400x64xbf16>
    %get3A_93 = arith.constant 0 : index
    %get3A_94 = arith.constant 0 : index
    %get3A_95 = vector.load %arg5[%get3A_93, %get3A_94] : memref<400x64xbf16, #tpu.memory_space<vmem>>, vector<400x64xbf16>
    %concatenate3A_96 = tpu.concatenate %get3A_92, %get3A_95 in 1 : vector<400x64xbf16>, vector<400x64xbf16> -> vector<400x128xbf16>
    %convert_element_type3A_97 = arith.extf %concatenate3A_96 : vector<400x128xbf16> to vector<400x128xf32>
    %get3A_98 = arith.constant 0 : index
    %get3A_99 = arith.constant 128 : index
    %get3A_100 = vector.load %arg11[%get3A_98, %get3A_99] : memref<8x512xf32, #tpu.memory_space<vmem>>, vector<1x128xf32>
    %get3A_101 = arith.constant 1 : index
    %get3A_102 = arith.constant 128 : index
    %get3A_103 = vector.load %arg11[%get3A_101, %get3A_102] : memref<8x512xf32, #tpu.memory_space<vmem>>, vector<1x128xf32>
    %get3A_104 = arith.constant 0 : index
    %get3A_105 = arith.constant 256 : index
    %get3A_106 = vector.load %arg12[%get3A_104, %get3A_105] : memref<1x640xf32, #tpu.memory_space<vmem>>, vector<1x128xf32>
    %get3A_107 = arith.constant 0 : index
    %get3A_108 = arith.constant 256 : index
    %get3A_109 = vector.load %arg13[%get3A_107, %get3A_108] : memref<1x640xf32, #tpu.memory_space<vmem>>, vector<1x128xf32>
    %div3A_110 = arith.constant 1.000000e+04 : f32
    %div3A_111 = vector.broadcast %div3A_110 : f32 to vector<1x128xf32>
    %div3A_112 = arith.divf %get3A_100, %div3A_111 : vector<1x128xf32>
    %div3A_113 = arith.constant 1.000000e+04 : f32
    %div3A_114 = vector.broadcast %div3A_113 : f32 to vector<1x128xf32>
    %div3A_115 = arith.divf %get3A_103, %div3A_114 : vector<1x128xf32>
    %mul3A_116 = arith.mulf %div3A_112, %div3A_112 : vector<1x128xf32>
    %sub3A_117 = arith.subf %div3A_115, %mul3A_116 : vector<1x128xf32>
    %sub3A_118 = vector.broadcast %div3A_112 : vector<1x128xf32> to vector<400x128xf32>
    %sub3A_119 = arith.subf %convert_element_type3A_97, %sub3A_118 : vector<400x128xf32>
    %add3A_120 = arith.constant 9.99999974E-6 : f32
    %add3A_121 = vector.broadcast %add3A_120 : f32 to vector<1x128xf32>
    %add3A_122 = arith.addf %sub3A_117, %add3A_121 : vector<1x128xf32>
    %rsqrt3A_123 = math.rsqrt %add3A_122 : vector<1x128xf32>
    %mul3A_124 = vector.broadcast %rsqrt3A_123 : vector<1x128xf32> to vector<400x128xf32>
    %mul3A_125 = arith.mulf %sub3A_119, %mul3A_124 : vector<400x128xf32>
    %mul3A_126 = vector.broadcast %get3A_106 : vector<1x128xf32> to vector<400x128xf32>
    %mul3A_127 = arith.mulf %mul3A_125, %mul3A_126 : vector<400x128xf32>
    %add3A_128 = vector.broadcast %get3A_109 : vector<1x128xf32> to vector<400x128xf32>
    %add3A_129 = arith.addf %mul3A_127, %add3A_128 : vector<400x128xf32>
    %gt3A_130 = arith.constant 0.000000e+00 : f32
    %gt3A_131 = vector.broadcast %gt3A_130 : f32 to vector<400x128xf32>
    %gt3A_132 = arith.cmpf ogt, %add3A_129, %gt3A_131 : vector<400x128xf32>
    %exp3A_133 = math.exp %add3A_129 : vector<400x128xf32>
    %sub3A_134 = arith.constant 1.000000e+00 : f32
    %sub3A_135 = vector.broadcast %sub3A_134 : f32 to vector<400x128xf32>
    %sub3A_136 = arith.subf %exp3A_133, %sub3A_135 : vector<400x128xf32>
    %select_n3A_137 = arith.select %gt3A_132, %add3A_129, %sub3A_136 : vector<400x128xi1>, vector<400x128xf32>
    %get3A_138 = arith.constant 256 : index
    %get3A_139 = arith.constant 0 : index
    %get3A_140 = vector.load %arg14[%get3A_138, %get3A_139] : memref<640x128xf32, #tpu.memory_space<vmem>>, vector<128x128xf32>
    %dot_general3A_141 = arith.constant dense<0.000000e+00> : vector<400x128xf32>
    %dot_general3A_142 = tpu.matmul %select_n3A_137, %get3A_140, %dot_general3A_141 {dimension_numbers = #tpu.dot_dimension_numbers<[1], [0], [0], [1], [0, 0, 1, 1], [], []>, transpose_lhs_hint = false} : vector<400x128xf32>, vector<128x128xf32>, vector<400x128xf32> -> vector<400x128xf32>
    %add3A_143 = arith.addf %add3A_89, %dot_general3A_142 : vector<400x128xf32>
    %get3A_144 = arith.constant 0 : index
    %get3A_145 = arith.constant 0 : index
    %get3A_146 = vector.load %arg6[%get3A_144, %get3A_145] : memref<400x64xbf16, #tpu.memory_space<vmem>>, vector<400x64xbf16>
    %get3A_147 = arith.constant 0 : index
    %get3A_148 = arith.constant 0 : index
    %get3A_149 = vector.load %arg7[%get3A_147, %get3A_148] : memref<400x64xbf16, #tpu.memory_space<vmem>>, vector<400x64xbf16>
    %concatenate3A_150 = tpu.concatenate %get3A_146, %get3A_149 in 1 : vector<400x64xbf16>, vector<400x64xbf16> -> vector<400x128xbf16>
    %convert_element_type3A_151 = arith.extf %concatenate3A_150 : vector<400x128xbf16> to vector<400x128xf32>
    %get3A_152 = arith.constant 0 : index
    %get3A_153 = arith.constant 256 : index
    %get3A_154 = vector.load %arg11[%get3A_152, %get3A_153] : memref<8x512xf32, #tpu.memory_space<vmem>>, vector<1x128xf32>
    %get3A_155 = arith.constant 1 : index
    %get3A_156 = arith.constant 256 : index
    %get3A_157 = vector.load %arg11[%get3A_155, %get3A_156] : memref<8x512xf32, #tpu.memory_space<vmem>>, vector<1x128xf32>
    %get3A_158 = arith.constant 0 : index
    %get3A_159 = arith.constant 384 : index
    %get3A_160 = vector.load %arg12[%get3A_158, %get3A_159] : memref<1x640xf32, #tpu.memory_space<vmem>>, vector<1x128xf32>
    %get3A_161 = arith.constant 0 : index
    %get3A_162 = arith.constant 384 : index
    %get3A_163 = vector.load %arg13[%get3A_161, %get3A_162] : memref<1x640xf32, #tpu.memory_space<vmem>>, vector<1x128xf32>
    %div3A_164 = arith.constant 1.000000e+04 : f32
    %div3A_165 = vector.broadcast %div3A_164 : f32 to vector<1x128xf32>
    %div3A_166 = arith.divf %get3A_154, %div3A_165 : vector<1x128xf32>
    %div3A_167 = arith.constant 1.000000e+04 : f32
    %div3A_168 = vector.broadcast %div3A_167 : f32 to vector<1x128xf32>
    %div3A_169 = arith.divf %get3A_157, %div3A_168 : vector<1x128xf32>
    %mul3A_170 = arith.mulf %div3A_166, %div3A_166 : vector<1x128xf32>
    %sub3A_171 = arith.subf %div3A_169, %mul3A_170 : vector<1x128xf32>
    %sub3A_172 = vector.broadcast %div3A_166 : vector<1x128xf32> to vector<400x128xf32>
    %sub3A_173 = arith.subf %convert_element_type3A_151, %sub3A_172 : vector<400x128xf32>
    %add3A_174 = arith.constant 9.99999974E-6 : f32
    %add3A_175 = vector.broadcast %add3A_174 : f32 to vector<1x128xf32>
    %add3A_176 = arith.addf %sub3A_171, %add3A_175 : vector<1x128xf32>
    %rsqrt3A_177 = math.rsqrt %add3A_176 : vector<1x128xf32>
    %mul3A_178 = vector.broadcast %rsqrt3A_177 : vector<1x128xf32> to vector<400x128xf32>
    %mul3A_179 = arith.mulf %sub3A_173, %mul3A_178 : vector<400x128xf32>
    %mul3A_180 = vector.broadcast %get3A_160 : vector<1x128xf32> to vector<400x128xf32>
    %mul3A_181 = arith.mulf %mul3A_179, %mul3A_180 : vector<400x128xf32>
    %add3A_182 = vector.broadcast %get3A_163 : vector<1x128xf32> to vector<400x128xf32>
    %add3A_183 = arith.addf %mul3A_181, %add3A_182 : vector<400x128xf32>
    %gt3A_184 = arith.constant 0.000000e+00 : f32
    %gt3A_185 = vector.broadcast %gt3A_184 : f32 to vector<400x128xf32>
    %gt3A_186 = arith.cmpf ogt, %add3A_183, %gt3A_185 : vector<400x128xf32>
    %exp3A_187 = math.exp %add3A_183 : vector<400x128xf32>
    %sub3A_188 = arith.constant 1.000000e+00 : f32
    %sub3A_189 = vector.broadcast %sub3A_188 : f32 to vector<400x128xf32>
    %sub3A_190 = arith.subf %exp3A_187, %sub3A_189 : vector<400x128xf32>
    %select_n3A_191 = arith.select %gt3A_186, %add3A_183, %sub3A_190 : vector<400x128xi1>, vector<400x128xf32>
    %get3A_192 = arith.constant 384 : index
    %get3A_193 = arith.constant 0 : index
    %get3A_194 = vector.load %arg14[%get3A_192, %get3A_193] : memref<640x128xf32, #tpu.memory_space<vmem>>, vector<128x128xf32>
    %dot_general3A_195 = arith.constant dense<0.000000e+00> : vector<400x128xf32>
    %dot_general3A_196 = tpu.matmul %select_n3A_191, %get3A_194, %dot_general3A_195 {dimension_numbers = #tpu.dot_dimension_numbers<[1], [0], [0], [1], [0, 0, 1, 1], [], []>, transpose_lhs_hint = false} : vector<400x128xf32>, vector<128x128xf32>, vector<400x128xf32> -> vector<400x128xf32>
    %add3A_197 = arith.addf %add3A_143, %dot_general3A_196 : vector<400x128xf32>
    %get3A_198 = arith.constant 0 : index
    %get3A_199 = arith.constant 0 : index
    %get3A_200 = vector.load %arg8[%get3A_198, %get3A_199] : memref<400x64xbf16, #tpu.memory_space<vmem>>, vector<400x64xbf16>
    %get3A_201 = arith.constant 0 : index
    %get3A_202 = arith.constant 0 : index
    %get3A_203 = vector.load %arg9[%get3A_201, %get3A_202] : memref<400x64xbf16, #tpu.memory_space<vmem>>, vector<400x64xbf16>
    %concatenate3A_204 = tpu.concatenate %get3A_200, %get3A_203 in 1 : vector<400x64xbf16>, vector<400x64xbf16> -> vector<400x128xbf16>
    %convert_element_type3A_205 = arith.extf %concatenate3A_204 : vector<400x128xbf16> to vector<400x128xf32>
    %get3A_206 = arith.constant 0 : index
    %get3A_207 = arith.constant 384 : index
    %get3A_208 = vector.load %arg11[%get3A_206, %get3A_207] : memref<8x512xf32, #tpu.memory_space<vmem>>, vector<1x128xf32>
    %get3A_209 = arith.constant 1 : index
    %get3A_210 = arith.constant 384 : index
    %get3A_211 = vector.load %arg11[%get3A_209, %get3A_210] : memref<8x512xf32, #tpu.memory_space<vmem>>, vector<1x128xf32>
    %get3A_212 = arith.constant 0 : index
    %get3A_213 = arith.constant 512 : index
    %get3A_214 = vector.load %arg12[%get3A_212, %get3A_213] : memref<1x640xf32, #tpu.memory_space<vmem>>, vector<1x128xf32>
    %get3A_215 = arith.constant 0 : index
    %get3A_216 = arith.constant 512 : index
    %get3A_217 = vector.load %arg13[%get3A_215, %get3A_216] : memref<1x640xf32, #tpu.memory_space<vmem>>, vector<1x128xf32>
    %div3A_218 = arith.constant 1.000000e+04 : f32
    %div3A_219 = vector.broadcast %div3A_218 : f32 to vector<1x128xf32>
    %div3A_220 = arith.divf %get3A_208, %div3A_219 : vector<1x128xf32>
    %div3A_221 = arith.constant 1.000000e+04 : f32
    %div3A_222 = vector.broadcast %div3A_221 : f32 to vector<1x128xf32>
    %div3A_223 = arith.divf %get3A_211, %div3A_222 : vector<1x128xf32>
    %mul3A_224 = arith.mulf %div3A_220, %div3A_220 : vector<1x128xf32>
    %sub3A_225 = arith.subf %div3A_223, %mul3A_224 : vector<1x128xf32>
    %sub3A_226 = vector.broadcast %div3A_220 : vector<1x128xf32> to vector<400x128xf32>
    %sub3A_227 = arith.subf %convert_element_type3A_205, %sub3A_226 : vector<400x128xf32>
    %add3A_228 = arith.constant 9.99999974E-6 : f32
    %add3A_229 = vector.broadcast %add3A_228 : f32 to vector<1x128xf32>
    %add3A_230 = arith.addf %sub3A_225, %add3A_229 : vector<1x128xf32>
    %rsqrt3A_231 = math.rsqrt %add3A_230 : vector<1x128xf32>
    %mul3A_232 = vector.broadcast %rsqrt3A_231 : vector<1x128xf32> to vector<400x128xf32>
    %mul3A_233 = arith.mulf %sub3A_227, %mul3A_232 : vector<400x128xf32>
    %mul3A_234 = vector.broadcast %get3A_214 : vector<1x128xf32> to vector<400x128xf32>
    %mul3A_235 = arith.mulf %mul3A_233, %mul3A_234 : vector<400x128xf32>
    %add3A_236 = vector.broadcast %get3A_217 : vector<1x128xf32> to vector<400x128xf32>
    %add3A_237 = arith.addf %mul3A_235, %add3A_236 : vector<400x128xf32>
    %gt3A_238 = arith.constant 0.000000e+00 : f32
    %gt3A_239 = vector.broadcast %gt3A_238 : f32 to vector<400x128xf32>
    %gt3A_240 = arith.cmpf ogt, %add3A_237, %gt3A_239 : vector<400x128xf32>
    %exp3A_241 = math.exp %add3A_237 : vector<400x128xf32>
    %sub3A_242 = arith.constant 1.000000e+00 : f32
    %sub3A_243 = vector.broadcast %sub3A_242 : f32 to vector<400x128xf32>
    %sub3A_244 = arith.subf %exp3A_241, %sub3A_243 : vector<400x128xf32>
    %select_n3A_245 = arith.select %gt3A_240, %add3A_237, %sub3A_244 : vector<400x128xi1>, vector<400x128xf32>
    %get3A_246 = arith.constant 512 : index
    %get3A_247 = arith.constant 0 : index
    %get3A_248 = vector.load %arg14[%get3A_246, %get3A_247] : memref<640x128xf32, #tpu.memory_space<vmem>>, vector<128x128xf32>
    %dot_general3A_249 = arith.constant dense<0.000000e+00> : vector<400x128xf32>
    %dot_general3A_250 = tpu.matmul %select_n3A_245, %get3A_248, %dot_general3A_249 {dimension_numbers = #tpu.dot_dimension_numbers<[1], [0], [0], [1], [0, 0, 1, 1], [], []>, transpose_lhs_hint = false} : vector<400x128xf32>, vector<128x128xf32>, vector<400x128xf32> -> vector<400x128xf32>
    %add3A_251 = arith.addf %add3A_197, %dot_general3A_250 : vector<400x128xf32>
    %swap3A = arith.constant 0 : index
    %swap3A_252 = arith.constant 0 : index
    %swap3A_253 = vector.load %arg15[%swap3A, %swap3A_252] : memref<400x128xf32, #tpu.memory_space<vmem>>, vector<400x128xf32>
    tpu.vector_store %arg15[%swap3A, %swap3A_252], %add3A_251 {strides = array<i32>} : memref<400x128xf32, #tpu.memory_space<vmem>>, vector<400x128xf32>,
    return
  }
  func.func @transform_0(%arg0: i32) -> (i32, i32) {
    %c0_i32 = arith.constant 0 : i32
    %c0_i32_0 = arith.constant 0 : i32
    return %arg0, %c0_i32 : i32, i32
  }
  func.func @transform_1(%arg0: i32) -> (i32, i32) {
    %add3A = arith.constant 0 : i32
    %add3A_0 = arith.addi %add3A, %arg0 : i32
    %c0_i32 = arith.constant 0 : i32
    %c0_i32_1 = arith.constant 0 : i32
    return %add3A_0, %c0_i32 : i32, i32
  }
  func.func @transform_2(%arg0: i32) -> (i32, i32) {
    %add3A = arith.constant 0 : i32
    %add3A_0 = arith.addi %add3A, %arg0 : i32
    %c0_i32 = arith.constant 0 : i32
    %c0_i32_1 = arith.constant 0 : i32
    return %add3A_0, %c0_i32 : i32, i32
  }
  func.func @transform_3(%arg0: i32) -> (i32, i32) {
    %add3A = arith.constant 26 : i32
    %add3A_0 = arith.addi %add3A, %arg0 : i32
    %c0_i32 = arith.constant 0 : i32
    %c0_i32_1 = arith.constant 0 : i32
    return %add3A_0, %c0_i32 : i32, i32
  }
  func.func @transform_4(%arg0: i32) -> (i32, i32) {
    %add3A = arith.constant 26 : i32
    %add3A_0 = arith.addi %add3A, %arg0 : i32
    %c0_i32 = arith.constant 0 : i32
    %c0_i32_1 = arith.constant 0 : i32
    return %add3A_0, %c0_i32 : i32, i32
  }
  func.func @transform_5(%arg0: i32) -> (i32, i32) {
    %add3A = arith.constant 52 : i32
    %add3A_0 = arith.addi %add3A, %arg0 : i32
    %c0_i32 = arith.constant 0 : i32
    %c0_i32_1 = arith.constant 0 : i32
    return %add3A_0, %c0_i32 : i32, i32
  }
  func.func @transform_6(%arg0: i32) -> (i32, i32) {
    %add3A = arith.constant 52 : i32
    %add3A_0 = arith.addi %add3A, %arg0 : i32
    %c0_i32 = arith.constant 0 : i32
    %c0_i32_1 = arith.constant 0 : i32
    return %add3A_0, %c0_i32 : i32, i32
  }
  func.func @transform_7(%arg0: i32) -> (i32, i32) {
    %add3A = arith.constant 78 : i32
    %add3A_0 = arith.addi %add3A, %arg0 : i32
    %c0_i32 = arith.constant 0 : i32
    %c0_i32_1 = arith.constant 0 : i32
    return %add3A_0, %c0_i32 : i32, i32
  }
  func.func @transform_8(%arg0: i32) -> (i32, i32) {
    %add3A = arith.constant 78 : i32
    %add3A_0 = arith.addi %add3A, %arg0 : i32
    %c0_i32 = arith.constant 0 : i32
    %c0_i32_1 = arith.constant 0 : i32
    return %add3A_0, %c0_i32 : i32, i32
  }
  func.func @transform_9(%arg0: i32) -> (i32, i32) {
    %c0_i32 = arith.constant 0 : i32
    %c0_i32_0 = arith.constant 0 : i32
    %c0_i32_1 = arith.constant 0 : i32
    return %c0_i32, %c0_i32_0 : i32, i32
  }
  func.func @transform_10(%arg0: i32) -> (i32, i32) {
    %c0_i32 = arith.constant 0 : i32
    %c0_i32_0 = arith.constant 0 : i32
    %c0_i32_1 = arith.constant 0 : i32
    return %c0_i32, %c0_i32_0 : i32, i32
  }
  func.func @transform_11(%arg0: i32) -> (i32, i32) {
    %c0_i32 = arith.constant 0 : i32
    %c0_i32_0 = arith.constant 0 : i32
    %c0_i32_1 = arith.constant 0 : i32
    return %c0_i32, %c0_i32_0 : i32, i32
  }
  func.func @transform_12(%arg0: i32) -> (i32, i32) {
    %c0_i32 = arith.constant 0 : i32
    %c0_i32_0 = arith.constant 0 : i32
    %c0_i32_1 = arith.constant 0 : i32
    return %c0_i32, %c0_i32_0 : i32, i32
  }
  func.func @transform_13(%arg0: i32) -> (i32, i32) {
    %c0_i32 = arith.constant 0 : i32
    %c0_i32_0 = arith.constant 0 : i32
    %c0_i32_1 = arith.constant 0 : i32
    return %c0_i32, %c0_i32_0 : i32, i32
  }
  func.func @transform_14(%arg0: i32) -> (i32, i32) {
    %c0_i32 = arith.constant 0 : i32
    %c0_i32_0 = arith.constant 0 : i32
    return %arg0, %c0_i32 : i32, i32
  }
}

</mosaic_0001>

<sc_bundles>
// kernel: kernel.8.cloned.1.call-start
scs
__scs_entry_jumppad:
0x0: {  	(pc) =	sbr.rel $0x88, $3  }
0x1: {  	(tag) =	ssettag $0x0;
	lr =	simm.s32 $0x1  }
0x2: {  	[smem:$0x3F99] =	sst lr;
	_ =	strace $0xD0000000  }
0x3: {  	_ = 	snop  }
0x4: {  	_ = 	snop  }
0x5: {  	_ = 	snop  }
0x6: {  	_ = 	snop  }
0x7: {  	_ = 	snop  }
__scs_overlays_trampoline_lowered:
0x8: {  	[smem:$0x3FA8] =	sst s0  }
0x9: {  	[smem:$0x3FA9] =	sst s1  }
0xa: {  	[smem:$0x3FAA] =	sst s2  }
0xb: {  	[smem:$0x3FAB] =	sst s3  }
0xc: {  	[smem:$0x3FAC] =	sst s4  }
0xd: {  	[smem:$0x3FAD] =	sst s5  }
0xe: {  	[smem:$0x3FAE] =	sst s6  }
0xf: {  	[smem:$0x3FAF] =	sst s7  }
0x10: {  	[smem:$0x3FB0] =	sst s8  }
0x11: {  	[smem:$0x3FB1] =	sst s9;
	s0 =	simm.s32 @!p0 $0x0  }
0x12: {  	s1 =	sld [smem:$0x3F97];
	s0 =	simm.s32 @p0 $0x1  }
0x13: {  	[smem:$0x3FB2] =	sst s0;
	s0 =	simm.s32 @!p1 $0x0  }
0x14: {  	s2 =	sld [smem:$0x3F96];
	s0 =	simm.s32 @p1 $0x1  }
0x15: {  	[smem:$0x3FB3] =	sst s0;
	s0 =	simm.s32 @!p2 $0x0  }
0x16: {  	s3 =	sld [smem:$0x3FDB];
	s0 =	simm.s32 @p2 $0x1  }
0x17: {  	s4 =	simm.s32 $0x1BF5;
	[smem:$0x3FB5] =	sst s0  }
0x18: {  	s0 =	sld [smem:$0x3F98];
	_ =	swait.ge [sflag:s4], $0x0  }
0x19: {  	s7 =	sld [smem:$0x3F99]  }
0x1a: {  	s8 =	sadd.s32 $0xFFFFE003, lr  }
0x1b: {  	s9 =	sadd.s32 $0xFFFFFEF7, lr;
	s5 =	simm.s32 $0xFFFFFFFF;
	p2 =	slt.u32 s8, $0xFFFFF086  }
0x1c: {  	p1 =	slt.u32 s9, $0xF7A;
	s5 =	simm.s32 @!p2 $0x0  }
0x1d: {  	s5 =	simm.s32 @p1 $0x1;
	p0 =	seq.s32 s7, s2  }
0x1e: {  	s7 =	smul.u32 @!p0 $0xF7A, s2;
	p2 =	seq.s32 @!p0 s5, $0x0  }
0x1f: {  	s9 =	smul.u32 $0xF7A, s1;
	s8 =	simm.s32 @!p0 $0x1BF5;
	p2 =	por !p2, p0  }
0x20: {  	[sflag:s8] =	ssyncset.s32 @!p0 $0xFFFFF086;
	s6 =	sadd.s32 @!p0 s3, s7;
	s7 =	simm.s32 @!p0 $0x108  }
0x21: {  	s3 =	sadd.s32 s3, s9;
	s6 =	sadd.s32 @!p0 $0x88, s6;
	s7 =	simm.s32 @p2 $0x1082  }
0x22: {  	[simem:s7], [sflag:s8] =	dma.local @!p0 [hbm:s6], $0xF7A  }
0x23: {  	s9 =	sor.u32 $0xD0000000, s2;
	s6 =	simm.s32 $0x108;
	_ =	swait.ge @!p0 [sflag:s8], $0x0  }
0x24: {  	s3 =	sadd.s32 $0x88, s3;
	s6 =	simm.s32 @!p1 $0x1082;
	[sflag:s4] =	ssyncset.s32 $0xFFFFF086  }
0x25: {  	[simem:s6], [sflag:s4] =	dma.local [hbm:s3], $0xF7A  }
0x26: {  	[smem:$0x3F99] =	sst s1;
	(tag) =	ssettag s2;
	_ =	strace s9  }
0x27: {  	s1 =	sld [smem:$0x3FA9]  }
0x28: {  	s2 =	sld [smem:$0x3FAA]  }
0x29: {  	s4 =	sld [smem:$0x3FAC]  }
0x2a: {  	p0 =	seq.s32 s5, $0x0;
	s5 =	sld [smem:$0x3FAD]  }
0x2b: {  	s6 =	sld [smem:$0x3FAE]  }
0x2c: {  	s7 =	sld [smem:$0x3FAF]  }
0x2d: {  	s3 =	simm.s32 $0x108;
	s8 =	sld [smem:$0x3FB0]  }
0x2e: {  	s3 =	simm.s32 @!p0 $0x1082;
	s9 =	sld [smem:$0x3FB1]  }
0x2f: {  	lr =	sadd.s32 s0, s3;
	s0 =	sld [smem:$0x3FA8]  }
0x30: {  	s3 =	sld [smem:$0x3FAB]  }
0x31: {  	[smem:$0x3FB4] =	sst s10  }
0x32: {  	s10 =	sld [smem:$0x3FB2];
	_ =	sdelay $0x3  }
0x33: {  	p0 =	seq.s32 s10, $0x1;
	s10 =	sld [smem:$0x3FB4];
	_ =	sdelay $0x3  }
0x34: {  	[smem:$0x3FB4] =	sst s10  }
0x35: {  	s10 =	sld [smem:$0x3FB3];
	_ =	sdelay $0x3  }
0x36: {  	p1 =	seq.s32 s10, $0x1;
	s10 =	sld [smem:$0x3FB4];
	_ =	sdelay $0x3  }
0x37: {  	[smem:$0x3FB4] =	sst s10  }
0x38: {  	s10 =	sld [smem:$0x3FB5]  }
0x39: {  	_ = 	snop;
	(pc) =	sbr.ind lr, $3  }
0x3a: {  	_ = 	snop  }
0x3b: {  	_ = 	snop  }
0x3c: {  	p2 =	seq.s32 s10, $0x1;
	s10 =	sld [smem:$0x3FB4]  }
0x3d: {  	_ =	shalt  }
0x3e: {  	_ =	shalt  }
0x3f: {  	_ =	shalt  }
0x40: {  	_ =	shalt  }
0x41: {  	_ =	shalt  }
0x42: {  	_ =	shalt  }
0x43: {  	_ =	shalt  }
0x44: {  	_ =	shalt  }
0x45: {  	_ =	shalt  }
0x46: {  	_ =	shalt  }
0x47: {  	_ =	shalt  }
0x48: {  	_ =	shalt  }
0x49: {  	_ =	shalt  }
0x4a: {  	_ =	shalt  }
0x4b: {  	_ =	shalt  }
0x4c: {  	_ =	shalt  }
0x4d: {  	_ =	shalt  }
0x4e: {  	_ =	shalt  }
0x4f: {  	_ =	shalt  }
0x50: {  	_ =	shalt  }
0x51: {  	_ =	shalt  }
0x52: {  	_ =	shalt  }
0x53: {  	_ =	shalt  }
0x54: {  	_ =	shalt  }
0x55: {  	_ =	shalt  }
0x56: {  	_ =	shalt  }
0x57: {  	_ =	shalt  }
0x58: {  	_ =	shalt  }
0x59: {  	_ =	shalt  }
0x5a: {  	_ =	shalt  }
0x5b: {  	_ =	shalt  }
0x5c: {  	_ =	shalt  }
0x5d: {  	_ =	shalt  }
0x5e: {  	_ =	shalt  }
0x5f: {  	_ =	shalt  }
0x60: {  	_ =	shalt  }
0x61: {  	_ =	shalt  }
0x62: {  	_ =	shalt  }
0x63: {  	_ =	shalt  }
0x64: {  	_ =	shalt  }
0x65: {  	_ =	shalt  }
0x66: {  	_ =	shalt  }
0x67: {  	_ =	shalt  }
0x68: {  	_ =	shalt  }
0x69: {  	_ =	shalt  }
0x6a: {  	_ =	shalt  }
0x6b: {  	_ =	shalt  }
0x6c: {  	_ =	shalt  }
0x6d: {  	_ =	shalt  }
0x6e: {  	_ =	shalt  }
0x6f: {  	_ =	shalt  }
0x70: {  	_ =	shalt  }
0x71: {  	_ =	shalt  }
0x72: {  	_ =	shalt  }
0x73: {  	_ =	shalt  }
0x74: {  	_ =	shalt  }
0x75: {  	_ =	shalt  }
0x76: {  	_ =	shalt  }
0x77: {  	_ =	shalt  }
0x78: {  	_ =	shalt  }
0x79: {  	_ =	shalt  }
0x7a: {  	_ =	shalt  }
0x7b: {  	_ =	shalt  }
0x7c: {  	_ =	shalt  }
0x7d: {  	_ =	shalt  }
0x7e: {  	_ =	shalt  }
0x7f: {  	_ =	shalt  }
0x80: {  	_ =	shalt  }
0x81: {  	_ =	shalt  }
0x82: {  	_ =	shalt  }
0x83: {  	_ =	shalt  }
0x84: {  	_ =	shalt  }
0x85: {  	_ =	shalt  }
0x86: {  	_ =	shalt  }
0x87: {  	_ =	shalt  }
.Lfunc_end0:
.L_simem_size_0:
called_computation_lowered:
.L_overlay_start_0:
0x88: {  	s2 =	sld [smem:$0x3FD9]  }
0x89: {  	s3 =	sld [smem:$0x3FFE];
	_ =	sdelay $0x1  }
0x8a: {  	s1 =	srdreg.scid  }
0x8b: {  	s0 =	sand.u32 $0x1, s1  }
0x8c: {  	s17 =	sshll.u32 s0, $0xA;
	s2 =	sadd.s32 s3, s2  }
0x8d: {  	s2 =	sadd.s32 s2, s17  }
0x8e: {  	[smem:$0x3FC0] =	sst s2  }
0x8f: {  	_ = 	snop  }
0x90: {  	s2 =	sld [smem:$0x3FD0];
	(tm) =	ssettm $0x1  }
0x91: {  	s18 =	sld [smem:$0x3FFB];
	_ =	sdelay $0x3  }
0x92: {  	_ =	strace s18  }
0x93: {  	s3 =	sld [smem:$0x3FFC];
	_ =	sdelay $0x3  }
0x94: {  	_ =	strace s3  }
0x95: {  	s3 =	sld [smem:$0x3FFD];
	_ =	sdelay $0x3  }
0x96: {  	_ =	strace s3  }
0x97: {  	_ =	strace $0x8FFFFFFF  }
0x98: {  	s19 =	sld [smem:$0x3FDB];
	_ =	sdelay $0x1  }
0x99: {  	s4 =	simm.s32 $_scs_section_size  }
0x9a: {  	s5 =	simm.s32 $_size__tile_overlayer_lowered;
	s6 =	simm.s32 $_tile_overlayer_lowered  }
0x9b: {  	s22 =	simm.s32 $0x1BFF;
	s21 =	sshll.u32 s6, $0x1;
	s3 =	sadd.s32 s4, s19  }
0x9c: {  	s7 =	simm.s32 $0x0;
	s20 =	sshll.u32 s5, $0x1;
	s5 =	sadd.s32 s21, s3  }
0x9d: {  	[timem:s7], [sflag:s22] =	dma.local [hbm:s5], s20  }
0x9e: {  	_ =	swait.ge [sflag:s22], s20  }
0x9f: {  	s4 =	ssub.s32 $0x0, s20;
	[sflag:s22] =	ssyncset.done $0x0  }
0xa0: {  	[sflag:s22] =	ssyncadd.s32 s4;
	_ =	sdelay $0x1  }
0xa1: {  	s23 =	simm.s32 $0x1B8B  }
0xa2: {  	_ =	swait.ge [sflag:s23], $0x1  }
0xa3: {  	[sflag:s23] =	ssyncset.done $0x0  }
0xa4: {  	s25 =	simm.s32 $0x1B8E;
	s24 =	sld [smem:$0x3FFE];
	[sflag:s23] =	ssyncadd.s32 $0xFFFFFFFF  }
0xa5: {  	s26 =	simm.s32 $execute0_lowered;
	[smem:$0x3FD2] =	sst s25  }
0xa6: {  	s5 =	sshll.u32 s26, $0x1;
	_ =	strace $0x80000046;
	[dreg:$0x1] =	wrdreg $0xFFFFFFFF  }
0xa7: {  	s28 =	simm.s32 $_size_execute0_lowered;
	s3 =	sadd.s32 s3, s5;
	[dreg:$0x0] =	wrdreg $0x0  }
0xa8: {  	s5 =	sshll.u32 s28, $0x1;
	[dreg:$0x2] =	wrdreg s3  }
0xa9: {  	[dreg:$0x3] =	wrdreg s5  }
0xaa: {  	[dreg:$0x4] =	wrdreg $0xC0  }
0xab: {  	_ =	task [dreg:s7], $0x5FFFF  }
0xac: {  	[dreg:$0x1] =	wrdreg $0xFFFFFFFF  }
0xad: {  	[dreg:$0x0] =	wrdreg $0x60  }
0xae: {  	[dreg:$0x2] =	wrdreg s2  }
0xaf: {  	[dreg:$0x3] =	wrdreg s24  }
0xb0: {  	[dreg:$0x4] =	wrdreg $0x9C000  }
0xb1: {  	[dreg:$0x5] =	wrdreg $0x4C000  }
0xb2: {  	[dreg:$0x6] =	wrdreg $0x9  }
0xb3: {  	_ =	task.clear_ibuf [dreg:s7], $0x7FFFF;
	_ =	strace $0x90000046  }
0xb4: {  	s29 =	simm.s32 $0x9;
	_ =	strace $0x80000048  }
0xb5: {  	_ =	swait.ge [sflag:s29], $0x1  }
0xb6: {  	[sflag:s29] =	ssyncadd.s32 $0xFFFFFFFF  }
0xb7: {  	_ =	strace $0x90000048  }
0xb8: {  	_ =	sfence  }
0xb9: {  	s30 =	sld [smem:$0x0];
	_ =	sdelay $0x2  }
0xba: {  	s31 =	sshll.u32 s1, $0xD;
	s1 =	sshrl.u32 s1, $0x2  }
0xbb: {  	s3 =	sand.u32 $0x4000, s31;
	s1 =	sadd.s32 s1, s30  }
0xbc: {  	s0 =	sor.u32 s3, s0;
	s1 =	sshll.u32 s1, $0x11  }
0xbd: {  	s0 =	sor.u32 s1, s0  }
0xbe: {  	s0 =	sadd.s32 $0x8F2B, s0  }
0xbf: {  	[sflag:s0] =	ssyncadd.remote.s32 $0x1  }
0xc0: {  	_ =	sfence.sel $0xFFFF  }
0xc1: {  	[dreg:$0x0] =	wrdreg $0xFFFFFFFF;
	(pc) =	sbr.abs _section_cstart, $3  }
0xc2: {  	[dreg:$0x1] =	wrdreg $0xFFFFFFFF  }
0xc3: {  	_ =	task.clear_ibuf [dreg:s7], $0x2FFFF;
	_ =	strace $0x9FFFFFFF  }
0xc4: {  	(tm) =	ssettm $0x7FFFFFFF  }
0xc5: {  	_ =	shalt  }
tec
execute0_lowered:
.L_overlay_start_1:
0x0: {  	(tag) =	ssettag $0x1  }
0x1: {  	s9 =	rddreg [dreg:$0x0]  }
0x2: {  	s6 =	rddreg [dreg:$0x1]  }
0x3: {  	s2 =	rddreg [dreg:$0x2];
	s14 =	stileid.u32  }
0x4: {  	s3 =	rddreg [dreg:$0x3];
	s0 =	smul.u32 $0xA000, s14  }
0x5: {  	s4 =	simm.s32 $0x0;
	s7 =	srdreg.scid;
	s1 =	smul.u32 $0xA00, s14  }
0x6: {  	[smem:$0x7FF] =	sst s4;
	s8 =	sand.u32 $0x1, s7;
	s12 =	smul.u32 $0x51400, s14  }
0x7: {  	s18 =	sadd.s32 $0x71200, s6;
	s7 =	smul.u32 $0x28A00, s14;
	_ =	strace $0x80000047  }
0x8: {  	s11 =	ssub.s32 $0x2, s8;
	[dreg:$0x6] =	wrdreg s18;
	p0 =	seq.s32 s8, $0x1  }
0x9: {  	s10 =	sshrl.u32 s0, $0x4;
	s1 =	sadd.s32 s1, s6;
	s13 =	sshrl.u32 s11, $0x1  }
0xa: {  	s19 =	sshrl.u32 s12, $0x2;
	s5 =	sadd.s32 s10, s6;
	s6 =	sadd.s32 $0x48800, s6  }
0xb: {  	s0 =	sshrl.u32 s0, $0x1;
	s9 =	sadd.s32 s9, s10;
	[dreg:$0x7] =	wrdreg s6  }
0xc: {  	s20 =	sshrl.u32 s7, $0x1;
	s0 =	sadd.s32 s0, s3;
	[dreg:$0x13] =	wrdreg s9  }
0xd: {  	s8 =	sadd.s32 s19, s2;
	s26 =	sadd.s32 s20, s2;
	[smem:$0x7F9] =	sst s0  }
0xe: {  	s6 =	ssub.s32 s11, s13;
	s11 =	sadd.s32 $0x400, s8;
	[dreg:$0x8] =	wrdreg s26  }
0xf: {  	s21 =	sadd.s32 $0x800, s8;
	[dreg:$0x9] =	wrdreg s11  }
0x10: {  	s22 =	sadd.s32 $0xC00, s8;
	[dreg:$0xa] =	wrdreg s21  }
0x11: {  	s23 =	sadd.s32 $0x1000, s8;
	[dreg:$0xb] =	wrdreg s22  }
0x12: {  	s24 =	sadd.s32 $0x1400, s8;
	[dreg:$0xc] =	wrdreg s23  }
0x13: {  	s25 =	sadd.s32 $0x1800, s8;
	[dreg:$0xd] =	wrdreg s24  }
0x14: {  	s12 =	sadd.s32 $0x1C00, s8;
	[dreg:$0xe] =	wrdreg s25  }
0x15: {  	s13 =	sadd.s32 $0x2000, s8;
	[dreg:$0xf] =	wrdreg s12  }
0x16: {  	s14 =	sadd.s32 $0x2400, s8;
	[dreg:$0x10] =	wrdreg s13  }
0x17: {  	s15 =	sadd.s32 $0x2800, s8;
	[dreg:$0x11] =	wrdreg s14  }
0x18: {  	s16 =	sadd.s32 $0x2C00, s8;
	[dreg:$0x12] =	wrdreg s15  }
0x19: {  	s17 =	sadd.s32 $0x3000, s8;
	[dreg:$0x14] =	wrdreg s16  }
0x1a: {  	s18 =	sadd.s32 $0x3400, s8;
	[dreg:$0x15] =	wrdreg s17  }
0x1b: {  	s19 =	sadd.s32 $0x3800, s8;
	[dreg:$0x16] =	wrdreg s18  }
0x1c: {  	s20 =	sadd.s32 $0x3C00, s8;
	[dreg:$0x17] =	wrdreg s19  }
0x1d: {  	s10 =	sadd.s32 $0x5400, s8;
	[dreg:$0x18] =	wrdreg s20  }
0x1e: {  	s21 =	sadd.s32 $0x4000, s8;
	[dreg:$0x1e] =	wrdreg s10  }
0x1f: {  	s22 =	sadd.s32 $0x4400, s8;
	[dreg:$0x19] =	wrdreg s21  }
0x20: {  	s23 =	sadd.s32 $0x4800, s8;
	[dreg:$0x1a] =	wrdreg s22  }
0x21: {  	s24 =	sadd.s32 $0x4C00, s8;
	[dreg:$0x1b] =	wrdreg s23  }
0x22: {  	s25 =	sadd.s32 $0x5000, s8;
	[dreg:$0x1c] =	wrdreg s24  }
0x23: {  	s11 =	sadd.s32 $0x5800, s8;
	[dreg:$0x1d] =	wrdreg s25  }
0x24: {  	s12 =	sadd.s32 $0x5C00, s8;
	[dreg:$0x1f] =	wrdreg s11  }
0x25: {  	s13 =	sadd.s32 $0x6000, s8;
	[smem:$0x7BE] =	sst s12  }
0x26: {  	s14 =	sadd.s32 $0x6400, s8;
	[smem:$0x7BF] =	sst s13  }
0x27: {  	s15 =	sadd.s32 $0x6800, s8;
	[smem:$0x7C0] =	sst s14  }
0x28: {  	s16 =	sadd.s32 $0x6C00, s8;
	[smem:$0x7C1] =	sst s15  }
0x29: {  	s17 =	sadd.s32 $0x7000, s8;
	[smem:$0x7C2] =	sst s16  }
0x2a: {  	s18 =	sadd.s32 $0x7400, s8;
	[smem:$0x7C3] =	sst s17  }
0x2b: {  	s19 =	sadd.s32 $0x7800, s8;
	[smem:$0x7C4] =	sst s18  }
0x2c: {  	s20 =	sadd.s32 $0x7C00, s8;
	[smem:$0x7C5] =	sst s19  }
0x2d: {  	s10 =	sadd.s32 $0x9400, s8;
	[smem:$0x7C6] =	sst s20  }
0x2e: {  	s21 =	sadd.s32 $0x8000, s8;
	[smem:$0x7CC] =	sst s10  }
0x2f: {  	s22 =	sadd.s32 $0x8400, s8;
	[smem:$0x7C7] =	sst s21  }
0x30: {  	s23 =	sadd.s32 $0x8800, s8;
	[smem:$0x7C8] =	sst s22  }
0x31: {  	s24 =	sadd.s32 $0x8C00, s8;
	[smem:$0x7C9] =	sst s23  }
0x32: {  	s25 =	sadd.s32 $0x9000, s8;
	[smem:$0x7CA] =	sst s24  }
0x33: {  	s11 =	sadd.s32 $0x9800, s8;
	[smem:$0x7CB] =	sst s25  }
0x34: {  	s12 =	sadd.s32 $0x9C00, s8;
	[smem:$0x7CD] =	sst s11  }
0x35: {  	s13 =	sadd.s32 $0xA000, s8;
	[smem:$0x7CE] =	sst s12  }
0x36: {  	s14 =	sadd.s32 $0xA400, s8;
	[smem:$0x7CF] =	sst s13  }
0x37: {  	s15 =	sadd.s32 $0xA800, s8;
	[smem:$0x7D0] =	sst s14  }
0x38: {  	s16 =	sadd.s32 $0xAC00, s8;
	[smem:$0x7D1] =	sst s15  }
0x39: {  	s17 =	sadd.s32 $0xB000, s8;
	[smem:$0x7D2] =	sst s16  }
0x3a: {  	s18 =	sadd.s32 $0xB400, s8;
	[smem:$0x7D3] =	sst s17  }
0x3b: {  	s19 =	sadd.s32 $0xB800, s8;
	[smem:$0x7D4] =	sst s18  }
0x3c: {  	s20 =	sadd.s32 $0xBC00, s8;
	[smem:$0x7D5] =	sst s19  }
0x3d: {  	s10 =	sadd.s32 $0xD400, s8;
	[smem:$0x7D6] =	sst s20  }
0x3e: {  	s21 =	sadd.s32 $0xC000, s8;
	[smem:$0x7DC] =	sst s10  }
0x3f: {  	s22 =	sadd.s32 $0xC400, s8;
	[smem:$0x7D7] =	sst s21  }
0x40: {  	s23 =	sadd.s32 $0xC800, s8;
	[smem:$0x7D8] =	sst s22  }
0x41: {  	s24 =	sadd.s32 $0xCC00, s8;
	[smem:$0x7D9] =	sst s23  }
0x42: {  	s25 =	sadd.s32 $0xD000, s8;
	[smem:$0x7DA] =	sst s24  }
0x43: {  	s11 =	sadd.s32 $0xD800, s8;
	[smem:$0x7DB] =	sst s25  }
0x44: {  	s12 =	sadd.s32 $0xDC00, s8;
	[smem:$0x7DD] =	sst s11  }
0x45: {  	s13 =	sadd.s32 $0xE000, s8;
	[smem:$0x7DE] =	sst s12  }
0x46: {  	s14 =	sadd.s32 $0xE400, s8;
	[smem:$0x7DF] =	sst s13  }
0x47: {  	s15 =	sadd.s32 $0xE800, s8;
	[smem:$0x7E0] =	sst s14  }
0x48: {  	s16 =	sadd.s32 $0xEC00, s8;
	[smem:$0x7E1] =	sst s15  }
0x49: {  	s17 =	sadd.s32 $0xF000, s8;
	[smem:$0x7E2] =	sst s16  }
0x4a: {  	s18 =	sadd.s32 $0xF400, s8;
	[smem:$0x7E3] =	sst s17  }
0x4b: {  	s19 =	sadd.s32 $0xF800, s8;
	[smem:$0x7E4] =	sst s18  }
0x4c: {  	s20 =	sadd.s32 $0xFC00, s8;
	[smem:$0x7E5] =	sst s19  }
0x4d: {  	s10 =	sadd.s32 $0x11400, s8;
	[smem:$0x7E6] =	sst s20  }
0x4e: {  	s21 =	sadd.s32 $0x10000, s8;
	[smem:$0x7EC] =	sst s10  }
0x4f: {  	s22 =	sadd.s32 $0x10400, s8;
	[smem:$0x7E7] =	sst s21  }
0x50: {  	s23 =	sadd.s32 $0x10800, s8;
	[smem:$0x7E8] =	sst s22  }
0x51: {  	s24 =	sadd.s32 $0x10C00, s8;
	[smem:$0x7E9] =	sst s23  }
0x52: {  	s25 =	sadd.s32 $0x11000, s8;
	[smem:$0x7EA] =	sst s24  }
0x53: {  	s11 =	sadd.s32 $0x11800, s8;
	[smem:$0x7EB] =	sst s25  }
0x54: {  	s12 =	sadd.s32 $0x11C00, s8;
	[smem:$0x7ED] =	sst s11  }
0x55: {  	s13 =	sadd.s32 $0x12000, s8;
	[smem:$0x7EE] =	sst s12  }
0x56: {  	s31 =	simm.s32 $0x100;
	s14 =	sadd.s32 $0x12400, s8;
	[smem:$0x7EF] =	sst s13  }
0x57: {  	s28 =	simm.s32 $0x3;
	s15 =	sadd.s32 $0x12800, s8;
	[smem:$0x7F0] =	sst s14  }
0x58: {  	s30 =	simm.s32 $0x4;
	s16 =	sadd.s32 $0x12C00, s8;
	[smem:$0x7F1] =	sst s15  }
0x59: {  	s29 =	simm.s32 $0x0;
	s17 =	sadd.s32 $0x13000, s8;
	[smem:$0x7F2] =	sst s16  }
0x5a: {  	s0 =	simm.s32 $0x5;
	s18 =	sadd.s32 $0x13400, s8;
	[smem:$0x7F3] =	sst s17  }
0x5b: {  	s9 =	simm.s32 $0x8;
	s19 =	sadd.s32 $0x13800, s8;
	[smem:$0x7F4] =	sst s18  }
0x5c: {  	s20 =	sadd.s32 $0x13C00, s8;
	s10 =	simm.s32 $0x480;
	[smem:$0x7F5] =	sst s19  }
0x5d: {  	[smem:$0x7F6] =	sst s20;
	s21 =	sadd.s32 $0x14000, s8;
	s8 =	sadd.s32 $0x14400, s8  }
0x5e: {  	s22 =	sshrl.u32 s7, $0x4;
	s23 =	sadd.s32 $0x2A800, s5;
	s24 =	smax.u32 s6, $0x1  }
0x5f: {  	s11 =	sadd.s32 $0x3E800, s1;
	s25 =	sadd.s32 $0x34800, s1;
	s14 =	simm.s32 $0x9  }
0x60: {  	s12 =	simm.s32 $0x400;
	s16 =	simm.s32 $0x80;
	[smem:$0x7F7] =	sst s21  }
0x61: {  	s17 =	simm.s32 $0x800;
	s19 =	simm.s32 $0x1800;
	[smem:$0x7F8] =	sst s8  }
0x62: {  	s7 =	simm.s32 $0x500;
	s13 =	simm.s32 $0x580;
	[smem:$0x7FA] =	sst s22  }
.Ltmp0:
0x63: {  	s20 =	simm.s32 $0x200;
	[smem:$0x7FB] =	sst s23;
	(pc) =	sbr.rel .LBB2_1-.Ltmp0, $4  }
0x64: {  	s6 =	simm.s32 $0x6;
	s1 =	simm.s32 $0x7;
	[smem:$0x7FC] =	sst s24  }
0x65: {  	s15 =	simm.s32 $0x300;
	[dreg:$0x5] =	wrdreg s25;
	s21 =	simm.s32 $0x2800  }
0x66: {  	s8 =	simm.s32 $0x180;
	s23 =	simm.s32 $0x3800;
	s24 =	simm.s32 $0x1  }
0x67: {  	v0 =	vimm.bf16 $0.0e+00;
	s25 =	simm.s32 $0x2;
	s22 =	simm.s32 $0x280;
	[smem:$0x7FD] =	sst s11  }
.LBB2_7:
0x68: {  	s5 =	sadd.s32 s26, s18;
	[sflag:s9] =	ssyncadd.s32 $0xFFFFF000  }
0x69: {  	[tilespmem:s4], [sflag:$0x9] =	stream.linear.gather [hbm4b:s5+s4], $0x400, $0x38;
	[tilespmem:$0x1E100] =	vst v63  }
0x6a: {  	_ =	swait.ge [sflag:s14], $0x400  }
0x6b: {  	[sflag:s14] =	ssyncset.done $0x0  }
0x6c: {  	s11 =	sadd.s32 s26, s11;
	[sflag:s14] =	ssyncadd.s32 $0xFFFFFC00  }
0x6d: {  	[tilespmem:s15], [sflag:$0x9] =	stream.linear.gather [hbm4b:s11+s4], $0x400, $0x38;
	[tilespmem:$0x1E100] =	vst v63  }
0x6e: {  	_ =	swait.ge [sflag:s14], $0x400  }
0x6f: {  	[sflag:s14] =	ssyncset.done $0x0  }
0x70: {  	[sflag:s14] =	ssyncadd.s32 $0xFFFFFC00  }
0x71: {  	[tilespmem:s17], [sflag:$0x1] =	stream.indirect.gather [spmem:s3], $0x20, s4, s16, $0xb8;
	[tilespmem:$0x1E100] =	vst v63  }
0x72: {  	_ = 	snop  }
0x73: {  	[tilespmem:s19], [sflag:$0x2] =	stream.indirect.gather [spmem:s3], $0x20, s16, s16, $0xb8;
	[tilespmem:$0x1E100] =	vst v63  }
0x74: {  	_ = 	snop  }
0x75: {  	[tilespmem:s21], [sflag:$0x3] =	stream.indirect.gather [spmem:s3], $0x20, s8, s16, $0xb8;
	[tilespmem:$0x1E100] =	vst v63  }
0x76: {  	_ = 	snop  }
0x77: {  	[tilespmem:s23], [sflag:$0x4] =	stream.indirect.gather [spmem:s3], $0x20, s10, s16, $0xb8;
	[tilespmem:$0x1E100] =	vst v63  }
0x78: {  	_ =	swait.ge [sflag:s24], $0x1000  }
0x79: {  	[sflag:s24] =	ssyncset.done $0x0  }
0x7a: {  	[sflag:s24] =	ssyncadd.s32 $0xFFFFF000  }
0x7b: {  	[spmem:s2] =	stream.indirect.scatter.add.bf16 [tilespmem:s17], [sflag:$0x5], $0x20, s15, s16, $0xb8;
	[tilespmem:$0x1E100] =	vst v63  }
0x7c: {  	_ =	swait.ge [sflag:s25], $0x1000  }
0x7d: {  	[sflag:s25] =	ssyncset.done $0x0  }
0x7e: {  	[sflag:s25] =	ssyncadd.s32 $0xFFFFF000  }
0x7f: {  	[spmem:s2] =	stream.indirect.scatter.add.bf16 [tilespmem:s19], [sflag:$0x6], $0x20, s7, s16, $0xb8;
	[tilespmem:$0x1E100] =	vst v63  }
0x80: {  	_ =	swait.ge [sflag:s28], $0x1000  }
0x81: {  	[sflag:s28] =	ssyncset.done $0x0  }
0x82: {  	[sflag:s28] =	ssyncadd.s32 $0xFFFFF000  }
0x83: {  	[spmem:s2] =	stream.indirect.scatter.add.bf16 [tilespmem:s21], [sflag:$0x7], $0x20, s13, s16, $0xb8;
	[tilespmem:$0x1E100] =	vst v63  }
0x84: {  	_ =	swait.ge [sflag:s30], $0x1000  }
0x85: {  	[sflag:s30] =	ssyncset.done $0x0  }
0x86: {  	[sflag:s30] =	ssyncadd.s32 $0xFFFFF000  }
0x87: {  	[spmem:s2] =	stream.indirect.scatter.add.bf16 [tilespmem:s23], [sflag:$0x8], $0x20, s20, s16, $0xb8;
	[tilespmem:$0x1E100] =	vst v63  }
0x88: {  	_ =	swait.ge [sflag:s0], $0x1000  }
0x89: {  	[sflag:s0] =	ssyncset.done $0x0  }
0x8a: {  	[sflag:s0] =	ssyncadd.s32 $0xFFFFF000  }
0x8b: {  	[tilespmem:s17], [sflag:$0x1] =	stream.indirect.gather [spmem:s3], $0x20, s22, s16, $0xb8;
	[tilespmem:$0x1E100] =	vst v63  }
0x8c: {  	_ =	swait.ge [sflag:s6], $0x1000  }
0x8d: {  	[sflag:s6] =	ssyncset.done $0x0  }
0x8e: {  	[sflag:s6] =	ssyncadd.s32 $0xFFFFF000  }
0x8f: {  	[tilespmem:s19], [sflag:$0x2] =	stream.indirect.gather [spmem:s3], $0x20, s12, s16, $0xb8;
	[tilespmem:$0x1E100] =	vst v63  }
0x90: {  	_ =	swait.ge [sflag:s1], $0x1000  }
0x91: {  	[sflag:s1] =	ssyncset.done $0x0  }
0x92: {  	s13 =	simm.s32 $0x300;
	[sflag:s1] =	ssyncadd.s32 $0xFFFFF000  }
0x93: {  	[tilespmem:s21], [sflag:$0x3] =	stream.indirect.gather [spmem:s3], $0x20, s13, s16, $0xb8;
	[tilespmem:$0x1E100] =	vst v63  }
0x94: {  	_ =	swait.ge [sflag:s9], $0x1000  }
0x95: {  	[sflag:s9] =	ssyncset.done $0x0  }
0x96: {  	s15 =	simm.s32 $0x380;
	[sflag:s9] =	ssyncadd.s32 $0xFFFFF000  }
0x97: {  	[tilespmem:s23], [sflag:$0x4] =	stream.indirect.gather [spmem:s3], $0x20, s15, s16, $0xb8;
	[tilespmem:$0x1E100] =	vst v63  }
0x98: {  	_ =	swait.ge [sflag:s24], $0x1000  }
0x99: {  	[sflag:s24] =	ssyncset.done $0x0  }
0x9a: {  	s18 =	simm.s32 $0x600;
	[sflag:s24] =	ssyncadd.s32 $0xFFFFF000  }
0x9b: {  	[spmem:s2] =	stream.indirect.scatter.add.bf16 [tilespmem:s17], [sflag:$0x5], $0x20, s18, s16, $0xb8;
	[tilespmem:$0x1E100] =	vst v63  }
0x9c: {  	_ =	swait.ge [sflag:s25], $0x1000  }
0x9d: {  	[sflag:s25] =	ssyncset.done $0x0  }
0x9e: {  	s20 =	simm.s32 $0x680;
	[sflag:s25] =	ssyncadd.s32 $0xFFFFF000  }
0x9f: {  	[spmem:s2] =	stream.indirect.scatter.add.bf16 [tilespmem:s19], [sflag:$0x6], $0x20, s20, s16, $0xb8;
	[tilespmem:$0x1E100] =	vst v63  }
0xa0: {  	_ =	swait.ge [sflag:s28], $0x1000  }
0xa1: {  	[sflag:s28] =	ssyncset.done $0x0  }
0xa2: {  	s22 =	simm.s32 $0x700;
	[sflag:s28] =	ssyncadd.s32 $0xFFFFF000  }
0xa3: {  	[spmem:s2] =	stream.indirect.scatter.add.bf16 [tilespmem:s21], [sflag:$0x7], $0x20, s22, s16, $0xb8;
	[tilespmem:$0x1E100] =	vst v63  }
0xa4: {  	_ =	swait.ge [sflag:s30], $0x1000  }
0xa5: {  	[sflag:s30] =	ssyncset.done $0x0  }
0xa6: {  	s26 =	simm.s32 $0x780;
	[sflag:s30] =	ssyncadd.s32 $0xFFFFF000  }
0xa7: {  	[spmem:s2] =	stream.indirect.scatter.add.bf16 [tilespmem:s23], [sflag:$0x8], $0x20, s26, s16, $0xb8;
	[tilespmem:$0x1E100] =	vst v63  }
0xa8: {  	_ =	swait.ge [sflag:s0], $0x1000  }
0xa9: {  	[sflag:s0] =	ssyncset.done $0x0  }
0xaa: {  	[sflag:s0] =	ssyncadd.s32 $0xFFFFF000  }
0xab: {  	_ =	swait.ge [sflag:s6], $0x1000  }
0xac: {  	[sflag:s6] =	ssyncset.done $0x0  }
0xad: {  	[sflag:s6] =	ssyncadd.s32 $0xFFFFF000  }
0xae: {  	s31 =	simm.s32 $0x100;
	_ =	swait.ge [sflag:s1], $0x1000  }
0xaf: {  	s8 =	simm.s32 $0x180;
	s10 =	simm.s32 $0x480;
	[sflag:s1] =	ssyncset.done $0x0  }
0xb0: {  	s7 =	simm.s32 $0x500;
	s12 =	simm.s32 $0x400;
	[sflag:s1] =	ssyncadd.s32 $0xFFFFF000  }
0xb1: {  	s13 =	simm.s32 $0x580;
	s15 =	simm.s32 $0x300;
	_ =	swait.ge [sflag:s9], $0x1000  }
0xb2: {  	s20 =	simm.s32 $0x200;
	[sflag:s9] =	ssyncset.done $0x0;
	s26 =	rddreg [dreg:$0x7]  }
0xb3: {  	s22 =	simm.s32 $0x280;
	s29 =	sld [smem:$0x7BD];
	[sflag:s9] =	ssyncadd.s32 $0xFFFFF000  }
.LBB2_8:
0xb4: {  	s5 =	sld [smem:$0x7FA]  }
0xb5: {  	[bflag:$0x0] =	sbarrier.arrive $0xFFFF  }
0xb6: {  	s11 =	sld [smem:$0x7BC]  }
0xb7: {  	s5 =	sadd.s32 s26, s5;
	s26 =	rddreg [dreg:$0x8]  }
0xb8: {  	s18 =	sshrl.u32 s26, $0x3  }
0xb9: {  	[hbm:s5], [sflag:s11] =	dma.local [spmem:s18], $0x28A0  }
0xba: {  	_ =	swait.ge [sflag:s14], $0x28A0  }
0xbb: {  	s18 =	sld [smem:$0x7FC];
	_ =	sdelay $0x1  }
0xbc: {  	s29 =	sadd.s32 $0x1, s29  }
0xbd: {  	p1 =	sne.s32 s29, s18  }
.Ltmp1:
0xbe: {  	_ = 	snop;
	(pc) =	sbr.rel @!p1 .LBB2_9-.Ltmp1, $4  }
0xbf: {  	[sflag:s14] =	ssyncset.done $0x0  }
0xc0: {  	[sflag:s14] =	ssyncadd.s32 $0xFFFFD760  }
0xc1: {  	[bflag:$0x0] =	sbarrier.arrive $0xFFFF  }
0xc2: {  	s11 =	sld [smem:$0x7FD]  }
.LBB2_1:
0xc3: {  	[tilespmem:$0x4800] =	vst v0  }
0xc4: {  	[tilespmem:$0x4810] =	vst v0  }
0xc5: {  	[tilespmem:$0x4820] =	vst v0  }
0xc6: {  	[tilespmem:$0x4830] =	vst v0  }
0xc7: {  	[tilespmem:$0x4840] =	vst v0  }
0xc8: {  	[tilespmem:$0x4850] =	vst v0  }
0xc9: {  	[tilespmem:$0x4860] =	vst v0  }
0xca: {  	[tilespmem:$0x4870] =	vst v0  }
0xcb: {  	[tilespmem:$0x4880] =	vst v0  }
0xcc: {  	[tilespmem:$0x4890] =	vst v0  }
0xcd: {  	[tilespmem:$0x48A0] =	vst v0  }
0xce: {  	[tilespmem:$0x48B0] =	vst v0  }
0xcf: {  	[tilespmem:$0x48C0] =	vst v0  }
0xd0: {  	[tilespmem:$0x48D0] =	vst v0  }
0xd1: {  	[tilespmem:$0x48E0] =	vst v0  }
0xd2: {  	[tilespmem:$0x48F0] =	vst v0  }
0xd3: {  	[tilespmem:$0x4900] =	vst v0  }
0xd4: {  	[tilespmem:$0x4910] =	vst v0  }
0xd5: {  	[tilespmem:$0x4920] =	vst v0  }
0xd6: {  	[tilespmem:$0x4930] =	vst v0  }
0xd7: {  	[tilespmem:$0x4940] =	vst v0  }
0xd8: {  	[tilespmem:$0x4950] =	vst v0  }
0xd9: {  	[tilespmem:$0x4960] =	vst v0  }
0xda: {  	[tilespmem:$0x4970] =	vst v0  }
0xdb: {  	[tilespmem:$0x4980] =	vst v0  }
0xdc: {  	[tilespmem:$0x4990] =	vst v0  }
0xdd: {  	[tilespmem:$0x49A0] =	vst v0  }
0xde: {  	[tilespmem:$0x49B0] =	vst v0  }
0xdf: {  	[tilespmem:$0x49C0] =	vst v0  }
0xe0: {  	[tilespmem:$0x49D0] =	vst v0  }
0xe1: {  	[tilespmem:$0x49E0] =	vst v0  }
0xe2: {  	[tilespmem:$0x49F0] =	vst v0  }
0xe3: {  	[tilespmem:$0x4A00] =	vst v0  }
0xe4: {  	[tilespmem:$0x4A10] =	vst v0  }
0xe5: {  	[tilespmem:$0x4A20] =	vst v0  }
0xe6: {  	[tilespmem:$0x4A30] =	vst v0  }
0xe7: {  	[tilespmem:$0x4A40] =	vst v0  }
0xe8: {  	[tilespmem:$0x4A50] =	vst v0  }
0xe9: {  	[tilespmem:$0x4A60] =	vst v0  }
0xea: {  	[tilespmem:$0x4A70] =	vst v0  }
0xeb: {  	[tilespmem:$0x4A80] =	vst v0  }
0xec: {  	[tilespmem:$0x4A90] =	vst v0  }
0xed: {  	[tilespmem:$0x4AA0] =	vst v0  }
0xee: {  	[tilespmem:$0x4AB0] =	vst v0  }
0xef: {  	[tilespmem:$0x4AC0] =	vst v0  }
0xf0: {  	[tilespmem:$0x4AD0] =	vst v0  }
0xf1: {  	[tilespmem:$0x4AE0] =	vst v0  }
0xf2: {  	[tilespmem:$0x4AF0] =	vst v0  }
0xf3: {  	[tilespmem:$0x4B00] =	vst v0  }
0xf4: {  	[tilespmem:$0x4B10] =	vst v0  }
0xf5: {  	[tilespmem:$0x4B20] =	vst v0  }
0xf6: {  	[tilespmem:$0x4B30] =	vst v0  }
0xf7: {  	[tilespmem:$0x4B40] =	vst v0  }
0xf8: {  	[tilespmem:$0x4B50] =	vst v0  }
0xf9: {  	[tilespmem:$0x4B60] =	vst v0  }
0xfa: {  	[tilespmem:$0x4B70] =	vst v0  }
0xfb: {  	[tilespmem:$0x4B80] =	vst v0  }
0xfc: {  	[tilespmem:$0x4B90] =	vst v0  }
0xfd: {  	[tilespmem:$0x4BA0] =	vst v0  }
0xfe: {  	[tilespmem:$0x4BB0] =	vst v0  }
0xff: {  	[tilespmem:$0x4BC0] =	vst v0  }
0x100: {  	[tilespmem:$0x4BD0] =	vst v0  }
0x101: {  	[tilespmem:$0x4BE0] =	vst v0  }
0x102: {  	[smem:$0x7BD] =	sst s29;
	[tilespmem:$0x4BF0] =	vst v0;
	s18 =	simm.s32 $0x4800  }
0x103: {  	[spmem:s26] =	stream.linear.scatter [tilespmem:s18], [sflag:$0x9], $0x400, $0x38;
	[tilespmem:$0x1E100] =	vst v63  }
0x104: {  	_ =	swait.ge [sflag:s14], $0x400  }
0x105: {  	[sflag:s14] =	ssyncset.done $0x0  }
0x106: {  	s5 =	rddreg [dreg:$0x9];
	[sflag:s14] =	ssyncadd.s32 $0xFFFFFC00  }
0x107: {  	[spmem:s5] =	stream.linear.scatter [tilespmem:s18], [sflag:$0x9], $0x400, $0x38;
	[tilespmem:$0x1E100] =	vst v63  }
0x108: {  	_ =	swait.ge [sflag:s14], $0x400  }
0x109: {  	[sflag:s14] =	ssyncset.done $0x0  }
0x10a: {  	s26 =	rddreg [dreg:$0xa];
	[sflag:s14] =	ssyncadd.s32 $0xFFFFFC00  }
0x10b: {  	[spmem:s26] =	stream.linear.scatter [tilespmem:s18], [sflag:$0x9], $0x400, $0x38;
	[tilespmem:$0x1E100] =	vst v63  }
0x10c: {  	_ =	swait.ge [sflag:s14], $0x400  }
0x10d: {  	[sflag:s14] =	ssyncset.done $0x0  }
0x10e: {  	s26 =	rddreg [dreg:$0xb];
	[sflag:s14] =	ssyncadd.s32 $0xFFFFFC00  }
0x10f: {  	[spmem:s26] =	stream.linear.scatter [tilespmem:s18], [sflag:$0x9], $0x400, $0x38;
	[tilespmem:$0x1E100] =	vst v63  }
0x110: {  	_ =	swait.ge [sflag:s14], $0x400  }
0x111: {  	[sflag:s14] =	ssyncset.done $0x0  }
0x112: {  	s26 =	rddreg [dreg:$0xc];
	[sflag:s14] =	ssyncadd.s32 $0xFFFFFC00  }
0x113: {  	[spmem:s26] =	stream.linear.scatter [tilespmem:s18], [sflag:$0x9], $0x400, $0x38;
	[tilespmem:$0x1E100] =	vst v63  }
0x114: {  	_ =	swait.ge [sflag:s14], $0x400  }
0x115: {  	[sflag:s14] =	ssyncset.done $0x0  }
0x116: {  	s26 =	rddreg [dreg:$0xd];
	[sflag:s14] =	ssyncadd.s32 $0xFFFFFC00  }
0x117: {  	[spmem:s26] =	stream.linear.scatter [tilespmem:s18], [sflag:$0x9], $0x400, $0x38;
	[tilespmem:$0x1E100] =	vst v63  }
0x118: {  	_ =	swait.ge [sflag:s14], $0x400  }
0x119: {  	[sflag:s14] =	ssyncset.done $0x0  }
0x11a: {  	s26 =	rddreg [dreg:$0xe];
	[sflag:s14] =	ssyncadd.s32 $0xFFFFFC00  }
0x11b: {  	[spmem:s26] =	stream.linear.scatter [tilespmem:s18], [sflag:$0x9], $0x400, $0x38;
	[tilespmem:$0x1E100] =	vst v63  }
0x11c: {  	_ =	swait.ge [sflag:s14], $0x400  }
0x11d: {  	[sflag:s14] =	ssyncset.done $0x0  }
0x11e: {  	s26 =	rddreg [dreg:$0xf];
	[sflag:s14] =	ssyncadd.s32 $0xFFFFFC00  }
0x11f: {  	[spmem:s26] =	stream.linear.scatter [tilespmem:s18], [sflag:$0x9], $0x400, $0x38;
	[tilespmem:$0x1E100] =	vst v63  }
0x120: {  	_ =	swait.ge [sflag:s14], $0x400  }
0x121: {  	[sflag:s14] =	ssyncset.done $0x0  }
0x122: {  	s26 =	rddreg [dreg:$0x10];
	[sflag:s14] =	ssyncadd.s32 $0xFFFFFC00  }
0x123: {  	[spmem:s26] =	stream.linear.scatter [tilespmem:s18], [sflag:$0x9], $0x400, $0x38;
	[tilespmem:$0x1E100] =	vst v63  }
0x124: {  	_ =	swait.ge [sflag:s14], $0x400  }
0x125: {  	[sflag:s14] =	ssyncset.done $0x0  }
0x126: {  	s26 =	rddreg [dreg:$0x11];
	[sflag:s14] =	ssyncadd.s32 $0xFFFFFC00  }
0x127: {  	[spmem:s26] =	stream.linear.scatter [tilespmem:s18], [sflag:$0x9], $0x400, $0x38;
	[tilespmem:$0x1E100] =	vst v63  }
0x128: {  	_ =	swait.ge [sflag:s14], $0x400  }
0x129: {  	[sflag:s14] =	ssyncset.done $0x0  }
0x12a: {  	s26 =	rddreg [dreg:$0x12];
	[sflag:s14] =	ssyncadd.s32 $0xFFFFFC00  }
0x12b: {  	[spmem:s26] =	stream.linear.scatter [tilespmem:s18], [sflag:$0x9], $0x400, $0x38;
	[tilespmem:$0x1E100] =	vst v63  }
0x12c: {  	_ =	swait.ge [sflag:s14], $0x400  }
0x12d: {  	[sflag:s14] =	ssyncset.done $0x0  }
0x12e: {  	s26 =	rddreg [dreg:$0x14];
	[sflag:s14] =	ssyncadd.s32 $0xFFFFFC00  }
0x12f: {  	[spmem:s26] =	stream.linear.scatter [tilespmem:s18], [sflag:$0x9], $0x400, $0x38;
	[tilespmem:$0x1E100] =	vst v63  }
0x130: {  	_ =	swait.ge [sflag:s14], $0x400  }
0x131: {  	[sflag:s14] =	ssyncset.done $0x0  }
0x132: {  	s26 =	rddreg [dreg:$0x15];
	[sflag:s14] =	ssyncadd.s32 $0xFFFFFC00  }
0x133: {  	[spmem:s26] =	stream.linear.scatter [tilespmem:s18], [sflag:$0x9], $0x400, $0x38;
	[tilespmem:$0x1E100] =	vst v63  }
0x134: {  	_ =	swait.ge [sflag:s14], $0x400  }
0x135: {  	[sflag:s14] =	ssyncset.done $0x0  }
0x136: {  	s26 =	rddreg [dreg:$0x16];
	[sflag:s14] =	ssyncadd.s32 $0xFFFFFC00  }
0x137: {  	[spmem:s26] =	stream.linear.scatter [tilespmem:s18], [sflag:$0x9], $0x400, $0x38;
	[tilespmem:$0x1E100] =	vst v63  }
0x138: {  	_ =	swait.ge [sflag:s14], $0x400  }
0x139: {  	[sflag:s14] =	ssyncset.done $0x0  }
0x13a: {  	s26 =	rddreg [dreg:$0x17];
	[sflag:s14] =	ssyncadd.s32 $0xFFFFFC00  }
0x13b: {  	[spmem:s26] =	stream.linear.scatter [tilespmem:s18], [sflag:$0x9], $0x400, $0x38;
	[tilespmem:$0x1E100] =	vst v63  }
0x13c: {  	_ =	swait.ge [sflag:s14], $0x400  }
0x13d: {  	[sflag:s14] =	ssyncset.done $0x0  }
0x13e: {  	s26 =	rddreg [dreg:$0x18];
	[sflag:s14] =	ssyncadd.s32 $0xFFFFFC00  }
0x13f: {  	[spmem:s26] =	stream.linear.scatter [tilespmem:s18], [sflag:$0x9], $0x400, $0x38;
	[tilespmem:$0x1E100] =	vst v63  }
0x140: {  	_ =	swait.ge [sflag:s14], $0x400  }
0x141: {  	[sflag:s14] =	ssyncset.done $0x0  }
0x142: {  	s26 =	rddreg [dreg:$0x19];
	[sflag:s14] =	ssyncadd.s32 $0xFFFFFC00  }
0x143: {  	[spmem:s26] =	stream.linear.scatter [tilespmem:s18], [sflag:$0x9], $0x400, $0x38;
	[tilespmem:$0x1E100] =	vst v63  }
0x144: {  	_ =	swait.ge [sflag:s14], $0x400  }
0x145: {  	[sflag:s14] =	ssyncset.done $0x0  }
0x146: {  	s26 =	rddreg [dreg:$0x1a];
	[sflag:s14] =	ssyncadd.s32 $0xFFFFFC00  }
0x147: {  	[spmem:s26] =	stream.linear.scatter [tilespmem:s18], [sflag:$0x9], $0x400, $0x38;
	[tilespmem:$0x1E100] =	vst v63  }
0x148: {  	_ =	swait.ge [sflag:s14], $0x400  }
0x149: {  	[sflag:s14] =	ssyncset.done $0x0  }
0x14a: {  	s26 =	rddreg [dreg:$0x1b];
	[sflag:s14] =	ssyncadd.s32 $0xFFFFFC00  }
0x14b: {  	[spmem:s26] =	stream.linear.scatter [tilespmem:s18], [sflag:$0x9], $0x400, $0x38;
	[tilespmem:$0x1E100] =	vst v63  }
0x14c: {  	_ =	swait.ge [sflag:s14], $0x400  }
0x14d: {  	[sflag:s14] =	ssyncset.done $0x0  }
0x14e: {  	s26 =	rddreg [dreg:$0x1c];
	[sflag:s14] =	ssyncadd.s32 $0xFFFFFC00  }
0x14f: {  	[spmem:s26] =	stream.linear.scatter [tilespmem:s18], [sflag:$0x9], $0x400, $0x38;
	[tilespmem:$0x1E100] =	vst v63  }
0x150: {  	_ =	swait.ge [sflag:s14], $0x400  }
0x151: {  	[sflag:s14] =	ssyncset.done $0x0  }
0x152: {  	s26 =	rddreg [dreg:$0x1d];
	[sflag:s14] =	ssyncadd.s32 $0xFFFFFC00  }
0x153: {  	[spmem:s26] =	stream.linear.scatter [tilespmem:s18], [sflag:$0x9], $0x400, $0x38;
	[tilespmem:$0x1E100] =	vst v63  }
0x154: {  	_ =	swait.ge [sflag:s14], $0x400  }
0x155: {  	[sflag:s14] =	ssyncset.done $0x0  }
0x156: {  	s26 =	rddreg [dreg:$0x1e];
	[sflag:s14] =	ssyncadd.s32 $0xFFFFFC00  }
0x157: {  	[spmem:s26] =	stream.linear.scatter [tilespmem:s18], [sflag:$0x9], $0x400, $0x38;
	[tilespmem:$0x1E100] =	vst v63  }
0x158: {  	_ =	swait.ge [sflag:s14], $0x400  }
0x159: {  	[sflag:s14] =	ssyncset.done $0x0  }
0x15a: {  	s26 =	rddreg [dreg:$0x1f];
	[sflag:s14] =	ssyncadd.s32 $0xFFFFFC00  }
0x15b: {  	[spmem:s26] =	stream.linear.scatter [tilespmem:s18], [sflag:$0x9], $0x400, $0x38;
	[tilespmem:$0x1E100] =	vst v63  }
0x15c: {  	_ =	swait.ge [sflag:s14], $0x400  }
0x15d: {  	s26 =	sld [smem:$0x7BE]  }
0x15e: {  	[sflag:s14] =	ssyncset.done $0x0  }
0x15f: {  	[sflag:s14] =	ssyncadd.s32 $0xFFFFFC00  }
0x160: {  	[spmem:s26] =	stream.linear.scatter [tilespmem:s18], [sflag:$0x9], $0x400, $0x38;
	[tilespmem:$0x1E100] =	vst v63  }
0x161: {  	_ =	swait.ge [sflag:s14], $0x400  }
0x162: {  	s26 =	sld [smem:$0x7BF]  }
0x163: {  	[sflag:s14] =	ssyncset.done $0x0  }
0x164: {  	[sflag:s14] =	ssyncadd.s32 $0xFFFFFC00  }
0x165: {  	[spmem:s26] =	stream.linear.scatter [tilespmem:s18], [sflag:$0x9], $0x400, $0x38;
	[tilespmem:$0x1E100] =	vst v63  }
0x166: {  	_ =	swait.ge [sflag:s14], $0x400  }
0x167: {  	s26 =	sld [smem:$0x7C0]  }
0x168: {  	[sflag:s14] =	ssyncset.done $0x0  }
0x169: {  	[sflag:s14] =	ssyncadd.s32 $0xFFFFFC00  }
0x16a: {  	[spmem:s26] =	stream.linear.scatter [tilespmem:s18], [sflag:$0x9], $0x400, $0x38;
	[tilespmem:$0x1E100] =	vst v63  }
0x16b: {  	_ =	swait.ge [sflag:s14], $0x400  }
0x16c: {  	s26 =	sld [smem:$0x7C1]  }
0x16d: {  	[sflag:s14] =	ssyncset.done $0x0  }
0x16e: {  	[sflag:s14] =	ssyncadd.s32 $0xFFFFFC00  }
0x16f: {  	[spmem:s26] =	stream.linear.scatter [tilespmem:s18], [sflag:$0x9], $0x400, $0x38;
	[tilespmem:$0x1E100] =	vst v63  }
0x170: {  	_ =	swait.ge [sflag:s14], $0x400  }
0x171: {  	s26 =	sld [smem:$0x7C2]  }
0x172: {  	[sflag:s14] =	ssyncset.done $0x0  }
0x173: {  	[sflag:s14] =	ssyncadd.s32 $0xFFFFFC00  }
0x174: {  	[spmem:s26] =	stream.linear.scatter [tilespmem:s18], [sflag:$0x9], $0x400, $0x38;
	[tilespmem:$0x1E100] =	vst v63  }
0x175: {  	_ =	swait.ge [sflag:s14], $0x400  }
0x176: {  	s26 =	sld [smem:$0x7C3]  }
0x177: {  	[sflag:s14] =	ssyncset.done $0x0  }
0x178: {  	[sflag:s14] =	ssyncadd.s32 $0xFFFFFC00  }
0x179: {  	[spmem:s26] =	stream.linear.scatter [tilespmem:s18], [sflag:$0x9], $0x400, $0x38;
	[tilespmem:$0x1E100] =	vst v63  }
0x17a: {  	_ =	swait.ge [sflag:s14], $0x400  }
0x17b: {  	s26 =	sld [smem:$0x7C4]  }
0x17c: {  	[sflag:s14] =	ssyncset.done $0x0  }
0x17d: {  	[sflag:s14] =	ssyncadd.s32 $0xFFFFFC00  }
0x17e: {  	[spmem:s26] =	stream.linear.scatter [tilespmem:s18], [sflag:$0x9], $0x400, $0x38;
	[tilespmem:$0x1E100] =	vst v63  }
0x17f: {  	_ =	swait.ge [sflag:s14], $0x400  }
0x180: {  	s26 =	sld [smem:$0x7C5]  }
0x181: {  	[sflag:s14] =	ssyncset.done $0x0  }
0x182: {  	[sflag:s14] =	ssyncadd.s32 $0xFFFFFC00  }
0x183: {  	[spmem:s26] =	stream.linear.scatter [tilespmem:s18], [sflag:$0x9], $0x400, $0x38;
	[tilespmem:$0x1E100] =	vst v63  }
0x184: {  	_ =	swait.ge [sflag:s14], $0x400  }
0x185: {  	s26 =	sld [smem:$0x7C6]  }
0x186: {  	[sflag:s14] =	ssyncset.done $0x0  }
0x187: {  	[sflag:s14] =	ssyncadd.s32 $0xFFFFFC00  }
0x188: {  	[spmem:s26] =	stream.linear.scatter [tilespmem:s18], [sflag:$0x9], $0x400, $0x38;
	[tilespmem:$0x1E100] =	vst v63  }
0x189: {  	_ =	swait.ge [sflag:s14], $0x400  }
0x18a: {  	s26 =	sld [smem:$0x7C7]  }
0x18b: {  	[sflag:s14] =	ssyncset.done $0x0  }
0x18c: {  	[sflag:s14] =	ssyncadd.s32 $0xFFFFFC00  }
0x18d: {  	[spmem:s26] =	stream.linear.scatter [tilespmem:s18], [sflag:$0x9], $0x400, $0x38;
	[tilespmem:$0x1E100] =	vst v63  }
0x18e: {  	_ =	swait.ge [sflag:s14], $0x400  }
0x18f: {  	s26 =	sld [smem:$0x7C8]  }
0x190: {  	[sflag:s14] =	ssyncset.done $0x0  }
0x191: {  	[sflag:s14] =	ssyncadd.s32 $0xFFFFFC00  }
0x192: {  	[spmem:s26] =	stream.linear.scatter [tilespmem:s18], [sflag:$0x9], $0x400, $0x38;
	[tilespmem:$0x1E100] =	vst v63  }
0x193: {  	_ =	swait.ge [sflag:s14], $0x400  }
0x194: {  	s26 =	sld [smem:$0x7C9]  }
0x195: {  	[sflag:s14] =	ssyncset.done $0x0  }
0x196: {  	[sflag:s14] =	ssyncadd.s32 $0xFFFFFC00  }
0x197: {  	[spmem:s26] =	stream.linear.scatter [tilespmem:s18], [sflag:$0x9], $0x400, $0x38;
	[tilespmem:$0x1E100] =	vst v63  }
0x198: {  	_ =	swait.ge [sflag:s14], $0x400  }
0x199: {  	s26 =	sld [smem:$0x7CA]  }
0x19a: {  	[sflag:s14] =	ssyncset.done $0x0  }
0x19b: {  	[sflag:s14] =	ssyncadd.s32 $0xFFFFFC00  }
0x19c: {  	[spmem:s26] =	stream.linear.scatter [tilespmem:s18], [sflag:$0x9], $0x400, $0x38;
	[tilespmem:$0x1E100] =	vst v63  }
0x19d: {  	_ =	swait.ge [sflag:s14], $0x400  }
0x19e: {  	s26 =	sld [smem:$0x7CB]  }
0x19f: {  	[sflag:s14] =	ssyncset.done $0x0  }
0x1a0: {  	[sflag:s14] =	ssyncadd.s32 $0xFFFFFC00  }
0x1a1: {  	[spmem:s26] =	stream.linear.scatter [tilespmem:s18], [sflag:$0x9], $0x400, $0x38;
	[tilespmem:$0x1E100] =	vst v63  }
0x1a2: {  	_ =	swait.ge [sflag:s14], $0x400  }
0x1a3: {  	s26 =	sld [smem:$0x7CC]  }
0x1a4: {  	[sflag:s14] =	ssyncset.done $0x0  }
0x1a5: {  	[sflag:s14] =	ssyncadd.s32 $0xFFFFFC00  }
0x1a6: {  	[spmem:s26] =	stream.linear.scatter [tilespmem:s18], [sflag:$0x9], $0x400, $0x38;
	[tilespmem:$0x1E100] =	vst v63  }
0x1a7: {  	_ =	swait.ge [sflag:s14], $0x400  }
0x1a8: {  	s26 =	sld [smem:$0x7CD]  }
0x1a9: {  	[sflag:s14] =	ssyncset.done $0x0  }
0x1aa: {  	[sflag:s14] =	ssyncadd.s32 $0xFFFFFC00  }
0x1ab: {  	[spmem:s26] =	stream.linear.scatter [tilespmem:s18], [sflag:$0x9], $0x400, $0x38;
	[tilespmem:$0x1E100] =	vst v63  }
0x1ac: {  	_ =	swait.ge [sflag:s14], $0x400  }
0x1ad: {  	s26 =	sld [smem:$0x7CE]  }
0x1ae: {  	[sflag:s14] =	ssyncset.done $0x0  }
0x1af: {  	[sflag:s14] =	ssyncadd.s32 $0xFFFFFC00  }
0x1b0: {  	[spmem:s26] =	stream.linear.scatter [tilespmem:s18], [sflag:$0x9], $0x400, $0x38;
	[tilespmem:$0x1E100] =	vst v63  }
0x1b1: {  	_ =	swait.ge [sflag:s14], $0x400  }
0x1b2: {  	s26 =	sld [smem:$0x7CF]  }
0x1b3: {  	[sflag:s14] =	ssyncset.done $0x0  }
0x1b4: {  	[sflag:s14] =	ssyncadd.s32 $0xFFFFFC00  }
0x1b5: {  	[spmem:s26] =	stream.linear.scatter [tilespmem:s18], [sflag:$0x9], $0x400, $0x38;
	[tilespmem:$0x1E100] =	vst v63  }
0x1b6: {  	_ =	swait.ge [sflag:s14], $0x400  }
0x1b7: {  	s26 =	sld [smem:$0x7D0]  }
0x1b8: {  	[sflag:s14] =	ssyncset.done $0x0  }
0x1b9: {  	[sflag:s14] =	ssyncadd.s32 $0xFFFFFC00  }
0x1ba: {  	[spmem:s26] =	stream.linear.scatter [tilespmem:s18], [sflag:$0x9], $0x400, $0x38;
	[tilespmem:$0x1E100] =	vst v63  }
0x1bb: {  	_ =	swait.ge [sflag:s14], $0x400  }
0x1bc: {  	s26 =	sld [smem:$0x7D1]  }
0x1bd: {  	[sflag:s14] =	ssyncset.done $0x0  }
0x1be: {  	[sflag:s14] =	ssyncadd.s32 $0xFFFFFC00  }
0x1bf: {  	[spmem:s26] =	stream.linear.scatter [tilespmem:s18], [sflag:$0x9], $0x400, $0x38;
	[tilespmem:$0x1E100] =	vst v63  }
0x1c0: {  	_ =	swait.ge [sflag:s14], $0x400  }
0x1c1: {  	s26 =	sld [smem:$0x7D2]  }
0x1c2: {  	[sflag:s14] =	ssyncset.done $0x0  }
0x1c3: {  	[sflag:s14] =	ssyncadd.s32 $0xFFFFFC00  }
0x1c4: {  	[spmem:s26] =	stream.linear.scatter [tilespmem:s18], [sflag:$0x9], $0x400, $0x38;
	[tilespmem:$0x1E100] =	vst v63  }
0x1c5: {  	_ =	swait.ge [sflag:s14], $0x400  }
0x1c6: {  	s26 =	sld [smem:$0x7D3]  }
0x1c7: {  	[sflag:s14] =	ssyncset.done $0x0  }
0x1c8: {  	[sflag:s14] =	ssyncadd.s32 $0xFFFFFC00  }
0x1c9: {  	[spmem:s26] =	stream.linear.scatter [tilespmem:s18], [sflag:$0x9], $0x400, $0x38;
	[tilespmem:$0x1E100] =	vst v63  }
0x1ca: {  	_ =	swait.ge [sflag:s14], $0x400  }
0x1cb: {  	s26 =	sld [smem:$0x7D4]  }
0x1cc: {  	[sflag:s14] =	ssyncset.done $0x0  }
0x1cd: {  	[sflag:s14] =	ssyncadd.s32 $0xFFFFFC00  }
0x1ce: {  	[spmem:s26] =	stream.linear.scatter [tilespmem:s18], [sflag:$0x9], $0x400, $0x38;
	[tilespmem:$0x1E100] =	vst v63  }
0x1cf: {  	_ =	swait.ge [sflag:s14], $0x400  }
0x1d0: {  	s26 =	sld [smem:$0x7D5]  }
0x1d1: {  	[sflag:s14] =	ssyncset.done $0x0  }
0x1d2: {  	[sflag:s14] =	ssyncadd.s32 $0xFFFFFC00  }
0x1d3: {  	[spmem:s26] =	stream.linear.scatter [tilespmem:s18], [sflag:$0x9], $0x400, $0x38;
	[tilespmem:$0x1E100] =	vst v63  }
0x1d4: {  	_ =	swait.ge [sflag:s14], $0x400  }
0x1d5: {  	s26 =	sld [smem:$0x7D6]  }
0x1d6: {  	[sflag:s14] =	ssyncset.done $0x0  }
0x1d7: {  	[sflag:s14] =	ssyncadd.s32 $0xFFFFFC00  }
0x1d8: {  	[spmem:s26] =	stream.linear.scatter [tilespmem:s18], [sflag:$0x9], $0x400, $0x38;
	[tilespmem:$0x1E100] =	vst v63  }
0x1d9: {  	_ =	swait.ge [sflag:s14], $0x400  }
0x1da: {  	s26 =	sld [smem:$0x7D7]  }
0x1db: {  	[sflag:s14] =	ssyncset.done $0x0  }
0x1dc: {  	[sflag:s14] =	ssyncadd.s32 $0xFFFFFC00  }
0x1dd: {  	[spmem:s26] =	stream.linear.scatter [tilespmem:s18], [sflag:$0x9], $0x400, $0x38;
	[tilespmem:$0x1E100] =	vst v63  }
0x1de: {  	_ =	swait.ge [sflag:s14], $0x400  }
0x1df: {  	s26 =	sld [smem:$0x7D8]  }
0x1e0: {  	[sflag:s14] =	ssyncset.done $0x0  }
0x1e1: {  	[sflag:s14] =	ssyncadd.s32 $0xFFFFFC00  }
0x1e2: {  	[spmem:s26] =	stream.linear.scatter [tilespmem:s18], [sflag:$0x9], $0x400, $0x38;
	[tilespmem:$0x1E100] =	vst v63  }
0x1e3: {  	_ =	swait.ge [sflag:s14], $0x400  }
0x1e4: {  	s26 =	sld [smem:$0x7D9]  }
0x1e5: {  	[sflag:s14] =	ssyncset.done $0x0  }
0x1e6: {  	[sflag:s14] =	ssyncadd.s32 $0xFFFFFC00  }
0x1e7: {  	[spmem:s26] =	stream.linear.scatter [tilespmem:s18], [sflag:$0x9], $0x400, $0x38;
	[tilespmem:$0x1E100] =	vst v63  }
0x1e8: {  	_ =	swait.ge [sflag:s14], $0x400  }
0x1e9: {  	s26 =	sld [smem:$0x7DA]  }
0x1ea: {  	[sflag:s14] =	ssyncset.done $0x0  }
0x1eb: {  	[sflag:s14] =	ssyncadd.s32 $0xFFFFFC00  }
0x1ec: {  	[spmem:s26] =	stream.linear.scatter [tilespmem:s18], [sflag:$0x9], $0x400, $0x38;
	[tilespmem:$0x1E100] =	vst v63  }
0x1ed: {  	_ =	swait.ge [sflag:s14], $0x400  }
0x1ee: {  	s26 =	sld [smem:$0x7DB]  }
0x1ef: {  	[sflag:s14] =	ssyncset.done $0x0  }
0x1f0: {  	[sflag:s14] =	ssyncadd.s32 $0xFFFFFC00  }
0x1f1: {  	[spmem:s26] =	stream.linear.scatter [tilespmem:s18], [sflag:$0x9], $0x400, $0x38;
	[tilespmem:$0x1E100] =	vst v63  }
0x1f2: {  	_ =	swait.ge [sflag:s14], $0x400  }
0x1f3: {  	s26 =	sld [smem:$0x7DC]  }
0x1f4: {  	[sflag:s14] =	ssyncset.done $0x0  }
0x1f5: {  	[sflag:s14] =	ssyncadd.s32 $0xFFFFFC00  }
0x1f6: {  	[spmem:s26] =	stream.linear.scatter [tilespmem:s18], [sflag:$0x9], $0x400, $0x38;
	[tilespmem:$0x1E100] =	vst v63  }
0x1f7: {  	_ =	swait.ge [sflag:s14], $0x400  }
0x1f8: {  	s26 =	sld [smem:$0x7DD]  }
0x1f9: {  	[sflag:s14] =	ssyncset.done $0x0  }
0x1fa: {  	[sflag:s14] =	ssyncadd.s32 $0xFFFFFC00  }
0x1fb: {  	[spmem:s26] =	stream.linear.scatter [tilespmem:s18], [sflag:$0x9], $0x400, $0x38;
	[tilespmem:$0x1E100] =	vst v63  }
0x1fc: {  	_ =	swait.ge [sflag:s14], $0x400  }
0x1fd: {  	s26 =	sld [smem:$0x7DE]  }
0x1fe: {  	[sflag:s14] =	ssyncset.done $0x0  }
0x1ff: {  	[sflag:s14] =	ssyncadd.s32 $0xFFFFFC00  }
0x200: {  	[spmem:s26] =	stream.linear.scatter [tilespmem:s18], [sflag:$0x9], $0x400, $0x38;
	[tilespmem:$0x1E100] =	vst v63  }
0x201: {  	_ =	swait.ge [sflag:s14], $0x400  }
0x202: {  	s26 =	sld [smem:$0x7DF]  }
0x203: {  	[sflag:s14] =	ssyncset.done $0x0  }
0x204: {  	[sflag:s14] =	ssyncadd.s32 $0xFFFFFC00  }
0x205: {  	[spmem:s26] =	stream.linear.scatter [tilespmem:s18], [sflag:$0x9], $0x400, $0x38;
	[tilespmem:$0x1E100] =	vst v63  }
0x206: {  	_ =	swait.ge [sflag:s14], $0x400  }
0x207: {  	s26 =	sld [smem:$0x7E0]  }
0x208: {  	[sflag:s14] =	ssyncset.done $0x0  }
0x209: {  	[sflag:s14] =	ssyncadd.s32 $0xFFFFFC00  }
0x20a: {  	[spmem:s26] =	stream.linear.scatter [tilespmem:s18], [sflag:$0x9], $0x400, $0x38;
	[tilespmem:$0x1E100] =	vst v63  }
0x20b: {  	_ =	swait.ge [sflag:s14], $0x400  }
0x20c: {  	s26 =	sld [smem:$0x7E1]  }
0x20d: {  	[sflag:s14] =	ssyncset.done $0x0  }
0x20e: {  	[sflag:s14] =	ssyncadd.s32 $0xFFFFFC00  }
0x20f: {  	[spmem:s26] =	stream.linear.scatter [tilespmem:s18], [sflag:$0x9], $0x400, $0x38;
	[tilespmem:$0x1E100] =	vst v63  }
0x210: {  	_ =	swait.ge [sflag:s14], $0x400  }
0x211: {  	s26 =	sld [smem:$0x7E2]  }
0x212: {  	[sflag:s14] =	ssyncset.done $0x0  }
0x213: {  	[sflag:s14] =	ssyncadd.s32 $0xFFFFFC00  }
0x214: {  	[spmem:s26] =	stream.linear.scatter [tilespmem:s18], [sflag:$0x9], $0x400, $0x38;
	[tilespmem:$0x1E100] =	vst v63  }
0x215: {  	_ =	swait.ge [sflag:s14], $0x400  }
0x216: {  	s26 =	sld [smem:$0x7E3]  }
0x217: {  	[sflag:s14] =	ssyncset.done $0x0  }
0x218: {  	[sflag:s14] =	ssyncadd.s32 $0xFFFFFC00  }
0x219: {  	[spmem:s26] =	stream.linear.scatter [tilespmem:s18], [sflag:$0x9], $0x400, $0x38;
	[tilespmem:$0x1E100] =	vst v63  }
0x21a: {  	_ =	swait.ge [sflag:s14], $0x400  }
0x21b: {  	s26 =	sld [smem:$0x7E4]  }
0x21c: {  	[sflag:s14] =	ssyncset.done $0x0  }
0x21d: {  	[sflag:s14] =	ssyncadd.s32 $0xFFFFFC00  }
0x21e: {  	[spmem:s26] =	stream.linear.scatter [tilespmem:s18], [sflag:$0x9], $0x400, $0x38;
	[tilespmem:$0x1E100] =	vst v63  }
0x21f: {  	_ =	swait.ge [sflag:s14], $0x400  }
0x220: {  	s26 =	sld [smem:$0x7E5]  }
0x221: {  	[sflag:s14] =	ssyncset.done $0x0  }
0x222: {  	[sflag:s14] =	ssyncadd.s32 $0xFFFFFC00  }
0x223: {  	[spmem:s26] =	stream.linear.scatter [tilespmem:s18], [sflag:$0x9], $0x400, $0x38;
	[tilespmem:$0x1E100] =	vst v63  }
0x224: {  	_ =	swait.ge [sflag:s14], $0x400  }
0x225: {  	s26 =	sld [smem:$0x7E6]  }
0x226: {  	[sflag:s14] =	ssyncset.done $0x0  }
0x227: {  	[sflag:s14] =	ssyncadd.s32 $0xFFFFFC00  }
0x228: {  	[spmem:s26] =	stream.linear.scatter [tilespmem:s18], [sflag:$0x9], $0x400, $0x38;
	[tilespmem:$0x1E100] =	vst v63  }
0x229: {  	_ =	swait.ge [sflag:s14], $0x400  }
0x22a: {  	s26 =	sld [smem:$0x7E7]  }
0x22b: {  	[sflag:s14] =	ssyncset.done $0x0  }
0x22c: {  	[sflag:s14] =	ssyncadd.s32 $0xFFFFFC00  }
0x22d: {  	[spmem:s26] =	stream.linear.scatter [tilespmem:s18], [sflag:$0x9], $0x400, $0x38;
	[tilespmem:$0x1E100] =	vst v63  }
0x22e: {  	_ =	swait.ge [sflag:s14], $0x400  }
0x22f: {  	s26 =	sld [smem:$0x7E8]  }
0x230: {  	[sflag:s14] =	ssyncset.done $0x0  }
0x231: {  	[sflag:s14] =	ssyncadd.s32 $0xFFFFFC00  }
0x232: {  	[spmem:s26] =	stream.linear.scatter [tilespmem:s18], [sflag:$0x9], $0x400, $0x38;
	[tilespmem:$0x1E100] =	vst v63  }
0x233: {  	_ =	swait.ge [sflag:s14], $0x400  }
0x234: {  	s26 =	sld [smem:$0x7E9]  }
0x235: {  	[sflag:s14] =	ssyncset.done $0x0  }
0x236: {  	[sflag:s14] =	ssyncadd.s32 $0xFFFFFC00  }
0x237: {  	[spmem:s26] =	stream.linear.scatter [tilespmem:s18], [sflag:$0x9], $0x400, $0x38;
	[tilespmem:$0x1E100] =	vst v63  }
0x238: {  	_ =	swait.ge [sflag:s14], $0x400  }
0x239: {  	s26 =	sld [smem:$0x7EA]  }
0x23a: {  	[sflag:s14] =	ssyncset.done $0x0  }
0x23b: {  	[sflag:s14] =	ssyncadd.s32 $0xFFFFFC00  }
0x23c: {  	[spmem:s26] =	stream.linear.scatter [tilespmem:s18], [sflag:$0x9], $0x400, $0x38;
	[tilespmem:$0x1E100] =	vst v63  }
0x23d: {  	_ =	swait.ge [sflag:s14], $0x400  }
0x23e: {  	s26 =	sld [smem:$0x7EB]  }
0x23f: {  	[sflag:s14] =	ssyncset.done $0x0  }
0x240: {  	[sflag:s14] =	ssyncadd.s32 $0xFFFFFC00  }
0x241: {  	[spmem:s26] =	stream.linear.scatter [tilespmem:s18], [sflag:$0x9], $0x400, $0x38;
	[tilespmem:$0x1E100] =	vst v63  }
0x242: {  	_ =	swait.ge [sflag:s14], $0x400  }
0x243: {  	s26 =	sld [smem:$0x7EC]  }
0x244: {  	[sflag:s14] =	ssyncset.done $0x0  }
0x245: {  	[sflag:s14] =	ssyncadd.s32 $0xFFFFFC00  }
0x246: {  	[spmem:s26] =	stream.linear.scatter [tilespmem:s18], [sflag:$0x9], $0x400, $0x38;
	[tilespmem:$0x1E100] =	vst v63  }
0x247: {  	_ =	swait.ge [sflag:s14], $0x400  }
0x248: {  	s26 =	sld [smem:$0x7ED]  }
0x249: {  	[sflag:s14] =	ssyncset.done $0x0  }
0x24a: {  	[sflag:s14] =	ssyncadd.s32 $0xFFFFFC00  }
0x24b: {  	[spmem:s26] =	stream.linear.scatter [tilespmem:s18], [sflag:$0x9], $0x400, $0x38;
	[tilespmem:$0x1E100] =	vst v63  }
0x24c: {  	_ =	swait.ge [sflag:s14], $0x400  }
0x24d: {  	s26 =	sld [smem:$0x7EE]  }
0x24e: {  	[sflag:s14] =	ssyncset.done $0x0  }
0x24f: {  	[sflag:s14] =	ssyncadd.s32 $0xFFFFFC00  }
0x250: {  	[spmem:s26] =	stream.linear.scatter [tilespmem:s18], [sflag:$0x9], $0x400, $0x38;
	[tilespmem:$0x1E100] =	vst v63  }
0x251: {  	_ =	swait.ge [sflag:s14], $0x400  }
0x252: {  	s26 =	sld [smem:$0x7EF]  }
0x253: {  	[sflag:s14] =	ssyncset.done $0x0  }
0x254: {  	[sflag:s14] =	ssyncadd.s32 $0xFFFFFC00  }
0x255: {  	[spmem:s26] =	stream.linear.scatter [tilespmem:s18], [sflag:$0x9], $0x400, $0x38;
	[tilespmem:$0x1E100] =	vst v63  }
0x256: {  	_ =	swait.ge [sflag:s14], $0x400  }
0x257: {  	s26 =	sld [smem:$0x7F0]  }
0x258: {  	[sflag:s14] =	ssyncset.done $0x0  }
0x259: {  	[sflag:s14] =	ssyncadd.s32 $0xFFFFFC00  }
0x25a: {  	[spmem:s26] =	stream.linear.scatter [tilespmem:s18], [sflag:$0x9], $0x400, $0x38;
	[tilespmem:$0x1E100] =	vst v63  }
0x25b: {  	_ =	swait.ge [sflag:s14], $0x400  }
0x25c: {  	s26 =	sld [smem:$0x7F1]  }
0x25d: {  	[sflag:s14] =	ssyncset.done $0x0  }
0x25e: {  	[sflag:s14] =	ssyncadd.s32 $0xFFFFFC00  }
0x25f: {  	[spmem:s26] =	stream.linear.scatter [tilespmem:s18], [sflag:$0x9], $0x400, $0x38;
	[tilespmem:$0x1E100] =	vst v63  }
0x260: {  	_ =	swait.ge [sflag:s14], $0x400  }
0x261: {  	s26 =	sld [smem:$0x7F2]  }
0x262: {  	[sflag:s14] =	ssyncset.done $0x0  }
0x263: {  	[sflag:s14] =	ssyncadd.s32 $0xFFFFFC00  }
0x264: {  	[spmem:s26] =	stream.linear.scatter [tilespmem:s18], [sflag:$0x9], $0x400, $0x38;
	[tilespmem:$0x1E100] =	vst v63  }
0x265: {  	_ =	swait.ge [sflag:s14], $0x400  }
0x266: {  	s26 =	sld [smem:$0x7F3]  }
0x267: {  	[sflag:s14] =	ssyncset.done $0x0  }
0x268: {  	[sflag:s14] =	ssyncadd.s32 $0xFFFFFC00  }
0x269: {  	[spmem:s26] =	stream.linear.scatter [tilespmem:s18], [sflag:$0x9], $0x400, $0x38;
	[tilespmem:$0x1E100] =	vst v63  }
0x26a: {  	_ =	swait.ge [sflag:s14], $0x400  }
0x26b: {  	s26 =	sld [smem:$0x7F4]  }
0x26c: {  	[sflag:s14] =	ssyncset.done $0x0  }
0x26d: {  	[sflag:s14] =	ssyncadd.s32 $0xFFFFFC00  }
0x26e: {  	[spmem:s26] =	stream.linear.scatter [tilespmem:s18], [sflag:$0x9], $0x400, $0x38;
	[tilespmem:$0x1E100] =	vst v63  }
0x26f: {  	_ =	swait.ge [sflag:s14], $0x400  }
0x270: {  	s26 =	sld [smem:$0x7F5]  }
0x271: {  	[sflag:s14] =	ssyncset.done $0x0  }
0x272: {  	[sflag:s14] =	ssyncadd.s32 $0xFFFFFC00  }
0x273: {  	[spmem:s26] =	stream.linear.scatter [tilespmem:s18], [sflag:$0x9], $0x400, $0x38;
	[tilespmem:$0x1E100] =	vst v63  }
0x274: {  	_ =	swait.ge [sflag:s14], $0x400  }
0x275: {  	s26 =	sld [smem:$0x7F6]  }
0x276: {  	[sflag:s14] =	ssyncset.done $0x0  }
0x277: {  	[sflag:s14] =	ssyncadd.s32 $0xFFFFFC00  }
0x278: {  	[spmem:s26] =	stream.linear.scatter [tilespmem:s18], [sflag:$0x9], $0x400, $0x38;
	[tilespmem:$0x1E100] =	vst v63  }
0x279: {  	_ =	swait.ge [sflag:s14], $0x400  }
0x27a: {  	s26 =	sld [smem:$0x7F7]  }
0x27b: {  	[sflag:s14] =	ssyncset.done $0x0  }
0x27c: {  	[sflag:s14] =	ssyncadd.s32 $0xFFFFFC00  }
0x27d: {  	[spmem:s26] =	stream.linear.scatter [tilespmem:s18], [sflag:$0x9], $0x400, $0x38;
	[tilespmem:$0x1E100] =	vst v63  }
0x27e: {  	_ =	swait.ge [sflag:s14], $0x400  }
0x27f: {  	s26 =	sld [smem:$0x7F8]  }
0x280: {  	[sflag:s14] =	ssyncset.done $0x0  }
0x281: {  	[sflag:s14] =	ssyncadd.s32 $0xFFFFFC00  }
0x282: {  	[spmem:s26] =	stream.linear.scatter [tilespmem:s18], [sflag:$0x9], $0x100, $0x38;
	[tilespmem:$0x1E100] =	vst v63  }
.Ltmp2:
0x283: {  	_ =	swait.ge [sflag:s14], $0x100;
	(pc) =	sbr.rel @!p0 .LBB2_2-.Ltmp2, $4  }
0x284: {  	s26 =	sld [smem:$0x7F9]  }
0x285: {  	s18 =	stileid.u32  }
0x286: {  	s29 =	sshll.u32 s18, $0x6;
	[sflag:s14] =	ssyncset.done $0x0  }
0x287: {  	s18 =	sor.u32 $0x1C09, s29;
	[sflag:s14] =	ssyncadd.s32 $0xFFFFFF00;
	s26 =	sshrl.u32 s26, $0x3  }
0x288: {  	s5 =	sld [smem:$0x7FB]  }
0x289: {  	s18 =	sor.u32 $0x1C09, s29  }
0x28a: {  	[smem:$0x7BC] =	sst s18  }
0x28b: {  	[spmem:s26], [sflag:s18] =	dma.local [hbm:s5], $0xA00  }
0x28c: {  	_ =	swait.ge [sflag:s14], $0xA00  }
0x28d: {  	[sflag:s14] =	ssyncset.done $0x0  }
0x28e: {  	[sflag:s14] =	ssyncadd.s32 $0xFFFFF600  }
0x28f: {  	[bflag:$0x0] =	sbarrier.arrive $0xFFFF  }
0x290: {  	s18 =	rddreg [dreg:$0x5]  }
0x291: {  	s26 =	sadd.s32 $0x0, s18  }
0x292: {  	[tilespmem:s4], [sflag:$0x9] =	stream.linear.gather [hbm4b:s26+s4], $0x400, $0x38;
	[tilespmem:$0x1E100] =	vst v63  }
0x293: {  	_ =	swait.ge [sflag:s14], $0x400  }
0x294: {  	[sflag:s14] =	ssyncset.done $0x0  }
0x295: {  	s29 =	sadd.s32 $0x0, s11;
	[sflag:s14] =	ssyncadd.s32 $0xFFFFFC00  }
0x296: {  	[tilespmem:s12], [sflag:$0x9] =	stream.linear.gather [hbm4b:s29+s4], $0x400, $0x38;
	[tilespmem:$0x1E100] =	vst v63  }
0x297: {  	_ =	swait.ge [sflag:s14], $0x400  }
0x298: {  	[sflag:s14] =	ssyncset.done $0x0  }
0x299: {  	[sflag:s14] =	ssyncadd.s32 $0xFFFFFC00  }
0x29a: {  	[tilespmem:s17], [sflag:$0x1] =	stream.indirect.gather [spmem:s3], $0x20, s4, s16, $0xb8;
	[tilespmem:$0x1E100] =	vst v63  }
0x29b: {  	_ = 	snop  }
0x29c: {  	[tilespmem:s19], [sflag:$0x2] =	stream.indirect.gather [spmem:s3], $0x20, s16, s16, $0xb8;
	[tilespmem:$0x1E100] =	vst v63  }
0x29d: {  	_ = 	snop  }
0x29e: {  	[tilespmem:s21], [sflag:$0x3] =	stream.indirect.gather [spmem:s3], $0x20, s31, s16, $0xb8;
	[tilespmem:$0x1E100] =	vst v63  }
0x29f: {  	_ = 	snop  }
0x2a0: {  	[tilespmem:s23], [sflag:$0x4] =	stream.indirect.gather [spmem:s3], $0x20, s8, s16, $0xb8;
	[tilespmem:$0x1E100] =	vst v63  }
0x2a1: {  	_ =	swait.ge [sflag:s24], $0x1000  }
0x2a2: {  	[sflag:s24] =	ssyncset.done $0x0  }
0x2a3: {  	[sflag:s24] =	ssyncadd.s32 $0xFFFFF000  }
0x2a4: {  	[spmem:s2] =	stream.indirect.scatter.add.bf16 [tilespmem:s17], [sflag:$0x5], $0x20, s12, s16, $0xb8;
	[tilespmem:$0x1E100] =	vst v63  }
0x2a5: {  	_ =	swait.ge [sflag:s25], $0x1000  }
0x2a6: {  	[sflag:s25] =	ssyncset.done $0x0  }
0x2a7: {  	[sflag:s25] =	ssyncadd.s32 $0xFFFFF000  }
0x2a8: {  	[spmem:s2] =	stream.indirect.scatter.add.bf16 [tilespmem:s19], [sflag:$0x6], $0x20, s10, s16, $0xb8;
	[tilespmem:$0x1E100] =	vst v63  }
0x2a9: {  	_ =	swait.ge [sflag:s28], $0x1000  }
0x2aa: {  	[sflag:s28] =	ssyncset.done $0x0  }
0x2ab: {  	[sflag:s28] =	ssyncadd.s32 $0xFFFFF000  }
0x2ac: {  	[spmem:s2] =	stream.indirect.scatter.add.bf16 [tilespmem:s21], [sflag:$0x7], $0x20, s7, s16, $0xb8;
	[tilespmem:$0x1E100] =	vst v63  }
0x2ad: {  	_ =	swait.ge [sflag:s30], $0x1000  }
0x2ae: {  	[sflag:s30] =	ssyncset.done $0x0  }
0x2af: {  	[sflag:s30] =	ssyncadd.s32 $0xFFFFF000  }
0x2b0: {  	[spmem:s2] =	stream.indirect.scatter.add.bf16 [tilespmem:s23], [sflag:$0x8], $0x20, s13, s16, $0xb8;
	[tilespmem:$0x1E100] =	vst v63  }
0x2b1: {  	_ =	swait.ge [sflag:s0], $0x1000  }
0x2b2: {  	[sflag:s0] =	ssyncset.done $0x0  }
0x2b3: {  	[sflag:s0] =	ssyncadd.s32 $0xFFFFF000  }
0x2b4: {  	[tilespmem:s17], [sflag:$0x1] =	stream.indirect.gather [spmem:s3], $0x20, s20, s16, $0xb8;
	[tilespmem:$0x1E100] =	vst v63  }
0x2b5: {  	_ =	swait.ge [sflag:s6], $0x1000  }
0x2b6: {  	[sflag:s6] =	ssyncset.done $0x0  }
0x2b7: {  	[sflag:s6] =	ssyncadd.s32 $0xFFFFF000  }
0x2b8: {  	[tilespmem:s19], [sflag:$0x2] =	stream.indirect.gather [spmem:s3], $0x20, s22, s16, $0xb8;
	[tilespmem:$0x1E100] =	vst v63  }
0x2b9: {  	_ =	swait.ge [sflag:s1], $0x1000  }
0x2ba: {  	[sflag:s1] =	ssyncset.done $0x0  }
0x2bb: {  	[sflag:s1] =	ssyncadd.s32 $0xFFFFF000  }
0x2bc: {  	[tilespmem:s21], [sflag:$0x3] =	stream.indirect.gather [spmem:s3], $0x20, s15, s16, $0xb8;
	[tilespmem:$0x1E100] =	vst v63  }
0x2bd: {  	_ =	swait.ge [sflag:s9], $0x1000  }
0x2be: {  	[sflag:s9] =	ssyncset.done $0x0  }
0x2bf: {  	s15 =	simm.s32 $0x380;
	[sflag:s9] =	ssyncadd.s32 $0xFFFFF000  }
0x2c0: {  	[tilespmem:s23], [sflag:$0x4] =	stream.indirect.gather [spmem:s3], $0x20, s15, s16, $0xb8;
	[tilespmem:$0x1E100] =	vst v63  }
0x2c1: {  	_ =	swait.ge [sflag:s24], $0x1000  }
0x2c2: {  	[sflag:s24] =	ssyncset.done $0x0  }
0x2c3: {  	s20 =	simm.s32 $0x600;
	[sflag:s24] =	ssyncadd.s32 $0xFFFFF000  }
0x2c4: {  	[spmem:s2] =	stream.indirect.scatter.add.bf16 [tilespmem:s17], [sflag:$0x5], $0x20, s20, s16, $0xb8;
	[tilespmem:$0x1E100] =	vst v63  }
0x2c5: {  	_ =	swait.ge [sflag:s25], $0x1000  }
0x2c6: {  	[sflag:s25] =	ssyncset.done $0x0  }
0x2c7: {  	s22 =	simm.s32 $0x680;
	[sflag:s25] =	ssyncadd.s32 $0xFFFFF000  }
0x2c8: {  	[spmem:s2] =	stream.indirect.scatter.add.bf16 [tilespmem:s19], [sflag:$0x6], $0x20, s22, s16, $0xb8;
	[tilespmem:$0x1E100] =	vst v63  }
0x2c9: {  	_ =	swait.ge [sflag:s28], $0x1000  }
0x2ca: {  	[sflag:s28] =	ssyncset.done $0x0  }
0x2cb: {  	s26 =	simm.s32 $0x700;
	[sflag:s28] =	ssyncadd.s32 $0xFFFFF000  }
0x2cc: {  	[spmem:s2] =	stream.indirect.scatter.add.bf16 [tilespmem:s21], [sflag:$0x7], $0x20, s26, s16, $0xb8;
	[tilespmem:$0x1E100] =	vst v63  }
0x2cd: {  	_ =	swait.ge [sflag:s30], $0x1000  }
0x2ce: {  	[sflag:s30] =	ssyncset.done $0x0  }
0x2cf: {  	s29 =	simm.s32 $0x780;
	[sflag:s30] =	ssyncadd.s32 $0xFFFFF000  }
0x2d0: {  	[spmem:s2] =	stream.indirect.scatter.add.bf16 [tilespmem:s23], [sflag:$0x8], $0x20, s29, s16, $0xb8;
	[tilespmem:$0x1E100] =	vst v63  }
0x2d1: {  	_ =	swait.ge [sflag:s0], $0x1000  }
0x2d2: {  	[sflag:s0] =	ssyncset.done $0x0  }
0x2d3: {  	[sflag:s0] =	ssyncadd.s32 $0xFFFFF000  }
0x2d4: {  	_ =	swait.ge [sflag:s6], $0x1000  }
0x2d5: {  	[sflag:s6] =	ssyncset.done $0x0  }
0x2d6: {  	[sflag:s6] =	ssyncadd.s32 $0xFFFFF000  }
0x2d7: {  	s31 =	simm.s32 $0x100;
	s8 =	simm.s32 $0x100;
	_ =	swait.ge [sflag:s1], $0x1000  }
0x2d8: {  	s12 =	simm.s32 $0x280;
	s10 =	simm.s32 $0x180;
	[sflag:s1] =	ssyncset.done $0x0  }
0x2d9: {  	s7 =	simm.s32 $0x480;
	s13 =	simm.s32 $0x500;
	[sflag:s1] =	ssyncadd.s32 $0xFFFFF000  }
0x2da: {  	s15 =	simm.s32 $0x400;
	s20 =	simm.s32 $0x580;
	_ =	swait.ge [sflag:s9], $0x1000  }
0x2db: {  	s22 =	simm.s32 $0x200;
	s26 =	simm.s32 $0x80;
	[sflag:s9] =	ssyncset.done $0x0  }
.LBB2_6:
0x2dc: {  	s5 =	sadd.s32 s26, s18;
	[sflag:s9] =	ssyncadd.s32 $0xFFFFF000  }
0x2dd: {  	[tilespmem:s4], [sflag:$0x9] =	stream.linear.gather [hbm4b:s5+s4], $0x400, $0x38;
	[tilespmem:$0x1E100] =	vst v63  }
0x2de: {  	_ =	swait.ge [sflag:s14], $0x400  }
0x2df: {  	[sflag:s14] =	ssyncset.done $0x0  }
0x2e0: {  	s18 =	smov.u32 s31;
	s5 =	sadd.s32 s26, s11;
	[sflag:s14] =	ssyncadd.s32 $0xFFFFFC00  }
0x2e1: {  	[tilespmem:s15], [sflag:$0x9] =	stream.linear.gather [hbm4b:s5+s4], $0x400, $0x38;
	[tilespmem:$0x1E100] =	vst v63  }
0x2e2: {  	s26 =	smov.u32 s18;
	s18 =	rddreg [dreg:$0x5];
	_ =	swait.ge [sflag:s14], $0x400  }
0x2e3: {  	[sflag:s14] =	ssyncset.done $0x0  }
0x2e4: {  	[sflag:s14] =	ssyncadd.s32 $0xFFFFFC00  }
0x2e5: {  	[tilespmem:s17], [sflag:$0x1] =	stream.indirect.gather [spmem:s3], $0x20, s4, s16, $0xb8;
	[tilespmem:$0x1E100] =	vst v63  }
0x2e6: {  	_ = 	snop  }
0x2e7: {  	[tilespmem:s19], [sflag:$0x2] =	stream.indirect.gather [spmem:s3], $0x20, s16, s16, $0xb8;
	[tilespmem:$0x1E100] =	vst v63  }
0x2e8: {  	_ = 	snop  }
0x2e9: {  	[tilespmem:s21], [sflag:$0x3] =	stream.indirect.gather [spmem:s3], $0x20, s8, s16, $0xb8;
	[tilespmem:$0x1E100] =	vst v63  }
0x2ea: {  	_ = 	snop  }
0x2eb: {  	[tilespmem:s23], [sflag:$0x4] =	stream.indirect.gather [spmem:s3], $0x20, s10, s16, $0xb8;
	[tilespmem:$0x1E100] =	vst v63  }
0x2ec: {  	_ =	swait.ge [sflag:s24], $0x1000  }
0x2ed: {  	[sflag:s24] =	ssyncset.done $0x0  }
0x2ee: {  	[sflag:s24] =	ssyncadd.s32 $0xFFFFF000  }
0x2ef: {  	[spmem:s2] =	stream.indirect.scatter.add.bf16 [tilespmem:s17], [sflag:$0x5], $0x20, s15, s16, $0xb8;
	[tilespmem:$0x1E100] =	vst v63  }
0x2f0: {  	_ =	swait.ge [sflag:s25], $0x1000  }
0x2f1: {  	[sflag:s25] =	ssyncset.done $0x0  }
0x2f2: {  	[sflag:s25] =	ssyncadd.s32 $0xFFFFF000  }
0x2f3: {  	[spmem:s2] =	stream.indirect.scatter.add.bf16 [tilespmem:s19], [sflag:$0x6], $0x20, s7, s16, $0xb8;
	[tilespmem:$0x1E100] =	vst v63  }
0x2f4: {  	_ =	swait.ge [sflag:s28], $0x1000  }
0x2f5: {  	[sflag:s28] =	ssyncset.done $0x0  }
0x2f6: {  	[sflag:s28] =	ssyncadd.s32 $0xFFFFF000  }
0x2f7: {  	[spmem:s2] =	stream.indirect.scatter.add.bf16 [tilespmem:s21], [sflag:$0x7], $0x20, s13, s16, $0xb8;
	[tilespmem:$0x1E100] =	vst v63  }
0x2f8: {  	_ =	swait.ge [sflag:s30], $0x1000  }
0x2f9: {  	[sflag:s30] =	ssyncset.done $0x0  }
0x2fa: {  	[sflag:s30] =	ssyncadd.s32 $0xFFFFF000  }
0x2fb: {  	[spmem:s2] =	stream.indirect.scatter.add.bf16 [tilespmem:s23], [sflag:$0x8], $0x20, s20, s16, $0xb8;
	[tilespmem:$0x1E100] =	vst v63  }
0x2fc: {  	_ =	swait.ge [sflag:s0], $0x1000  }
0x2fd: {  	[sflag:s0] =	ssyncset.done $0x0  }
0x2fe: {  	[sflag:s0] =	ssyncadd.s32 $0xFFFFF000  }
0x2ff: {  	[tilespmem:s17], [sflag:$0x1] =	stream.indirect.gather [spmem:s3], $0x20, s22, s16, $0xb8;
	[tilespmem:$0x1E100] =	vst v63  }
0x300: {  	_ =	swait.ge [sflag:s6], $0x1000  }
0x301: {  	[sflag:s6] =	ssyncset.done $0x0  }
0x302: {  	[sflag:s6] =	ssyncadd.s32 $0xFFFFF000  }
0x303: {  	[tilespmem:s19], [sflag:$0x2] =	stream.indirect.gather [spmem:s3], $0x20, s12, s16, $0xb8;
	[tilespmem:$0x1E100] =	vst v63  }
0x304: {  	_ =	swait.ge [sflag:s1], $0x1000  }
0x305: {  	[sflag:s1] =	ssyncset.done $0x0  }
0x306: {  	s5 =	simm.s32 $0x300;
	[sflag:s1] =	ssyncadd.s32 $0xFFFFF000  }
0x307: {  	[tilespmem:s21], [sflag:$0x3] =	stream.indirect.gather [spmem:s3], $0x20, s5, s16, $0xb8;
	[tilespmem:$0x1E100] =	vst v63  }
0x308: {  	_ =	swait.ge [sflag:s9], $0x1000  }
0x309: {  	[sflag:s9] =	ssyncset.done $0x0  }
0x30a: {  	s5 =	simm.s32 $0x380;
	[sflag:s9] =	ssyncadd.s32 $0xFFFFF000  }
0x30b: {  	[tilespmem:s23], [sflag:$0x4] =	stream.indirect.gather [spmem:s3], $0x20, s5, s16, $0xb8;
	[tilespmem:$0x1E100] =	vst v63  }
0x30c: {  	_ =	swait.ge [sflag:s24], $0x1000  }
0x30d: {  	[sflag:s24] =	ssyncset.done $0x0  }
0x30e: {  	s5 =	simm.s32 $0x600;
	[sflag:s24] =	ssyncadd.s32 $0xFFFFF000  }
0x30f: {  	[spmem:s2] =	stream.indirect.scatter.add.bf16 [tilespmem:s17], [sflag:$0x5], $0x20, s5, s16, $0xb8;
	[tilespmem:$0x1E100] =	vst v63  }
0x310: {  	_ =	swait.ge [sflag:s25], $0x1000  }
0x311: {  	[sflag:s25] =	ssyncset.done $0x0  }
0x312: {  	s5 =	simm.s32 $0x680;
	[sflag:s25] =	ssyncadd.s32 $0xFFFFF000  }
0x313: {  	[spmem:s2] =	stream.indirect.scatter.add.bf16 [tilespmem:s19], [sflag:$0x6], $0x20, s5, s16, $0xb8;
	[tilespmem:$0x1E100] =	vst v63  }
0x314: {  	_ =	swait.ge [sflag:s28], $0x1000  }
0x315: {  	[sflag:s28] =	ssyncset.done $0x0  }
0x316: {  	s5 =	simm.s32 $0x700;
	[sflag:s28] =	ssyncadd.s32 $0xFFFFF000  }
0x317: {  	[spmem:s2] =	stream.indirect.scatter.add.bf16 [tilespmem:s21], [sflag:$0x7], $0x20, s5, s16, $0xb8;
	[tilespmem:$0x1E100] =	vst v63  }
0x318: {  	_ =	swait.ge [sflag:s30], $0x1000  }
0x319: {  	[sflag:s30] =	ssyncset.done $0x0  }
0x31a: {  	s5 =	simm.s32 $0x780;
	[sflag:s30] =	ssyncadd.s32 $0xFFFFF000  }
0x31b: {  	[spmem:s2] =	stream.indirect.scatter.add.bf16 [tilespmem:s23], [sflag:$0x8], $0x20, s5, s16, $0xb8;
	[tilespmem:$0x1E100] =	vst v63  }
0x31c: {  	_ =	swait.ge [sflag:s0], $0x1000  }
0x31d: {  	[sflag:s0] =	ssyncset.done $0x0  }
0x31e: {  	[sflag:s0] =	ssyncadd.s32 $0xFFFFF000  }
0x31f: {  	_ =	swait.ge [sflag:s6], $0x1000  }
0x320: {  	[sflag:s6] =	ssyncset.done $0x0  }
0x321: {  	p1 =	sne.s32 s31, $0x980;
	[sflag:s6] =	ssyncadd.s32 $0xFFFFF000  }
.Ltmp3:
0x322: {  	_ =	swait.ge [sflag:s1], $0x1000;
	(pc) =	sbr.rel @p1 .LBB2_6-.Ltmp3, $4  }
0x323: {  	[sflag:s1] =	ssyncset.done $0x0  }
0x324: {  	[sflag:s1] =	ssyncadd.s32 $0xFFFFF000  }
0x325: {  	s29 =	sadd.s32 $0x80, s31;
	_ =	swait.ge [sflag:s9], $0x1000  }
0x326: {  	s31 =	smov.u32 s29;
	[sflag:s9] =	ssyncset.done $0x0  }
.Ltmp4:
0x327: {  	_ = 	snop;
	(pc) =	sbr.rel .LBB2_7-.Ltmp4, $1  }
0x328: {  	_ =	sdelay $0x3  }
.LBB2_2:
0x329: {  	s5 =	rddreg [dreg:$0x13]  }
0x32a: {  	[smem:$0x7BC] =	sst s18  }
0x32b: {  	[spmem:s26], [sflag:s18] =	dma.local [hbm:s5], $0xA00  }
0x32c: {  	_ =	swait.ge [sflag:s14], $0xA00  }
0x32d: {  	[sflag:s14] =	ssyncset.done $0x0  }
0x32e: {  	[sflag:s14] =	ssyncadd.s32 $0xFFFFF600  }
0x32f: {  	[bflag:$0x0] =	sbarrier.arrive $0xFFFF  }
0x330: {  	s18 =	rddreg [dreg:$0x5]  }
0x331: {  	s5 =	sadd.s32 $0x0, s18  }
0x332: {  	[tilespmem:s4], [sflag:$0x9] =	stream.linear.gather [hbm4b:s5+s4], $0x400, $0x38;
	[tilespmem:$0x1E100] =	vst v63  }
0x333: {  	_ =	swait.ge [sflag:s14], $0x400  }
0x334: {  	[sflag:s14] =	ssyncset.done $0x0  }
0x335: {  	s5 =	sadd.s32 $0x0, s11;
	[sflag:s14] =	ssyncadd.s32 $0xFFFFFC00  }
0x336: {  	[tilespmem:s12], [sflag:$0x9] =	stream.linear.gather [hbm4b:s5+s4], $0x400, $0x38;
	[tilespmem:$0x1E100] =	vst v63  }
0x337: {  	_ =	swait.ge [sflag:s14], $0x400  }
0x338: {  	[sflag:s14] =	ssyncset.done $0x0  }
0x339: {  	[sflag:s14] =	ssyncadd.s32 $0xFFFFFC00  }
0x33a: {  	[tilespmem:s17], [sflag:$0x1] =	stream.indirect.gather [spmem:s3], $0x20, s4, s16, $0xb8;
	[tilespmem:$0x1E100] =	vst v63  }
0x33b: {  	_ = 	snop  }
0x33c: {  	[tilespmem:s19], [sflag:$0x2] =	stream.indirect.gather [spmem:s3], $0x20, s16, s16, $0xb8;
	[tilespmem:$0x1E100] =	vst v63  }
0x33d: {  	_ = 	snop  }
0x33e: {  	[tilespmem:s21], [sflag:$0x3] =	stream.indirect.gather [spmem:s3], $0x20, s31, s16, $0xb8;
	[tilespmem:$0x1E100] =	vst v63  }
0x33f: {  	_ = 	snop  }
0x340: {  	[tilespmem:s23], [sflag:$0x4] =	stream.indirect.gather [spmem:s3], $0x20, s8, s16, $0xb8;
	[tilespmem:$0x1E100] =	vst v63  }
0x341: {  	_ =	swait.ge [sflag:s24], $0x1000  }
0x342: {  	[sflag:s24] =	ssyncset.done $0x0  }
0x343: {  	[sflag:s24] =	ssyncadd.s32 $0xFFFFF000  }
0x344: {  	[spmem:s2] =	stream.indirect.scatter.add.bf16 [tilespmem:s17], [sflag:$0x5], $0x20, s12, s16, $0xb8;
	[tilespmem:$0x1E100] =	vst v63  }
0x345: {  	_ =	swait.ge [sflag:s25], $0x1000  }
0x346: {  	[sflag:s25] =	ssyncset.done $0x0  }
0x347: {  	[sflag:s25] =	ssyncadd.s32 $0xFFFFF000  }
0x348: {  	[spmem:s2] =	stream.indirect.scatter.add.bf16 [tilespmem:s19], [sflag:$0x6], $0x20, s10, s16, $0xb8;
	[tilespmem:$0x1E100] =	vst v63  }
0x349: {  	_ =	swait.ge [sflag:s28], $0x1000  }
0x34a: {  	[sflag:s28] =	ssyncset.done $0x0  }
0x34b: {  	[sflag:s28] =	ssyncadd.s32 $0xFFFFF000  }
0x34c: {  	[spmem:s2] =	stream.indirect.scatter.add.bf16 [tilespmem:s21], [sflag:$0x7], $0x20, s7, s16, $0xb8;
	[tilespmem:$0x1E100] =	vst v63  }
0x34d: {  	_ =	swait.ge [sflag:s30], $0x1000  }
0x34e: {  	[sflag:s30] =	ssyncset.done $0x0  }
0x34f: {  	[sflag:s30] =	ssyncadd.s32 $0xFFFFF000  }
0x350: {  	[spmem:s2] =	stream.indirect.scatter.add.bf16 [tilespmem:s23], [sflag:$0x8], $0x20, s13, s16, $0xb8;
	[tilespmem:$0x1E100] =	vst v63  }
0x351: {  	_ =	swait.ge [sflag:s0], $0x1000  }
0x352: {  	[sflag:s0] =	ssyncset.done $0x0  }
0x353: {  	[sflag:s0] =	ssyncadd.s32 $0xFFFFF000  }
0x354: {  	[tilespmem:s17], [sflag:$0x1] =	stream.indirect.gather [spmem:s3], $0x20, s20, s16, $0xb8;
	[tilespmem:$0x1E100] =	vst v63  }
0x355: {  	_ =	swait.ge [sflag:s6], $0x1000  }
0x356: {  	[sflag:s6] =	ssyncset.done $0x0  }
0x357: {  	[sflag:s6] =	ssyncadd.s32 $0xFFFFF000  }
0x358: {  	[tilespmem:s19], [sflag:$0x2] =	stream.indirect.gather [spmem:s3], $0x20, s22, s16, $0xb8;
	[tilespmem:$0x1E100] =	vst v63  }
0x359: {  	_ =	swait.ge [sflag:s1], $0x1000  }
0x35a: {  	[sflag:s1] =	ssyncset.done $0x0  }
0x35b: {  	[sflag:s1] =	ssyncadd.s32 $0xFFFFF000  }
0x35c: {  	[tilespmem:s21], [sflag:$0x3] =	stream.indirect.gather [spmem:s3], $0x20, s15, s16, $0xb8;
	[tilespmem:$0x1E100] =	vst v63  }
0x35d: {  	_ =	swait.ge [sflag:s9], $0x1000  }
0x35e: {  	[sflag:s9] =	ssyncset.done $0x0  }
0x35f: {  	s15 =	simm.s32 $0x380;
	[sflag:s9] =	ssyncadd.s32 $0xFFFFF000  }
0x360: {  	[tilespmem:s23], [sflag:$0x4] =	stream.indirect.gather [spmem:s3], $0x20, s15, s16, $0xb8;
	[tilespmem:$0x1E100] =	vst v63  }
0x361: {  	_ =	swait.ge [sflag:s24], $0x1000  }
0x362: {  	[sflag:s24] =	ssyncset.done $0x0  }
0x363: {  	s20 =	simm.s32 $0x600;
	[sflag:s24] =	ssyncadd.s32 $0xFFFFF000  }
0x364: {  	[spmem:s2] =	stream.indirect.scatter.add.bf16 [tilespmem:s17], [sflag:$0x5], $0x20, s20, s16, $0xb8;
	[tilespmem:$0x1E100] =	vst v63  }
0x365: {  	_ =	swait.ge [sflag:s25], $0x1000  }
0x366: {  	[sflag:s25] =	ssyncset.done $0x0  }
0x367: {  	s22 =	simm.s32 $0x680;
	[sflag:s25] =	ssyncadd.s32 $0xFFFFF000  }
0x368: {  	[spmem:s2] =	stream.indirect.scatter.add.bf16 [tilespmem:s19], [sflag:$0x6], $0x20, s22, s16, $0xb8;
	[tilespmem:$0x1E100] =	vst v63  }
0x369: {  	_ =	swait.ge [sflag:s28], $0x1000  }
0x36a: {  	[sflag:s28] =	ssyncset.done $0x0  }
0x36b: {  	s26 =	simm.s32 $0x700;
	[sflag:s28] =	ssyncadd.s32 $0xFFFFF000  }
0x36c: {  	[spmem:s2] =	stream.indirect.scatter.add.bf16 [tilespmem:s21], [sflag:$0x7], $0x20, s26, s16, $0xb8;
	[tilespmem:$0x1E100] =	vst v63  }
0x36d: {  	_ =	swait.ge [sflag:s30], $0x1000  }
0x36e: {  	[sflag:s30] =	ssyncset.done $0x0  }
0x36f: {  	s31 =	simm.s32 $0x780;
	[sflag:s30] =	ssyncadd.s32 $0xFFFFF000  }
0x370: {  	[spmem:s2] =	stream.indirect.scatter.add.bf16 [tilespmem:s23], [sflag:$0x8], $0x20, s31, s16, $0xb8;
	[tilespmem:$0x1E100] =	vst v63  }
0x371: {  	_ =	swait.ge [sflag:s0], $0x1000  }
0x372: {  	[sflag:s0] =	ssyncset.done $0x0  }
0x373: {  	[sflag:s0] =	ssyncadd.s32 $0xFFFFF000  }
0x374: {  	_ =	swait.ge [sflag:s6], $0x1000  }
0x375: {  	[sflag:s6] =	ssyncset.done $0x0  }
0x376: {  	s29 =	simm.s32 $0x100;
	[sflag:s6] =	ssyncadd.s32 $0xFFFFF000  }
0x377: {  	s8 =	simm.s32 $0x100;
	s12 =	smov.u32 s11;
	_ =	swait.ge [sflag:s1], $0x1000  }
0x378: {  	s11 =	simm.s32 $0x280;
	s10 =	simm.s32 $0x180;
	[sflag:s1] =	ssyncset.done $0x0  }
0x379: {  	s7 =	simm.s32 $0x480;
	s13 =	simm.s32 $0x500;
	[sflag:s1] =	ssyncadd.s32 $0xFFFFF000  }
0x37a: {  	s15 =	simm.s32 $0x400;
	s20 =	simm.s32 $0x580;
	_ =	swait.ge [sflag:s9], $0x1000  }
0x37b: {  	s22 =	simm.s32 $0x200;
	s26 =	simm.s32 $0x80;
	[sflag:s9] =	ssyncset.done $0x0  }
.LBB2_3:
0x37c: {  	s5 =	sadd.s32 s26, s18;
	[sflag:s9] =	ssyncadd.s32 $0xFFFFF000  }
0x37d: {  	[tilespmem:s4], [sflag:$0x9] =	stream.linear.gather [hbm4b:s5+s4], $0x400, $0x38;
	[tilespmem:$0x1E100] =	vst v63  }
0x37e: {  	_ =	swait.ge [sflag:s14], $0x400  }
0x37f: {  	[sflag:s14] =	ssyncset.done $0x0  }
0x380: {  	s18 =	smov.u32 s29;
	s5 =	sadd.s32 s26, s12;
	[sflag:s14] =	ssyncadd.s32 $0xFFFFFC00  }
0x381: {  	[tilespmem:s15], [sflag:$0x9] =	stream.linear.gather [hbm4b:s5+s4], $0x400, $0x38;
	[tilespmem:$0x1E100] =	vst v63  }
0x382: {  	s26 =	smov.u32 s18;
	s18 =	rddreg [dreg:$0x5];
	_ =	swait.ge [sflag:s14], $0x400  }
0x383: {  	[sflag:s14] =	ssyncset.done $0x0  }
0x384: {  	[sflag:s14] =	ssyncadd.s32 $0xFFFFFC00  }
0x385: {  	[tilespmem:s17], [sflag:$0x1] =	stream.indirect.gather [spmem:s3], $0x20, s4, s16, $0xb8;
	[tilespmem:$0x1E100] =	vst v63  }
0x386: {  	_ = 	snop  }
0x387: {  	[tilespmem:s19], [sflag:$0x2] =	stream.indirect.gather [spmem:s3], $0x20, s16, s16, $0xb8;
	[tilespmem:$0x1E100] =	vst v63  }
0x388: {  	_ = 	snop  }
0x389: {  	[tilespmem:s21], [sflag:$0x3] =	stream.indirect.gather [spmem:s3], $0x20, s8, s16, $0xb8;
	[tilespmem:$0x1E100] =	vst v63  }
0x38a: {  	_ = 	snop  }
0x38b: {  	[tilespmem:s23], [sflag:$0x4] =	stream.indirect.gather [spmem:s3], $0x20, s10, s16, $0xb8;
	[tilespmem:$0x1E100] =	vst v63  }
0x38c: {  	_ =	swait.ge [sflag:s24], $0x1000  }
0x38d: {  	[sflag:s24] =	ssyncset.done $0x0  }
0x38e: {  	[sflag:s24] =	ssyncadd.s32 $0xFFFFF000  }
0x38f: {  	[spmem:s2] =	stream.indirect.scatter.add.bf16 [tilespmem:s17], [sflag:$0x5], $0x20, s15, s16, $0xb8;
	[tilespmem:$0x1E100] =	vst v63  }
0x390: {  	_ =	swait.ge [sflag:s25], $0x1000  }
0x391: {  	[sflag:s25] =	ssyncset.done $0x0  }
0x392: {  	[sflag:s25] =	ssyncadd.s32 $0xFFFFF000  }
0x393: {  	[spmem:s2] =	stream.indirect.scatter.add.bf16 [tilespmem:s19], [sflag:$0x6], $0x20, s7, s16, $0xb8;
	[tilespmem:$0x1E100] =	vst v63  }
0x394: {  	_ =	swait.ge [sflag:s28], $0x1000  }
0x395: {  	[sflag:s28] =	ssyncset.done $0x0  }
0x396: {  	[sflag:s28] =	ssyncadd.s32 $0xFFFFF000  }
0x397: {  	[spmem:s2] =	stream.indirect.scatter.add.bf16 [tilespmem:s21], [sflag:$0x7], $0x20, s13, s16, $0xb8;
	[tilespmem:$0x1E100] =	vst v63  }
0x398: {  	_ =	swait.ge [sflag:s30], $0x1000  }
0x399: {  	[sflag:s30] =	ssyncset.done $0x0  }
0x39a: {  	[sflag:s30] =	ssyncadd.s32 $0xFFFFF000  }
0x39b: {  	[spmem:s2] =	stream.indirect.scatter.add.bf16 [tilespmem:s23], [sflag:$0x8], $0x20, s20, s16, $0xb8;
	[tilespmem:$0x1E100] =	vst v63  }
0x39c: {  	_ =	swait.ge [sflag:s0], $0x1000  }
0x39d: {  	[sflag:s0] =	ssyncset.done $0x0  }
0x39e: {  	[sflag:s0] =	ssyncadd.s32 $0xFFFFF000  }
0x39f: {  	[tilespmem:s17], [sflag:$0x1] =	stream.indirect.gather [spmem:s3], $0x20, s22, s16, $0xb8;
	[tilespmem:$0x1E100] =	vst v63  }
0x3a0: {  	_ =	swait.ge [sflag:s6], $0x1000  }
0x3a1: {  	[sflag:s6] =	ssyncset.done $0x0  }
0x3a2: {  	[sflag:s6] =	ssyncadd.s32 $0xFFFFF000  }
0x3a3: {  	[tilespmem:s19], [sflag:$0x2] =	stream.indirect.gather [spmem:s3], $0x20, s11, s16, $0xb8;
	[tilespmem:$0x1E100] =	vst v63  }
0x3a4: {  	_ =	swait.ge [sflag:s1], $0x1000  }
0x3a5: {  	[sflag:s1] =	ssyncset.done $0x0  }
0x3a6: {  	s5 =	simm.s32 $0x300;
	[sflag:s1] =	ssyncadd.s32 $0xFFFFF000  }
0x3a7: {  	[tilespmem:s21], [sflag:$0x3] =	stream.indirect.gather [spmem:s3], $0x20, s5, s16, $0xb8;
	[tilespmem:$0x1E100] =	vst v63  }
0x3a8: {  	_ =	swait.ge [sflag:s9], $0x1000  }
0x3a9: {  	[sflag:s9] =	ssyncset.done $0x0  }
0x3aa: {  	s5 =	simm.s32 $0x380;
	[sflag:s9] =	ssyncadd.s32 $0xFFFFF000  }
0x3ab: {  	[tilespmem:s23], [sflag:$0x4] =	stream.indirect.gather [spmem:s3], $0x20, s5, s16, $0xb8;
	[tilespmem:$0x1E100] =	vst v63  }
0x3ac: {  	_ =	swait.ge [sflag:s24], $0x1000  }
0x3ad: {  	[sflag:s24] =	ssyncset.done $0x0  }
0x3ae: {  	s5 =	simm.s32 $0x600;
	[sflag:s24] =	ssyncadd.s32 $0xFFFFF000  }
0x3af: {  	[spmem:s2] =	stream.indirect.scatter.add.bf16 [tilespmem:s17], [sflag:$0x5], $0x20, s5, s16, $0xb8;
	[tilespmem:$0x1E100] =	vst v63  }
0x3b0: {  	_ =	swait.ge [sflag:s25], $0x1000  }
0x3b1: {  	[sflag:s25] =	ssyncset.done $0x0  }
0x3b2: {  	s5 =	simm.s32 $0x680;
	[sflag:s25] =	ssyncadd.s32 $0xFFFFF000  }
0x3b3: {  	[spmem:s2] =	stream.indirect.scatter.add.bf16 [tilespmem:s19], [sflag:$0x6], $0x20, s5, s16, $0xb8;
	[tilespmem:$0x1E100] =	vst v63  }
0x3b4: {  	_ =	swait.ge [sflag:s28], $0x1000  }
0x3b5: {  	[sflag:s28] =	ssyncset.done $0x0  }
0x3b6: {  	s5 =	simm.s32 $0x700;
	[sflag:s28] =	ssyncadd.s32 $0xFFFFF000  }
0x3b7: {  	[spmem:s2] =	stream.indirect.scatter.add.bf16 [tilespmem:s21], [sflag:$0x7], $0x20, s5, s16, $0xb8;
	[tilespmem:$0x1E100] =	vst v63  }
0x3b8: {  	_ =	swait.ge [sflag:s30], $0x1000  }
0x3b9: {  	[sflag:s30] =	ssyncset.done $0x0  }
0x3ba: {  	s5 =	simm.s32 $0x780;
	[sflag:s30] =	ssyncadd.s32 $0xFFFFF000  }
0x3bb: {  	[spmem:s2] =	stream.indirect.scatter.add.bf16 [tilespmem:s23], [sflag:$0x8], $0x20, s5, s16, $0xb8;
	[tilespmem:$0x1E100] =	vst v63  }
0x3bc: {  	_ =	swait.ge [sflag:s0], $0x1000  }
0x3bd: {  	[sflag:s0] =	ssyncset.done $0x0  }
0x3be: {  	[sflag:s0] =	ssyncadd.s32 $0xFFFFF000  }
0x3bf: {  	_ =	swait.ge [sflag:s6], $0x1000  }
0x3c0: {  	[sflag:s6] =	ssyncset.done $0x0  }
0x3c1: {  	p1 =	seq.s32 s29, $0x980;
	[sflag:s6] =	ssyncadd.s32 $0xFFFFF000  }
.Ltmp5:
0x3c2: {  	_ =	swait.ge [sflag:s1], $0x1000;
	(pc) =	sbr.rel @!p1 .LBB2_3-.Ltmp5, $4  }
0x3c3: {  	[sflag:s1] =	ssyncset.done $0x0  }
0x3c4: {  	[sflag:s1] =	ssyncadd.s32 $0xFFFFF000  }
0x3c5: {  	s31 =	sadd.s32 $0x80, s29;
	_ =	swait.ge [sflag:s9], $0x1000  }
0x3c6: {  	s29 =	smov.u32 s31;
	[sflag:s9] =	ssyncset.done $0x0  }
0x3c7: {  	s5 =	sadd.s32 s26, s18;
	[sflag:s9] =	ssyncadd.s32 $0xFFFFF000  }
0x3c8: {  	[tilespmem:s4], [sflag:$0x9] =	stream.linear.gather [hbm4b:s5+s4], $0x400, $0x38;
	[tilespmem:$0x1E100] =	vst v63  }
0x3c9: {  	_ =	swait.ge [sflag:s14], $0x400  }
0x3ca: {  	[sflag:s14] =	ssyncset.done $0x0  }
0x3cb: {  	s12 =	sadd.s32 s26, s12;
	[sflag:s14] =	ssyncadd.s32 $0xFFFFFC00  }
0x3cc: {  	[tilespmem:s15], [sflag:$0x9] =	stream.linear.gather [hbm4b:s12+s4], $0x400, $0x38;
	[tilespmem:$0x1E100] =	vst v63  }
0x3cd: {  	_ =	swait.ge [sflag:s14], $0x400  }
0x3ce: {  	[sflag:s14] =	ssyncset.done $0x0  }
0x3cf: {  	[sflag:s14] =	ssyncadd.s32 $0xFFFFFC00  }
0x3d0: {  	[tilespmem:s17], [sflag:$0x1] =	stream.indirect.gather [spmem:s3], $0x20, s4, s16, $0xb8;
	[tilespmem:$0x1E100] =	vst v63  }
0x3d1: {  	_ = 	snop  }
0x3d2: {  	[tilespmem:s19], [sflag:$0x2] =	stream.indirect.gather [spmem:s3], $0x20, s16, s16, $0xb8;
	[tilespmem:$0x1E100] =	vst v63  }
0x3d3: {  	_ = 	snop  }
0x3d4: {  	[tilespmem:s21], [sflag:$0x3] =	stream.indirect.gather [spmem:s3], $0x20, s8, s16, $0xb8;
	[tilespmem:$0x1E100] =	vst v63  }
0x3d5: {  	_ = 	snop  }
0x3d6: {  	[tilespmem:s23], [sflag:$0x4] =	stream.indirect.gather [spmem:s3], $0x20, s10, s16, $0xb8;
	[tilespmem:$0x1E100] =	vst v63  }
0x3d7: {  	_ =	swait.ge [sflag:s24], $0x1000  }
0x3d8: {  	[sflag:s24] =	ssyncset.done $0x0  }
0x3d9: {  	[sflag:s24] =	ssyncadd.s32 $0xFFFFF000  }
0x3da: {  	[spmem:s2] =	stream.indirect.scatter.add.bf16 [tilespmem:s17], [sflag:$0x5], $0x20, s15, s16, $0xb8;
	[tilespmem:$0x1E100] =	vst v63  }
0x3db: {  	_ =	swait.ge [sflag:s25], $0x1000  }
0x3dc: {  	[sflag:s25] =	ssyncset.done $0x0  }
0x3dd: {  	[sflag:s25] =	ssyncadd.s32 $0xFFFFF000  }
0x3de: {  	[spmem:s2] =	stream.indirect.scatter.add.bf16 [tilespmem:s19], [sflag:$0x6], $0x20, s7, s16, $0xb8;
	[tilespmem:$0x1E100] =	vst v63  }
0x3df: {  	_ =	swait.ge [sflag:s28], $0x1000  }
0x3e0: {  	[sflag:s28] =	ssyncset.done $0x0  }
0x3e1: {  	[sflag:s28] =	ssyncadd.s32 $0xFFFFF000  }
0x3e2: {  	[spmem:s2] =	stream.indirect.scatter.add.bf16 [tilespmem:s21], [sflag:$0x7], $0x20, s13, s16, $0xb8;
	[tilespmem:$0x1E100] =	vst v63  }
0x3e3: {  	_ =	swait.ge [sflag:s30], $0x1000  }
0x3e4: {  	[sflag:s30] =	ssyncset.done $0x0  }
0x3e5: {  	[sflag:s30] =	ssyncadd.s32 $0xFFFFF000  }
0x3e6: {  	[spmem:s2] =	stream.indirect.scatter.add.bf16 [tilespmem:s23], [sflag:$0x8], $0x20, s20, s16, $0xb8;
	[tilespmem:$0x1E100] =	vst v63  }
0x3e7: {  	_ =	swait.ge [sflag:s0], $0x1000  }
0x3e8: {  	[sflag:s0] =	ssyncset.done $0x0  }
0x3e9: {  	[sflag:s0] =	ssyncadd.s32 $0xFFFFF000  }
0x3ea: {  	[tilespmem:s17], [sflag:$0x1] =	stream.indirect.gather [spmem:s3], $0x20, s22, s16, $0xb8;
	[tilespmem:$0x1E100] =	vst v63  }
0x3eb: {  	_ =	swait.ge [sflag:s6], $0x1000  }
0x3ec: {  	[sflag:s6] =	ssyncset.done $0x0  }
0x3ed: {  	[sflag:s6] =	ssyncadd.s32 $0xFFFFF000  }
0x3ee: {  	[tilespmem:s19], [sflag:$0x2] =	stream.indirect.gather [spmem:s3], $0x20, s11, s16, $0xb8;
	[tilespmem:$0x1E100] =	vst v63  }
0x3ef: {  	_ =	swait.ge [sflag:s1], $0x1000  }
0x3f0: {  	[sflag:s1] =	ssyncset.done $0x0  }
0x3f1: {  	s13 =	simm.s32 $0x300;
	[sflag:s1] =	ssyncadd.s32 $0xFFFFF000  }
0x3f2: {  	[tilespmem:s21], [sflag:$0x3] =	stream.indirect.gather [spmem:s3], $0x20, s13, s16, $0xb8;
	[tilespmem:$0x1E100] =	vst v63  }
0x3f3: {  	_ =	swait.ge [sflag:s9], $0x1000  }
0x3f4: {  	[sflag:s9] =	ssyncset.done $0x0  }
0x3f5: {  	s15 =	simm.s32 $0x380;
	[sflag:s9] =	ssyncadd.s32 $0xFFFFF000  }
0x3f6: {  	[tilespmem:s23], [sflag:$0x4] =	stream.indirect.gather [spmem:s3], $0x20, s15, s16, $0xb8;
	[tilespmem:$0x1E100] =	vst v63  }
0x3f7: {  	_ =	swait.ge [sflag:s24], $0x1000  }
0x3f8: {  	[sflag:s24] =	ssyncset.done $0x0  }
0x3f9: {  	s18 =	simm.s32 $0x600;
	[sflag:s24] =	ssyncadd.s32 $0xFFFFF000  }
0x3fa: {  	[spmem:s2] =	stream.indirect.scatter.add.bf16 [tilespmem:s17], [sflag:$0x5], $0x20, s18, s16, $0xb8;
	[tilespmem:$0x1E100] =	vst v63  }
0x3fb: {  	_ =	swait.ge [sflag:s25], $0x1000  }
0x3fc: {  	[sflag:s25] =	ssyncset.done $0x0  }
0x3fd: {  	s20 =	simm.s32 $0x680;
	[sflag:s25] =	ssyncadd.s32 $0xFFFFF000  }
0x3fe: {  	[spmem:s2] =	stream.indirect.scatter.add.bf16 [tilespmem:s19], [sflag:$0x6], $0x20, s20, s16, $0xb8;
	[tilespmem:$0x1E100] =	vst v63  }
0x3ff: {  	_ =	swait.ge [sflag:s28], $0x1000  }
0x400: {  	[sflag:s28] =	ssyncset.done $0x0  }
0x401: {  	s22 =	simm.s32 $0x700;
	[sflag:s28] =	ssyncadd.s32 $0xFFFFF000  }
0x402: {  	[spmem:s2] =	stream.indirect.scatter.add.bf16 [tilespmem:s21], [sflag:$0x7], $0x20, s22, s16, $0xb8;
	[tilespmem:$0x1E100] =	vst v63  }
0x403: {  	_ =	swait.ge [sflag:s30], $0x1000  }
0x404: {  	[sflag:s30] =	ssyncset.done $0x0  }
0x405: {  	s26 =	simm.s32 $0x780;
	[sflag:s30] =	ssyncadd.s32 $0xFFFFF000  }
0x406: {  	[spmem:s2] =	stream.indirect.scatter.add.bf16 [tilespmem:s23], [sflag:$0x8], $0x20, s26, s16, $0xb8;
	[tilespmem:$0x1E100] =	vst v63  }
0x407: {  	_ =	swait.ge [sflag:s0], $0x1000  }
0x408: {  	[sflag:s0] =	ssyncset.done $0x0  }
0x409: {  	[sflag:s0] =	ssyncadd.s32 $0xFFFFF000  }
0x40a: {  	_ =	swait.ge [sflag:s6], $0x1000  }
0x40b: {  	[sflag:s6] =	ssyncset.done $0x0  }
0x40c: {  	[sflag:s6] =	ssyncadd.s32 $0xFFFFF000  }
0x40d: {  	s31 =	simm.s32 $0x100;
	s12 =	simm.s32 $0x400;
	_ =	swait.ge [sflag:s1], $0x1000  }
.Ltmp6:
0x40e: {  	s8 =	simm.s32 $0x180;
	[sflag:s1] =	ssyncset.done $0x0;
	(pc) =	sbr.rel .LBB2_8-.Ltmp6, $4  }
0x40f: {  	s10 =	simm.s32 $0x480;
	s7 =	simm.s32 $0x500;
	[sflag:s1] =	ssyncadd.s32 $0xFFFFF000  }
0x410: {  	s13 =	simm.s32 $0x580;
	s15 =	simm.s32 $0x300;
	_ =	swait.ge [sflag:s9], $0x1000  }
0x411: {  	s20 =	simm.s32 $0x200;
	[sflag:s9] =	ssyncset.done $0x0;
	s26 =	rddreg [dreg:$0x6]  }
0x412: {  	s22 =	simm.s32 $0x280;
	s29 =	sld [smem:$0x7BD];
	[sflag:s9] =	ssyncadd.s32 $0xFFFFF000  }
.LBB2_9:
0x413: {  	_ =	sfence.sel $0x180000  }
0x414: {  	[bflag:$0x0] =	sbarrier.arrive $0xFFFF  }
0x415: {  	_ =	strace $0x90000047  }
0x416: {  	s0 =	stileid.u32;
	[bflag:$0x2] =	sbarrier.arrive $0xFFFF  }
0x417: {  	p0 =	sne.s32 s0, $0x0;
	s0 =	rddreg [dreg:$0x4]  }
0x418: {  	s0 =	sadd.s32 @!p0 $0x100000, s0  }
0x419: {  	[sflag:s0] =	ssyncadd.tile.s32 @!p0 $0x1;
	_ =	shalt  }
.Lfunc_end2:
_tile_overlayer_lowered:
.L_overlay_start_2:
0x41a: {  	(tag) =	ssettag $0x2  }
0x41b: {  	s0 =	rddreg [dreg:$0x0];
	s2 =	stileid.u32  }
0x41c: {  	s1 =	rddreg [dreg:$0x1];
	p0 =	sne.s32 s2, $0x0  }
0x41d: {  	s3 =	rddreg [dreg:$0x2];
	[bflag:$0x3] =	sbarrier.arrive $0xFFFF;
	s2 =	simm.s32 @!p0 $0x1C09  }
0x41e: {  	[timem:s3], [sflag:s2] =	dma.local @!p0 [hbm:s0], s1  }
0x41f: {  	s0 =	simm.s32 @!p0 $0x9  }
0x420: {  	_ =	swait.ge @!p0 [sflag:s0], s1  }
0x421: {  	s1 =	ssub.s32 @!p0 $0x0, s1;
	[sflag:s0] =	ssyncset.done @!p0 $0x0  }
0x422: {  	[sflag:s0] =	ssyncadd.s32 @!p0 s1  }
0x423: {  	[bflag:$0x3] =	sbarrier.arrive $0xFFFF  }
0x424: {  	_ =	shalt  }

</sc_bundles>
